<compile_context>
chip_gen: v7x
topology: tpu7x:2x2x1
jax: 0.10.2.dev20260603
libtpu: 0.0.44.dev20260713+nightly
codegen_flags: <defaults>
</compile_context>

<pallas_src>
import functools

import jax
import jax.numpy as jnp
from jax import lax
from jax.experimental import pallas as pl
from jax.experimental.pallas import tpu as pltpu
from jax.experimental.pallas import tpu_sc as plsc

N = 10000
D = 128
NP = 10240
NC = 2
NS = 16
NW = NC * NS
B = 128
ROWS_PER_TILE = NP // NS
R = 256
GRID = NP // R


def _sc_mesh():
    return plsc.VectorSubcoreMesh(core_axis_name="c", subcore_axis_name="s",
                                  num_cores=NC, num_subcores=NS)


def _make_deg_kernel(epw):
    nbatch = epw // B

    @functools.partial(
        pl.kernel,
        out_type=jax.ShapeDtypeStruct((NW, NP), jnp.float32),
        mesh=_sc_mesh(),
        scratch_types=[
            pltpu.VMEM((B,), jnp.int32),
            pltpu.VMEM((NP,), jnp.float32),
        ],
        compiler_params=pltpu.CompilerParams(needs_layout_passes=False),
    )
    def deg_kernel(dst_hbm, zeros_hbm, out_hbm, dstv, degv):
        c = lax.axis_index("c")
        s = lax.axis_index("s")
        w = c * NS + s
        pltpu.sync_copy(zeros_hbm, degv)
        base = w * epw
        ones = jnp.full((16,), 1.0, jnp.float32)

        def step(j, carry):
            pltpu.sync_copy(dst_hbm.at[pl.ds(base + j * B, B)], dstv)
            for k in range(B // 16):
                idx = dstv[pl.ds(k * 16, 16)]
                plsc.addupdate_scatter(degv, [idx], ones)
            return carry

        lax.fori_loop(0, nbatch, step, 0)
        pltpu.sync_copy(degv, out_hbm.at[w])

    return deg_kernel


def _make_edge_kernel(nb0, nb1):
    assert nb0 % 2 == 0 and nb1 % 2 == 0

    @functools.partial(
        pl.kernel,
        out_type=jax.ShapeDtypeStruct((NC * NP, D), jnp.float32),
        mesh=_sc_mesh(),
        scratch_types=[
            pltpu.VMEM((2, B), jnp.int32),
            pltpu.VMEM((2, B), jnp.int32),
            pltpu.VMEM((B, D), jnp.float32),
            pltpu.VMEM((B, D), jnp.float32),
            pltpu.VMEM_SHARED((NP, D), jnp.float32),
            pltpu.SemaphoreType.DMA,
            pltpu.SemaphoreType.DMA,
            pltpu.SemaphoreType.DMA,
            pltpu.SemaphoreType.DMA,
        ],
    )
    def edge_kernel(hs_hbm, idx_hbm, zeros_hbm, out_hbm,
                    idx0, idx1, rows0, rows1, acc,
                    sem_i0, sem_i1, sem_g0, sem_g1):
        c = lax.axis_index("c")
        s = lax.axis_index("s")
        idxb = (idx0, idx1)
        rowsb = (rows0, rows1)
        sem_i = (sem_i0, sem_i1)
        sem_g = (sem_g0, sem_g1)
        pltpu.sync_copy(zeros_hbm, rows0)
        for z in range(ROWS_PER_TILE // B):
            pltpu.sync_copy(rows0, acc.at[pl.ds(s * ROWS_PER_TILE + z * B, B)])
        plsc.subcore_barrier()
        npt = jnp.where(c == 0, nb0, nb1)
        base = jnp.where(c == 0, s * nb0, NS * nb0 + s * nb1)
        last = base + npt - 1

        pltpu.sync_copy(idx_hbm.at[base], idx0)
        pltpu.async_copy(hs_hbm.at[idx0.at[0]], rows0, sem_g0)
        pltpu.async_copy(idx_hbm.at[base + 1], idx1, sem_i1)

        def step(j2, carry):
            j = base + 2 * j2
            for b in (0, 1):
                nxt = jnp.minimum(j + b + 1, last)
                nxt2 = jnp.minimum(j + b + 2, last)
                pltpu.make_async_copy(idx_hbm.at[nxt], idxb[b ^ 1],
                                      sem_i[b ^ 1]).wait()
                pltpu.async_copy(hs_hbm.at[idxb[b ^ 1].at[0]], rowsb[b ^ 1],
                                 sem_g[b ^ 1])
                pltpu.make_async_copy(hs_hbm.at[idxb[b].at[0]], rowsb[b],
                                      sem_g[b]).wait()
                pltpu.sync_copy(rowsb[b], acc.at[idxb[b].at[1]], add=True)
                pltpu.async_copy(idx_hbm.at[nxt2], idxb[b], sem_i[b])
            return carry

        lax.fori_loop(0, npt // 2, step, 0, unroll=False)
        pltpu.make_async_copy(idx_hbm.at[last], idx1, sem_i1).wait()
        pltpu.make_async_copy(hs_hbm.at[idx0.at[0]], rows0, sem_g0).wait()
        plsc.subcore_barrier()
        off = s * ROWS_PER_TILE
        for z in range(ROWS_PER_TILE // B):
            pltpu.sync_copy(acc.at[pl.ds(off + z * B, B)], rows0)
            pltpu.sync_copy(rows0, out_hbm.at[pl.ds(c * NP + off + z * B, B)])

    return edge_kernel


def _prep_body(x_ref, w_ref, d_ref, hs_ref, dinv_ref):
    deg = jnp.sum(d_ref[...], axis=0).reshape(R, 1) + 1.0
    rows = lax.broadcasted_iota(jnp.int32, (R, 1), 0) + pl.program_id(0) * R
    dinv = jnp.where(rows < N, lax.rsqrt(deg), 0.0)
    dinv_ref[...] = dinv
    hs_ref[...] = jnp.dot(x_ref[...], w_ref[...],
                          preferred_element_type=jnp.float32) * dinv


def _combine_body(a0_ref, a1_ref, hs_ref, dinv_ref, b_ref, w_ref, out_ref):
    dinv = dinv_ref[...]
    t = (a0_ref[...] + a1_ref[...] + hs_ref[...]) * dinv + b_ref[...]
    t = jnp.maximum(t, 0.0)
    out_ref[...] = jnp.dot(t, w_ref[...],
                           preferred_element_type=jnp.float32) * dinv


def _final_body(a0_ref, a1_ref, hs_ref, dinv_ref, b_ref, out_ref):
    t = (a0_ref[...] + a1_ref[...] + hs_ref[...]) * dinv_ref[...] + b_ref[...]
    out_ref[...] = jnp.maximum(t, 0.0)


def _rows_spec(width):
    return pl.BlockSpec((R, width), lambda i: (i, 0))


def _part_specs(width):
    return (pl.BlockSpec((R, width), lambda i: (i, 0)),
            pl.BlockSpec((R, width), lambda i: (i + GRID, 0)))


_FULL_W = pl.BlockSpec((D, D), lambda i: (0, 0))
_FULL_B = pl.BlockSpec((1, D), lambda i: (0, 0))

_prep_call = pl.pallas_call(
    _prep_body,
    grid=(GRID,),
    in_specs=[_rows_spec(D), _FULL_W, pl.BlockSpec((NW, R), lambda i: (0, i))],
    out_specs=[_rows_spec(D), _rows_spec(1)],
    out_shape=[jax.ShapeDtypeStruct((NP, D), jnp.float32),
               jax.ShapeDtypeStruct((NP, 1), jnp.float32)],
)

_combine_call = pl.pallas_call(
    _combine_body,
    grid=(GRID,),
    in_specs=[*_part_specs(D), _rows_spec(D), _rows_spec(1), _FULL_B, _FULL_W],
    out_specs=_rows_spec(D),
    out_shape=jax.ShapeDtypeStruct((NP, D), jnp.float32),
)

_final_call = pl.pallas_call(
    _final_body,
    grid=(GRID,),
    in_specs=[*_part_specs(D), _rows_spec(D), _rows_spec(1), _FULL_B],
    out_specs=_rows_spec(D),
    out_shape=jax.ShapeDtypeStruct((NP, D), jnp.float32),
)


def kernel(x, edge_index, W1, b1, W2, b2, W3, b3, W4, b4):
    E = edge_index.shape[1]
    SPLIT = 0.785
    nbt = -(-E // (NS * B))
    nbt += nbt % 2
    nb0 = int(nbt * SPLIT + 0.5)
    nb0 -= nb0 % 2
    nb1 = nbt - nb0
    ep = nbt * NS * B
    pad = ep - E
    src = jnp.concatenate(
        [edge_index[0], jnp.full((pad,), N, jnp.int32)]).astype(jnp.int32)
    dst = jnp.concatenate(
        [edge_index[1], jnp.full((pad,), N, jnp.int32)]).astype(jnp.int32)
    packed = jnp.stack([src.reshape(-1, B), dst.reshape(-1, B)], axis=1)
    epw = -(-E // (NW * B)) * B
    dpad = epw * NW - E
    dst_deg = jnp.concatenate(
        [edge_index[1], jnp.full((dpad,), N, jnp.int32)]).astype(jnp.int32)
    x_p = jnp.zeros((NP, D), jnp.float32).at[:N].set(x)

    zeros_d = jnp.zeros((B, D), jnp.float32)

    deg_kernel = _make_deg_kernel(epw)
    edge_kernel = _make_edge_kernel(nb0, nb1)

    degp = deg_kernel(dst_deg, jnp.zeros((NP,), jnp.float32))
    hs, dinv = _prep_call(x_p, W1, degp)

    b1r = b1.reshape(1, D)
    b2r = b2.reshape(1, D)
    b3r = b3.reshape(1, D)
    b4r = b4.reshape(1, D)

    def agg(h):
        return edge_kernel(h, packed, zeros_d)

    accp = agg(hs)
    hs = _combine_call(accp, accp, hs, dinv, b1r, W2)

    accp = agg(hs)
    hs = _combine_call(accp, accp, hs, dinv, b2r, W3)

    accp = agg(hs)
    hs = _combine_call(accp, accp, hs, dinv, b3r, W4)

    accp = agg(hs)
    out = _final_call(accp, accp, hs, dinv, b4r)
    return out[:N]

# --- scband reference (transcript-rebuilt; emitter-appended) ---
"""Pipeline reference for scband-gcn-3831110828335 (READ-ONLY COPY).

The authoritative reference and input builder live on the scoring server;
editing this copy changes nothing except your own understanding.
"""

import jax, jax.numpy as jnp
import numpy as np

N = 10000
E = 320000
D_IN = 128
D_OUT = 128


def gcn_conv(x, edge_index, W, b):
    # Faithful PyG GCNConv: h = W x; add self-loops; sym-normalized scatter-add; + bias
    n = x.shape[0]
    h = x @ W
    loop = jnp.arange(n, dtype=edge_index.dtype)
    src = jnp.concatenate([edge_index[0], loop])
    dst = jnp.concatenate([edge_index[1], loop])
    deg = jnp.zeros((n,), dtype=h.dtype).at[dst].add(1.0)
    dinv = jnp.where(deg > 0, jax.lax.rsqrt(deg), 0.0)
    norm = dinv[src] * dinv[dst]
    msg = h[src] * norm[:, None]
    out = jax.ops.segment_sum(msg, dst, num_segments=n)
    return out + b


def setup_inputs(seed: int = 0) -> dict:
    key = jax.random.key(seed)
    ks = jax.random.split(key, 12)
    x = jax.random.normal(ks[0], (N, D_IN), dtype=jnp.float32)
    edge_index = jax.random.randint(ks[1], (2, E), 0, N, dtype=jnp.int32)
    s1 = 1.0 / np.sqrt(D_IN)
    s2 = 1.0 / np.sqrt(D_OUT)
    W1 = jax.random.uniform(ks[2], (D_IN, D_IN), jnp.float32, -s1, s1)
    b1 = jnp.zeros((D_IN,), jnp.float32)
    W2 = jax.random.uniform(ks[3], (D_IN, D_OUT), jnp.float32, -s1, s1)
    b2 = jnp.zeros((D_OUT,), jnp.float32)
    W3 = jax.random.uniform(ks[4], (D_OUT, D_OUT), jnp.float32, -s2, s2)
    b3 = jnp.zeros((D_OUT,), jnp.float32)
    W4 = jax.random.uniform(ks[5], (D_OUT, D_OUT), jnp.float32, -s2, s2)
    b4 = jnp.zeros((D_OUT,), jnp.float32)
    return {"x": x, "edge_index": edge_index, "W1": W1, "b1": b1, "W2": W2, "b2": b2, "W3": W3, "b3": b3, "W4": W4, "b4": b4}


def reference(x, edge_index, W1, b1, W2, b2, W3, b3, W4, b4):
    # Dropout (p=0.2) is identity in eval mode
    h = jax.nn.relu(gcn_conv(x, edge_index, W1, b1))
    h = jax.nn.relu(gcn_conv(h, edge_index, W2, b2))
    h = jax.nn.relu(gcn_conv(h, edge_index, W3, b3))
    h = jax.nn.relu(gcn_conv(h, edge_index, W4, b4))
    return h

if __name__ == "__main__":
    import jax
    _d = setup_inputs()
    print(jax.jit(kernel)(*tuple(_d.values())))

</pallas_src>

<mosaic_0001>
#map = affine_map<(d0, d1) -> (0, 0)>
#map1 = affine_map<(d0, d1) -> (0, 0, 0)>
module attributes {stable_mosaic.version = 14 : i64} {
  func.func @edge_kernel(%arg0: i32, %arg1: i32, %arg2: memref<10240x128xf32, #tpu.memory_space<hbm>>, %arg3: memref<2528x2x128xi32, #tpu.memory_space<hbm>>, %arg4: memref<128x128xf32, #tpu.memory_space<hbm>>, %arg5: memref<20480x128xf32, #tpu.memory_space<hbm>>, %arg6: memref<2x128xi32, #tpu.memory_space<vmem>>, %arg7: memref<2x128xi32, #tpu.memory_space<vmem>>, %arg8: memref<128x128xf32, #tpu.memory_space<vmem>>, %arg9: memref<128x128xf32, #tpu.memory_space<vmem>>, %arg10: memref<10240x128xf32, #tpu.memory_space<vmem_shared>>, %arg11: memref<!tpu.dma_semaphore, #tpu.memory_space<semaphore_mem>>, %arg12: memref<!tpu.dma_semaphore, #tpu.memory_space<semaphore_mem>>, %arg13: memref<!tpu.dma_semaphore, #tpu.memory_space<semaphore_mem>>, %arg14: memref<!tpu.dma_semaphore, #tpu.memory_space<semaphore_mem>>) attributes {dimension_semantics = [#tpu.dimension_semantics<core_parallel>, #tpu.dimension_semantics<subcore_parallel>], iteration_bounds = array<i64: 2, 16>, scalar_prefetch = 0 : i64, scratch_operands = 9 : i64, tpu.core_type = #tpu.core_type<sc_vector_subcore>, window_params = [{transform_indices = #map}, {transform_indices = #map1}, {transform_indices = #map}, {transform_indices = #map}]} {
    "tpu.region"() ({
      %run_scoped3A = tpu.sem_alloc : memref<!tpu.dma_semaphore, #tpu.memory_space<semaphore_mem>>
      tpu.enqueue_dma source(%arg4 : memref<128x128xf32, #tpu.memory_space<hbm>>) target(%arg8 : memref<128x128xf32, #tpu.memory_space<vmem>>) target_semaphore(%run_scoped3A : memref<!tpu.dma_semaphore, #tpu.memory_space<semaphore_mem>>)
      tpu.wait_dma2 semaphore(%run_scoped3A : memref<!tpu.dma_semaphore, #tpu.memory_space<semaphore_mem>>) src(%arg4 : memref<128x128xf32, #tpu.memory_space<hbm>>) dst(%arg8 : memref<128x128xf32, #tpu.memory_space<vmem>>)
      tpu.yield
    }) : () -> ()
    %mul3A = arith.constant 640 : i32
    %mul3A_0 = arith.muli %arg1, %mul3A : i32
    %add3A = arith.constant 0 : i32
    %add3A_1 = arith.addi %mul3A_0, %add3A : i32
    "tpu.region"() ({
      %run_scoped3A = tpu.sem_alloc : memref<!tpu.dma_semaphore, #tpu.memory_space<semaphore_mem>>
      %dma_start3A_127 = arith.constant 0 : i32
      %dma_start3A_128 = tpu.memref_slice %arg10[%add3A_1, %dma_start3A_127] : memref<10240x128xf32, #tpu.memory_space<vmem_shared>> -> memref<128x128xf32, #tpu.memory_space<vmem_shared>>
      %dma_start3A_129 = arith.constant 0 : i32
      %dma_start3A_130 = tpu.memref_slice %arg10[%add3A_1, %dma_start3A_129] : memref<10240x128xf32, #tpu.memory_space<vmem_shared>> -> memref<128x128xf32, #tpu.memory_space<vmem_shared>>
      tpu.enqueue_dma source(%arg8 : memref<128x128xf32, #tpu.memory_space<vmem>>) target(%dma_start3A_130 : memref<128x128xf32, #tpu.memory_space<vmem_shared>>) target_semaphore(%run_scoped3A : memref<!tpu.dma_semaphore, #tpu.memory_space<semaphore_mem>>)
      %dma_wait3A_131 = arith.constant 0 : i32
      %dma_wait3A_132 = tpu.memref_slice %arg10[%add3A_1, %dma_wait3A_131] : memref<10240x128xf32, #tpu.memory_space<vmem_shared>> -> memref<128x128xf32, #tpu.memory_space<vmem_shared>>
      %dma_wait3A_133 = arith.constant 0 : i32
      %dma_wait3A_134 = tpu.memref_slice %arg10[%add3A_1, %dma_wait3A_133] : memref<10240x128xf32, #tpu.memory_space<vmem_shared>> -> memref<128x128xf32, #tpu.memory_space<vmem_shared>>
      tpu.wait_dma2 semaphore(%run_scoped3A : memref<!tpu.dma_semaphore, #tpu.memory_space<semaphore_mem>>) src(%arg8 : memref<128x128xf32, #tpu.memory_space<vmem>>) dst(%dma_wait3A_134 : memref<128x128xf32, #tpu.memory_space<vmem_shared>>)
      tpu.yield
    }) : () -> ()
    %mul3A_2 = arith.constant 640 : i32
    %mul3A_3 = arith.muli %arg1, %mul3A_2 : i32
    %add3A_4 = arith.constant 128 : i32
    %add3A_5 = arith.addi %mul3A_3, %add3A_4 : i32
    "tpu.region"() ({
      %run_scoped3A = tpu.sem_alloc : memref<!tpu.dma_semaphore, #tpu.memory_space<semaphore_mem>>
      %dma_start3A_127 = arith.constant 0 : i32
      %dma_start3A_128 = tpu.memref_slice %arg10[%add3A_5, %dma_start3A_127] : memref<10240x128xf32, #tpu.memory_space<vmem_shared>> -> memref<128x128xf32, #tpu.memory_space<vmem_shared>>
      %dma_start3A_129 = arith.constant 0 : i32
      %dma_start3A_130 = tpu.memref_slice %arg10[%add3A_5, %dma_start3A_129] : memref<10240x128xf32, #tpu.memory_space<vmem_shared>> -> memref<128x128xf32, #tpu.memory_space<vmem_shared>>
      tpu.enqueue_dma source(%arg8 : memref<128x128xf32, #tpu.memory_space<vmem>>) target(%dma_start3A_130 : memref<128x128xf32, #tpu.memory_space<vmem_shared>>) target_semaphore(%run_scoped3A : memref<!tpu.dma_semaphore, #tpu.memory_space<semaphore_mem>>)
      %dma_wait3A_131 = arith.constant 0 : i32
      %dma_wait3A_132 = tpu.memref_slice %arg10[%add3A_5, %dma_wait3A_131] : memref<10240x128xf32, #tpu.memory_space<vmem_shared>> -> memref<128x128xf32, #tpu.memory_space<vmem_shared>>
      %dma_wait3A_133 = arith.constant 0 : i32
      %dma_wait3A_134 = tpu.memref_slice %arg10[%add3A_5, %dma_wait3A_133] : memref<10240x128xf32, #tpu.memory_space<vmem_shared>> -> memref<128x128xf32, #tpu.memory_space<vmem_shared>>
      tpu.wait_dma2 semaphore(%run_scoped3A : memref<!tpu.dma_semaphore, #tpu.memory_space<semaphore_mem>>) src(%arg8 : memref<128x128xf32, #tpu.memory_space<vmem>>) dst(%dma_wait3A_134 : memref<128x128xf32, #tpu.memory_space<vmem_shared>>)
      tpu.yield
    }) : () -> ()
    %mul3A_6 = arith.constant 640 : i32
    %mul3A_7 = arith.muli %arg1, %mul3A_6 : i32
    %add3A_8 = arith.constant 256 : i32
    %add3A_9 = arith.addi %mul3A_7, %add3A_8 : i32
    "tpu.region"() ({
      %run_scoped3A = tpu.sem_alloc : memref<!tpu.dma_semaphore, #tpu.memory_space<semaphore_mem>>
      %dma_start3A_127 = arith.constant 0 : i32
      %dma_start3A_128 = tpu.memref_slice %arg10[%add3A_9, %dma_start3A_127] : memref<10240x128xf32, #tpu.memory_space<vmem_shared>> -> memref<128x128xf32, #tpu.memory_space<vmem_shared>>
      %dma_start3A_129 = arith.constant 0 : i32
      %dma_start3A_130 = tpu.memref_slice %arg10[%add3A_9, %dma_start3A_129] : memref<10240x128xf32, #tpu.memory_space<vmem_shared>> -> memref<128x128xf32, #tpu.memory_space<vmem_shared>>
      tpu.enqueue_dma source(%arg8 : memref<128x128xf32, #tpu.memory_space<vmem>>) target(%dma_start3A_130 : memref<128x128xf32, #tpu.memory_space<vmem_shared>>) target_semaphore(%run_scoped3A : memref<!tpu.dma_semaphore, #tpu.memory_space<semaphore_mem>>)
      %dma_wait3A_131 = arith.constant 0 : i32
      %dma_wait3A_132 = tpu.memref_slice %arg10[%add3A_9, %dma_wait3A_131] : memref<10240x128xf32, #tpu.memory_space<vmem_shared>> -> memref<128x128xf32, #tpu.memory_space<vmem_shared>>
      %dma_wait3A_133 = arith.constant 0 : i32
      %dma_wait3A_134 = tpu.memref_slice %arg10[%add3A_9, %dma_wait3A_133] : memref<10240x128xf32, #tpu.memory_space<vmem_shared>> -> memref<128x128xf32, #tpu.memory_space<vmem_shared>>
      tpu.wait_dma2 semaphore(%run_scoped3A : memref<!tpu.dma_semaphore, #tpu.memory_space<semaphore_mem>>) src(%arg8 : memref<128x128xf32, #tpu.memory_space<vmem>>) dst(%dma_wait3A_134 : memref<128x128xf32, #tpu.memory_space<vmem_shared>>)
      tpu.yield
    }) : () -> ()
    %mul3A_10 = arith.constant 640 : i32
    %mul3A_11 = arith.muli %arg1, %mul3A_10 : i32
    %add3A_12 = arith.constant 384 : i32
    %add3A_13 = arith.addi %mul3A_11, %add3A_12 : i32
    "tpu.region"() ({
      %run_scoped3A = tpu.sem_alloc : memref<!tpu.dma_semaphore, #tpu.memory_space<semaphore_mem>>
      %dma_start3A_127 = arith.constant 0 : i32
      %dma_start3A_128 = tpu.memref_slice %arg10[%add3A_13, %dma_start3A_127] : memref<10240x128xf32, #tpu.memory_space<vmem_shared>> -> memref<128x128xf32, #tpu.memory_space<vmem_shared>>
      %dma_start3A_129 = arith.constant 0 : i32
      %dma_start3A_130 = tpu.memref_slice %arg10[%add3A_13, %dma_start3A_129] : memref<10240x128xf32, #tpu.memory_space<vmem_shared>> -> memref<128x128xf32, #tpu.memory_space<vmem_shared>>
      tpu.enqueue_dma source(%arg8 : memref<128x128xf32, #tpu.memory_space<vmem>>) target(%dma_start3A_130 : memref<128x128xf32, #tpu.memory_space<vmem_shared>>) target_semaphore(%run_scoped3A : memref<!tpu.dma_semaphore, #tpu.memory_space<semaphore_mem>>)
      %dma_wait3A_131 = arith.constant 0 : i32
      %dma_wait3A_132 = tpu.memref_slice %arg10[%add3A_13, %dma_wait3A_131] : memref<10240x128xf32, #tpu.memory_space<vmem_shared>> -> memref<128x128xf32, #tpu.memory_space<vmem_shared>>
      %dma_wait3A_133 = arith.constant 0 : i32
      %dma_wait3A_134 = tpu.memref_slice %arg10[%add3A_13, %dma_wait3A_133] : memref<10240x128xf32, #tpu.memory_space<vmem_shared>> -> memref<128x128xf32, #tpu.memory_space<vmem_shared>>
      tpu.wait_dma2 semaphore(%run_scoped3A : memref<!tpu.dma_semaphore, #tpu.memory_space<semaphore_mem>>) src(%arg8 : memref<128x128xf32, #tpu.memory_space<vmem>>) dst(%dma_wait3A_134 : memref<128x128xf32, #tpu.memory_space<vmem_shared>>)
      tpu.yield
    }) : () -> ()
    %mul3A_14 = arith.constant 640 : i32
    %mul3A_15 = arith.muli %arg1, %mul3A_14 : i32
    %add3A_16 = arith.constant 512 : i32
    %add3A_17 = arith.addi %mul3A_15, %add3A_16 : i32
    "tpu.region"() ({
      %run_scoped3A = tpu.sem_alloc : memref<!tpu.dma_semaphore, #tpu.memory_space<semaphore_mem>>
      %dma_start3A_127 = arith.constant 0 : i32
      %dma_start3A_128 = tpu.memref_slice %arg10[%add3A_17, %dma_start3A_127] : memref<10240x128xf32, #tpu.memory_space<vmem_shared>> -> memref<128x128xf32, #tpu.memory_space<vmem_shared>>
      %dma_start3A_129 = arith.constant 0 : i32
      %dma_start3A_130 = tpu.memref_slice %arg10[%add3A_17, %dma_start3A_129] : memref<10240x128xf32, #tpu.memory_space<vmem_shared>> -> memref<128x128xf32, #tpu.memory_space<vmem_shared>>
      tpu.enqueue_dma source(%arg8 : memref<128x128xf32, #tpu.memory_space<vmem>>) target(%dma_start3A_130 : memref<128x128xf32, #tpu.memory_space<vmem_shared>>) target_semaphore(%run_scoped3A : memref<!tpu.dma_semaphore, #tpu.memory_space<semaphore_mem>>)
      %dma_wait3A_131 = arith.constant 0 : i32
      %dma_wait3A_132 = tpu.memref_slice %arg10[%add3A_17, %dma_wait3A_131] : memref<10240x128xf32, #tpu.memory_space<vmem_shared>> -> memref<128x128xf32, #tpu.memory_space<vmem_shared>>
      %dma_wait3A_133 = arith.constant 0 : i32
      %dma_wait3A_134 = tpu.memref_slice %arg10[%add3A_17, %dma_wait3A_133] : memref<10240x128xf32, #tpu.memory_space<vmem_shared>> -> memref<128x128xf32, #tpu.memory_space<vmem_shared>>
      tpu.wait_dma2 semaphore(%run_scoped3A : memref<!tpu.dma_semaphore, #tpu.memory_space<semaphore_mem>>) src(%arg8 : memref<128x128xf32, #tpu.memory_space<vmem>>) dst(%dma_wait3A_134 : memref<128x128xf32, #tpu.memory_space<vmem_shared>>)
      tpu.yield
    }) : () -> ()
    %barrier3A = arith.constant 0 : index
    tpu.barrier barrier_id(%barrier3A)
    %eq3A = arith.constant 0 : i32
    %eq3A_18 = arith.cmpi eq, %arg0, %eq3A : i32
    %jit3A = arith.constant 124 : i32
    %jit3A_19 = arith.constant 34 : i32
    %select_n3A = arith.select %eq3A_18, %jit3A, %jit3A_19 : i32
    %eq3A_20 = arith.constant 0 : i32
    %eq3A_21 = arith.cmpi eq, %arg0, %eq3A_20 : i32
    %mul3A_22 = arith.constant 124 : i32
    %mul3A_23 = arith.muli %arg1, %mul3A_22 : i32
    %mul3A_24 = arith.constant 34 : i32
    %mul3A_25 = arith.muli %arg1, %mul3A_24 : i32
    %add3A_26 = arith.constant 1984 : i32
    %add3A_27 = arith.addi %add3A_26, %mul3A_25 : i32
    %select_n3A_28 = arith.select %eq3A_21, %mul3A_23, %add3A_27 : i32
    %add3A_29 = arith.addi %select_n3A_28, %select_n3A : i32
    %sub3A = arith.constant 1 : i32
    %sub3A_30 = arith.subi %add3A_29, %sub3A : i32
    "tpu.region"() ({
      %run_scoped3A = tpu.sem_alloc : memref<!tpu.dma_semaphore, #tpu.memory_space<semaphore_mem>>
      %dma_start3A_127 = arith.constant 0 : i32
      %dma_start3A_128 = arith.constant 0 : i32
      %dma_start3A_129 = tpu.memref_slice %arg3[%select_n3A_28, %dma_start3A_127, %dma_start3A_128] : memref<2528x2x128xi32, #tpu.memory_space<hbm>> -> memref<1x2x128xi32, #tpu.memory_space<hbm>>
      %dma_start3A_130 = tpu.memref_squeeze %dma_start3A_129 : memref<1x2x128xi32, #tpu.memory_space<hbm>> -> memref<2x128xi32, #tpu.memory_space<hbm>>
      %dma_start3A_131 = arith.constant 0 : i32
      %dma_start3A_132 = arith.constant 0 : i32
      %dma_start3A_133 = tpu.memref_slice %arg3[%select_n3A_28, %dma_start3A_131, %dma_start3A_132] : memref<2528x2x128xi32, #tpu.memory_space<hbm>> -> memref<1x2x128xi32, #tpu.memory_space<hbm>>
      %dma_start3A_134 = tpu.memref_squeeze %dma_start3A_133 : memref<1x2x128xi32, #tpu.memory_space<hbm>> -> memref<2x128xi32, #tpu.memory_space<hbm>>
      tpu.enqueue_dma source(%dma_start3A_134 : memref<2x128xi32, #tpu.memory_space<hbm>>) target(%arg6 : memref<2x128xi32, #tpu.memory_space<vmem>>) target_semaphore(%run_scoped3A : memref<!tpu.dma_semaphore, #tpu.memory_space<semaphore_mem>>)
      %dma_wait3A_135 = arith.constant 0 : i32
      %dma_wait3A_136 = arith.constant 0 : i32
      %dma_wait3A_137 = tpu.memref_slice %arg3[%select_n3A_28, %dma_wait3A_135, %dma_wait3A_136] : memref<2528x2x128xi32, #tpu.memory_space<hbm>> -> memref<1x2x128xi32, #tpu.memory_space<hbm>>
      %dma_wait3A_138 = tpu.memref_squeeze %dma_wait3A_137 : memref<1x2x128xi32, #tpu.memory_space<hbm>> -> memref<2x128xi32, #tpu.memory_space<hbm>>
      %dma_wait3A_139 = arith.constant 0 : i32
      %dma_wait3A_140 = arith.constant 0 : i32
      %dma_wait3A_141 = tpu.memref_slice %arg3[%select_n3A_28, %dma_wait3A_139, %dma_wait3A_140] : memref<2528x2x128xi32, #tpu.memory_space<hbm>> -> memref<1x2x128xi32, #tpu.memory_space<hbm>>
      %dma_wait3A_142 = tpu.memref_squeeze %dma_wait3A_141 : memref<1x2x128xi32, #tpu.memory_space<hbm>> -> memref<2x128xi32, #tpu.memory_space<hbm>>
      tpu.wait_dma2 semaphore(%run_scoped3A : memref<!tpu.dma_semaphore, #tpu.memory_space<semaphore_mem>>) src(%dma_wait3A_142 : memref<2x128xi32, #tpu.memory_space<hbm>>) dst(%arg6 : memref<2x128xi32, #tpu.memory_space<vmem>>)
      tpu.yield
    }) : () -> ()
    %dma_start3A = arith.constant 0 : i32
    %dma_start3A_31 = arith.constant 0 : i32
    %dma_start3A_32 = tpu.memref_slice %arg6[%dma_start3A, %dma_start3A_31] : memref<2x128xi32, #tpu.memory_space<vmem>> -> memref<1x128xi32, #tpu.memory_space<vmem>>
    %dma_start3A_33 = tpu.memref_squeeze %dma_start3A_32 : memref<1x128xi32, #tpu.memory_space<vmem>> -> memref<128xi32, #tpu.memory_space<vmem>>
    %dma_start3A_34 = arith.constant 0 : i32
    %dma_start3A_35 = arith.constant 0 : i32
    %dma_start3A_36 = tpu.memref_slice %arg2[%dma_start3A_34, %dma_start3A_35] : memref<10240x128xf32, #tpu.memory_space<hbm>> -> memref<10240x128xf32, #tpu.memory_space<hbm>>
    tpu.enqueue_indirect_dma source(%dma_start3A_36 : memref<10240x128xf32, #tpu.memory_space<hbm>>) target(%arg8 : memref<128x128xf32, #tpu.memory_space<vmem>>) offsets(%dma_start3A_33 : memref<128xi32, #tpu.memory_space<vmem>>) semaphore(%arg13 : memref<!tpu.dma_semaphore, #tpu.memory_space<semaphore_mem>>)
    %add3A_37 = arith.constant 1 : i32
    %add3A_38 = arith.addi %select_n3A_28, %add3A_37 : i32
    %dma_start3A_39 = arith.constant 0 : i32
    %dma_start3A_40 = arith.constant 0 : i32
    %dma_start3A_41 = tpu.memref_slice %arg3[%add3A_38, %dma_start3A_39, %dma_start3A_40] : memref<2528x2x128xi32, #tpu.memory_space<hbm>> -> memref<1x2x128xi32, #tpu.memory_space<hbm>>
    %dma_start3A_42 = tpu.memref_squeeze %dma_start3A_41 : memref<1x2x128xi32, #tpu.memory_space<hbm>> -> memref<2x128xi32, #tpu.memory_space<hbm>>
    %dma_start3A_43 = arith.constant 0 : i32
    %dma_start3A_44 = arith.constant 0 : i32
    %dma_start3A_45 = tpu.memref_slice %arg3[%add3A_38, %dma_start3A_43, %dma_start3A_44] : memref<2528x2x128xi32, #tpu.memory_space<hbm>> -> memref<1x2x128xi32, #tpu.memory_space<hbm>>
    %dma_start3A_46 = tpu.memref_squeeze %dma_start3A_45 : memref<1x2x128xi32, #tpu.memory_space<hbm>> -> memref<2x128xi32, #tpu.memory_space<hbm>>
    tpu.enqueue_dma source(%dma_start3A_46 : memref<2x128xi32, #tpu.memory_space<hbm>>) target(%arg7 : memref<2x128xi32, #tpu.memory_space<vmem>>) target_semaphore(%arg12 : memref<!tpu.dma_semaphore, #tpu.memory_space<semaphore_mem>>)
    %jit3A_47 = arith.constant 2 : i32
    %div3A = arith.divsi %select_n3A, %jit3A_47 : i32
    %sign3A = arith.constant 0 : i32
    %sign3A_48 = arith.cmpi sgt, %select_n3A, %sign3A : i32
    %sign3A_49 = arith.extui %sign3A_48 : i1 to i32
    %sign3A_50 = arith.constant 0 : i32
    %sign3A_51 = arith.cmpi slt, %select_n3A, %sign3A_50 : i32
    %sign3A_52 = arith.extui %sign3A_51 : i1 to i32
    %sign3A_53 = arith.subi %sign3A_49, %sign3A_52 : i32
    %sign3A_54 = arith.constant 0 : i32
    %sign3A_55 = arith.cmpi sgt, %jit3A_47, %sign3A_54 : i32
    %sign3A_56 = arith.extui %sign3A_55 : i1 to i32
    %sign3A_57 = arith.constant 0 : i32
    %sign3A_58 = arith.cmpi slt, %jit3A_47, %sign3A_57 : i32
    %sign3A_59 = arith.extui %sign3A_58 : i1 to i32
    %sign3A_60 = arith.subi %sign3A_56, %sign3A_59 : i32
    %ne3A = arith.cmpi ne, %sign3A_53, %sign3A_60 : i32
    %rem3A = arith.remsi %select_n3A, %jit3A_47 : i32
    %ne3A_61 = arith.constant 0 : i32
    %ne3A_62 = arith.cmpi ne, %rem3A, %ne3A_61 : i32
    %and3A = arith.andi %ne3A, %ne3A_62 : i1
    %sub3A_63 = arith.constant 1 : i32
    %sub3A_64 = arith.subi %div3A, %sub3A_63 : i32
    %select_n3A_65 = arith.select %and3A, %sub3A_64, %div3A : i32
    %while3A = arith.constant 0 : i32
    %while3A_66 = arith.constant 0 : i32
    %while3A_67 = arith.subi %select_n3A_65, %while3A_66 : i32
    %while3A_68 = arith.addi %while3A_66, %while3A_67 : i32
    %while3A_69 = arith.constant 1 : i32
    %while3A_70 = arith.divsi %while3A_67, %while3A_69 : i32
    %while3A_71 = arith.muli %while3A_70, %while3A_69 : i32
    %while3A_72 = arith.addi %while3A_66, %while3A_71 : i32
    %while3A_73 = arith.constant 1 : i32
    scf.for %while3A_127 = %while3A_66 to %while3A_72 step %while3A_73  : i32 {
      %mul3A_128 = arith.constant 2 : i32
      %mul3A_129 = arith.muli %mul3A_128, %while3A_127 : i32
      %add3A_130 = arith.addi %select_n3A_28, %mul3A_129 : i32
      %add3A_131 = arith.constant 0 : i32
      %add3A_132 = arith.addi %add3A_130, %add3A_131 : i32
      %add3A_133 = arith.constant 1 : i32
      %add3A_134 = arith.addi %add3A_132, %add3A_133 : i32
      %min3A = arith.minsi %add3A_134, %sub3A_30 : i32
      %add3A_135 = arith.constant 0 : i32
      %add3A_136 = arith.addi %add3A_130, %add3A_135 : i32
      %add3A_137 = arith.constant 2 : i32
      %add3A_138 = arith.addi %add3A_136, %add3A_137 : i32
      %min3A_139 = arith.minsi %add3A_138, %sub3A_30 : i32
      %dma_wait3A_140 = arith.constant 0 : i32
      %dma_wait3A_141 = arith.constant 0 : i32
      %dma_wait3A_142 = tpu.memref_slice %arg3[%min3A, %dma_wait3A_140, %dma_wait3A_141] : memref<2528x2x128xi32, #tpu.memory_space<hbm>> -> memref<1x2x128xi32, #tpu.memory_space<hbm>>
      %dma_wait3A_143 = tpu.memref_squeeze %dma_wait3A_142 : memref<1x2x128xi32, #tpu.memory_space<hbm>> -> memref<2x128xi32, #tpu.memory_space<hbm>>
      %dma_wait3A_144 = arith.constant 0 : i32
      %dma_wait3A_145 = arith.constant 0 : i32
      %dma_wait3A_146 = tpu.memref_slice %arg3[%min3A, %dma_wait3A_144, %dma_wait3A_145] : memref<2528x2x128xi32, #tpu.memory_space<hbm>> -> memref<1x2x128xi32, #tpu.memory_space<hbm>>
      %dma_wait3A_147 = tpu.memref_squeeze %dma_wait3A_146 : memref<1x2x128xi32, #tpu.memory_space<hbm>> -> memref<2x128xi32, #tpu.memory_space<hbm>>
      tpu.wait_dma2 semaphore(%arg12 : memref<!tpu.dma_semaphore, #tpu.memory_space<semaphore_mem>>) src(%dma_wait3A_147 : memref<2x128xi32, #tpu.memory_space<hbm>>) dst(%arg7 : memref<2x128xi32, #tpu.memory_space<vmem>>)
      %dma_start3A_148 = arith.constant 0 : i32
      %dma_start3A_149 = arith.constant 0 : i32
      %dma_start3A_150 = tpu.memref_slice %arg7[%dma_start3A_148, %dma_start3A_149] : memref<2x128xi32, #tpu.memory_space<vmem>> -> memref<1x128xi32, #tpu.memory_space<vmem>>
      %dma_start3A_151 = tpu.memref_squeeze %dma_start3A_150 : memref<1x128xi32, #tpu.memory_space<vmem>> -> memref<128xi32, #tpu.memory_space<vmem>>
      %dma_start3A_152 = arith.constant 0 : i32
      %dma_start3A_153 = arith.constant 0 : i32
      %dma_start3A_154 = tpu.memref_slice %arg2[%dma_start3A_152, %dma_start3A_153] : memref<10240x128xf32, #tpu.memory_space<hbm>> -> memref<10240x128xf32, #tpu.memory_space<hbm>>
      tpu.enqueue_indirect_dma source(%dma_start3A_154 : memref<10240x128xf32, #tpu.memory_space<hbm>>) target(%arg9 : memref<128x128xf32, #tpu.memory_space<vmem>>) offsets(%dma_start3A_151 : memref<128xi32, #tpu.memory_space<vmem>>) semaphore(%arg14 : memref<!tpu.dma_semaphore, #tpu.memory_space<semaphore_mem>>)
      %dma_wait3A_155 = arith.constant 0 : i32
      %dma_wait3A_156 = arith.constant 0 : i32
      %dma_wait3A_157 = tpu.memref_slice %arg6[%dma_wait3A_155, %dma_wait3A_156] : memref<2x128xi32, #tpu.memory_space<vmem>> -> memref<1x128xi32, #tpu.memory_space<vmem>>
      %dma_wait3A_158 = tpu.memref_squeeze %dma_wait3A_157 : memref<1x128xi32, #tpu.memory_space<vmem>> -> memref<128xi32, #tpu.memory_space<vmem>>
      %dma_wait3A_159 = arith.constant 0 : i32
      %dma_wait3A_160 = arith.constant 0 : i32
      %dma_wait3A_161 = tpu.memref_slice %arg2[%dma_wait3A_159, %dma_wait3A_160] : memref<10240x128xf32, #tpu.memory_space<hbm>> -> memref<10240x128xf32, #tpu.memory_space<hbm>>
      tpu.wait_indirect_dma semaphore(%arg13 : memref<!tpu.dma_semaphore, #tpu.memory_space<semaphore_mem>>) src(%dma_wait3A_161 : memref<10240x128xf32, #tpu.memory_space<hbm>>) dst(%arg8 : memref<128x128xf32, #tpu.memory_space<vmem>>)
      %run_scoped3A = arith.constant 1 : i32
      "tpu.region"() ({
        %run_scoped3A_211 = tpu.sem_alloc : memref<!tpu.dma_semaphore, #tpu.memory_space<semaphore_mem>>
        %dma_start3A_212 = arith.constant 0 : i32
        %dma_start3A_213 = tpu.memref_slice %arg6[%run_scoped3A, %dma_start3A_212] : memref<2x128xi32, #tpu.memory_space<vmem>> -> memref<1x128xi32, #tpu.memory_space<vmem>>
        %dma_start3A_214 = tpu.memref_squeeze %dma_start3A_213 : memref<1x128xi32, #tpu.memory_space<vmem>> -> memref<128xi32, #tpu.memory_space<vmem>>
        %dma_start3A_215 = arith.constant 0 : i32
        %dma_start3A_216 = arith.constant 0 : i32
        %dma_start3A_217 = tpu.memref_slice %arg10[%dma_start3A_215, %dma_start3A_216] : memref<10240x128xf32, #tpu.memory_space<vmem_shared>> -> memref<10240x128xf32, #tpu.memory_space<vmem_shared>>
        tpu.enqueue_indirect_dma source(%arg8 : memref<128x128xf32, #tpu.memory_space<vmem>>) target(%dma_start3A_217 : memref<10240x128xf32, #tpu.memory_space<vmem_shared>>) offsets(%dma_start3A_214 : memref<128xi32, #tpu.memory_space<vmem>>) semaphore(%run_scoped3A_211 : memref<!tpu.dma_semaphore, #tpu.memory_space<semaphore_mem>>) {add = true}
        %dma_wait3A_218 = arith.constant 0 : i32
        %dma_wait3A_219 = tpu.memref_slice %arg6[%run_scoped3A, %dma_wait3A_218] : memref<2x128xi32, #tpu.memory_space<vmem>> -> memref<1x128xi32, #tpu.memory_space<vmem>>
        %dma_wait3A_220 = tpu.memref_squeeze %dma_wait3A_219 : memref<1x128xi32, #tpu.memory_space<vmem>> -> memref<128xi32, #tpu.memory_space<vmem>>
        %dma_wait3A_221 = arith.constant 0 : i32
        %dma_wait3A_222 = arith.constant 0 : i32
        %dma_wait3A_223 = tpu.memref_slice %arg10[%dma_wait3A_221, %dma_wait3A_222] : memref<10240x128xf32, #tpu.memory_space<vmem_shared>> -> memref<10240x128xf32, #tpu.memory_space<vmem_shared>>
        tpu.wait_indirect_dma semaphore(%run_scoped3A_211 : memref<!tpu.dma_semaphore, #tpu.memory_space<semaphore_mem>>) src(%arg8 : memref<128x128xf32, #tpu.memory_space<vmem>>) dst(%dma_wait3A_223 : memref<10240x128xf32, #tpu.memory_space<vmem_shared>>)
        tpu.yield
      }) : () -> ()
      %dma_start3A_162 = arith.constant 0 : i32
      %dma_start3A_163 = arith.constant 0 : i32
      %dma_start3A_164 = tpu.memref_slice %arg3[%min3A_139, %dma_start3A_162, %dma_start3A_163] : memref<2528x2x128xi32, #tpu.memory_space<hbm>> -> memref<1x2x128xi32, #tpu.memory_space<hbm>>
      %dma_start3A_165 = tpu.memref_squeeze %dma_start3A_164 : memref<1x2x128xi32, #tpu.memory_space<hbm>> -> memref<2x128xi32, #tpu.memory_space<hbm>>
      %dma_start3A_166 = arith.constant 0 : i32
      %dma_start3A_167 = arith.constant 0 : i32
      %dma_start3A_168 = tpu.memref_slice %arg3[%min3A_139, %dma_start3A_166, %dma_start3A_167] : memref<2528x2x128xi32, #tpu.memory_space<hbm>> -> memref<1x2x128xi32, #tpu.memory_space<hbm>>
      %dma_start3A_169 = tpu.memref_squeeze %dma_start3A_168 : memref<1x2x128xi32, #tpu.memory_space<hbm>> -> memref<2x128xi32, #tpu.memory_space<hbm>>
      tpu.enqueue_dma source(%dma_start3A_169 : memref<2x128xi32, #tpu.memory_space<hbm>>) target(%arg6 : memref<2x128xi32, #tpu.memory_space<vmem>>) target_semaphore(%arg11 : memref<!tpu.dma_semaphore, #tpu.memory_space<semaphore_mem>>)
      %add3A_170 = arith.constant 1 : i32
      %add3A_171 = arith.addi %add3A_130, %add3A_170 : i32
      %add3A_172 = arith.constant 1 : i32
      %add3A_173 = arith.addi %add3A_171, %add3A_172 : i32
      %min3A_174 = arith.minsi %add3A_173, %sub3A_30 : i32
      %add3A_175 = arith.constant 1 : i32
      %add3A_176 = arith.addi %add3A_130, %add3A_175 : i32
      %add3A_177 = arith.constant 2 : i32
      %add3A_178 = arith.addi %add3A_176, %add3A_177 : i32
      %min3A_179 = arith.minsi %add3A_178, %sub3A_30 : i32
      %dma_wait3A_180 = arith.constant 0 : i32
      %dma_wait3A_181 = arith.constant 0 : i32
      %dma_wait3A_182 = tpu.memref_slice %arg3[%min3A_174, %dma_wait3A_180, %dma_wait3A_181] : memref<2528x2x128xi32, #tpu.memory_space<hbm>> -> memref<1x2x128xi32, #tpu.memory_space<hbm>>
      %dma_wait3A_183 = tpu.memref_squeeze %dma_wait3A_182 : memref<1x2x128xi32, #tpu.memory_space<hbm>> -> memref<2x128xi32, #tpu.memory_space<hbm>>
      %dma_wait3A_184 = arith.constant 0 : i32
      %dma_wait3A_185 = arith.constant 0 : i32
      %dma_wait3A_186 = tpu.memref_slice %arg3[%min3A_174, %dma_wait3A_184, %dma_wait3A_185] : memref<2528x2x128xi32, #tpu.memory_space<hbm>> -> memref<1x2x128xi32, #tpu.memory_space<hbm>>
      %dma_wait3A_187 = tpu.memref_squeeze %dma_wait3A_186 : memref<1x2x128xi32, #tpu.memory_space<hbm>> -> memref<2x128xi32, #tpu.memory_space<hbm>>
      tpu.wait_dma2 semaphore(%arg11 : memref<!tpu.dma_semaphore, #tpu.memory_space<semaphore_mem>>) src(%dma_wait3A_187 : memref<2x128xi32, #tpu.memory_space<hbm>>) dst(%arg6 : memref<2x128xi32, #tpu.memory_space<vmem>>)
      %dma_start3A_188 = arith.constant 0 : i32
      %dma_start3A_189 = arith.constant 0 : i32
      %dma_start3A_190 = tpu.memref_slice %arg6[%dma_start3A_188, %dma_start3A_189] : memref<2x128xi32, #tpu.memory_space<vmem>> -> memref<1x128xi32, #tpu.memory_space<vmem>>
      %dma_start3A_191 = tpu.memref_squeeze %dma_start3A_190 : memref<1x128xi32, #tpu.memory_space<vmem>> -> memref<128xi32, #tpu.memory_space<vmem>>
      %dma_start3A_192 = arith.constant 0 : i32
      %dma_start3A_193 = arith.constant 0 : i32
      %dma_start3A_194 = tpu.memref_slice %arg2[%dma_start3A_192, %dma_start3A_193] : memref<10240x128xf32, #tpu.memory_space<hbm>> -> memref<10240x128xf32, #tpu.memory_space<hbm>>
      tpu.enqueue_indirect_dma source(%dma_start3A_194 : memref<10240x128xf32, #tpu.memory_space<hbm>>) target(%arg8 : memref<128x128xf32, #tpu.memory_space<vmem>>) offsets(%dma_start3A_191 : memref<128xi32, #tpu.memory_space<vmem>>) semaphore(%arg13 : memref<!tpu.dma_semaphore, #tpu.memory_space<semaphore_mem>>)
      %dma_wait3A_195 = arith.constant 0 : i32
      %dma_wait3A_196 = arith.constant 0 : i32
      %dma_wait3A_197 = tpu.memref_slice %arg7[%dma_wait3A_195, %dma_wait3A_196] : memref<2x128xi32, #tpu.memory_space<vmem>> -> memref<1x128xi32, #tpu.memory_space<vmem>>
      %dma_wait3A_198 = tpu.memref_squeeze %dma_wait3A_197 : memref<1x128xi32, #tpu.memory_space<vmem>> -> memref<128xi32, #tpu.memory_space<vmem>>
      %dma_wait3A_199 = arith.constant 0 : i32
      %dma_wait3A_200 = arith.constant 0 : i32
      %dma_wait3A_201 = tpu.memref_slice %arg2[%dma_wait3A_199, %dma_wait3A_200] : memref<10240x128xf32, #tpu.memory_space<hbm>> -> memref<10240x128xf32, #tpu.memory_space<hbm>>
      tpu.wait_indirect_dma semaphore(%arg14 : memref<!tpu.dma_semaphore, #tpu.memory_space<semaphore_mem>>) src(%dma_wait3A_201 : memref<10240x128xf32, #tpu.memory_space<hbm>>) dst(%arg9 : memref<128x128xf32, #tpu.memory_space<vmem>>)
      %run_scoped3A_202 = arith.constant 1 : i32
      "tpu.region"() ({
        %run_scoped3A_211 = tpu.sem_alloc : memref<!tpu.dma_semaphore, #tpu.memory_space<semaphore_mem>>
        %dma_start3A_212 = arith.constant 0 : i32
        %dma_start3A_213 = tpu.memref_slice %arg7[%run_scoped3A_202, %dma_start3A_212] : memref<2x128xi32, #tpu.memory_space<vmem>> -> memref<1x128xi32, #tpu.memory_space<vmem>>
        %dma_start3A_214 = tpu.memref_squeeze %dma_start3A_213 : memref<1x128xi32, #tpu.memory_space<vmem>> -> memref<128xi32, #tpu.memory_space<vmem>>
        %dma_start3A_215 = arith.constant 0 : i32
        %dma_start3A_216 = arith.constant 0 : i32
        %dma_start3A_217 = tpu.memref_slice %arg10[%dma_start3A_215, %dma_start3A_216] : memref<10240x128xf32, #tpu.memory_space<vmem_shared>> -> memref<10240x128xf32, #tpu.memory_space<vmem_shared>>
        tpu.enqueue_indirect_dma source(%arg9 : memref<128x128xf32, #tpu.memory_space<vmem>>) target(%dma_start3A_217 : memref<10240x128xf32, #tpu.memory_space<vmem_shared>>) offsets(%dma_start3A_214 : memref<128xi32, #tpu.memory_space<vmem>>) semaphore(%run_scoped3A_211 : memref<!tpu.dma_semaphore, #tpu.memory_space<semaphore_mem>>) {add = true}
        %dma_wait3A_218 = arith.constant 0 : i32
        %dma_wait3A_219 = tpu.memref_slice %arg7[%run_scoped3A_202, %dma_wait3A_218] : memref<2x128xi32, #tpu.memory_space<vmem>> -> memref<1x128xi32, #tpu.memory_space<vmem>>
        %dma_wait3A_220 = tpu.memref_squeeze %dma_wait3A_219 : memref<1x128xi32, #tpu.memory_space<vmem>> -> memref<128xi32, #tpu.memory_space<vmem>>
        %dma_wait3A_221 = arith.constant 0 : i32
        %dma_wait3A_222 = arith.constant 0 : i32
        %dma_wait3A_223 = tpu.memref_slice %arg10[%dma_wait3A_221, %dma_wait3A_222] : memref<10240x128xf32, #tpu.memory_space<vmem_shared>> -> memref<10240x128xf32, #tpu.memory_space<vmem_shared>>
        tpu.wait_indirect_dma semaphore(%run_scoped3A_211 : memref<!tpu.dma_semaphore, #tpu.memory_space<semaphore_mem>>) src(%arg9 : memref<128x128xf32, #tpu.memory_space<vmem>>) dst(%dma_wait3A_223 : memref<10240x128xf32, #tpu.memory_space<vmem_shared>>)
        tpu.yield
      }) : () -> ()
      %dma_start3A_203 = arith.constant 0 : i32
      %dma_start3A_204 = arith.constant 0 : i32
      %dma_start3A_205 = tpu.memref_slice %arg3[%min3A_179, %dma_start3A_203, %dma_start3A_204] : memref<2528x2x128xi32, #tpu.memory_space<hbm>> -> memref<1x2x128xi32, #tpu.memory_space<hbm>>
      %dma_start3A_206 = tpu.memref_squeeze %dma_start3A_205 : memref<1x2x128xi32, #tpu.memory_space<hbm>> -> memref<2x128xi32, #tpu.memory_space<hbm>>
      %dma_start3A_207 = arith.constant 0 : i32
      %dma_start3A_208 = arith.constant 0 : i32
      %dma_start3A_209 = tpu.memref_slice %arg3[%min3A_179, %dma_start3A_207, %dma_start3A_208] : memref<2528x2x128xi32, #tpu.memory_space<hbm>> -> memref<1x2x128xi32, #tpu.memory_space<hbm>>
      %dma_start3A_210 = tpu.memref_squeeze %dma_start3A_209 : memref<1x2x128xi32, #tpu.memory_space<hbm>> -> memref<2x128xi32, #tpu.memory_space<hbm>>
      tpu.enqueue_dma source(%dma_start3A_210 : memref<2x128xi32, #tpu.memory_space<hbm>>) target(%arg7 : memref<2x128xi32, #tpu.memory_space<vmem>>) target_semaphore(%arg12 : memref<!tpu.dma_semaphore, #tpu.memory_space<semaphore_mem>>)
    }
    %while3A_74 = arith.constant 1 : i32
    scf.for %while3A_127 = %while3A_72 to %while3A_68 step %while3A_74  : i32 {
      %mul3A_128 = arith.constant 2 : i32
      %mul3A_129 = arith.muli %mul3A_128, %while3A_127 : i32
      %add3A_130 = arith.addi %select_n3A_28, %mul3A_129 : i32
      %add3A_131 = arith.constant 0 : i32
      %add3A_132 = arith.addi %add3A_130, %add3A_131 : i32
      %add3A_133 = arith.constant 1 : i32
      %add3A_134 = arith.addi %add3A_132, %add3A_133 : i32
      %min3A = arith.minsi %add3A_134, %sub3A_30 : i32
      %add3A_135 = arith.constant 0 : i32
      %add3A_136 = arith.addi %add3A_130, %add3A_135 : i32
      %add3A_137 = arith.constant 2 : i32
      %add3A_138 = arith.addi %add3A_136, %add3A_137 : i32
      %min3A_139 = arith.minsi %add3A_138, %sub3A_30 : i32
      %dma_wait3A_140 = arith.constant 0 : i32
      %dma_wait3A_141 = arith.constant 0 : i32
      %dma_wait3A_142 = tpu.memref_slice %arg3[%min3A, %dma_wait3A_140, %dma_wait3A_141] : memref<2528x2x128xi32, #tpu.memory_space<hbm>> -> memref<1x2x128xi32, #tpu.memory_space<hbm>>
      %dma_wait3A_143 = tpu.memref_squeeze %dma_wait3A_142 : memref<1x2x128xi32, #tpu.memory_space<hbm>> -> memref<2x128xi32, #tpu.memory_space<hbm>>
      %dma_wait3A_144 = arith.constant 0 : i32
      %dma_wait3A_145 = arith.constant 0 : i32
      %dma_wait3A_146 = tpu.memref_slice %arg3[%min3A, %dma_wait3A_144, %dma_wait3A_145] : memref<2528x2x128xi32, #tpu.memory_space<hbm>> -> memref<1x2x128xi32, #tpu.memory_space<hbm>>
      %dma_wait3A_147 = tpu.memref_squeeze %dma_wait3A_146 : memref<1x2x128xi32, #tpu.memory_space<hbm>> -> memref<2x128xi32, #tpu.memory_space<hbm>>
      tpu.wait_dma2 semaphore(%arg12 : memref<!tpu.dma_semaphore, #tpu.memory_space<semaphore_mem>>) src(%dma_wait3A_147 : memref<2x128xi32, #tpu.memory_space<hbm>>) dst(%arg7 : memref<2x128xi32, #tpu.memory_space<vmem>>)
      %dma_start3A_148 = arith.constant 0 : i32
      %dma_start3A_149 = arith.constant 0 : i32
      %dma_start3A_150 = tpu.memref_slice %arg7[%dma_start3A_148, %dma_start3A_149] : memref<2x128xi32, #tpu.memory_space<vmem>> -> memref<1x128xi32, #tpu.memory_space<vmem>>
      %dma_start3A_151 = tpu.memref_squeeze %dma_start3A_150 : memref<1x128xi32, #tpu.memory_space<vmem>> -> memref<128xi32, #tpu.memory_space<vmem>>
      %dma_start3A_152 = arith.constant 0 : i32
      %dma_start3A_153 = arith.constant 0 : i32
      %dma_start3A_154 = tpu.memref_slice %arg2[%dma_start3A_152, %dma_start3A_153] : memref<10240x128xf32, #tpu.memory_space<hbm>> -> memref<10240x128xf32, #tpu.memory_space<hbm>>
      tpu.enqueue_indirect_dma source(%dma_start3A_154 : memref<10240x128xf32, #tpu.memory_space<hbm>>) target(%arg9 : memref<128x128xf32, #tpu.memory_space<vmem>>) offsets(%dma_start3A_151 : memref<128xi32, #tpu.memory_space<vmem>>) semaphore(%arg14 : memref<!tpu.dma_semaphore, #tpu.memory_space<semaphore_mem>>)
      %dma_wait3A_155 = arith.constant 0 : i32
      %dma_wait3A_156 = arith.constant 0 : i32
      %dma_wait3A_157 = tpu.memref_slice %arg6[%dma_wait3A_155, %dma_wait3A_156] : memref<2x128xi32, #tpu.memory_space<vmem>> -> memref<1x128xi32, #tpu.memory_space<vmem>>
      %dma_wait3A_158 = tpu.memref_squeeze %dma_wait3A_157 : memref<1x128xi32, #tpu.memory_space<vmem>> -> memref<128xi32, #tpu.memory_space<vmem>>
      %dma_wait3A_159 = arith.constant 0 : i32
      %dma_wait3A_160 = arith.constant 0 : i32
      %dma_wait3A_161 = tpu.memref_slice %arg2[%dma_wait3A_159, %dma_wait3A_160] : memref<10240x128xf32, #tpu.memory_space<hbm>> -> memref<10240x128xf32, #tpu.memory_space<hbm>>
      tpu.wait_indirect_dma semaphore(%arg13 : memref<!tpu.dma_semaphore, #tpu.memory_space<semaphore_mem>>) src(%dma_wait3A_161 : memref<10240x128xf32, #tpu.memory_space<hbm>>) dst(%arg8 : memref<128x128xf32, #tpu.memory_space<vmem>>)
      %run_scoped3A = arith.constant 1 : i32
      "tpu.region"() ({
        %run_scoped3A_211 = tpu.sem_alloc : memref<!tpu.dma_semaphore, #tpu.memory_space<semaphore_mem>>
        %dma_start3A_212 = arith.constant 0 : i32
        %dma_start3A_213 = tpu.memref_slice %arg6[%run_scoped3A, %dma_start3A_212] : memref<2x128xi32, #tpu.memory_space<vmem>> -> memref<1x128xi32, #tpu.memory_space<vmem>>
        %dma_start3A_214 = tpu.memref_squeeze %dma_start3A_213 : memref<1x128xi32, #tpu.memory_space<vmem>> -> memref<128xi32, #tpu.memory_space<vmem>>
        %dma_start3A_215 = arith.constant 0 : i32
        %dma_start3A_216 = arith.constant 0 : i32
        %dma_start3A_217 = tpu.memref_slice %arg10[%dma_start3A_215, %dma_start3A_216] : memref<10240x128xf32, #tpu.memory_space<vmem_shared>> -> memref<10240x128xf32, #tpu.memory_space<vmem_shared>>
        tpu.enqueue_indirect_dma source(%arg8 : memref<128x128xf32, #tpu.memory_space<vmem>>) target(%dma_start3A_217 : memref<10240x128xf32, #tpu.memory_space<vmem_shared>>) offsets(%dma_start3A_214 : memref<128xi32, #tpu.memory_space<vmem>>) semaphore(%run_scoped3A_211 : memref<!tpu.dma_semaphore, #tpu.memory_space<semaphore_mem>>) {add = true}
        %dma_wait3A_218 = arith.constant 0 : i32
        %dma_wait3A_219 = tpu.memref_slice %arg6[%run_scoped3A, %dma_wait3A_218] : memref<2x128xi32, #tpu.memory_space<vmem>> -> memref<1x128xi32, #tpu.memory_space<vmem>>
        %dma_wait3A_220 = tpu.memref_squeeze %dma_wait3A_219 : memref<1x128xi32, #tpu.memory_space<vmem>> -> memref<128xi32, #tpu.memory_space<vmem>>
        %dma_wait3A_221 = arith.constant 0 : i32
        %dma_wait3A_222 = arith.constant 0 : i32
        %dma_wait3A_223 = tpu.memref_slice %arg10[%dma_wait3A_221, %dma_wait3A_222] : memref<10240x128xf32, #tpu.memory_space<vmem_shared>> -> memref<10240x128xf32, #tpu.memory_space<vmem_shared>>
        tpu.wait_indirect_dma semaphore(%run_scoped3A_211 : memref<!tpu.dma_semaphore, #tpu.memory_space<semaphore_mem>>) src(%arg8 : memref<128x128xf32, #tpu.memory_space<vmem>>) dst(%dma_wait3A_223 : memref<10240x128xf32, #tpu.memory_space<vmem_shared>>)
        tpu.yield
      }) : () -> ()
      %dma_start3A_162 = arith.constant 0 : i32
      %dma_start3A_163 = arith.constant 0 : i32
      %dma_start3A_164 = tpu.memref_slice %arg3[%min3A_139, %dma_start3A_162, %dma_start3A_163] : memref<2528x2x128xi32, #tpu.memory_space<hbm>> -> memref<1x2x128xi32, #tpu.memory_space<hbm>>
      %dma_start3A_165 = tpu.memref_squeeze %dma_start3A_164 : memref<1x2x128xi32, #tpu.memory_space<hbm>> -> memref<2x128xi32, #tpu.memory_space<hbm>>
      %dma_start3A_166 = arith.constant 0 : i32
      %dma_start3A_167 = arith.constant 0 : i32
      %dma_start3A_168 = tpu.memref_slice %arg3[%min3A_139, %dma_start3A_166, %dma_start3A_167] : memref<2528x2x128xi32, #tpu.memory_space<hbm>> -> memref<1x2x128xi32, #tpu.memory_space<hbm>>
      %dma_start3A_169 = tpu.memref_squeeze %dma_start3A_168 : memref<1x2x128xi32, #tpu.memory_space<hbm>> -> memref<2x128xi32, #tpu.memory_space<hbm>>
      tpu.enqueue_dma source(%dma_start3A_169 : memref<2x128xi32, #tpu.memory_space<hbm>>) target(%arg6 : memref<2x128xi32, #tpu.memory_space<vmem>>) target_semaphore(%arg11 : memref<!tpu.dma_semaphore, #tpu.memory_space<semaphore_mem>>)
      %add3A_170 = arith.constant 1 : i32
      %add3A_171 = arith.addi %add3A_130, %add3A_170 : i32
      %add3A_172 = arith.constant 1 : i32
      %add3A_173 = arith.addi %add3A_171, %add3A_172 : i32
      %min3A_174 = arith.minsi %add3A_173, %sub3A_30 : i32
      %add3A_175 = arith.constant 1 : i32
      %add3A_176 = arith.addi %add3A_130, %add3A_175 : i32
      %add3A_177 = arith.constant 2 : i32
      %add3A_178 = arith.addi %add3A_176, %add3A_177 : i32
      %min3A_179 = arith.minsi %add3A_178, %sub3A_30 : i32
      %dma_wait3A_180 = arith.constant 0 : i32
      %dma_wait3A_181 = arith.constant 0 : i32
      %dma_wait3A_182 = tpu.memref_slice %arg3[%min3A_174, %dma_wait3A_180, %dma_wait3A_181] : memref<2528x2x128xi32, #tpu.memory_space<hbm>> -> memref<1x2x128xi32, #tpu.memory_space<hbm>>
      %dma_wait3A_183 = tpu.memref_squeeze %dma_wait3A_182 : memref<1x2x128xi32, #tpu.memory_space<hbm>> -> memref<2x128xi32, #tpu.memory_space<hbm>>
      %dma_wait3A_184 = arith.constant 0 : i32
      %dma_wait3A_185 = arith.constant 0 : i32
      %dma_wait3A_186 = tpu.memref_slice %arg3[%min3A_174, %dma_wait3A_184, %dma_wait3A_185] : memref<2528x2x128xi32, #tpu.memory_space<hbm>> -> memref<1x2x128xi32, #tpu.memory_space<hbm>>
      %dma_wait3A_187 = tpu.memref_squeeze %dma_wait3A_186 : memref<1x2x128xi32, #tpu.memory_space<hbm>> -> memref<2x128xi32, #tpu.memory_space<hbm>>
      tpu.wait_dma2 semaphore(%arg11 : memref<!tpu.dma_semaphore, #tpu.memory_space<semaphore_mem>>) src(%dma_wait3A_187 : memref<2x128xi32, #tpu.memory_space<hbm>>) dst(%arg6 : memref<2x128xi32, #tpu.memory_space<vmem>>)
      %dma_start3A_188 = arith.constant 0 : i32
      %dma_start3A_189 = arith.constant 0 : i32
      %dma_start3A_190 = tpu.memref_slice %arg6[%dma_start3A_188, %dma_start3A_189] : memref<2x128xi32, #tpu.memory_space<vmem>> -> memref<1x128xi32, #tpu.memory_space<vmem>>
      %dma_start3A_191 = tpu.memref_squeeze %dma_start3A_190 : memref<1x128xi32, #tpu.memory_space<vmem>> -> memref<128xi32, #tpu.memory_space<vmem>>
      %dma_start3A_192 = arith.constant 0 : i32
      %dma_start3A_193 = arith.constant 0 : i32
      %dma_start3A_194 = tpu.memref_slice %arg2[%dma_start3A_192, %dma_start3A_193] : memref<10240x128xf32, #tpu.memory_space<hbm>> -> memref<10240x128xf32, #tpu.memory_space<hbm>>
      tpu.enqueue_indirect_dma source(%dma_start3A_194 : memref<10240x128xf32, #tpu.memory_space<hbm>>) target(%arg8 : memref<128x128xf32, #tpu.memory_space<vmem>>) offsets(%dma_start3A_191 : memref<128xi32, #tpu.memory_space<vmem>>) semaphore(%arg13 : memref<!tpu.dma_semaphore, #tpu.memory_space<semaphore_mem>>)
      %dma_wait3A_195 = arith.constant 0 : i32
      %dma_wait3A_196 = arith.constant 0 : i32
      %dma_wait3A_197 = tpu.memref_slice %arg7[%dma_wait3A_195, %dma_wait3A_196] : memref<2x128xi32, #tpu.memory_space<vmem>> -> memref<1x128xi32, #tpu.memory_space<vmem>>
      %dma_wait3A_198 = tpu.memref_squeeze %dma_wait3A_197 : memref<1x128xi32, #tpu.memory_space<vmem>> -> memref<128xi32, #tpu.memory_space<vmem>>
      %dma_wait3A_199 = arith.constant 0 : i32
      %dma_wait3A_200 = arith.constant 0 : i32
      %dma_wait3A_201 = tpu.memref_slice %arg2[%dma_wait3A_199, %dma_wait3A_200] : memref<10240x128xf32, #tpu.memory_space<hbm>> -> memref<10240x128xf32, #tpu.memory_space<hbm>>
      tpu.wait_indirect_dma semaphore(%arg14 : memref<!tpu.dma_semaphore, #tpu.memory_space<semaphore_mem>>) src(%dma_wait3A_201 : memref<10240x128xf32, #tpu.memory_space<hbm>>) dst(%arg9 : memref<128x128xf32, #tpu.memory_space<vmem>>)
      %run_scoped3A_202 = arith.constant 1 : i32
      "tpu.region"() ({
        %run_scoped3A_211 = tpu.sem_alloc : memref<!tpu.dma_semaphore, #tpu.memory_space<semaphore_mem>>
        %dma_start3A_212 = arith.constant 0 : i32
        %dma_start3A_213 = tpu.memref_slice %arg7[%run_scoped3A_202, %dma_start3A_212] : memref<2x128xi32, #tpu.memory_space<vmem>> -> memref<1x128xi32, #tpu.memory_space<vmem>>
        %dma_start3A_214 = tpu.memref_squeeze %dma_start3A_213 : memref<1x128xi32, #tpu.memory_space<vmem>> -> memref<128xi32, #tpu.memory_space<vmem>>
        %dma_start3A_215 = arith.constant 0 : i32
        %dma_start3A_216 = arith.constant 0 : i32
        %dma_start3A_217 = tpu.memref_slice %arg10[%dma_start3A_215, %dma_start3A_216] : memref<10240x128xf32, #tpu.memory_space<vmem_shared>> -> memref<10240x128xf32, #tpu.memory_space<vmem_shared>>
        tpu.enqueue_indirect_dma source(%arg9 : memref<128x128xf32, #tpu.memory_space<vmem>>) target(%dma_start3A_217 : memref<10240x128xf32, #tpu.memory_space<vmem_shared>>) offsets(%dma_start3A_214 : memref<128xi32, #tpu.memory_space<vmem>>) semaphore(%run_scoped3A_211 : memref<!tpu.dma_semaphore, #tpu.memory_space<semaphore_mem>>) {add = true}
        %dma_wait3A_218 = arith.constant 0 : i32
        %dma_wait3A_219 = tpu.memref_slice %arg7[%run_scoped3A_202, %dma_wait3A_218] : memref<2x128xi32, #tpu.memory_space<vmem>> -> memref<1x128xi32, #tpu.memory_space<vmem>>
        %dma_wait3A_220 = tpu.memref_squeeze %dma_wait3A_219 : memref<1x128xi32, #tpu.memory_space<vmem>> -> memref<128xi32, #tpu.memory_space<vmem>>
        %dma_wait3A_221 = arith.constant 0 : i32
        %dma_wait3A_222 = arith.constant 0 : i32
        %dma_wait3A_223 = tpu.memref_slice %arg10[%dma_wait3A_221, %dma_wait3A_222] : memref<10240x128xf32, #tpu.memory_space<vmem_shared>> -> memref<10240x128xf32, #tpu.memory_space<vmem_shared>>
        tpu.wait_indirect_dma semaphore(%run_scoped3A_211 : memref<!tpu.dma_semaphore, #tpu.memory_space<semaphore_mem>>) src(%arg9 : memref<128x128xf32, #tpu.memory_space<vmem>>) dst(%dma_wait3A_223 : memref<10240x128xf32, #tpu.memory_space<vmem_shared>>)
        tpu.yield
      }) : () -> ()
      %dma_start3A_203 = arith.constant 0 : i32
      %dma_start3A_204 = arith.constant 0 : i32
      %dma_start3A_205 = tpu.memref_slice %arg3[%min3A_179, %dma_start3A_203, %dma_start3A_204] : memref<2528x2x128xi32, #tpu.memory_space<hbm>> -> memref<1x2x128xi32, #tpu.memory_space<hbm>>
      %dma_start3A_206 = tpu.memref_squeeze %dma_start3A_205 : memref<1x2x128xi32, #tpu.memory_space<hbm>> -> memref<2x128xi32, #tpu.memory_space<hbm>>
      %dma_start3A_207 = arith.constant 0 : i32
      %dma_start3A_208 = arith.constant 0 : i32
      %dma_start3A_209 = tpu.memref_slice %arg3[%min3A_179, %dma_start3A_207, %dma_start3A_208] : memref<2528x2x128xi32, #tpu.memory_space<hbm>> -> memref<1x2x128xi32, #tpu.memory_space<hbm>>
      %dma_start3A_210 = tpu.memref_squeeze %dma_start3A_209 : memref<1x2x128xi32, #tpu.memory_space<hbm>> -> memref<2x128xi32, #tpu.memory_space<hbm>>
      tpu.enqueue_dma source(%dma_start3A_210 : memref<2x128xi32, #tpu.memory_space<hbm>>) target(%arg7 : memref<2x128xi32, #tpu.memory_space<vmem>>) target_semaphore(%arg12 : memref<!tpu.dma_semaphore, #tpu.memory_space<semaphore_mem>>)
    }
    %dma_wait3A = arith.constant 0 : i32
    %dma_wait3A_75 = arith.constant 0 : i32
    %dma_wait3A_76 = tpu.memref_slice %arg3[%sub3A_30, %dma_wait3A, %dma_wait3A_75] : memref<2528x2x128xi32, #tpu.memory_space<hbm>> -> memref<1x2x128xi32, #tpu.memory_space<hbm>>
    %dma_wait3A_77 = tpu.memref_squeeze %dma_wait3A_76 : memref<1x2x128xi32, #tpu.memory_space<hbm>> -> memref<2x128xi32, #tpu.memory_space<hbm>>
    %dma_wait3A_78 = arith.constant 0 : i32
    %dma_wait3A_79 = arith.constant 0 : i32
    %dma_wait3A_80 = tpu.memref_slice %arg3[%sub3A_30, %dma_wait3A_78, %dma_wait3A_79] : memref<2528x2x128xi32, #tpu.memory_space<hbm>> -> memref<1x2x128xi32, #tpu.memory_space<hbm>>
    %dma_wait3A_81 = tpu.memref_squeeze %dma_wait3A_80 : memref<1x2x128xi32, #tpu.memory_space<hbm>> -> memref<2x128xi32, #tpu.memory_space<hbm>>
    tpu.wait_dma2 semaphore(%arg12 : memref<!tpu.dma_semaphore, #tpu.memory_space<semaphore_mem>>) src(%dma_wait3A_81 : memref<2x128xi32, #tpu.memory_space<hbm>>) dst(%arg7 : memref<2x128xi32, #tpu.memory_space<vmem>>)
    %dma_wait3A_82 = arith.constant 0 : i32
    %dma_wait3A_83 = arith.constant 0 : i32
    %dma_wait3A_84 = tpu.memref_slice %arg6[%dma_wait3A_82, %dma_wait3A_83] : memref<2x128xi32, #tpu.memory_space<vmem>> -> memref<1x128xi32, #tpu.memory_space<vmem>>
    %dma_wait3A_85 = tpu.memref_squeeze %dma_wait3A_84 : memref<1x128xi32, #tpu.memory_space<vmem>> -> memref<128xi32, #tpu.memory_space<vmem>>
    %dma_wait3A_86 = arith.constant 0 : i32
    %dma_wait3A_87 = arith.constant 0 : i32
    %dma_wait3A_88 = tpu.memref_slice %arg2[%dma_wait3A_86, %dma_wait3A_87] : memref<10240x128xf32, #tpu.memory_space<hbm>> -> memref<10240x128xf32, #tpu.memory_space<hbm>>
    tpu.wait_indirect_dma semaphore(%arg13 : memref<!tpu.dma_semaphore, #tpu.memory_space<semaphore_mem>>) src(%dma_wait3A_88 : memref<10240x128xf32, #tpu.memory_space<hbm>>) dst(%arg8 : memref<128x128xf32, #tpu.memory_space<vmem>>)
    %barrier3A_89 = arith.constant 0 : index
    tpu.barrier barrier_id(%barrier3A_89)
    %mul3A_90 = arith.constant 640 : i32
    %mul3A_91 = arith.muli %arg1, %mul3A_90 : i32
    %add3A_92 = arith.constant 0 : i32
    %add3A_93 = arith.addi %mul3A_91, %add3A_92 : i32
    "tpu.region"() ({
      %run_scoped3A = tpu.sem_alloc : memref<!tpu.dma_semaphore, #tpu.memory_space<semaphore_mem>>
      %dma_start3A_127 = arith.constant 0 : i32
      %dma_start3A_128 = tpu.memref_slice %arg10[%add3A_93, %dma_start3A_127] : memref<10240x128xf32, #tpu.memory_space<vmem_shared>> -> memref<128x128xf32, #tpu.memory_space<vmem_shared>>
      %dma_start3A_129 = arith.constant 0 : i32
      %dma_start3A_130 = tpu.memref_slice %arg10[%add3A_93, %dma_start3A_129] : memref<10240x128xf32, #tpu.memory_space<vmem_shared>> -> memref<128x128xf32, #tpu.memory_space<vmem_shared>>
      tpu.enqueue_dma source(%dma_start3A_130 : memref<128x128xf32, #tpu.memory_space<vmem_shared>>) target(%arg8 : memref<128x128xf32, #tpu.memory_space<vmem>>) target_semaphore(%run_scoped3A : memref<!tpu.dma_semaphore, #tpu.memory_space<semaphore_mem>>)
      %dma_wait3A_131 = arith.constant 0 : i32
      %dma_wait3A_132 = tpu.memref_slice %arg10[%add3A_93, %dma_wait3A_131] : memref<10240x128xf32, #tpu.memory_space<vmem_shared>> -> memref<128x128xf32, #tpu.memory_space<vmem_shared>>
      %dma_wait3A_133 = arith.constant 0 : i32
      %dma_wait3A_134 = tpu.memref_slice %arg10[%add3A_93, %dma_wait3A_133] : memref<10240x128xf32, #tpu.memory_space<vmem_shared>> -> memref<128x128xf32, #tpu.memory_space<vmem_shared>>
      tpu.wait_dma2 semaphore(%run_scoped3A : memref<!tpu.dma_semaphore, #tpu.memory_space<semaphore_mem>>) src(%dma_wait3A_134 : memref<128x128xf32, #tpu.memory_space<vmem_shared>>) dst(%arg8 : memref<128x128xf32, #tpu.memory_space<vmem>>)
      tpu.yield
    }) : () -> ()
    %mul3A_94 = arith.constant 10240 : i32
    %mul3A_95 = arith.muli %arg0, %mul3A_94 : i32
    %add3A_96 = arith.addi %mul3A_95, %mul3A_91 : i32
    %add3A_97 = arith.constant 0 : i32
    %add3A_98 = arith.addi %add3A_96, %add3A_97 : i32
    "tpu.region"() ({
      %run_scoped3A = tpu.sem_alloc : memref<!tpu.dma_semaphore, #tpu.memory_space<semaphore_mem>>
      %dma_start3A_127 = arith.constant 0 : i32
      %dma_start3A_128 = tpu.memref_slice %arg5[%add3A_98, %dma_start3A_127] : memref<20480x128xf32, #tpu.memory_space<hbm>> -> memref<128x128xf32, #tpu.memory_space<hbm>>
      %dma_start3A_129 = arith.constant 0 : i32
      %dma_start3A_130 = tpu.memref_slice %arg5[%add3A_98, %dma_start3A_129] : memref<20480x128xf32, #tpu.memory_space<hbm>> -> memref<128x128xf32, #tpu.memory_space<hbm>>
      tpu.enqueue_dma source(%arg8 : memref<128x128xf32, #tpu.memory_space<vmem>>) target(%dma_start3A_130 : memref<128x128xf32, #tpu.memory_space<hbm>>) target_semaphore(%run_scoped3A : memref<!tpu.dma_semaphore, #tpu.memory_space<semaphore_mem>>)
      %dma_wait3A_131 = arith.constant 0 : i32
      %dma_wait3A_132 = tpu.memref_slice %arg5[%add3A_98, %dma_wait3A_131] : memref<20480x128xf32, #tpu.memory_space<hbm>> -> memref<128x128xf32, #tpu.memory_space<hbm>>
      %dma_wait3A_133 = arith.constant 0 : i32
      %dma_wait3A_134 = tpu.memref_slice %arg5[%add3A_98, %dma_wait3A_133] : memref<20480x128xf32, #tpu.memory_space<hbm>> -> memref<128x128xf32, #tpu.memory_space<hbm>>
      tpu.wait_dma2 semaphore(%run_scoped3A : memref<!tpu.dma_semaphore, #tpu.memory_space<semaphore_mem>>) src(%arg8 : memref<128x128xf32, #tpu.memory_space<vmem>>) dst(%dma_wait3A_134 : memref<128x128xf32, #tpu.memory_space<hbm>>)
      tpu.yield
    }) : () -> ()
    %add3A_99 = arith.constant 128 : i32
    %add3A_100 = arith.addi %mul3A_91, %add3A_99 : i32
    "tpu.region"() ({
      %run_scoped3A = tpu.sem_alloc : memref<!tpu.dma_semaphore, #tpu.memory_space<semaphore_mem>>
      %dma_start3A_127 = arith.constant 0 : i32
      %dma_start3A_128 = tpu.memref_slice %arg10[%add3A_100, %dma_start3A_127] : memref<10240x128xf32, #tpu.memory_space<vmem_shared>> -> memref<128x128xf32, #tpu.memory_space<vmem_shared>>
      %dma_start3A_129 = arith.constant 0 : i32
      %dma_start3A_130 = tpu.memref_slice %arg10[%add3A_100, %dma_start3A_129] : memref<10240x128xf32, #tpu.memory_space<vmem_shared>> -> memref<128x128xf32, #tpu.memory_space<vmem_shared>>
      tpu.enqueue_dma source(%dma_start3A_130 : memref<128x128xf32, #tpu.memory_space<vmem_shared>>) target(%arg8 : memref<128x128xf32, #tpu.memory_space<vmem>>) target_semaphore(%run_scoped3A : memref<!tpu.dma_semaphore, #tpu.memory_space<semaphore_mem>>)
      %dma_wait3A_131 = arith.constant 0 : i32
      %dma_wait3A_132 = tpu.memref_slice %arg10[%add3A_100, %dma_wait3A_131] : memref<10240x128xf32, #tpu.memory_space<vmem_shared>> -> memref<128x128xf32, #tpu.memory_space<vmem_shared>>
      %dma_wait3A_133 = arith.constant 0 : i32
      %dma_wait3A_134 = tpu.memref_slice %arg10[%add3A_100, %dma_wait3A_133] : memref<10240x128xf32, #tpu.memory_space<vmem_shared>> -> memref<128x128xf32, #tpu.memory_space<vmem_shared>>
      tpu.wait_dma2 semaphore(%run_scoped3A : memref<!tpu.dma_semaphore, #tpu.memory_space<semaphore_mem>>) src(%dma_wait3A_134 : memref<128x128xf32, #tpu.memory_space<vmem_shared>>) dst(%arg8 : memref<128x128xf32, #tpu.memory_space<vmem>>)
      tpu.yield
    }) : () -> ()
    %mul3A_101 = arith.constant 10240 : i32
    %mul3A_102 = arith.muli %arg0, %mul3A_101 : i32
    %add3A_103 = arith.addi %mul3A_102, %mul3A_91 : i32
    %add3A_104 = arith.constant 128 : i32
    %add3A_105 = arith.addi %add3A_103, %add3A_104 : i32
    "tpu.region"() ({
      %run_scoped3A = tpu.sem_alloc : memref<!tpu.dma_semaphore, #tpu.memory_space<semaphore_mem>>
      %dma_start3A_127 = arith.constant 0 : i32
      %dma_start3A_128 = tpu.memref_slice %arg5[%add3A_105, %dma_start3A_127] : memref<20480x128xf32, #tpu.memory_space<hbm>> -> memref<128x128xf32, #tpu.memory_space<hbm>>
      %dma_start3A_129 = arith.constant 0 : i32
      %dma_start3A_130 = tpu.memref_slice %arg5[%add3A_105, %dma_start3A_129] : memref<20480x128xf32, #tpu.memory_space<hbm>> -> memref<128x128xf32, #tpu.memory_space<hbm>>
      tpu.enqueue_dma source(%arg8 : memref<128x128xf32, #tpu.memory_space<vmem>>) target(%dma_start3A_130 : memref<128x128xf32, #tpu.memory_space<hbm>>) target_semaphore(%run_scoped3A : memref<!tpu.dma_semaphore, #tpu.memory_space<semaphore_mem>>)
      %dma_wait3A_131 = arith.constant 0 : i32
      %dma_wait3A_132 = tpu.memref_slice %arg5[%add3A_105, %dma_wait3A_131] : memref<20480x128xf32, #tpu.memory_space<hbm>> -> memref<128x128xf32, #tpu.memory_space<hbm>>
      %dma_wait3A_133 = arith.constant 0 : i32
      %dma_wait3A_134 = tpu.memref_slice %arg5[%add3A_105, %dma_wait3A_133] : memref<20480x128xf32, #tpu.memory_space<hbm>> -> memref<128x128xf32, #tpu.memory_space<hbm>>
      tpu.wait_dma2 semaphore(%run_scoped3A : memref<!tpu.dma_semaphore, #tpu.memory_space<semaphore_mem>>) src(%arg8 : memref<128x128xf32, #tpu.memory_space<vmem>>) dst(%dma_wait3A_134 : memref<128x128xf32, #tpu.memory_space<hbm>>)
      tpu.yield
    }) : () -> ()
    %add3A_106 = arith.constant 256 : i32
    %add3A_107 = arith.addi %mul3A_91, %add3A_106 : i32
    "tpu.region"() ({
      %run_scoped3A = tpu.sem_alloc : memref<!tpu.dma_semaphore, #tpu.memory_space<semaphore_mem>>
      %dma_start3A_127 = arith.constant 0 : i32
      %dma_start3A_128 = tpu.memref_slice %arg10[%add3A_107, %dma_start3A_127] : memref<10240x128xf32, #tpu.memory_space<vmem_shared>> -> memref<128x128xf32, #tpu.memory_space<vmem_shared>>
      %dma_start3A_129 = arith.constant 0 : i32
      %dma_start3A_130 = tpu.memref_slice %arg10[%add3A_107, %dma_start3A_129] : memref<10240x128xf32, #tpu.memory_space<vmem_shared>> -> memref<128x128xf32, #tpu.memory_space<vmem_shared>>
      tpu.enqueue_dma source(%dma_start3A_130 : memref<128x128xf32, #tpu.memory_space<vmem_shared>>) target(%arg8 : memref<128x128xf32, #tpu.memory_space<vmem>>) target_semaphore(%run_scoped3A : memref<!tpu.dma_semaphore, #tpu.memory_space<semaphore_mem>>)
      %dma_wait3A_131 = arith.constant 0 : i32
      %dma_wait3A_132 = tpu.memref_slice %arg10[%add3A_107, %dma_wait3A_131] : memref<10240x128xf32, #tpu.memory_space<vmem_shared>> -> memref<128x128xf32, #tpu.memory_space<vmem_shared>>
      %dma_wait3A_133 = arith.constant 0 : i32
      %dma_wait3A_134 = tpu.memref_slice %arg10[%add3A_107, %dma_wait3A_133] : memref<10240x128xf32, #tpu.memory_space<vmem_shared>> -> memref<128x128xf32, #tpu.memory_space<vmem_shared>>
      tpu.wait_dma2 semaphore(%run_scoped3A : memref<!tpu.dma_semaphore, #tpu.memory_space<semaphore_mem>>) src(%dma_wait3A_134 : memref<128x128xf32, #tpu.memory_space<vmem_shared>>) dst(%arg8 : memref<128x128xf32, #tpu.memory_space<vmem>>)
      tpu.yield
    }) : () -> ()
    %mul3A_108 = arith.constant 10240 : i32
    %mul3A_109 = arith.muli %arg0, %mul3A_108 : i32
    %add3A_110 = arith.addi %mul3A_109, %mul3A_91 : i32
    %add3A_111 = arith.constant 256 : i32
    %add3A_112 = arith.addi %add3A_110, %add3A_111 : i32
    "tpu.region"() ({
      %run_scoped3A = tpu.sem_alloc : memref<!tpu.dma_semaphore, #tpu.memory_space<semaphore_mem>>
      %dma_start3A_127 = arith.constant 0 : i32
      %dma_start3A_128 = tpu.memref_slice %arg5[%add3A_112, %dma_start3A_127] : memref<20480x128xf32, #tpu.memory_space<hbm>> -> memref<128x128xf32, #tpu.memory_space<hbm>>
      %dma_start3A_129 = arith.constant 0 : i32
      %dma_start3A_130 = tpu.memref_slice %arg5[%add3A_112, %dma_start3A_129] : memref<20480x128xf32, #tpu.memory_space<hbm>> -> memref<128x128xf32, #tpu.memory_space<hbm>>
      tpu.enqueue_dma source(%arg8 : memref<128x128xf32, #tpu.memory_space<vmem>>) target(%dma_start3A_130 : memref<128x128xf32, #tpu.memory_space<hbm>>) target_semaphore(%run_scoped3A : memref<!tpu.dma_semaphore, #tpu.memory_space<semaphore_mem>>)
      %dma_wait3A_131 = arith.constant 0 : i32
      %dma_wait3A_132 = tpu.memref_slice %arg5[%add3A_112, %dma_wait3A_131] : memref<20480x128xf32, #tpu.memory_space<hbm>> -> memref<128x128xf32, #tpu.memory_space<hbm>>
      %dma_wait3A_133 = arith.constant 0 : i32
      %dma_wait3A_134 = tpu.memref_slice %arg5[%add3A_112, %dma_wait3A_133] : memref<20480x128xf32, #tpu.memory_space<hbm>> -> memref<128x128xf32, #tpu.memory_space<hbm>>
      tpu.wait_dma2 semaphore(%run_scoped3A : memref<!tpu.dma_semaphore, #tpu.memory_space<semaphore_mem>>) src(%arg8 : memref<128x128xf32, #tpu.memory_space<vmem>>) dst(%dma_wait3A_134 : memref<128x128xf32, #tpu.memory_space<hbm>>)
      tpu.yield
    }) : () -> ()
    %add3A_113 = arith.constant 384 : i32
    %add3A_114 = arith.addi %mul3A_91, %add3A_113 : i32
    "tpu.region"() ({
      %run_scoped3A = tpu.sem_alloc : memref<!tpu.dma_semaphore, #tpu.memory_space<semaphore_mem>>
      %dma_start3A_127 = arith.constant 0 : i32
      %dma_start3A_128 = tpu.memref_slice %arg10[%add3A_114, %dma_start3A_127] : memref<10240x128xf32, #tpu.memory_space<vmem_shared>> -> memref<128x128xf32, #tpu.memory_space<vmem_shared>>
      %dma_start3A_129 = arith.constant 0 : i32
      %dma_start3A_130 = tpu.memref_slice %arg10[%add3A_114, %dma_start3A_129] : memref<10240x128xf32, #tpu.memory_space<vmem_shared>> -> memref<128x128xf32, #tpu.memory_space<vmem_shared>>
      tpu.enqueue_dma source(%dma_start3A_130 : memref<128x128xf32, #tpu.memory_space<vmem_shared>>) target(%arg8 : memref<128x128xf32, #tpu.memory_space<vmem>>) target_semaphore(%run_scoped3A : memref<!tpu.dma_semaphore, #tpu.memory_space<semaphore_mem>>)
      %dma_wait3A_131 = arith.constant 0 : i32
      %dma_wait3A_132 = tpu.memref_slice %arg10[%add3A_114, %dma_wait3A_131] : memref<10240x128xf32, #tpu.memory_space<vmem_shared>> -> memref<128x128xf32, #tpu.memory_space<vmem_shared>>
      %dma_wait3A_133 = arith.constant 0 : i32
      %dma_wait3A_134 = tpu.memref_slice %arg10[%add3A_114, %dma_wait3A_133] : memref<10240x128xf32, #tpu.memory_space<vmem_shared>> -> memref<128x128xf32, #tpu.memory_space<vmem_shared>>
      tpu.wait_dma2 semaphore(%run_scoped3A : memref<!tpu.dma_semaphore, #tpu.memory_space<semaphore_mem>>) src(%dma_wait3A_134 : memref<128x128xf32, #tpu.memory_space<vmem_shared>>) dst(%arg8 : memref<128x128xf32, #tpu.memory_space<vmem>>)
      tpu.yield
    }) : () -> ()
    %mul3A_115 = arith.constant 10240 : i32
    %mul3A_116 = arith.muli %arg0, %mul3A_115 : i32
    %add3A_117 = arith.addi %mul3A_116, %mul3A_91 : i32
    %add3A_118 = arith.constant 384 : i32
    %add3A_119 = arith.addi %add3A_117, %add3A_118 : i32
    "tpu.region"() ({
      %run_scoped3A = tpu.sem_alloc : memref<!tpu.dma_semaphore, #tpu.memory_space<semaphore_mem>>
      %dma_start3A_127 = arith.constant 0 : i32
      %dma_start3A_128 = tpu.memref_slice %arg5[%add3A_119, %dma_start3A_127] : memref<20480x128xf32, #tpu.memory_space<hbm>> -> memref<128x128xf32, #tpu.memory_space<hbm>>
      %dma_start3A_129 = arith.constant 0 : i32
      %dma_start3A_130 = tpu.memref_slice %arg5[%add3A_119, %dma_start3A_129] : memref<20480x128xf32, #tpu.memory_space<hbm>> -> memref<128x128xf32, #tpu.memory_space<hbm>>
      tpu.enqueue_dma source(%arg8 : memref<128x128xf32, #tpu.memory_space<vmem>>) target(%dma_start3A_130 : memref<128x128xf32, #tpu.memory_space<hbm>>) target_semaphore(%run_scoped3A : memref<!tpu.dma_semaphore, #tpu.memory_space<semaphore_mem>>)
      %dma_wait3A_131 = arith.constant 0 : i32
      %dma_wait3A_132 = tpu.memref_slice %arg5[%add3A_119, %dma_wait3A_131] : memref<20480x128xf32, #tpu.memory_space<hbm>> -> memref<128x128xf32, #tpu.memory_space<hbm>>
      %dma_wait3A_133 = arith.constant 0 : i32
      %dma_wait3A_134 = tpu.memref_slice %arg5[%add3A_119, %dma_wait3A_133] : memref<20480x128xf32, #tpu.memory_space<hbm>> -> memref<128x128xf32, #tpu.memory_space<hbm>>
      tpu.wait_dma2 semaphore(%run_scoped3A : memref<!tpu.dma_semaphore, #tpu.memory_space<semaphore_mem>>) src(%arg8 : memref<128x128xf32, #tpu.memory_space<vmem>>) dst(%dma_wait3A_134 : memref<128x128xf32, #tpu.memory_space<hbm>>)
      tpu.yield
    }) : () -> ()
    %add3A_120 = arith.constant 512 : i32
    %add3A_121 = arith.addi %mul3A_91, %add3A_120 : i32
    "tpu.region"() ({
      %run_scoped3A = tpu.sem_alloc : memref<!tpu.dma_semaphore, #tpu.memory_space<semaphore_mem>>
      %dma_start3A_127 = arith.constant 0 : i32
      %dma_start3A_128 = tpu.memref_slice %arg10[%add3A_121, %dma_start3A_127] : memref<10240x128xf32, #tpu.memory_space<vmem_shared>> -> memref<128x128xf32, #tpu.memory_space<vmem_shared>>
      %dma_start3A_129 = arith.constant 0 : i32
      %dma_start3A_130 = tpu.memref_slice %arg10[%add3A_121, %dma_start3A_129] : memref<10240x128xf32, #tpu.memory_space<vmem_shared>> -> memref<128x128xf32, #tpu.memory_space<vmem_shared>>
      tpu.enqueue_dma source(%dma_start3A_130 : memref<128x128xf32, #tpu.memory_space<vmem_shared>>) target(%arg8 : memref<128x128xf32, #tpu.memory_space<vmem>>) target_semaphore(%run_scoped3A : memref<!tpu.dma_semaphore, #tpu.memory_space<semaphore_mem>>)
      %dma_wait3A_131 = arith.constant 0 : i32
      %dma_wait3A_132 = tpu.memref_slice %arg10[%add3A_121, %dma_wait3A_131] : memref<10240x128xf32, #tpu.memory_space<vmem_shared>> -> memref<128x128xf32, #tpu.memory_space<vmem_shared>>
      %dma_wait3A_133 = arith.constant 0 : i32
      %dma_wait3A_134 = tpu.memref_slice %arg10[%add3A_121, %dma_wait3A_133] : memref<10240x128xf32, #tpu.memory_space<vmem_shared>> -> memref<128x128xf32, #tpu.memory_space<vmem_shared>>
      tpu.wait_dma2 semaphore(%run_scoped3A : memref<!tpu.dma_semaphore, #tpu.memory_space<semaphore_mem>>) src(%dma_wait3A_134 : memref<128x128xf32, #tpu.memory_space<vmem_shared>>) dst(%arg8 : memref<128x128xf32, #tpu.memory_space<vmem>>)
      tpu.yield
    }) : () -> ()
    %mul3A_122 = arith.constant 10240 : i32
    %mul3A_123 = arith.muli %arg0, %mul3A_122 : i32
    %add3A_124 = arith.addi %mul3A_123, %mul3A_91 : i32
    %add3A_125 = arith.constant 512 : i32
    %add3A_126 = arith.addi %add3A_124, %add3A_125 : i32
    "tpu.region"() ({
      %run_scoped3A = tpu.sem_alloc : memref<!tpu.dma_semaphore, #tpu.memory_space<semaphore_mem>>
      %dma_start3A_127 = arith.constant 0 : i32
      %dma_start3A_128 = tpu.memref_slice %arg5[%add3A_126, %dma_start3A_127] : memref<20480x128xf32, #tpu.memory_space<hbm>> -> memref<128x128xf32, #tpu.memory_space<hbm>>
      %dma_start3A_129 = arith.constant 0 : i32
      %dma_start3A_130 = tpu.memref_slice %arg5[%add3A_126, %dma_start3A_129] : memref<20480x128xf32, #tpu.memory_space<hbm>> -> memref<128x128xf32, #tpu.memory_space<hbm>>
      tpu.enqueue_dma source(%arg8 : memref<128x128xf32, #tpu.memory_space<vmem>>) target(%dma_start3A_130 : memref<128x128xf32, #tpu.memory_space<hbm>>) target_semaphore(%run_scoped3A : memref<!tpu.dma_semaphore, #tpu.memory_space<semaphore_mem>>)
      %dma_wait3A_131 = arith.constant 0 : i32
      %dma_wait3A_132 = tpu.memref_slice %arg5[%add3A_126, %dma_wait3A_131] : memref<20480x128xf32, #tpu.memory_space<hbm>> -> memref<128x128xf32, #tpu.memory_space<hbm>>
      %dma_wait3A_133 = arith.constant 0 : i32
      %dma_wait3A_134 = tpu.memref_slice %arg5[%add3A_126, %dma_wait3A_133] : memref<20480x128xf32, #tpu.memory_space<hbm>> -> memref<128x128xf32, #tpu.memory_space<hbm>>
      tpu.wait_dma2 semaphore(%run_scoped3A : memref<!tpu.dma_semaphore, #tpu.memory_space<semaphore_mem>>) src(%arg8 : memref<128x128xf32, #tpu.memory_space<vmem>>) dst(%dma_wait3A_134 : memref<128x128xf32, #tpu.memory_space<hbm>>)
      tpu.yield
    }) : () -> ()
    return
  }
}

#map = affine_map<(d0, d1) -> (0, 0)>
#map1 = affine_map<(d0, d1) -> (0, 0, 0)>
module attributes {stable_mosaic.version = 14 : i64} {
  func.func @edge_kernel(%arg0: i32, %arg1: i32, %arg2: memref<10240x128xf32, #tpu.memory_space<hbm>>, %arg3: memref<2528x2x128xi32, #tpu.memory_space<hbm>>, %arg4: memref<128x128xf32, #tpu.memory_space<hbm>>, %arg5: memref<20480x128xf32, #tpu.memory_space<hbm>>, %arg6: memref<2x128xi32, #tpu.memory_space<vmem>>, %arg7: memref<2x128xi32, #tpu.memory_space<vmem>>, %arg8: memref<128x128xf32, #tpu.memory_space<vmem>>, %arg9: memref<128x128xf32, #tpu.memory_space<vmem>>, %arg10: memref<10240x128xf32, #tpu.memory_space<vmem_shared>>, %arg11: memref<!tpu.dma_semaphore, #tpu.memory_space<semaphore_mem>>, %arg12: memref<!tpu.dma_semaphore, #tpu.memory_space<semaphore_mem>>, %arg13: memref<!tpu.dma_semaphore, #tpu.memory_space<semaphore_mem>>, %arg14: memref<!tpu.dma_semaphore, #tpu.memory_space<semaphore_mem>>) attributes {dimension_semantics = [#tpu.dimension_semantics<core_parallel>, #tpu.dimension_semantics<subcore_parallel>], iteration_bounds = array<i64: 2, 16>, scalar_prefetch = 0 : i64, scratch_operands = 9 : i64, tpu.core_type = #tpu.core_type<sc_vector_subcore>, window_params = [{transform_indices = #map}, {transform_indices = #map1}, {transform_indices = #map}, {transform_indices = #map}]} {
    "tpu.region"() ({
      %run_scoped3A = tpu.sem_alloc : memref<!tpu.dma_semaphore, #tpu.memory_space<semaphore_mem>>
      tpu.enqueue_dma source(%arg4 : memref<128x128xf32, #tpu.memory_space<hbm>>) target(%arg8 : memref<128x128xf32, #tpu.memory_space<vmem>>) target_semaphore(%run_scoped3A : memref<!tpu.dma_semaphore, #tpu.memory_space<semaphore_mem>>)
      tpu.wait_dma2 semaphore(%run_scoped3A : memref<!tpu.dma_semaphore, #tpu.memory_space<semaphore_mem>>) src(%arg4 : memref<128x128xf32, #tpu.memory_space<hbm>>) dst(%arg8 : memref<128x128xf32, #tpu.memory_space<vmem>>)
      tpu.yield
    }) : () -> ()
    %mul3A = arith.constant 640 : i32
    %mul3A_0 = arith.muli %arg1, %mul3A : i32
    %add3A = arith.constant 0 : i32
    %add3A_1 = arith.addi %mul3A_0, %add3A : i32
    "tpu.region"() ({
      %run_scoped3A = tpu.sem_alloc : memref<!tpu.dma_semaphore, #tpu.memory_space<semaphore_mem>>
      %dma_start3A_127 = arith.constant 0 : i32
      %dma_start3A_128 = tpu.memref_slice %arg10[%add3A_1, %dma_start3A_127] : memref<10240x128xf32, #tpu.memory_space<vmem_shared>> -> memref<128x128xf32, #tpu.memory_space<vmem_shared>>
      %dma_start3A_129 = arith.constant 0 : i32
      %dma_start3A_130 = tpu.memref_slice %arg10[%add3A_1, %dma_start3A_129] : memref<10240x128xf32, #tpu.memory_space<vmem_shared>> -> memref<128x128xf32, #tpu.memory_space<vmem_shared>>
      tpu.enqueue_dma source(%arg8 : memref<128x128xf32, #tpu.memory_space<vmem>>) target(%dma_start3A_130 : memref<128x128xf32, #tpu.memory_space<vmem_shared>>) target_semaphore(%run_scoped3A : memref<!tpu.dma_semaphore, #tpu.memory_space<semaphore_mem>>)
      %dma_wait3A_131 = arith.constant 0 : i32
      %dma_wait3A_132 = tpu.memref_slice %arg10[%add3A_1, %dma_wait3A_131] : memref<10240x128xf32, #tpu.memory_space<vmem_shared>> -> memref<128x128xf32, #tpu.memory_space<vmem_shared>>
      %dma_wait3A_133 = arith.constant 0 : i32
      %dma_wait3A_134 = tpu.memref_slice %arg10[%add3A_1, %dma_wait3A_133] : memref<10240x128xf32, #tpu.memory_space<vmem_shared>> -> memref<128x128xf32, #tpu.memory_space<vmem_shared>>
      tpu.wait_dma2 semaphore(%run_scoped3A : memref<!tpu.dma_semaphore, #tpu.memory_space<semaphore_mem>>) src(%arg8 : memref<128x128xf32, #tpu.memory_space<vmem>>) dst(%dma_wait3A_134 : memref<128x128xf32, #tpu.memory_space<vmem_shared>>)
      tpu.yield
    }) : () -> ()
    %mul3A_2 = arith.constant 640 : i32
    %mul3A_3 = arith.muli %arg1, %mul3A_2 : i32
    %add3A_4 = arith.constant 128 : i32
    %add3A_5 = arith.addi %mul3A_3, %add3A_4 : i32
    "tpu.region"() ({
      %run_scoped3A = tpu.sem_alloc : memref<!tpu.dma_semaphore, #tpu.memory_space<semaphore_mem>>
      %dma_start3A_127 = arith.constant 0 : i32
      %dma_start3A_128 = tpu.memref_slice %arg10[%add3A_5, %dma_start3A_127] : memref<10240x128xf32, #tpu.memory_space<vmem_shared>> -> memref<128x128xf32, #tpu.memory_space<vmem_shared>>
      %dma_start3A_129 = arith.constant 0 : i32
      %dma_start3A_130 = tpu.memref_slice %arg10[%add3A_5, %dma_start3A_129] : memref<10240x128xf32, #tpu.memory_space<vmem_shared>> -> memref<128x128xf32, #tpu.memory_space<vmem_shared>>
      tpu.enqueue_dma source(%arg8 : memref<128x128xf32, #tpu.memory_space<vmem>>) target(%dma_start3A_130 : memref<128x128xf32, #tpu.memory_space<vmem_shared>>) target_semaphore(%run_scoped3A : memref<!tpu.dma_semaphore, #tpu.memory_space<semaphore_mem>>)
      %dma_wait3A_131 = arith.constant 0 : i32
      %dma_wait3A_132 = tpu.memref_slice %arg10[%add3A_5, %dma_wait3A_131] : memref<10240x128xf32, #tpu.memory_space<vmem_shared>> -> memref<128x128xf32, #tpu.memory_space<vmem_shared>>
      %dma_wait3A_133 = arith.constant 0 : i32
      %dma_wait3A_134 = tpu.memref_slice %arg10[%add3A_5, %dma_wait3A_133] : memref<10240x128xf32, #tpu.memory_space<vmem_shared>> -> memref<128x128xf32, #tpu.memory_space<vmem_shared>>
      tpu.wait_dma2 semaphore(%run_scoped3A : memref<!tpu.dma_semaphore, #tpu.memory_space<semaphore_mem>>) src(%arg8 : memref<128x128xf32, #tpu.memory_space<vmem>>) dst(%dma_wait3A_134 : memref<128x128xf32, #tpu.memory_space<vmem_shared>>)
      tpu.yield
    }) : () -> ()
    %mul3A_6 = arith.constant 640 : i32
    %mul3A_7 = arith.muli %arg1, %mul3A_6 : i32
    %add3A_8 = arith.constant 256 : i32
    %add3A_9 = arith.addi %mul3A_7, %add3A_8 : i32
    "tpu.region"() ({
      %run_scoped3A = tpu.sem_alloc : memref<!tpu.dma_semaphore, #tpu.memory_space<semaphore_mem>>
      %dma_start3A_127 = arith.constant 0 : i32
      %dma_start3A_128 = tpu.memref_slice %arg10[%add3A_9, %dma_start3A_127] : memref<10240x128xf32, #tpu.memory_space<vmem_shared>> -> memref<128x128xf32, #tpu.memory_space<vmem_shared>>
      %dma_start3A_129 = arith.constant 0 : i32
      %dma_start3A_130 = tpu.memref_slice %arg10[%add3A_9, %dma_start3A_129] : memref<10240x128xf32, #tpu.memory_space<vmem_shared>> -> memref<128x128xf32, #tpu.memory_space<vmem_shared>>
      tpu.enqueue_dma source(%arg8 : memref<128x128xf32, #tpu.memory_space<vmem>>) target(%dma_start3A_130 : memref<128x128xf32, #tpu.memory_space<vmem_shared>>) target_semaphore(%run_scoped3A : memref<!tpu.dma_semaphore, #tpu.memory_space<semaphore_mem>>)
      %dma_wait3A_131 = arith.constant 0 : i32
      %dma_wait3A_132 = tpu.memref_slice %arg10[%add3A_9, %dma_wait3A_131] : memref<10240x128xf32, #tpu.memory_space<vmem_shared>> -> memref<128x128xf32, #tpu.memory_space<vmem_shared>>
      %dma_wait3A_133 = arith.constant 0 : i32
      %dma_wait3A_134 = tpu.memref_slice %arg10[%add3A_9, %dma_wait3A_133] : memref<10240x128xf32, #tpu.memory_space<vmem_shared>> -> memref<128x128xf32, #tpu.memory_space<vmem_shared>>
      tpu.wait_dma2 semaphore(%run_scoped3A : memref<!tpu.dma_semaphore, #tpu.memory_space<semaphore_mem>>) src(%arg8 : memref<128x128xf32, #tpu.memory_space<vmem>>) dst(%dma_wait3A_134 : memref<128x128xf32, #tpu.memory_space<vmem_shared>>)
      tpu.yield
    }) : () -> ()
    %mul3A_10 = arith.constant 640 : i32
    %mul3A_11 = arith.muli %arg1, %mul3A_10 : i32
    %add3A_12 = arith.constant 384 : i32
    %add3A_13 = arith.addi %mul3A_11, %add3A_12 : i32
    "tpu.region"() ({
      %run_scoped3A = tpu.sem_alloc : memref<!tpu.dma_semaphore, #tpu.memory_space<semaphore_mem>>
      %dma_start3A_127 = arith.constant 0 : i32
      %dma_start3A_128 = tpu.memref_slice %arg10[%add3A_13, %dma_start3A_127] : memref<10240x128xf32, #tpu.memory_space<vmem_shared>> -> memref<128x128xf32, #tpu.memory_space<vmem_shared>>
      %dma_start3A_129 = arith.constant 0 : i32
      %dma_start3A_130 = tpu.memref_slice %arg10[%add3A_13, %dma_start3A_129] : memref<10240x128xf32, #tpu.memory_space<vmem_shared>> -> memref<128x128xf32, #tpu.memory_space<vmem_shared>>
      tpu.enqueue_dma source(%arg8 : memref<128x128xf32, #tpu.memory_space<vmem>>) target(%dma_start3A_130 : memref<128x128xf32, #tpu.memory_space<vmem_shared>>) target_semaphore(%run_scoped3A : memref<!tpu.dma_semaphore, #tpu.memory_space<semaphore_mem>>)
      %dma_wait3A_131 = arith.constant 0 : i32
      %dma_wait3A_132 = tpu.memref_slice %arg10[%add3A_13, %dma_wait3A_131] : memref<10240x128xf32, #tpu.memory_space<vmem_shared>> -> memref<128x128xf32, #tpu.memory_space<vmem_shared>>
      %dma_wait3A_133 = arith.constant 0 : i32
      %dma_wait3A_134 = tpu.memref_slice %arg10[%add3A_13, %dma_wait3A_133] : memref<10240x128xf32, #tpu.memory_space<vmem_shared>> -> memref<128x128xf32, #tpu.memory_space<vmem_shared>>
      tpu.wait_dma2 semaphore(%run_scoped3A : memref<!tpu.dma_semaphore, #tpu.memory_space<semaphore_mem>>) src(%arg8 : memref<128x128xf32, #tpu.memory_space<vmem>>) dst(%dma_wait3A_134 : memref<128x128xf32, #tpu.memory_space<vmem_shared>>)
      tpu.yield
    }) : () -> ()
    %mul3A_14 = arith.constant 640 : i32
    %mul3A_15 = arith.muli %arg1, %mul3A_14 : i32
    %add3A_16 = arith.constant 512 : i32
    %add3A_17 = arith.addi %mul3A_15, %add3A_16 : i32
    "tpu.region"() ({
      %run_scoped3A = tpu.sem_alloc : memref<!tpu.dma_semaphore, #tpu.memory_space<semaphore_mem>>
      %dma_start3A_127 = arith.constant 0 : i32
      %dma_start3A_128 = tpu.memref_slice %arg10[%add3A_17, %dma_start3A_127] : memref<10240x128xf32, #tpu.memory_space<vmem_shared>> -> memref<128x128xf32, #tpu.memory_space<vmem_shared>>
      %dma_start3A_129 = arith.constant 0 : i32
      %dma_start3A_130 = tpu.memref_slice %arg10[%add3A_17, %dma_start3A_129] : memref<10240x128xf32, #tpu.memory_space<vmem_shared>> -> memref<128x128xf32, #tpu.memory_space<vmem_shared>>
      tpu.enqueue_dma source(%arg8 : memref<128x128xf32, #tpu.memory_space<vmem>>) target(%dma_start3A_130 : memref<128x128xf32, #tpu.memory_space<vmem_shared>>) target_semaphore(%run_scoped3A : memref<!tpu.dma_semaphore, #tpu.memory_space<semaphore_mem>>)
      %dma_wait3A_131 = arith.constant 0 : i32
      %dma_wait3A_132 = tpu.memref_slice %arg10[%add3A_17, %dma_wait3A_131] : memref<10240x128xf32, #tpu.memory_space<vmem_shared>> -> memref<128x128xf32, #tpu.memory_space<vmem_shared>>
      %dma_wait3A_133 = arith.constant 0 : i32
      %dma_wait3A_134 = tpu.memref_slice %arg10[%add3A_17, %dma_wait3A_133] : memref<10240x128xf32, #tpu.memory_space<vmem_shared>> -> memref<128x128xf32, #tpu.memory_space<vmem_shared>>
      tpu.wait_dma2 semaphore(%run_scoped3A : memref<!tpu.dma_semaphore, #tpu.memory_space<semaphore_mem>>) src(%arg8 : memref<128x128xf32, #tpu.memory_space<vmem>>) dst(%dma_wait3A_134 : memref<128x128xf32, #tpu.memory_space<vmem_shared>>)
      tpu.yield
    }) : () -> ()
    %barrier3A = arith.constant 0 : index
    tpu.barrier barrier_id(%barrier3A)
    %eq3A = arith.constant 0 : i32
    %eq3A_18 = arith.cmpi eq, %arg0, %eq3A : i32
    %jit3A = arith.constant 124 : i32
    %jit3A_19 = arith.constant 34 : i32
    %select_n3A = arith.select %eq3A_18, %jit3A, %jit3A_19 : i32
    %eq3A_20 = arith.constant 0 : i32
    %eq3A_21 = arith.cmpi eq, %arg0, %eq3A_20 : i32
    %mul3A_22 = arith.constant 124 : i32
    %mul3A_23 = arith.muli %arg1, %mul3A_22 : i32
    %mul3A_24 = arith.constant 34 : i32
    %mul3A_25 = arith.muli %arg1, %mul3A_24 : i32
    %add3A_26 = arith.constant 1984 : i32
    %add3A_27 = arith.addi %add3A_26, %mul3A_25 : i32
    %select_n3A_28 = arith.select %eq3A_21, %mul3A_23, %add3A_27 : i32
    %add3A_29 = arith.addi %select_n3A_28, %select_n3A : i32
    %sub3A = arith.constant 1 : i32
    %sub3A_30 = arith.subi %add3A_29, %sub3A : i32
    "tpu.region"() ({
      %run_scoped3A = tpu.sem_alloc : memref<!tpu.dma_semaphore, #tpu.memory_space<semaphore_mem>>
      %dma_start3A_127 = arith.constant 0 : i32
      %dma_start3A_128 = arith.constant 0 : i32
      %dma_start3A_129 = tpu.memref_slice %arg3[%select_n3A_28, %dma_start3A_127, %dma_start3A_128] : memref<2528x2x128xi32, #tpu.memory_space<hbm>> -> memref<1x2x128xi32, #tpu.memory_space<hbm>>
      %dma_start3A_130 = tpu.memref_squeeze %dma_start3A_129 : memref<1x2x128xi32, #tpu.memory_space<hbm>> -> memref<2x128xi32, #tpu.memory_space<hbm>>
      %dma_start3A_131 = arith.constant 0 : i32
      %dma_start3A_132 = arith.constant 0 : i32
      %dma_start3A_133 = tpu.memref_slice %arg3[%select_n3A_28, %dma_start3A_131, %dma_start3A_132] : memref<2528x2x128xi32, #tpu.memory_space<hbm>> -> memref<1x2x128xi32, #tpu.memory_space<hbm>>
      %dma_start3A_134 = tpu.memref_squeeze %dma_start3A_133 : memref<1x2x128xi32, #tpu.memory_space<hbm>> -> memref<2x128xi32, #tpu.memory_space<hbm>>
      tpu.enqueue_dma source(%dma_start3A_134 : memref<2x128xi32, #tpu.memory_space<hbm>>) target(%arg6 : memref<2x128xi32, #tpu.memory_space<vmem>>) target_semaphore(%run_scoped3A : memref<!tpu.dma_semaphore, #tpu.memory_space<semaphore_mem>>)
      %dma_wait3A_135 = arith.constant 0 : i32
      %dma_wait3A_136 = arith.constant 0 : i32
      %dma_wait3A_137 = tpu.memref_slice %arg3[%select_n3A_28, %dma_wait3A_135, %dma_wait3A_136] : memref<2528x2x128xi32, #tpu.memory_space<hbm>> -> memref<1x2x128xi32, #tpu.memory_space<hbm>>
      %dma_wait3A_138 = tpu.memref_squeeze %dma_wait3A_137 : memref<1x2x128xi32, #tpu.memory_space<hbm>> -> memref<2x128xi32, #tpu.memory_space<hbm>>
      %dma_wait3A_139 = arith.constant 0 : i32
      %dma_wait3A_140 = arith.constant 0 : i32
      %dma_wait3A_141 = tpu.memref_slice %arg3[%select_n3A_28, %dma_wait3A_139, %dma_wait3A_140] : memref<2528x2x128xi32, #tpu.memory_space<hbm>> -> memref<1x2x128xi32, #tpu.memory_space<hbm>>
      %dma_wait3A_142 = tpu.memref_squeeze %dma_wait3A_141 : memref<1x2x128xi32, #tpu.memory_space<hbm>> -> memref<2x128xi32, #tpu.memory_space<hbm>>
      tpu.wait_dma2 semaphore(%run_scoped3A : memref<!tpu.dma_semaphore, #tpu.memory_space<semaphore_mem>>) src(%dma_wait3A_142 : memref<2x128xi32, #tpu.memory_space<hbm>>) dst(%arg6 : memref<2x128xi32, #tpu.memory_space<vmem>>)
      tpu.yield
    }) : () -> ()
    %dma_start3A = arith.constant 0 : i32
    %dma_start3A_31 = arith.constant 0 : i32
    %dma_start3A_32 = tpu.memref_slice %arg6[%dma_start3A, %dma_start3A_31] : memref<2x128xi32, #tpu.memory_space<vmem>> -> memref<1x128xi32, #tpu.memory_space<vmem>>
    %dma_start3A_33 = tpu.memref_squeeze %dma_start3A_32 : memref<1x128xi32, #tpu.memory_space<vmem>> -> memref<128xi32, #tpu.memory_space<vmem>>
    %dma_start3A_34 = arith.constant 0 : i32
    %dma_start3A_35 = arith.constant 0 : i32
    %dma_start3A_36 = tpu.memref_slice %arg2[%dma_start3A_34, %dma_start3A_35] : memref<10240x128xf32, #tpu.memory_space<hbm>> -> memref<10240x128xf32, #tpu.memory_space<hbm>>
    tpu.enqueue_indirect_dma source(%dma_start3A_36 : memref<10240x128xf32, #tpu.memory_space<hbm>>) target(%arg8 : memref<128x128xf32, #tpu.memory_space<vmem>>) offsets(%dma_start3A_33 : memref<128xi32, #tpu.memory_space<vmem>>) semaphore(%arg13 : memref<!tpu.dma_semaphore, #tpu.memory_space<semaphore_mem>>)
    %add3A_37 = arith.constant 1 : i32
    %add3A_38 = arith.addi %select_n3A_28, %add3A_37 : i32
    %dma_start3A_39 = arith.constant 0 : i32
    %dma_start3A_40 = arith.constant 0 : i32
    %dma_start3A_41 = tpu.memref_slice %arg3[%add3A_38, %dma_start3A_39, %dma_start3A_40] : memref<2528x2x128xi32, #tpu.memory_space<hbm>> -> memref<1x2x128xi32, #tpu.memory_space<hbm>>
    %dma_start3A_42 = tpu.memref_squeeze %dma_start3A_41 : memref<1x2x128xi32, #tpu.memory_space<hbm>> -> memref<2x128xi32, #tpu.memory_space<hbm>>
    %dma_start3A_43 = arith.constant 0 : i32
    %dma_start3A_44 = arith.constant 0 : i32
    %dma_start3A_45 = tpu.memref_slice %arg3[%add3A_38, %dma_start3A_43, %dma_start3A_44] : memref<2528x2x128xi32, #tpu.memory_space<hbm>> -> memref<1x2x128xi32, #tpu.memory_space<hbm>>
    %dma_start3A_46 = tpu.memref_squeeze %dma_start3A_45 : memref<1x2x128xi32, #tpu.memory_space<hbm>> -> memref<2x128xi32, #tpu.memory_space<hbm>>
    tpu.enqueue_dma source(%dma_start3A_46 : memref<2x128xi32, #tpu.memory_space<hbm>>) target(%arg7 : memref<2x128xi32, #tpu.memory_space<vmem>>) target_semaphore(%arg12 : memref<!tpu.dma_semaphore, #tpu.memory_space<semaphore_mem>>)
    %jit3A_47 = arith.constant 2 : i32
    %div3A = arith.divsi %select_n3A, %jit3A_47 : i32
    %sign3A = arith.constant 0 : i32
    %sign3A_48 = arith.cmpi sgt, %select_n3A, %sign3A : i32
    %sign3A_49 = arith.extui %sign3A_48 : i1 to i32
    %sign3A_50 = arith.constant 0 : i32
    %sign3A_51 = arith.cmpi slt, %select_n3A, %sign3A_50 : i32
    %sign3A_52 = arith.extui %sign3A_51 : i1 to i32
    %sign3A_53 = arith.subi %sign3A_49, %sign3A_52 : i32
    %sign3A_54 = arith.constant 0 : i32
    %sign3A_55 = arith.cmpi sgt, %jit3A_47, %sign3A_54 : i32
    %sign3A_56 = arith.extui %sign3A_55 : i1 to i32
    %sign3A_57 = arith.constant 0 : i32
    %sign3A_58 = arith.cmpi slt, %jit3A_47, %sign3A_57 : i32
    %sign3A_59 = arith.extui %sign3A_58 : i1 to i32
    %sign3A_60 = arith.subi %sign3A_56, %sign3A_59 : i32
    %ne3A = arith.cmpi ne, %sign3A_53, %sign3A_60 : i32
    %rem3A = arith.remsi %select_n3A, %jit3A_47 : i32
    %ne3A_61 = arith.constant 0 : i32
    %ne3A_62 = arith.cmpi ne, %rem3A, %ne3A_61 : i32
    %and3A = arith.andi %ne3A, %ne3A_62 : i1
    %sub3A_63 = arith.constant 1 : i32
    %sub3A_64 = arith.subi %div3A, %sub3A_63 : i32
    %select_n3A_65 = arith.select %and3A, %sub3A_64, %div3A : i32
    %while3A = arith.constant 0 : i32
    %while3A_66 = arith.constant 0 : i32
    %while3A_67 = arith.subi %select_n3A_65, %while3A_66 : i32
    %while3A_68 = arith.addi %while3A_66, %while3A_67 : i32
    %while3A_69 = arith.constant 1 : i32
    %while3A_70 = arith.divsi %while3A_67, %while3A_69 : i32
    %while3A_71 = arith.muli %while3A_70, %while3A_69 : i32
    %while3A_72 = arith.addi %while3A_66, %while3A_71 : i32
    %while3A_73 = arith.constant 1 : i32
    scf.for %while3A_127 = %while3A_66 to %while3A_72 step %while3A_73  : i32 {
      %mul3A_128 = arith.constant 2 : i32
      %mul3A_129 = arith.muli %mul3A_128, %while3A_127 : i32
      %add3A_130 = arith.addi %select_n3A_28, %mul3A_129 : i32
      %add3A_131 = arith.constant 0 : i32
      %add3A_132 = arith.addi %add3A_130, %add3A_131 : i32
      %add3A_133 = arith.constant 1 : i32
      %add3A_134 = arith.addi %add3A_132, %add3A_133 : i32
      %min3A = arith.minsi %add3A_134, %sub3A_30 : i32
      %add3A_135 = arith.constant 0 : i32
      %add3A_136 = arith.addi %add3A_130, %add3A_135 : i32
      %add3A_137 = arith.constant 2 : i32
      %add3A_138 = arith.addi %add3A_136, %add3A_137 : i32
      %min3A_139 = arith.minsi %add3A_138, %sub3A_30 : i32
      %dma_wait3A_140 = arith.constant 0 : i32
      %dma_wait3A_141 = arith.constant 0 : i32
      %dma_wait3A_142 = tpu.memref_slice %arg3[%min3A, %dma_wait3A_140, %dma_wait3A_141] : memref<2528x2x128xi32, #tpu.memory_space<hbm>> -> memref<1x2x128xi32, #tpu.memory_space<hbm>>
      %dma_wait3A_143 = tpu.memref_squeeze %dma_wait3A_142 : memref<1x2x128xi32, #tpu.memory_space<hbm>> -> memref<2x128xi32, #tpu.memory_space<hbm>>
      %dma_wait3A_144 = arith.constant 0 : i32
      %dma_wait3A_145 = arith.constant 0 : i32
      %dma_wait3A_146 = tpu.memref_slice %arg3[%min3A, %dma_wait3A_144, %dma_wait3A_145] : memref<2528x2x128xi32, #tpu.memory_space<hbm>> -> memref<1x2x128xi32, #tpu.memory_space<hbm>>
      %dma_wait3A_147 = tpu.memref_squeeze %dma_wait3A_146 : memref<1x2x128xi32, #tpu.memory_space<hbm>> -> memref<2x128xi32, #tpu.memory_space<hbm>>
      tpu.wait_dma2 semaphore(%arg12 : memref<!tpu.dma_semaphore, #tpu.memory_space<semaphore_mem>>) src(%dma_wait3A_147 : memref<2x128xi32, #tpu.memory_space<hbm>>) dst(%arg7 : memref<2x128xi32, #tpu.memory_space<vmem>>)
      %dma_start3A_148 = arith.constant 0 : i32
      %dma_start3A_149 = arith.constant 0 : i32
      %dma_start3A_150 = tpu.memref_slice %arg7[%dma_start3A_148, %dma_start3A_149] : memref<2x128xi32, #tpu.memory_space<vmem>> -> memref<1x128xi32, #tpu.memory_space<vmem>>
      %dma_start3A_151 = tpu.memref_squeeze %dma_start3A_150 : memref<1x128xi32, #tpu.memory_space<vmem>> -> memref<128xi32, #tpu.memory_space<vmem>>
      %dma_start3A_152 = arith.constant 0 : i32
      %dma_start3A_153 = arith.constant 0 : i32
      %dma_start3A_154 = tpu.memref_slice %arg2[%dma_start3A_152, %dma_start3A_153] : memref<10240x128xf32, #tpu.memory_space<hbm>> -> memref<10240x128xf32, #tpu.memory_space<hbm>>
      tpu.enqueue_indirect_dma source(%dma_start3A_154 : memref<10240x128xf32, #tpu.memory_space<hbm>>) target(%arg9 : memref<128x128xf32, #tpu.memory_space<vmem>>) offsets(%dma_start3A_151 : memref<128xi32, #tpu.memory_space<vmem>>) semaphore(%arg14 : memref<!tpu.dma_semaphore, #tpu.memory_space<semaphore_mem>>)
      %dma_wait3A_155 = arith.constant 0 : i32
      %dma_wait3A_156 = arith.constant 0 : i32
      %dma_wait3A_157 = tpu.memref_slice %arg6[%dma_wait3A_155, %dma_wait3A_156] : memref<2x128xi32, #tpu.memory_space<vmem>> -> memref<1x128xi32, #tpu.memory_space<vmem>>
      %dma_wait3A_158 = tpu.memref_squeeze %dma_wait3A_157 : memref<1x128xi32, #tpu.memory_space<vmem>> -> memref<128xi32, #tpu.memory_space<vmem>>
      %dma_wait3A_159 = arith.constant 0 : i32
      %dma_wait3A_160 = arith.constant 0 : i32
      %dma_wait3A_161 = tpu.memref_slice %arg2[%dma_wait3A_159, %dma_wait3A_160] : memref<10240x128xf32, #tpu.memory_space<hbm>> -> memref<10240x128xf32, #tpu.memory_space<hbm>>
      tpu.wait_indirect_dma semaphore(%arg13 : memref<!tpu.dma_semaphore, #tpu.memory_space<semaphore_mem>>) src(%dma_wait3A_161 : memref<10240x128xf32, #tpu.memory_space<hbm>>) dst(%arg8 : memref<128x128xf32, #tpu.memory_space<vmem>>)
      %run_scoped3A = arith.constant 1 : i32
      "tpu.region"() ({
        %run_scoped3A_211 = tpu.sem_alloc : memref<!tpu.dma_semaphore, #tpu.memory_space<semaphore_mem>>
        %dma_start3A_212 = arith.constant 0 : i32
        %dma_start3A_213 = tpu.memref_slice %arg6[%run_scoped3A, %dma_start3A_212] : memref<2x128xi32, #tpu.memory_space<vmem>> -> memref<1x128xi32, #tpu.memory_space<vmem>>
        %dma_start3A_214 = tpu.memref_squeeze %dma_start3A_213 : memref<1x128xi32, #tpu.memory_space<vmem>> -> memref<128xi32, #tpu.memory_space<vmem>>
        %dma_start3A_215 = arith.constant 0 : i32
        %dma_start3A_216 = arith.constant 0 : i32
        %dma_start3A_217 = tpu.memref_slice %arg10[%dma_start3A_215, %dma_start3A_216] : memref<10240x128xf32, #tpu.memory_space<vmem_shared>> -> memref<10240x128xf32, #tpu.memory_space<vmem_shared>>
        tpu.enqueue_indirect_dma source(%arg8 : memref<128x128xf32, #tpu.memory_space<vmem>>) target(%dma_start3A_217 : memref<10240x128xf32, #tpu.memory_space<vmem_shared>>) offsets(%dma_start3A_214 : memref<128xi32, #tpu.memory_space<vmem>>) semaphore(%run_scoped3A_211 : memref<!tpu.dma_semaphore, #tpu.memory_space<semaphore_mem>>) {add = true}
        %dma_wait3A_218 = arith.constant 0 : i32
        %dma_wait3A_219 = tpu.memref_slice %arg6[%run_scoped3A, %dma_wait3A_218] : memref<2x128xi32, #tpu.memory_space<vmem>> -> memref<1x128xi32, #tpu.memory_space<vmem>>
        %dma_wait3A_220 = tpu.memref_squeeze %dma_wait3A_219 : memref<1x128xi32, #tpu.memory_space<vmem>> -> memref<128xi32, #tpu.memory_space<vmem>>
        %dma_wait3A_221 = arith.constant 0 : i32
        %dma_wait3A_222 = arith.constant 0 : i32
        %dma_wait3A_223 = tpu.memref_slice %arg10[%dma_wait3A_221, %dma_wait3A_222] : memref<10240x128xf32, #tpu.memory_space<vmem_shared>> -> memref<10240x128xf32, #tpu.memory_space<vmem_shared>>
        tpu.wait_indirect_dma semaphore(%run_scoped3A_211 : memref<!tpu.dma_semaphore, #tpu.memory_space<semaphore_mem>>) src(%arg8 : memref<128x128xf32, #tpu.memory_space<vmem>>) dst(%dma_wait3A_223 : memref<10240x128xf32, #tpu.memory_space<vmem_shared>>)
        tpu.yield
      }) : () -> ()
      %dma_start3A_162 = arith.constant 0 : i32
      %dma_start3A_163 = arith.constant 0 : i32
      %dma_start3A_164 = tpu.memref_slice %arg3[%min3A_139, %dma_start3A_162, %dma_start3A_163] : memref<2528x2x128xi32, #tpu.memory_space<hbm>> -> memref<1x2x128xi32, #tpu.memory_space<hbm>>
      %dma_start3A_165 = tpu.memref_squeeze %dma_start3A_164 : memref<1x2x128xi32, #tpu.memory_space<hbm>> -> memref<2x128xi32, #tpu.memory_space<hbm>>
      %dma_start3A_166 = arith.constant 0 : i32
      %dma_start3A_167 = arith.constant 0 : i32
      %dma_start3A_168 = tpu.memref_slice %arg3[%min3A_139, %dma_start3A_166, %dma_start3A_167] : memref<2528x2x128xi32, #tpu.memory_space<hbm>> -> memref<1x2x128xi32, #tpu.memory_space<hbm>>
      %dma_start3A_169 = tpu.memref_squeeze %dma_start3A_168 : memref<1x2x128xi32, #tpu.memory_space<hbm>> -> memref<2x128xi32, #tpu.memory_space<hbm>>
      tpu.enqueue_dma source(%dma_start3A_169 : memref<2x128xi32, #tpu.memory_space<hbm>>) target(%arg6 : memref<2x128xi32, #tpu.memory_space<vmem>>) target_semaphore(%arg11 : memref<!tpu.dma_semaphore, #tpu.memory_space<semaphore_mem>>)
      %add3A_170 = arith.constant 1 : i32
      %add3A_171 = arith.addi %add3A_130, %add3A_170 : i32
      %add3A_172 = arith.constant 1 : i32
      %add3A_173 = arith.addi %add3A_171, %add3A_172 : i32
      %min3A_174 = arith.minsi %add3A_173, %sub3A_30 : i32
      %add3A_175 = arith.constant 1 : i32
      %add3A_176 = arith.addi %add3A_130, %add3A_175 : i32
      %add3A_177 = arith.constant 2 : i32
      %add3A_178 = arith.addi %add3A_176, %add3A_177 : i32
      %min3A_179 = arith.minsi %add3A_178, %sub3A_30 : i32
      %dma_wait3A_180 = arith.constant 0 : i32
      %dma_wait3A_181 = arith.constant 0 : i32
      %dma_wait3A_182 = tpu.memref_slice %arg3[%min3A_174, %dma_wait3A_180, %dma_wait3A_181] : memref<2528x2x128xi32, #tpu.memory_space<hbm>> -> memref<1x2x128xi32, #tpu.memory_space<hbm>>
      %dma_wait3A_183 = tpu.memref_squeeze %dma_wait3A_182 : memref<1x2x128xi32, #tpu.memory_space<hbm>> -> memref<2x128xi32, #tpu.memory_space<hbm>>
      %dma_wait3A_184 = arith.constant 0 : i32
      %dma_wait3A_185 = arith.constant 0 : i32
      %dma_wait3A_186 = tpu.memref_slice %arg3[%min3A_174, %dma_wait3A_184, %dma_wait3A_185] : memref<2528x2x128xi32, #tpu.memory_space<hbm>> -> memref<1x2x128xi32, #tpu.memory_space<hbm>>
      %dma_wait3A_187 = tpu.memref_squeeze %dma_wait3A_186 : memref<1x2x128xi32, #tpu.memory_space<hbm>> -> memref<2x128xi32, #tpu.memory_space<hbm>>
      tpu.wait_dma2 semaphore(%arg11 : memref<!tpu.dma_semaphore, #tpu.memory_space<semaphore_mem>>) src(%dma_wait3A_187 : memref<2x128xi32, #tpu.memory_space<hbm>>) dst(%arg6 : memref<2x128xi32, #tpu.memory_space<vmem>>)
      %dma_start3A_188 = arith.constant 0 : i32
      %dma_start3A_189 = arith.constant 0 : i32
      %dma_start3A_190 = tpu.memref_slice %arg6[%dma_start3A_188, %dma_start3A_189] : memref<2x128xi32, #tpu.memory_space<vmem>> -> memref<1x128xi32, #tpu.memory_space<vmem>>
      %dma_start3A_191 = tpu.memref_squeeze %dma_start3A_190 : memref<1x128xi32, #tpu.memory_space<vmem>> -> memref<128xi32, #tpu.memory_space<vmem>>
      %dma_start3A_192 = arith.constant 0 : i32
      %dma_start3A_193 = arith.constant 0 : i32
      %dma_start3A_194 = tpu.memref_slice %arg2[%dma_start3A_192, %dma_start3A_193] : memref<10240x128xf32, #tpu.memory_space<hbm>> -> memref<10240x128xf32, #tpu.memory_space<hbm>>
      tpu.enqueue_indirect_dma source(%dma_start3A_194 : memref<10240x128xf32, #tpu.memory_space<hbm>>) target(%arg8 : memref<128x128xf32, #tpu.memory_space<vmem>>) offsets(%dma_start3A_191 : memref<128xi32, #tpu.memory_space<vmem>>) semaphore(%arg13 : memref<!tpu.dma_semaphore, #tpu.memory_space<semaphore_mem>>)
      %dma_wait3A_195 = arith.constant 0 : i32
      %dma_wait3A_196 = arith.constant 0 : i32
      %dma_wait3A_197 = tpu.memref_slice %arg7[%dma_wait3A_195, %dma_wait3A_196] : memref<2x128xi32, #tpu.memory_space<vmem>> -> memref<1x128xi32, #tpu.memory_space<vmem>>
      %dma_wait3A_198 = tpu.memref_squeeze %dma_wait3A_197 : memref<1x128xi32, #tpu.memory_space<vmem>> -> memref<128xi32, #tpu.memory_space<vmem>>
      %dma_wait3A_199 = arith.constant 0 : i32
      %dma_wait3A_200 = arith.constant 0 : i32
      %dma_wait3A_201 = tpu.memref_slice %arg2[%dma_wait3A_199, %dma_wait3A_200] : memref<10240x128xf32, #tpu.memory_space<hbm>> -> memref<10240x128xf32, #tpu.memory_space<hbm>>
      tpu.wait_indirect_dma semaphore(%arg14 : memref<!tpu.dma_semaphore, #tpu.memory_space<semaphore_mem>>) src(%dma_wait3A_201 : memref<10240x128xf32, #tpu.memory_space<hbm>>) dst(%arg9 : memref<128x128xf32, #tpu.memory_space<vmem>>)
      %run_scoped3A_202 = arith.constant 1 : i32
      "tpu.region"() ({
        %run_scoped3A_211 = tpu.sem_alloc : memref<!tpu.dma_semaphore, #tpu.memory_space<semaphore_mem>>
        %dma_start3A_212 = arith.constant 0 : i32
        %dma_start3A_213 = tpu.memref_slice %arg7[%run_scoped3A_202, %dma_start3A_212] : memref<2x128xi32, #tpu.memory_space<vmem>> -> memref<1x128xi32, #tpu.memory_space<vmem>>
        %dma_start3A_214 = tpu.memref_squeeze %dma_start3A_213 : memref<1x128xi32, #tpu.memory_space<vmem>> -> memref<128xi32, #tpu.memory_space<vmem>>
        %dma_start3A_215 = arith.constant 0 : i32
        %dma_start3A_216 = arith.constant 0 : i32
        %dma_start3A_217 = tpu.memref_slice %arg10[%dma_start3A_215, %dma_start3A_216] : memref<10240x128xf32, #tpu.memory_space<vmem_shared>> -> memref<10240x128xf32, #tpu.memory_space<vmem_shared>>
        tpu.enqueue_indirect_dma source(%arg9 : memref<128x128xf32, #tpu.memory_space<vmem>>) target(%dma_start3A_217 : memref<10240x128xf32, #tpu.memory_space<vmem_shared>>) offsets(%dma_start3A_214 : memref<128xi32, #tpu.memory_space<vmem>>) semaphore(%run_scoped3A_211 : memref<!tpu.dma_semaphore, #tpu.memory_space<semaphore_mem>>) {add = true}
        %dma_wait3A_218 = arith.constant 0 : i32
        %dma_wait3A_219 = tpu.memref_slice %arg7[%run_scoped3A_202, %dma_wait3A_218] : memref<2x128xi32, #tpu.memory_space<vmem>> -> memref<1x128xi32, #tpu.memory_space<vmem>>
        %dma_wait3A_220 = tpu.memref_squeeze %dma_wait3A_219 : memref<1x128xi32, #tpu.memory_space<vmem>> -> memref<128xi32, #tpu.memory_space<vmem>>
        %dma_wait3A_221 = arith.constant 0 : i32
        %dma_wait3A_222 = arith.constant 0 : i32
        %dma_wait3A_223 = tpu.memref_slice %arg10[%dma_wait3A_221, %dma_wait3A_222] : memref<10240x128xf32, #tpu.memory_space<vmem_shared>> -> memref<10240x128xf32, #tpu.memory_space<vmem_shared>>
        tpu.wait_indirect_dma semaphore(%run_scoped3A_211 : memref<!tpu.dma_semaphore, #tpu.memory_space<semaphore_mem>>) src(%arg9 : memref<128x128xf32, #tpu.memory_space<vmem>>) dst(%dma_wait3A_223 : memref<10240x128xf32, #tpu.memory_space<vmem_shared>>)
        tpu.yield
      }) : () -> ()
      %dma_start3A_203 = arith.constant 0 : i32
      %dma_start3A_204 = arith.constant 0 : i32
      %dma_start3A_205 = tpu.memref_slice %arg3[%min3A_179, %dma_start3A_203, %dma_start3A_204] : memref<2528x2x128xi32, #tpu.memory_space<hbm>> -> memref<1x2x128xi32, #tpu.memory_space<hbm>>
      %dma_start3A_206 = tpu.memref_squeeze %dma_start3A_205 : memref<1x2x128xi32, #tpu.memory_space<hbm>> -> memref<2x128xi32, #tpu.memory_space<hbm>>
      %dma_start3A_207 = arith.constant 0 : i32
      %dma_start3A_208 = arith.constant 0 : i32
      %dma_start3A_209 = tpu.memref_slice %arg3[%min3A_179, %dma_start3A_207, %dma_start3A_208] : memref<2528x2x128xi32, #tpu.memory_space<hbm>> -> memref<1x2x128xi32, #tpu.memory_space<hbm>>
      %dma_start3A_210 = tpu.memref_squeeze %dma_start3A_209 : memref<1x2x128xi32, #tpu.memory_space<hbm>> -> memref<2x128xi32, #tpu.memory_space<hbm>>
      tpu.enqueue_dma source(%dma_start3A_210 : memref<2x128xi32, #tpu.memory_space<hbm>>) target(%arg7 : memref<2x128xi32, #tpu.memory_space<vmem>>) target_semaphore(%arg12 : memref<!tpu.dma_semaphore, #tpu.memory_space<semaphore_mem>>)
    }
    %while3A_74 = arith.constant 1 : i32
    scf.for %while3A_127 = %while3A_72 to %while3A_68 step %while3A_74  : i32 {
      %mul3A_128 = arith.constant 2 : i32
      %mul3A_129 = arith.muli %mul3A_128, %while3A_127 : i32
      %add3A_130 = arith.addi %select_n3A_28, %mul3A_129 : i32
      %add3A_131 = arith.constant 0 : i32
      %add3A_132 = arith.addi %add3A_130, %add3A_131 : i32
      %add3A_133 = arith.constant 1 : i32
      %add3A_134 = arith.addi %add3A_132, %add3A_133 : i32
      %min3A = arith.minsi %add3A_134, %sub3A_30 : i32
      %add3A_135 = arith.constant 0 : i32
      %add3A_136 = arith.addi %add3A_130, %add3A_135 : i32
      %add3A_137 = arith.constant 2 : i32
      %add3A_138 = arith.addi %add3A_136, %add3A_137 : i32
      %min3A_139 = arith.minsi %add3A_138, %sub3A_30 : i32
      %dma_wait3A_140 = arith.constant 0 : i32
      %dma_wait3A_141 = arith.constant 0 : i32
      %dma_wait3A_142 = tpu.memref_slice %arg3[%min3A, %dma_wait3A_140, %dma_wait3A_141] : memref<2528x2x128xi32, #tpu.memory_space<hbm>> -> memref<1x2x128xi32, #tpu.memory_space<hbm>>
      %dma_wait3A_143 = tpu.memref_squeeze %dma_wait3A_142 : memref<1x2x128xi32, #tpu.memory_space<hbm>> -> memref<2x128xi32, #tpu.memory_space<hbm>>
      %dma_wait3A_144 = arith.constant 0 : i32
      %dma_wait3A_145 = arith.constant 0 : i32
      %dma_wait3A_146 = tpu.memref_slice %arg3[%min3A, %dma_wait3A_144, %dma_wait3A_145] : memref<2528x2x128xi32, #tpu.memory_space<hbm>> -> memref<1x2x128xi32, #tpu.memory_space<hbm>>
      %dma_wait3A_147 = tpu.memref_squeeze %dma_wait3A_146 : memref<1x2x128xi32, #tpu.memory_space<hbm>> -> memref<2x128xi32, #tpu.memory_space<hbm>>
      tpu.wait_dma2 semaphore(%arg12 : memref<!tpu.dma_semaphore, #tpu.memory_space<semaphore_mem>>) src(%dma_wait3A_147 : memref<2x128xi32, #tpu.memory_space<hbm>>) dst(%arg7 : memref<2x128xi32, #tpu.memory_space<vmem>>)
      %dma_start3A_148 = arith.constant 0 : i32
      %dma_start3A_149 = arith.constant 0 : i32
      %dma_start3A_150 = tpu.memref_slice %arg7[%dma_start3A_148, %dma_start3A_149] : memref<2x128xi32, #tpu.memory_space<vmem>> -> memref<1x128xi32, #tpu.memory_space<vmem>>
      %dma_start3A_151 = tpu.memref_squeeze %dma_start3A_150 : memref<1x128xi32, #tpu.memory_space<vmem>> -> memref<128xi32, #tpu.memory_space<vmem>>
      %dma_start3A_152 = arith.constant 0 : i32
      %dma_start3A_153 = arith.constant 0 : i32
      %dma_start3A_154 = tpu.memref_slice %arg2[%dma_start3A_152, %dma_start3A_153] : memref<10240x128xf32, #tpu.memory_space<hbm>> -> memref<10240x128xf32, #tpu.memory_space<hbm>>
      tpu.enqueue_indirect_dma source(%dma_start3A_154 : memref<10240x128xf32, #tpu.memory_space<hbm>>) target(%arg9 : memref<128x128xf32, #tpu.memory_space<vmem>>) offsets(%dma_start3A_151 : memref<128xi32, #tpu.memory_space<vmem>>) semaphore(%arg14 : memref<!tpu.dma_semaphore, #tpu.memory_space<semaphore_mem>>)
      %dma_wait3A_155 = arith.constant 0 : i32
      %dma_wait3A_156 = arith.constant 0 : i32
      %dma_wait3A_157 = tpu.memref_slice %arg6[%dma_wait3A_155, %dma_wait3A_156] : memref<2x128xi32, #tpu.memory_space<vmem>> -> memref<1x128xi32, #tpu.memory_space<vmem>>
      %dma_wait3A_158 = tpu.memref_squeeze %dma_wait3A_157 : memref<1x128xi32, #tpu.memory_space<vmem>> -> memref<128xi32, #tpu.memory_space<vmem>>
      %dma_wait3A_159 = arith.constant 0 : i32
      %dma_wait3A_160 = arith.constant 0 : i32
      %dma_wait3A_161 = tpu.memref_slice %arg2[%dma_wait3A_159, %dma_wait3A_160] : memref<10240x128xf32, #tpu.memory_space<hbm>> -> memref<10240x128xf32, #tpu.memory_space<hbm>>
      tpu.wait_indirect_dma semaphore(%arg13 : memref<!tpu.dma_semaphore, #tpu.memory_space<semaphore_mem>>) src(%dma_wait3A_161 : memref<10240x128xf32, #tpu.memory_space<hbm>>) dst(%arg8 : memref<128x128xf32, #tpu.memory_space<vmem>>)
      %run_scoped3A = arith.constant 1 : i32
      "tpu.region"() ({
        %run_scoped3A_211 = tpu.sem_alloc : memref<!tpu.dma_semaphore, #tpu.memory_space<semaphore_mem>>
        %dma_start3A_212 = arith.constant 0 : i32
        %dma_start3A_213 = tpu.memref_slice %arg6[%run_scoped3A, %dma_start3A_212] : memref<2x128xi32, #tpu.memory_space<vmem>> -> memref<1x128xi32, #tpu.memory_space<vmem>>
        %dma_start3A_214 = tpu.memref_squeeze %dma_start3A_213 : memref<1x128xi32, #tpu.memory_space<vmem>> -> memref<128xi32, #tpu.memory_space<vmem>>
        %dma_start3A_215 = arith.constant 0 : i32
        %dma_start3A_216 = arith.constant 0 : i32
        %dma_start3A_217 = tpu.memref_slice %arg10[%dma_start3A_215, %dma_start3A_216] : memref<10240x128xf32, #tpu.memory_space<vmem_shared>> -> memref<10240x128xf32, #tpu.memory_space<vmem_shared>>
        tpu.enqueue_indirect_dma source(%arg8 : memref<128x128xf32, #tpu.memory_space<vmem>>) target(%dma_start3A_217 : memref<10240x128xf32, #tpu.memory_space<vmem_shared>>) offsets(%dma_start3A_214 : memref<128xi32, #tpu.memory_space<vmem>>) semaphore(%run_scoped3A_211 : memref<!tpu.dma_semaphore, #tpu.memory_space<semaphore_mem>>) {add = true}
        %dma_wait3A_218 = arith.constant 0 : i32
        %dma_wait3A_219 = tpu.memref_slice %arg6[%run_scoped3A, %dma_wait3A_218] : memref<2x128xi32, #tpu.memory_space<vmem>> -> memref<1x128xi32, #tpu.memory_space<vmem>>
        %dma_wait3A_220 = tpu.memref_squeeze %dma_wait3A_219 : memref<1x128xi32, #tpu.memory_space<vmem>> -> memref<128xi32, #tpu.memory_space<vmem>>
        %dma_wait3A_221 = arith.constant 0 : i32
        %dma_wait3A_222 = arith.constant 0 : i32
        %dma_wait3A_223 = tpu.memref_slice %arg10[%dma_wait3A_221, %dma_wait3A_222] : memref<10240x128xf32, #tpu.memory_space<vmem_shared>> -> memref<10240x128xf32, #tpu.memory_space<vmem_shared>>
        tpu.wait_indirect_dma semaphore(%run_scoped3A_211 : memref<!tpu.dma_semaphore, #tpu.memory_space<semaphore_mem>>) src(%arg8 : memref<128x128xf32, #tpu.memory_space<vmem>>) dst(%dma_wait3A_223 : memref<10240x128xf32, #tpu.memory_space<vmem_shared>>)
        tpu.yield
      }) : () -> ()
      %dma_start3A_162 = arith.constant 0 : i32
      %dma_start3A_163 = arith.constant 0 : i32
      %dma_start3A_164 = tpu.memref_slice %arg3[%min3A_139, %dma_start3A_162, %dma_start3A_163] : memref<2528x2x128xi32, #tpu.memory_space<hbm>> -> memref<1x2x128xi32, #tpu.memory_space<hbm>>
      %dma_start3A_165 = tpu.memref_squeeze %dma_start3A_164 : memref<1x2x128xi32, #tpu.memory_space<hbm>> -> memref<2x128xi32, #tpu.memory_space<hbm>>
      %dma_start3A_166 = arith.constant 0 : i32
      %dma_start3A_167 = arith.constant 0 : i32
      %dma_start3A_168 = tpu.memref_slice %arg3[%min3A_139, %dma_start3A_166, %dma_start3A_167] : memref<2528x2x128xi32, #tpu.memory_space<hbm>> -> memref<1x2x128xi32, #tpu.memory_space<hbm>>
      %dma_start3A_169 = tpu.memref_squeeze %dma_start3A_168 : memref<1x2x128xi32, #tpu.memory_space<hbm>> -> memref<2x128xi32, #tpu.memory_space<hbm>>
      tpu.enqueue_dma source(%dma_start3A_169 : memref<2x128xi32, #tpu.memory_space<hbm>>) target(%arg6 : memref<2x128xi32, #tpu.memory_space<vmem>>) target_semaphore(%arg11 : memref<!tpu.dma_semaphore, #tpu.memory_space<semaphore_mem>>)
      %add3A_170 = arith.constant 1 : i32
      %add3A_171 = arith.addi %add3A_130, %add3A_170 : i32
      %add3A_172 = arith.constant 1 : i32
      %add3A_173 = arith.addi %add3A_171, %add3A_172 : i32
      %min3A_174 = arith.minsi %add3A_173, %sub3A_30 : i32
      %add3A_175 = arith.constant 1 : i32
      %add3A_176 = arith.addi %add3A_130, %add3A_175 : i32
      %add3A_177 = arith.constant 2 : i32
      %add3A_178 = arith.addi %add3A_176, %add3A_177 : i32
      %min3A_179 = arith.minsi %add3A_178, %sub3A_30 : i32
      %dma_wait3A_180 = arith.constant 0 : i32
      %dma_wait3A_181 = arith.constant 0 : i32
      %dma_wait3A_182 = tpu.memref_slice %arg3[%min3A_174, %dma_wait3A_180, %dma_wait3A_181] : memref<2528x2x128xi32, #tpu.memory_space<hbm>> -> memref<1x2x128xi32, #tpu.memory_space<hbm>>
      %dma_wait3A_183 = tpu.memref_squeeze %dma_wait3A_182 : memref<1x2x128xi32, #tpu.memory_space<hbm>> -> memref<2x128xi32, #tpu.memory_space<hbm>>
      %dma_wait3A_184 = arith.constant 0 : i32
      %dma_wait3A_185 = arith.constant 0 : i32
      %dma_wait3A_186 = tpu.memref_slice %arg3[%min3A_174, %dma_wait3A_184, %dma_wait3A_185] : memref<2528x2x128xi32, #tpu.memory_space<hbm>> -> memref<1x2x128xi32, #tpu.memory_space<hbm>>
      %dma_wait3A_187 = tpu.memref_squeeze %dma_wait3A_186 : memref<1x2x128xi32, #tpu.memory_space<hbm>> -> memref<2x128xi32, #tpu.memory_space<hbm>>
      tpu.wait_dma2 semaphore(%arg11 : memref<!tpu.dma_semaphore, #tpu.memory_space<semaphore_mem>>) src(%dma_wait3A_187 : memref<2x128xi32, #tpu.memory_space<hbm>>) dst(%arg6 : memref<2x128xi32, #tpu.memory_space<vmem>>)
      %dma_start3A_188 = arith.constant 0 : i32
      %dma_start3A_189 = arith.constant 0 : i32
      %dma_start3A_190 = tpu.memref_slice %arg6[%dma_start3A_188, %dma_start3A_189] : memref<2x128xi32, #tpu.memory_space<vmem>> -> memref<1x128xi32, #tpu.memory_space<vmem>>
      %dma_start3A_191 = tpu.memref_squeeze %dma_start3A_190 : memref<1x128xi32, #tpu.memory_space<vmem>> -> memref<128xi32, #tpu.memory_space<vmem>>
      %dma_start3A_192 = arith.constant 0 : i32
      %dma_start3A_193 = arith.constant 0 : i32
      %dma_start3A_194 = tpu.memref_slice %arg2[%dma_start3A_192, %dma_start3A_193] : memref<10240x128xf32, #tpu.memory_space<hbm>> -> memref<10240x128xf32, #tpu.memory_space<hbm>>
      tpu.enqueue_indirect_dma source(%dma_start3A_194 : memref<10240x128xf32, #tpu.memory_space<hbm>>) target(%arg8 : memref<128x128xf32, #tpu.memory_space<vmem>>) offsets(%dma_start3A_191 : memref<128xi32, #tpu.memory_space<vmem>>) semaphore(%arg13 : memref<!tpu.dma_semaphore, #tpu.memory_space<semaphore_mem>>)
      %dma_wait3A_195 = arith.constant 0 : i32
      %dma_wait3A_196 = arith.constant 0 : i32
      %dma_wait3A_197 = tpu.memref_slice %arg7[%dma_wait3A_195, %dma_wait3A_196] : memref<2x128xi32, #tpu.memory_space<vmem>> -> memref<1x128xi32, #tpu.memory_space<vmem>>
      %dma_wait3A_198 = tpu.memref_squeeze %dma_wait3A_197 : memref<1x128xi32, #tpu.memory_space<vmem>> -> memref<128xi32, #tpu.memory_space<vmem>>
      %dma_wait3A_199 = arith.constant 0 : i32
      %dma_wait3A_200 = arith.constant 0 : i32
      %dma_wait3A_201 = tpu.memref_slice %arg2[%dma_wait3A_199, %dma_wait3A_200] : memref<10240x128xf32, #tpu.memory_space<hbm>> -> memref<10240x128xf32, #tpu.memory_space<hbm>>
      tpu.wait_indirect_dma semaphore(%arg14 : memref<!tpu.dma_semaphore, #tpu.memory_space<semaphore_mem>>) src(%dma_wait3A_201 : memref<10240x128xf32, #tpu.memory_space<hbm>>) dst(%arg9 : memref<128x128xf32, #tpu.memory_space<vmem>>)
      %run_scoped3A_202 = arith.constant 1 : i32
      "tpu.region"() ({
        %run_scoped3A_211 = tpu.sem_alloc : memref<!tpu.dma_semaphore, #tpu.memory_space<semaphore_mem>>
        %dma_start3A_212 = arith.constant 0 : i32
        %dma_start3A_213 = tpu.memref_slice %arg7[%run_scoped3A_202, %dma_start3A_212] : memref<2x128xi32, #tpu.memory_space<vmem>> -> memref<1x128xi32, #tpu.memory_space<vmem>>
        %dma_start3A_214 = tpu.memref_squeeze %dma_start3A_213 : memref<1x128xi32, #tpu.memory_space<vmem>> -> memref<128xi32, #tpu.memory_space<vmem>>
        %dma_start3A_215 = arith.constant 0 : i32
        %dma_start3A_216 = arith.constant 0 : i32
        %dma_start3A_217 = tpu.memref_slice %arg10[%dma_start3A_215, %dma_start3A_216] : memref<10240x128xf32, #tpu.memory_space<vmem_shared>> -> memref<10240x128xf32, #tpu.memory_space<vmem_shared>>
        tpu.enqueue_indirect_dma source(%arg9 : memref<128x128xf32, #tpu.memory_space<vmem>>) target(%dma_start3A_217 : memref<10240x128xf32, #tpu.memory_space<vmem_shared>>) offsets(%dma_start3A_214 : memref<128xi32, #tpu.memory_space<vmem>>) semaphore(%run_scoped3A_211 : memref<!tpu.dma_semaphore, #tpu.memory_space<semaphore_mem>>) {add = true}
        %dma_wait3A_218 = arith.constant 0 : i32
        %dma_wait3A_219 = tpu.memref_slice %arg7[%run_scoped3A_202, %dma_wait3A_218] : memref<2x128xi32, #tpu.memory_space<vmem>> -> memref<1x128xi32, #tpu.memory_space<vmem>>
        %dma_wait3A_220 = tpu.memref_squeeze %dma_wait3A_219 : memref<1x128xi32, #tpu.memory_space<vmem>> -> memref<128xi32, #tpu.memory_space<vmem>>
        %dma_wait3A_221 = arith.constant 0 : i32
        %dma_wait3A_222 = arith.constant 0 : i32
        %dma_wait3A_223 = tpu.memref_slice %arg10[%dma_wait3A_221, %dma_wait3A_222] : memref<10240x128xf32, #tpu.memory_space<vmem_shared>> -> memref<10240x128xf32, #tpu.memory_space<vmem_shared>>
        tpu.wait_indirect_dma semaphore(%run_scoped3A_211 : memref<!tpu.dma_semaphore, #tpu.memory_space<semaphore_mem>>) src(%arg9 : memref<128x128xf32, #tpu.memory_space<vmem>>) dst(%dma_wait3A_223 : memref<10240x128xf32, #tpu.memory_space<vmem_shared>>)
        tpu.yield
      }) : () -> ()
      %dma_start3A_203 = arith.constant 0 : i32
      %dma_start3A_204 = arith.constant 0 : i32
      %dma_start3A_205 = tpu.memref_slice %arg3[%min3A_179, %dma_start3A_203, %dma_start3A_204] : memref<2528x2x128xi32, #tpu.memory_space<hbm>> -> memref<1x2x128xi32, #tpu.memory_space<hbm>>
      %dma_start3A_206 = tpu.memref_squeeze %dma_start3A_205 : memref<1x2x128xi32, #tpu.memory_space<hbm>> -> memref<2x128xi32, #tpu.memory_space<hbm>>
      %dma_start3A_207 = arith.constant 0 : i32
      %dma_start3A_208 = arith.constant 0 : i32
      %dma_start3A_209 = tpu.memref_slice %arg3[%min3A_179, %dma_start3A_207, %dma_start3A_208] : memref<2528x2x128xi32, #tpu.memory_space<hbm>> -> memref<1x2x128xi32, #tpu.memory_space<hbm>>
      %dma_start3A_210 = tpu.memref_squeeze %dma_start3A_209 : memref<1x2x128xi32, #tpu.memory_space<hbm>> -> memref<2x128xi32, #tpu.memory_space<hbm>>
      tpu.enqueue_dma source(%dma_start3A_210 : memref<2x128xi32, #tpu.memory_space<hbm>>) target(%arg7 : memref<2x128xi32, #tpu.memory_space<vmem>>) target_semaphore(%arg12 : memref<!tpu.dma_semaphore, #tpu.memory_space<semaphore_mem>>)
    }
    %dma_wait3A = arith.constant 0 : i32
    %dma_wait3A_75 = arith.constant 0 : i32
    %dma_wait3A_76 = tpu.memref_slice %arg3[%sub3A_30, %dma_wait3A, %dma_wait3A_75] : memref<2528x2x128xi32, #tpu.memory_space<hbm>> -> memref<1x2x128xi32, #tpu.memory_space<hbm>>
    %dma_wait3A_77 = tpu.memref_squeeze %dma_wait3A_76 : memref<1x2x128xi32, #tpu.memory_space<hbm>> -> memref<2x128xi32, #tpu.memory_space<hbm>>
    %dma_wait3A_78 = arith.constant 0 : i32
    %dma_wait3A_79 = arith.constant 0 : i32
    %dma_wait3A_80 = tpu.memref_slice %arg3[%sub3A_30, %dma_wait3A_78, %dma_wait3A_79] : memref<2528x2x128xi32, #tpu.memory_space<hbm>> -> memref<1x2x128xi32, #tpu.memory_space<hbm>>
    %dma_wait3A_81 = tpu.memref_squeeze %dma_wait3A_80 : memref<1x2x128xi32, #tpu.memory_space<hbm>> -> memref<2x128xi32, #tpu.memory_space<hbm>>
    tpu.wait_dma2 semaphore(%arg12 : memref<!tpu.dma_semaphore, #tpu.memory_space<semaphore_mem>>) src(%dma_wait3A_81 : memref<2x128xi32, #tpu.memory_space<hbm>>) dst(%arg7 : memref<2x128xi32, #tpu.memory_space<vmem>>)
    %dma_wait3A_82 = arith.constant 0 : i32
    %dma_wait3A_83 = arith.constant 0 : i32
    %dma_wait3A_84 = tpu.memref_slice %arg6[%dma_wait3A_82, %dma_wait3A_83] : memref<2x128xi32, #tpu.memory_space<vmem>> -> memref<1x128xi32, #tpu.memory_space<vmem>>
    %dma_wait3A_85 = tpu.memref_squeeze %dma_wait3A_84 : memref<1x128xi32, #tpu.memory_space<vmem>> -> memref<128xi32, #tpu.memory_space<vmem>>
    %dma_wait3A_86 = arith.constant 0 : i32
    %dma_wait3A_87 = arith.constant 0 : i32
    %dma_wait3A_88 = tpu.memref_slice %arg2[%dma_wait3A_86, %dma_wait3A_87] : memref<10240x128xf32, #tpu.memory_space<hbm>> -> memref<10240x128xf32, #tpu.memory_space<hbm>>
    tpu.wait_indirect_dma semaphore(%arg13 : memref<!tpu.dma_semaphore, #tpu.memory_space<semaphore_mem>>) src(%dma_wait3A_88 : memref<10240x128xf32, #tpu.memory_space<hbm>>) dst(%arg8 : memref<128x128xf32, #tpu.memory_space<vmem>>)
    %barrier3A_89 = arith.constant 0 : index
    tpu.barrier barrier_id(%barrier3A_89)
    %mul3A_90 = arith.constant 640 : i32
    %mul3A_91 = arith.muli %arg1, %mul3A_90 : i32
    %add3A_92 = arith.constant 0 : i32
    %add3A_93 = arith.addi %mul3A_91, %add3A_92 : i32
    "tpu.region"() ({
      %run_scoped3A = tpu.sem_alloc : memref<!tpu.dma_semaphore, #tpu.memory_space<semaphore_mem>>
      %dma_start3A_127 = arith.constant 0 : i32
      %dma_start3A_128 = tpu.memref_slice %arg10[%add3A_93, %dma_start3A_127] : memref<10240x128xf32, #tpu.memory_space<vmem_shared>> -> memref<128x128xf32, #tpu.memory_space<vmem_shared>>
      %dma_start3A_129 = arith.constant 0 : i32
      %dma_start3A_130 = tpu.memref_slice %arg10[%add3A_93, %dma_start3A_129] : memref<10240x128xf32, #tpu.memory_space<vmem_shared>> -> memref<128x128xf32, #tpu.memory_space<vmem_shared>>
      tpu.enqueue_dma source(%dma_start3A_130 : memref<128x128xf32, #tpu.memory_space<vmem_shared>>) target(%arg8 : memref<128x128xf32, #tpu.memory_space<vmem>>) target_semaphore(%run_scoped3A : memref<!tpu.dma_semaphore, #tpu.memory_space<semaphore_mem>>)
      %dma_wait3A_131 = arith.constant 0 : i32
      %dma_wait3A_132 = tpu.memref_slice %arg10[%add3A_93, %dma_wait3A_131] : memref<10240x128xf32, #tpu.memory_space<vmem_shared>> -> memref<128x128xf32, #tpu.memory_space<vmem_shared>>
      %dma_wait3A_133 = arith.constant 0 : i32
      %dma_wait3A_134 = tpu.memref_slice %arg10[%add3A_93, %dma_wait3A_133] : memref<10240x128xf32, #tpu.memory_space<vmem_shared>> -> memref<128x128xf32, #tpu.memory_space<vmem_shared>>
      tpu.wait_dma2 semaphore(%run_scoped3A : memref<!tpu.dma_semaphore, #tpu.memory_space<semaphore_mem>>) src(%dma_wait3A_134 : memref<128x128xf32, #tpu.memory_space<vmem_shared>>) dst(%arg8 : memref<128x128xf32, #tpu.memory_space<vmem>>)
      tpu.yield
    }) : () -> ()
    %mul3A_94 = arith.constant 10240 : i32
    %mul3A_95 = arith.muli %arg0, %mul3A_94 : i32
    %add3A_96 = arith.addi %mul3A_95, %mul3A_91 : i32
    %add3A_97 = arith.constant 0 : i32
    %add3A_98 = arith.addi %add3A_96, %add3A_97 : i32
    "tpu.region"() ({
      %run_scoped3A = tpu.sem_alloc : memref<!tpu.dma_semaphore, #tpu.memory_space<semaphore_mem>>
      %dma_start3A_127 = arith.constant 0 : i32
      %dma_start3A_128 = tpu.memref_slice %arg5[%add3A_98, %dma_start3A_127] : memref<20480x128xf32, #tpu.memory_space<hbm>> -> memref<128x128xf32, #tpu.memory_space<hbm>>
      %dma_start3A_129 = arith.constant 0 : i32
      %dma_start3A_130 = tpu.memref_slice %arg5[%add3A_98, %dma_start3A_129] : memref<20480x128xf32, #tpu.memory_space<hbm>> -> memref<128x128xf32, #tpu.memory_space<hbm>>
      tpu.enqueue_dma source(%arg8 : memref<128x128xf32, #tpu.memory_space<vmem>>) target(%dma_start3A_130 : memref<128x128xf32, #tpu.memory_space<hbm>>) target_semaphore(%run_scoped3A : memref<!tpu.dma_semaphore, #tpu.memory_space<semaphore_mem>>)
      %dma_wait3A_131 = arith.constant 0 : i32
      %dma_wait3A_132 = tpu.memref_slice %arg5[%add3A_98, %dma_wait3A_131] : memref<20480x128xf32, #tpu.memory_space<hbm>> -> memref<128x128xf32, #tpu.memory_space<hbm>>
      %dma_wait3A_133 = arith.constant 0 : i32
      %dma_wait3A_134 = tpu.memref_slice %arg5[%add3A_98, %dma_wait3A_133] : memref<20480x128xf32, #tpu.memory_space<hbm>> -> memref<128x128xf32, #tpu.memory_space<hbm>>
      tpu.wait_dma2 semaphore(%run_scoped3A : memref<!tpu.dma_semaphore, #tpu.memory_space<semaphore_mem>>) src(%arg8 : memref<128x128xf32, #tpu.memory_space<vmem>>) dst(%dma_wait3A_134 : memref<128x128xf32, #tpu.memory_space<hbm>>)
      tpu.yield
    }) : () -> ()
    %add3A_99 = arith.constant 128 : i32
    %add3A_100 = arith.addi %mul3A_91, %add3A_99 : i32
    "tpu.region"() ({
      %run_scoped3A = tpu.sem_alloc : memref<!tpu.dma_semaphore, #tpu.memory_space<semaphore_mem>>
      %dma_start3A_127 = arith.constant 0 : i32
      %dma_start3A_128 = tpu.memref_slice %arg10[%add3A_100, %dma_start3A_127] : memref<10240x128xf32, #tpu.memory_space<vmem_shared>> -> memref<128x128xf32, #tpu.memory_space<vmem_shared>>
      %dma_start3A_129 = arith.constant 0 : i32
      %dma_start3A_130 = tpu.memref_slice %arg10[%add3A_100, %dma_start3A_129] : memref<10240x128xf32, #tpu.memory_space<vmem_shared>> -> memref<128x128xf32, #tpu.memory_space<vmem_shared>>
      tpu.enqueue_dma source(%dma_start3A_130 : memref<128x128xf32, #tpu.memory_space<vmem_shared>>) target(%arg8 : memref<128x128xf32, #tpu.memory_space<vmem>>) target_semaphore(%run_scoped3A : memref<!tpu.dma_semaphore, #tpu.memory_space<semaphore_mem>>)
      %dma_wait3A_131 = arith.constant 0 : i32
      %dma_wait3A_132 = tpu.memref_slice %arg10[%add3A_100, %dma_wait3A_131] : memref<10240x128xf32, #tpu.memory_space<vmem_shared>> -> memref<128x128xf32, #tpu.memory_space<vmem_shared>>
      %dma_wait3A_133 = arith.constant 0 : i32
      %dma_wait3A_134 = tpu.memref_slice %arg10[%add3A_100, %dma_wait3A_133] : memref<10240x128xf32, #tpu.memory_space<vmem_shared>> -> memref<128x128xf32, #tpu.memory_space<vmem_shared>>
      tpu.wait_dma2 semaphore(%run_scoped3A : memref<!tpu.dma_semaphore, #tpu.memory_space<semaphore_mem>>) src(%dma_wait3A_134 : memref<128x128xf32, #tpu.memory_space<vmem_shared>>) dst(%arg8 : memref<128x128xf32, #tpu.memory_space<vmem>>)
      tpu.yield
    }) : () -> ()
    %mul3A_101 = arith.constant 10240 : i32
    %mul3A_102 = arith.muli %arg0, %mul3A_101 : i32
    %add3A_103 = arith.addi %mul3A_102, %mul3A_91 : i32
    %add3A_104 = arith.constant 128 : i32
    %add3A_105 = arith.addi %add3A_103, %add3A_104 : i32
    "tpu.region"() ({
      %run_scoped3A = tpu.sem_alloc : memref<!tpu.dma_semaphore, #tpu.memory_space<semaphore_mem>>
      %dma_start3A_127 = arith.constant 0 : i32
      %dma_start3A_128 = tpu.memref_slice %arg5[%add3A_105, %dma_start3A_127] : memref<20480x128xf32, #tpu.memory_space<hbm>> -> memref<128x128xf32, #tpu.memory_space<hbm>>
      %dma_start3A_129 = arith.constant 0 : i32
      %dma_start3A_130 = tpu.memref_slice %arg5[%add3A_105, %dma_start3A_129] : memref<20480x128xf32, #tpu.memory_space<hbm>> -> memref<128x128xf32, #tpu.memory_space<hbm>>
      tpu.enqueue_dma source(%arg8 : memref<128x128xf32, #tpu.memory_space<vmem>>) target(%dma_start3A_130 : memref<128x128xf32, #tpu.memory_space<hbm>>) target_semaphore(%run_scoped3A : memref<!tpu.dma_semaphore, #tpu.memory_space<semaphore_mem>>)
      %dma_wait3A_131 = arith.constant 0 : i32
      %dma_wait3A_132 = tpu.memref_slice %arg5[%add3A_105, %dma_wait3A_131] : memref<20480x128xf32, #tpu.memory_space<hbm>> -> memref<128x128xf32, #tpu.memory_space<hbm>>
      %dma_wait3A_133 = arith.constant 0 : i32
      %dma_wait3A_134 = tpu.memref_slice %arg5[%add3A_105, %dma_wait3A_133] : memref<20480x128xf32, #tpu.memory_space<hbm>> -> memref<128x128xf32, #tpu.memory_space<hbm>>
      tpu.wait_dma2 semaphore(%run_scoped3A : memref<!tpu.dma_semaphore, #tpu.memory_space<semaphore_mem>>) src(%arg8 : memref<128x128xf32, #tpu.memory_space<vmem>>) dst(%dma_wait3A_134 : memref<128x128xf32, #tpu.memory_space<hbm>>)
      tpu.yield
    }) : () -> ()
    %add3A_106 = arith.constant 256 : i32
    %add3A_107 = arith.addi %mul3A_91, %add3A_106 : i32
    "tpu.region"() ({
      %run_scoped3A = tpu.sem_alloc : memref<!tpu.dma_semaphore, #tpu.memory_space<semaphore_mem>>
      %dma_start3A_127 = arith.constant 0 : i32
      %dma_start3A_128 = tpu.memref_slice %arg10[%add3A_107, %dma_start3A_127] : memref<10240x128xf32, #tpu.memory_space<vmem_shared>> -> memref<128x128xf32, #tpu.memory_space<vmem_shared>>
      %dma_start3A_129 = arith.constant 0 : i32
      %dma_start3A_130 = tpu.memref_slice %arg10[%add3A_107, %dma_start3A_129] : memref<10240x128xf32, #tpu.memory_space<vmem_shared>> -> memref<128x128xf32, #tpu.memory_space<vmem_shared>>
      tpu.enqueue_dma source(%dma_start3A_130 : memref<128x128xf32, #tpu.memory_space<vmem_shared>>) target(%arg8 : memref<128x128xf32, #tpu.memory_space<vmem>>) target_semaphore(%run_scoped3A : memref<!tpu.dma_semaphore, #tpu.memory_space<semaphore_mem>>)
      %dma_wait3A_131 = arith.constant 0 : i32
      %dma_wait3A_132 = tpu.memref_slice %arg10[%add3A_107, %dma_wait3A_131] : memref<10240x128xf32, #tpu.memory_space<vmem_shared>> -> memref<128x128xf32, #tpu.memory_space<vmem_shared>>
      %dma_wait3A_133 = arith.constant 0 : i32
      %dma_wait3A_134 = tpu.memref_slice %arg10[%add3A_107, %dma_wait3A_133] : memref<10240x128xf32, #tpu.memory_space<vmem_shared>> -> memref<128x128xf32, #tpu.memory_space<vmem_shared>>
      tpu.wait_dma2 semaphore(%run_scoped3A : memref<!tpu.dma_semaphore, #tpu.memory_space<semaphore_mem>>) src(%dma_wait3A_134 : memref<128x128xf32, #tpu.memory_space<vmem_shared>>) dst(%arg8 : memref<128x128xf32, #tpu.memory_space<vmem>>)
      tpu.yield
    }) : () -> ()
    %mul3A_108 = arith.constant 10240 : i32
    %mul3A_109 = arith.muli %arg0, %mul3A_108 : i32
    %add3A_110 = arith.addi %mul3A_109, %mul3A_91 : i32
    %add3A_111 = arith.constant 256 : i32
    %add3A_112 = arith.addi %add3A_110, %add3A_111 : i32
    "tpu.region"() ({
      %run_scoped3A = tpu.sem_alloc : memref<!tpu.dma_semaphore, #tpu.memory_space<semaphore_mem>>
      %dma_start3A_127 = arith.constant 0 : i32
      %dma_start3A_128 = tpu.memref_slice %arg5[%add3A_112, %dma_start3A_127] : memref<20480x128xf32, #tpu.memory_space<hbm>> -> memref<128x128xf32, #tpu.memory_space<hbm>>
      %dma_start3A_129 = arith.constant 0 : i32
      %dma_start3A_130 = tpu.memref_slice %arg5[%add3A_112, %dma_start3A_129] : memref<20480x128xf32, #tpu.memory_space<hbm>> -> memref<128x128xf32, #tpu.memory_space<hbm>>
      tpu.enqueue_dma source(%arg8 : memref<128x128xf32, #tpu.memory_space<vmem>>) target(%dma_start3A_130 : memref<128x128xf32, #tpu.memory_space<hbm>>) target_semaphore(%run_scoped3A : memref<!tpu.dma_semaphore, #tpu.memory_space<semaphore_mem>>)
      %dma_wait3A_131 = arith.constant 0 : i32
      %dma_wait3A_132 = tpu.memref_slice %arg5[%add3A_112, %dma_wait3A_131] : memref<20480x128xf32, #tpu.memory_space<hbm>> -> memref<128x128xf32, #tpu.memory_space<hbm>>
      %dma_wait3A_133 = arith.constant 0 : i32
      %dma_wait3A_134 = tpu.memref_slice %arg5[%add3A_112, %dma_wait3A_133] : memref<20480x128xf32, #tpu.memory_space<hbm>> -> memref<128x128xf32, #tpu.memory_space<hbm>>
      tpu.wait_dma2 semaphore(%run_scoped3A : memref<!tpu.dma_semaphore, #tpu.memory_space<semaphore_mem>>) src(%arg8 : memref<128x128xf32, #tpu.memory_space<vmem>>) dst(%dma_wait3A_134 : memref<128x128xf32, #tpu.memory_space<hbm>>)
      tpu.yield
    }) : () -> ()
    %add3A_113 = arith.constant 384 : i32
    %add3A_114 = arith.addi %mul3A_91, %add3A_113 : i32
    "tpu.region"() ({
      %run_scoped3A = tpu.sem_alloc : memref<!tpu.dma_semaphore, #tpu.memory_space<semaphore_mem>>
      %dma_start3A_127 = arith.constant 0 : i32
      %dma_start3A_128 = tpu.memref_slice %arg10[%add3A_114, %dma_start3A_127] : memref<10240x128xf32, #tpu.memory_space<vmem_shared>> -> memref<128x128xf32, #tpu.memory_space<vmem_shared>>
      %dma_start3A_129 = arith.constant 0 : i32
      %dma_start3A_130 = tpu.memref_slice %arg10[%add3A_114, %dma_start3A_129] : memref<10240x128xf32, #tpu.memory_space<vmem_shared>> -> memref<128x128xf32, #tpu.memory_space<vmem_shared>>
      tpu.enqueue_dma source(%dma_start3A_130 : memref<128x128xf32, #tpu.memory_space<vmem_shared>>) target(%arg8 : memref<128x128xf32, #tpu.memory_space<vmem>>) target_semaphore(%run_scoped3A : memref<!tpu.dma_semaphore, #tpu.memory_space<semaphore_mem>>)
      %dma_wait3A_131 = arith.constant 0 : i32
      %dma_wait3A_132 = tpu.memref_slice %arg10[%add3A_114, %dma_wait3A_131] : memref<10240x128xf32, #tpu.memory_space<vmem_shared>> -> memref<128x128xf32, #tpu.memory_space<vmem_shared>>
      %dma_wait3A_133 = arith.constant 0 : i32
      %dma_wait3A_134 = tpu.memref_slice %arg10[%add3A_114, %dma_wait3A_133] : memref<10240x128xf32, #tpu.memory_space<vmem_shared>> -> memref<128x128xf32, #tpu.memory_space<vmem_shared>>
      tpu.wait_dma2 semaphore(%run_scoped3A : memref<!tpu.dma_semaphore, #tpu.memory_space<semaphore_mem>>) src(%dma_wait3A_134 : memref<128x128xf32, #tpu.memory_space<vmem_shared>>) dst(%arg8 : memref<128x128xf32, #tpu.memory_space<vmem>>)
      tpu.yield
    }) : () -> ()
    %mul3A_115 = arith.constant 10240 : i32
    %mul3A_116 = arith.muli %arg0, %mul3A_115 : i32
    %add3A_117 = arith.addi %mul3A_116, %mul3A_91 : i32
    %add3A_118 = arith.constant 384 : i32
    %add3A_119 = arith.addi %add3A_117, %add3A_118 : i32
    "tpu.region"() ({
      %run_scoped3A = tpu.sem_alloc : memref<!tpu.dma_semaphore, #tpu.memory_space<semaphore_mem>>
      %dma_start3A_127 = arith.constant 0 : i32
      %dma_start3A_128 = tpu.memref_slice %arg5[%add3A_119, %dma_start3A_127] : memref<20480x128xf32, #tpu.memory_space<hbm>> -> memref<128x128xf32, #tpu.memory_space<hbm>>
      %dma_start3A_129 = arith.constant 0 : i32
      %dma_start3A_130 = tpu.memref_slice %arg5[%add3A_119, %dma_start3A_129] : memref<20480x128xf32, #tpu.memory_space<hbm>> -> memref<128x128xf32, #tpu.memory_space<hbm>>
      tpu.enqueue_dma source(%arg8 : memref<128x128xf32, #tpu.memory_space<vmem>>) target(%dma_start3A_130 : memref<128x128xf32, #tpu.memory_space<hbm>>) target_semaphore(%run_scoped3A : memref<!tpu.dma_semaphore, #tpu.memory_space<semaphore_mem>>)
      %dma_wait3A_131 = arith.constant 0 : i32
      %dma_wait3A_132 = tpu.memref_slice %arg5[%add3A_119, %dma_wait3A_131] : memref<20480x128xf32, #tpu.memory_space<hbm>> -> memref<128x128xf32, #tpu.memory_space<hbm>>
      %dma_wait3A_133 = arith.constant 0 : i32
      %dma_wait3A_134 = tpu.memref_slice %arg5[%add3A_119, %dma_wait3A_133] : memref<20480x128xf32, #tpu.memory_space<hbm>> -> memref<128x128xf32, #tpu.memory_space<hbm>>
      tpu.wait_dma2 semaphore(%run_scoped3A : memref<!tpu.dma_semaphore, #tpu.memory_space<semaphore_mem>>) src(%arg8 : memref<128x128xf32, #tpu.memory_space<vmem>>) dst(%dma_wait3A_134 : memref<128x128xf32, #tpu.memory_space<hbm>>)
      tpu.yield
    }) : () -> ()
    %add3A_120 = arith.constant 512 : i32
    %add3A_121 = arith.addi %mul3A_91, %add3A_120 : i32
    "tpu.region"() ({
      %run_scoped3A = tpu.sem_alloc : memref<!tpu.dma_semaphore, #tpu.memory_space<semaphore_mem>>
      %dma_start3A_127 = arith.constant 0 : i32
      %dma_start3A_128 = tpu.memref_slice %arg10[%add3A_121, %dma_start3A_127] : memref<10240x128xf32, #tpu.memory_space<vmem_shared>> -> memref<128x128xf32, #tpu.memory_space<vmem_shared>>
      %dma_start3A_129 = arith.constant 0 : i32
      %dma_start3A_130 = tpu.memref_slice %arg10[%add3A_121, %dma_start3A_129] : memref<10240x128xf32, #tpu.memory_space<vmem_shared>> -> memref<128x128xf32, #tpu.memory_space<vmem_shared>>
      tpu.enqueue_dma source(%dma_start3A_130 : memref<128x128xf32, #tpu.memory_space<vmem_shared>>) target(%arg8 : memref<128x128xf32, #tpu.memory_space<vmem>>) target_semaphore(%run_scoped3A : memref<!tpu.dma_semaphore, #tpu.memory_space<semaphore_mem>>)
      %dma_wait3A_131 = arith.constant 0 : i32
      %dma_wait3A_132 = tpu.memref_slice %arg10[%add3A_121, %dma_wait3A_131] : memref<10240x128xf32, #tpu.memory_space<vmem_shared>> -> memref<128x128xf32, #tpu.memory_space<vmem_shared>>
      %dma_wait3A_133 = arith.constant 0 : i32
      %dma_wait3A_134 = tpu.memref_slice %arg10[%add3A_121, %dma_wait3A_133] : memref<10240x128xf32, #tpu.memory_space<vmem_shared>> -> memref<128x128xf32, #tpu.memory_space<vmem_shared>>
      tpu.wait_dma2 semaphore(%run_scoped3A : memref<!tpu.dma_semaphore, #tpu.memory_space<semaphore_mem>>) src(%dma_wait3A_134 : memref<128x128xf32, #tpu.memory_space<vmem_shared>>) dst(%arg8 : memref<128x128xf32, #tpu.memory_space<vmem>>)
      tpu.yield
    }) : () -> ()
    %mul3A_122 = arith.constant 10240 : i32
    %mul3A_123 = arith.muli %arg0, %mul3A_122 : i32
    %add3A_124 = arith.addi %mul3A_123, %mul3A_91 : i32
    %add3A_125 = arith.constant 512 : i32
    %add3A_126 = arith.addi %add3A_124, %add3A_125 : i32
    "tpu.region"() ({
      %run_scoped3A = tpu.sem_alloc : memref<!tpu.dma_semaphore, #tpu.memory_space<semaphore_mem>>
      %dma_start3A_127 = arith.constant 0 : i32
      %dma_start3A_128 = tpu.memref_slice %arg5[%add3A_126, %dma_start3A_127] : memref<20480x128xf32, #tpu.memory_space<hbm>> -> memref<128x128xf32, #tpu.memory_space<hbm>>
      %dma_start3A_129 = arith.constant 0 : i32
      %dma_start3A_130 = tpu.memref_slice %arg5[%add3A_126, %dma_start3A_129] : memref<20480x128xf32, #tpu.memory_space<hbm>> -> memref<128x128xf32, #tpu.memory_space<hbm>>
      tpu.enqueue_dma source(%arg8 : memref<128x128xf32, #tpu.memory_space<vmem>>) target(%dma_start3A_130 : memref<128x128xf32, #tpu.memory_space<hbm>>) target_semaphore(%run_scoped3A : memref<!tpu.dma_semaphore, #tpu.memory_space<semaphore_mem>>)
      %dma_wait3A_131 = arith.constant 0 : i32
      %dma_wait3A_132 = tpu.memref_slice %arg5[%add3A_126, %dma_wait3A_131] : memref<20480x128xf32, #tpu.memory_space<hbm>> -> memref<128x128xf32, #tpu.memory_space<hbm>>
      %dma_wait3A_133 = arith.constant 0 : i32
      %dma_wait3A_134 = tpu.memref_slice %arg5[%add3A_126, %dma_wait3A_133] : memref<20480x128xf32, #tpu.memory_space<hbm>> -> memref<128x128xf32, #tpu.memory_space<hbm>>
      tpu.wait_dma2 semaphore(%run_scoped3A : memref<!tpu.dma_semaphore, #tpu.memory_space<semaphore_mem>>) src(%arg8 : memref<128x128xf32, #tpu.memory_space<vmem>>) dst(%dma_wait3A_134 : memref<128x128xf32, #tpu.memory_space<hbm>>)
      tpu.yield
    }) : () -> ()
    return
  }
}

#map = affine_map<(d0, d1) -> (0)>
#map1 = affine_map<(d0, d1) -> (0, 0)>
module attributes {stable_mosaic.version = 14 : i64} {
  func.func @deg_kernel(%arg0: i32, %arg1: i32, %arg2: memref<323584xi32, #tpu.memory_space<hbm>>, %arg3: memref<10240xf32, #tpu.memory_space<hbm>>, %arg4: memref<32x10240xf32, #tpu.memory_space<hbm>>, %arg5: memref<128xi32, #tpu.memory_space<vmem>>, %arg6: memref<10240xf32, #tpu.memory_space<vmem>>) attributes {dimension_semantics = [#tpu.dimension_semantics<core_parallel>, #tpu.dimension_semantics<subcore_parallel>], iteration_bounds = array<i64: 2, 16>, scalar_prefetch = 0 : i64, scratch_operands = 2 : i64, tpu.core_type = #tpu.core_type<sc_vector_subcore>, window_params = [{transform_indices = #map}, {transform_indices = #map}, {transform_indices = #map1}]} {
    %mul3A = arith.constant 16 : i32
    %mul3A_0 = arith.muli %arg0, %mul3A : i32
    %add3A = arith.addi %mul3A_0, %arg1 : i32
    "tpu.region"() ({
      %run_scoped3A = tpu.sem_alloc : memref<!tpu.dma_semaphore, #tpu.memory_space<semaphore_mem>>
      tpu.enqueue_dma source(%arg3 : memref<10240xf32, #tpu.memory_space<hbm>>) target(%arg6 : memref<10240xf32, #tpu.memory_space<vmem>>) target_semaphore(%run_scoped3A : memref<!tpu.dma_semaphore, #tpu.memory_space<semaphore_mem>>)
      tpu.wait_dma2 semaphore(%run_scoped3A : memref<!tpu.dma_semaphore, #tpu.memory_space<semaphore_mem>>) src(%arg3 : memref<10240xf32, #tpu.memory_space<hbm>>) dst(%arg6 : memref<10240xf32, #tpu.memory_space<vmem>>)
      tpu.yield
    }) : () -> ()
    %mul3A_1 = arith.constant 10112 : i32
    %mul3A_2 = arith.muli %add3A, %mul3A_1 : i32
    %broadcast_in_dim3A = arith.constant 1.000000e+00 : f32
    %broadcast_in_dim3A_3 = vector.broadcast %broadcast_in_dim3A : f32 to vector<16xf32>
    %scan3A = arith.constant 0 : i32
    %scan3A_4 = arith.constant 0 : i32
    %scan3A_5 = arith.constant 79 : i32
    %scan3A_6 = arith.addi %scan3A_4, %scan3A_5 : i32
    %scan3A_7 = arith.constant 1 : i32
    scf.for %scan3A_9 = %scan3A_4 to %scan3A_6 step %scan3A_7  : i32 {
      %mul3A_10 = arith.constant 128 : i32
      %mul3A_11 = arith.muli %scan3A_9, %mul3A_10 : i32
      %add3A_12 = arith.addi %mul3A_2, %mul3A_11 : i32
      "tpu.region"() ({
        %run_scoped3A = tpu.sem_alloc : memref<!tpu.dma_semaphore, #tpu.memory_space<semaphore_mem>>
        %dma_start3A = tpu.memref_slice %arg2[%add3A_12] : memref<323584xi32, #tpu.memory_space<hbm>> -> memref<128xi32, #tpu.memory_space<hbm>>
        %dma_start3A_28 = tpu.memref_slice %arg2[%add3A_12] : memref<323584xi32, #tpu.memory_space<hbm>> -> memref<128xi32, #tpu.memory_space<hbm>>
        tpu.enqueue_dma source(%dma_start3A_28 : memref<128xi32, #tpu.memory_space<hbm>>) target(%arg5 : memref<128xi32, #tpu.memory_space<vmem>>) target_semaphore(%run_scoped3A : memref<!tpu.dma_semaphore, #tpu.memory_space<semaphore_mem>>)
        %dma_wait3A = tpu.memref_slice %arg2[%add3A_12] : memref<323584xi32, #tpu.memory_space<hbm>> -> memref<128xi32, #tpu.memory_space<hbm>>
        %dma_wait3A_29 = tpu.memref_slice %arg2[%add3A_12] : memref<323584xi32, #tpu.memory_space<hbm>> -> memref<128xi32, #tpu.memory_space<hbm>>
        tpu.wait_dma2 semaphore(%run_scoped3A : memref<!tpu.dma_semaphore, #tpu.memory_space<semaphore_mem>>) src(%dma_wait3A_29 : memref<128xi32, #tpu.memory_space<hbm>>) dst(%arg5 : memref<128xi32, #tpu.memory_space<vmem>>)
        tpu.yield
      }) : () -> ()
      %get3A = arith.constant 0 : index
      %get3A_13 = tpu.vector_load %arg5[%get3A] {strides = array<i32>} : memref<128xi32, #tpu.memory_space<vmem>>, vector<16xi32>,
      tpu.vector_store_idx %arg6[%get3A_13], %broadcast_in_dim3A_3 {add = true} : memref<10240xf32, #tpu.memory_space<vmem>>[vector<16xi32>], vector<16xf32>,
      %get3A_14 = arith.constant 16 : index
      %get3A_15 = tpu.vector_load %arg5[%get3A_14] {strides = array<i32>} : memref<128xi32, #tpu.memory_space<vmem>>, vector<16xi32>,
      tpu.vector_store_idx %arg6[%get3A_15], %broadcast_in_dim3A_3 {add = true} : memref<10240xf32, #tpu.memory_space<vmem>>[vector<16xi32>], vector<16xf32>,
      %get3A_16 = arith.constant 32 : index
      %get3A_17 = tpu.vector_load %arg5[%get3A_16] {strides = array<i32>} : memref<128xi32, #tpu.memory_space<vmem>>, vector<16xi32>,
      tpu.vector_store_idx %arg6[%get3A_17], %broadcast_in_dim3A_3 {add = true} : memref<10240xf32, #tpu.memory_space<vmem>>[vector<16xi32>], vector<16xf32>,
      %get3A_18 = arith.constant 48 : index
      %get3A_19 = tpu.vector_load %arg5[%get3A_18] {strides = array<i32>} : memref<128xi32, #tpu.memory_space<vmem>>, vector<16xi32>,
      tpu.vector_store_idx %arg6[%get3A_19], %broadcast_in_dim3A_3 {add = true} : memref<10240xf32, #tpu.memory_space<vmem>>[vector<16xi32>], vector<16xf32>,
      %get3A_20 = arith.constant 64 : index
      %get3A_21 = tpu.vector_load %arg5[%get3A_20] {strides = array<i32>} : memref<128xi32, #tpu.memory_space<vmem>>, vector<16xi32>,
      tpu.vector_store_idx %arg6[%get3A_21], %broadcast_in_dim3A_3 {add = true} : memref<10240xf32, #tpu.memory_space<vmem>>[vector<16xi32>], vector<16xf32>,
      %get3A_22 = arith.constant 80 : index
      %get3A_23 = tpu.vector_load %arg5[%get3A_22] {strides = array<i32>} : memref<128xi32, #tpu.memory_space<vmem>>, vector<16xi32>,
      tpu.vector_store_idx %arg6[%get3A_23], %broadcast_in_dim3A_3 {add = true} : memref<10240xf32, #tpu.memory_space<vmem>>[vector<16xi32>], vector<16xf32>,
      %get3A_24 = arith.constant 96 : index
      %get3A_25 = tpu.vector_load %arg5[%get3A_24] {strides = array<i32>} : memref<128xi32, #tpu.memory_space<vmem>>, vector<16xi32>,
      tpu.vector_store_idx %arg6[%get3A_25], %broadcast_in_dim3A_3 {add = true} : memref<10240xf32, #tpu.memory_space<vmem>>[vector<16xi32>], vector<16xf32>,
      %get3A_26 = arith.constant 112 : index
      %get3A_27 = tpu.vector_load %arg5[%get3A_26] {strides = array<i32>} : memref<128xi32, #tpu.memory_space<vmem>>, vector<16xi32>,
      tpu.vector_store_idx %arg6[%get3A_27], %broadcast_in_dim3A_3 {add = true} : memref<10240xf32, #tpu.memory_space<vmem>>[vector<16xi32>], vector<16xf32>,
    }
    %scan3A_8 = arith.constant 79 : i32
    "tpu.region"() ({
      %run_scoped3A = tpu.sem_alloc : memref<!tpu.dma_semaphore, #tpu.memory_space<semaphore_mem>>
      %dma_start3A = arith.constant 0 : i32
      %dma_start3A_9 = tpu.memref_slice %arg4[%add3A, %dma_start3A] : memref<32x10240xf32, #tpu.memory_space<hbm>> -> memref<1x10240xf32, #tpu.memory_space<hbm>>
      %dma_start3A_10 = tpu.memref_squeeze %dma_start3A_9 : memref<1x10240xf32, #tpu.memory_space<hbm>> -> memref<10240xf32, #tpu.memory_space<hbm>>
      %dma_start3A_11 = arith.constant 0 : i32
      %dma_start3A_12 = tpu.memref_slice %arg4[%add3A, %dma_start3A_11] : memref<32x10240xf32, #tpu.memory_space<hbm>> -> memref<1x10240xf32, #tpu.memory_space<hbm>>
      %dma_start3A_13 = tpu.memref_squeeze %dma_start3A_12 : memref<1x10240xf32, #tpu.memory_space<hbm>> -> memref<10240xf32, #tpu.memory_space<hbm>>
      tpu.enqueue_dma source(%arg6 : memref<10240xf32, #tpu.memory_space<vmem>>) target(%dma_start3A_13 : memref<10240xf32, #tpu.memory_space<hbm>>) target_semaphore(%run_scoped3A : memref<!tpu.dma_semaphore, #tpu.memory_space<semaphore_mem>>)
      %dma_wait3A = arith.constant 0 : i32
      %dma_wait3A_14 = tpu.memref_slice %arg4[%add3A, %dma_wait3A] : memref<32x10240xf32, #tpu.memory_space<hbm>> -> memref<1x10240xf32, #tpu.memory_space<hbm>>
      %dma_wait3A_15 = tpu.memref_squeeze %dma_wait3A_14 : memref<1x10240xf32, #tpu.memory_space<hbm>> -> memref<10240xf32, #tpu.memory_space<hbm>>
      %dma_wait3A_16 = arith.constant 0 : i32
      %dma_wait3A_17 = tpu.memref_slice %arg4[%add3A, %dma_wait3A_16] : memref<32x10240xf32, #tpu.memory_space<hbm>> -> memref<1x10240xf32, #tpu.memory_space<hbm>>
      %dma_wait3A_18 = tpu.memref_squeeze %dma_wait3A_17 : memref<1x10240xf32, #tpu.memory_space<hbm>> -> memref<10240xf32, #tpu.memory_space<hbm>>
      tpu.wait_dma2 semaphore(%run_scoped3A : memref<!tpu.dma_semaphore, #tpu.memory_space<semaphore_mem>>) src(%arg6 : memref<10240xf32, #tpu.memory_space<vmem>>) dst(%dma_wait3A_18 : memref<10240xf32, #tpu.memory_space<hbm>>)
      tpu.yield
    }) : () -> ()
    return
  }
}

#map = affine_map<(d0, d1) -> (0, 0)>
#map1 = affine_map<(d0, d1) -> (0, 0, 0)>
module attributes {stable_mosaic.version = 14 : i64} {
  func.func @edge_kernel(%arg0: i32, %arg1: i32, %arg2: memref<10240x128xf32, #tpu.memory_space<hbm>>, %arg3: memref<2528x2x128xi32, #tpu.memory_space<hbm>>, %arg4: memref<128x128xf32, #tpu.memory_space<hbm>>, %arg5: memref<20480x128xf32, #tpu.memory_space<hbm>>, %arg6: memref<2x128xi32, #tpu.memory_space<vmem>>, %arg7: memref<2x128xi32, #tpu.memory_space<vmem>>, %arg8: memref<128x128xf32, #tpu.memory_space<vmem>>, %arg9: memref<128x128xf32, #tpu.memory_space<vmem>>, %arg10: memref<10240x128xf32, #tpu.memory_space<vmem_shared>>, %arg11: memref<!tpu.dma_semaphore, #tpu.memory_space<semaphore_mem>>, %arg12: memref<!tpu.dma_semaphore, #tpu.memory_space<semaphore_mem>>, %arg13: memref<!tpu.dma_semaphore, #tpu.memory_space<semaphore_mem>>, %arg14: memref<!tpu.dma_semaphore, #tpu.memory_space<semaphore_mem>>) attributes {dimension_semantics = [#tpu.dimension_semantics<core_parallel>, #tpu.dimension_semantics<subcore_parallel>], iteration_bounds = array<i64: 2, 16>, scalar_prefetch = 0 : i64, scratch_operands = 9 : i64, tpu.core_type = #tpu.core_type<sc_vector_subcore>, window_params = [{transform_indices = #map}, {transform_indices = #map1}, {transform_indices = #map}, {transform_indices = #map}]} {
    "tpu.region"() ({
      %run_scoped3A = tpu.sem_alloc : memref<!tpu.dma_semaphore, #tpu.memory_space<semaphore_mem>>
      tpu.enqueue_dma source(%arg4 : memref<128x128xf32, #tpu.memory_space<hbm>>) target(%arg8 : memref<128x128xf32, #tpu.memory_space<vmem>>) target_semaphore(%run_scoped3A : memref<!tpu.dma_semaphore, #tpu.memory_space<semaphore_mem>>)
      tpu.wait_dma2 semaphore(%run_scoped3A : memref<!tpu.dma_semaphore, #tpu.memory_space<semaphore_mem>>) src(%arg4 : memref<128x128xf32, #tpu.memory_space<hbm>>) dst(%arg8 : memref<128x128xf32, #tpu.memory_space<vmem>>)
      tpu.yield
    }) : () -> ()
    %mul3A = arith.constant 640 : i32
    %mul3A_0 = arith.muli %arg1, %mul3A : i32
    %add3A = arith.constant 0 : i32
    %add3A_1 = arith.addi %mul3A_0, %add3A : i32
    "tpu.region"() ({
      %run_scoped3A = tpu.sem_alloc : memref<!tpu.dma_semaphore, #tpu.memory_space<semaphore_mem>>
      %dma_start3A_127 = arith.constant 0 : i32
      %dma_start3A_128 = tpu.memref_slice %arg10[%add3A_1, %dma_start3A_127] : memref<10240x128xf32, #tpu.memory_space<vmem_shared>> -> memref<128x128xf32, #tpu.memory_space<vmem_shared>>
      %dma_start3A_129 = arith.constant 0 : i32
      %dma_start3A_130 = tpu.memref_slice %arg10[%add3A_1, %dma_start3A_129] : memref<10240x128xf32, #tpu.memory_space<vmem_shared>> -> memref<128x128xf32, #tpu.memory_space<vmem_shared>>
      tpu.enqueue_dma source(%arg8 : memref<128x128xf32, #tpu.memory_space<vmem>>) target(%dma_start3A_130 : memref<128x128xf32, #tpu.memory_space<vmem_shared>>) target_semaphore(%run_scoped3A : memref<!tpu.dma_semaphore, #tpu.memory_space<semaphore_mem>>)
      %dma_wait3A_131 = arith.constant 0 : i32
      %dma_wait3A_132 = tpu.memref_slice %arg10[%add3A_1, %dma_wait3A_131] : memref<10240x128xf32, #tpu.memory_space<vmem_shared>> -> memref<128x128xf32, #tpu.memory_space<vmem_shared>>
      %dma_wait3A_133 = arith.constant 0 : i32
      %dma_wait3A_134 = tpu.memref_slice %arg10[%add3A_1, %dma_wait3A_133] : memref<10240x128xf32, #tpu.memory_space<vmem_shared>> -> memref<128x128xf32, #tpu.memory_space<vmem_shared>>
      tpu.wait_dma2 semaphore(%run_scoped3A : memref<!tpu.dma_semaphore, #tpu.memory_space<semaphore_mem>>) src(%arg8 : memref<128x128xf32, #tpu.memory_space<vmem>>) dst(%dma_wait3A_134 : memref<128x128xf32, #tpu.memory_space<vmem_shared>>)
      tpu.yield
    }) : () -> ()
    %mul3A_2 = arith.constant 640 : i32
    %mul3A_3 = arith.muli %arg1, %mul3A_2 : i32
    %add3A_4 = arith.constant 128 : i32
    %add3A_5 = arith.addi %mul3A_3, %add3A_4 : i32
    "tpu.region"() ({
      %run_scoped3A = tpu.sem_alloc : memref<!tpu.dma_semaphore, #tpu.memory_space<semaphore_mem>>
      %dma_start3A_127 = arith.constant 0 : i32
      %dma_start3A_128 = tpu.memref_slice %arg10[%add3A_5, %dma_start3A_127] : memref<10240x128xf32, #tpu.memory_space<vmem_shared>> -> memref<128x128xf32, #tpu.memory_space<vmem_shared>>
      %dma_start3A_129 = arith.constant 0 : i32
      %dma_start3A_130 = tpu.memref_slice %arg10[%add3A_5, %dma_start3A_129] : memref<10240x128xf32, #tpu.memory_space<vmem_shared>> -> memref<128x128xf32, #tpu.memory_space<vmem_shared>>
      tpu.enqueue_dma source(%arg8 : memref<128x128xf32, #tpu.memory_space<vmem>>) target(%dma_start3A_130 : memref<128x128xf32, #tpu.memory_space<vmem_shared>>) target_semaphore(%run_scoped3A : memref<!tpu.dma_semaphore, #tpu.memory_space<semaphore_mem>>)
      %dma_wait3A_131 = arith.constant 0 : i32
      %dma_wait3A_132 = tpu.memref_slice %arg10[%add3A_5, %dma_wait3A_131] : memref<10240x128xf32, #tpu.memory_space<vmem_shared>> -> memref<128x128xf32, #tpu.memory_space<vmem_shared>>
      %dma_wait3A_133 = arith.constant 0 : i32
      %dma_wait3A_134 = tpu.memref_slice %arg10[%add3A_5, %dma_wait3A_133] : memref<10240x128xf32, #tpu.memory_space<vmem_shared>> -> memref<128x128xf32, #tpu.memory_space<vmem_shared>>
      tpu.wait_dma2 semaphore(%run_scoped3A : memref<!tpu.dma_semaphore, #tpu.memory_space<semaphore_mem>>) src(%arg8 : memref<128x128xf32, #tpu.memory_space<vmem>>) dst(%dma_wait3A_134 : memref<128x128xf32, #tpu.memory_space<vmem_shared>>)
      tpu.yield
    }) : () -> ()
    %mul3A_6 = arith.constant 640 : i32
    %mul3A_7 = arith.muli %arg1, %mul3A_6 : i32
    %add3A_8 = arith.constant 256 : i32
    %add3A_9 = arith.addi %mul3A_7, %add3A_8 : i32
    "tpu.region"() ({
      %run_scoped3A = tpu.sem_alloc : memref<!tpu.dma_semaphore, #tpu.memory_space<semaphore_mem>>
      %dma_start3A_127 = arith.constant 0 : i32
      %dma_start3A_128 = tpu.memref_slice %arg10[%add3A_9, %dma_start3A_127] : memref<10240x128xf32, #tpu.memory_space<vmem_shared>> -> memref<128x128xf32, #tpu.memory_space<vmem_shared>>
      %dma_start3A_129 = arith.constant 0 : i32
      %dma_start3A_130 = tpu.memref_slice %arg10[%add3A_9, %dma_start3A_129] : memref<10240x128xf32, #tpu.memory_space<vmem_shared>> -> memref<128x128xf32, #tpu.memory_space<vmem_shared>>
      tpu.enqueue_dma source(%arg8 : memref<128x128xf32, #tpu.memory_space<vmem>>) target(%dma_start3A_130 : memref<128x128xf32, #tpu.memory_space<vmem_shared>>) target_semaphore(%run_scoped3A : memref<!tpu.dma_semaphore, #tpu.memory_space<semaphore_mem>>)
      %dma_wait3A_131 = arith.constant 0 : i32
      %dma_wait3A_132 = tpu.memref_slice %arg10[%add3A_9, %dma_wait3A_131] : memref<10240x128xf32, #tpu.memory_space<vmem_shared>> -> memref<128x128xf32, #tpu.memory_space<vmem_shared>>
      %dma_wait3A_133 = arith.constant 0 : i32
      %dma_wait3A_134 = tpu.memref_slice %arg10[%add3A_9, %dma_wait3A_133] : memref<10240x128xf32, #tpu.memory_space<vmem_shared>> -> memref<128x128xf32, #tpu.memory_space<vmem_shared>>
      tpu.wait_dma2 semaphore(%run_scoped3A : memref<!tpu.dma_semaphore, #tpu.memory_space<semaphore_mem>>) src(%arg8 : memref<128x128xf32, #tpu.memory_space<vmem>>) dst(%dma_wait3A_134 : memref<128x128xf32, #tpu.memory_space<vmem_shared>>)
      tpu.yield
    }) : () -> ()
    %mul3A_10 = arith.constant 640 : i32
    %mul3A_11 = arith.muli %arg1, %mul3A_10 : i32
    %add3A_12 = arith.constant 384 : i32
    %add3A_13 = arith.addi %mul3A_11, %add3A_12 : i32
    "tpu.region"() ({
      %run_scoped3A = tpu.sem_alloc : memref<!tpu.dma_semaphore, #tpu.memory_space<semaphore_mem>>
      %dma_start3A_127 = arith.constant 0 : i32
      %dma_start3A_128 = tpu.memref_slice %arg10[%add3A_13, %dma_start3A_127] : memref<10240x128xf32, #tpu.memory_space<vmem_shared>> -> memref<128x128xf32, #tpu.memory_space<vmem_shared>>
      %dma_start3A_129 = arith.constant 0 : i32
      %dma_start3A_130 = tpu.memref_slice %arg10[%add3A_13, %dma_start3A_129] : memref<10240x128xf32, #tpu.memory_space<vmem_shared>> -> memref<128x128xf32, #tpu.memory_space<vmem_shared>>
      tpu.enqueue_dma source(%arg8 : memref<128x128xf32, #tpu.memory_space<vmem>>) target(%dma_start3A_130 : memref<128x128xf32, #tpu.memory_space<vmem_shared>>) target_semaphore(%run_scoped3A : memref<!tpu.dma_semaphore, #tpu.memory_space<semaphore_mem>>)
      %dma_wait3A_131 = arith.constant 0 : i32
      %dma_wait3A_132 = tpu.memref_slice %arg10[%add3A_13, %dma_wait3A_131] : memref<10240x128xf32, #tpu.memory_space<vmem_shared>> -> memref<128x128xf32, #tpu.memory_space<vmem_shared>>
      %dma_wait3A_133 = arith.constant 0 : i32
      %dma_wait3A_134 = tpu.memref_slice %arg10[%add3A_13, %dma_wait3A_133] : memref<10240x128xf32, #tpu.memory_space<vmem_shared>> -> memref<128x128xf32, #tpu.memory_space<vmem_shared>>
      tpu.wait_dma2 semaphore(%run_scoped3A : memref<!tpu.dma_semaphore, #tpu.memory_space<semaphore_mem>>) src(%arg8 : memref<128x128xf32, #tpu.memory_space<vmem>>) dst(%dma_wait3A_134 : memref<128x128xf32, #tpu.memory_space<vmem_shared>>)
      tpu.yield
    }) : () -> ()
    %mul3A_14 = arith.constant 640 : i32
    %mul3A_15 = arith.muli %arg1, %mul3A_14 : i32
    %add3A_16 = arith.constant 512 : i32
    %add3A_17 = arith.addi %mul3A_15, %add3A_16 : i32
    "tpu.region"() ({
      %run_scoped3A = tpu.sem_alloc : memref<!tpu.dma_semaphore, #tpu.memory_space<semaphore_mem>>
      %dma_start3A_127 = arith.constant 0 : i32
      %dma_start3A_128 = tpu.memref_slice %arg10[%add3A_17, %dma_start3A_127] : memref<10240x128xf32, #tpu.memory_space<vmem_shared>> -> memref<128x128xf32, #tpu.memory_space<vmem_shared>>
      %dma_start3A_129 = arith.constant 0 : i32
      %dma_start3A_130 = tpu.memref_slice %arg10[%add3A_17, %dma_start3A_129] : memref<10240x128xf32, #tpu.memory_space<vmem_shared>> -> memref<128x128xf32, #tpu.memory_space<vmem_shared>>
      tpu.enqueue_dma source(%arg8 : memref<128x128xf32, #tpu.memory_space<vmem>>) target(%dma_start3A_130 : memref<128x128xf32, #tpu.memory_space<vmem_shared>>) target_semaphore(%run_scoped3A : memref<!tpu.dma_semaphore, #tpu.memory_space<semaphore_mem>>)
      %dma_wait3A_131 = arith.constant 0 : i32
      %dma_wait3A_132 = tpu.memref_slice %arg10[%add3A_17, %dma_wait3A_131] : memref<10240x128xf32, #tpu.memory_space<vmem_shared>> -> memref<128x128xf32, #tpu.memory_space<vmem_shared>>
      %dma_wait3A_133 = arith.constant 0 : i32
      %dma_wait3A_134 = tpu.memref_slice %arg10[%add3A_17, %dma_wait3A_133] : memref<10240x128xf32, #tpu.memory_space<vmem_shared>> -> memref<128x128xf32, #tpu.memory_space<vmem_shared>>
      tpu.wait_dma2 semaphore(%run_scoped3A : memref<!tpu.dma_semaphore, #tpu.memory_space<semaphore_mem>>) src(%arg8 : memref<128x128xf32, #tpu.memory_space<vmem>>) dst(%dma_wait3A_134 : memref<128x128xf32, #tpu.memory_space<vmem_shared>>)
      tpu.yield
    }) : () -> ()
    %barrier3A = arith.constant 0 : index
    tpu.barrier barrier_id(%barrier3A)
    %eq3A = arith.constant 0 : i32
    %eq3A_18 = arith.cmpi eq, %arg0, %eq3A : i32
    %jit3A = arith.constant 124 : i32
    %jit3A_19 = arith.constant 34 : i32
    %select_n3A = arith.select %eq3A_18, %jit3A, %jit3A_19 : i32
    %eq3A_20 = arith.constant 0 : i32
    %eq3A_21 = arith.cmpi eq, %arg0, %eq3A_20 : i32
    %mul3A_22 = arith.constant 124 : i32
    %mul3A_23 = arith.muli %arg1, %mul3A_22 : i32
    %mul3A_24 = arith.constant 34 : i32
    %mul3A_25 = arith.muli %arg1, %mul3A_24 : i32
    %add3A_26 = arith.constant 1984 : i32
    %add3A_27 = arith.addi %add3A_26, %mul3A_25 : i32
    %select_n3A_28 = arith.select %eq3A_21, %mul3A_23, %add3A_27 : i32
    %add3A_29 = arith.addi %select_n3A_28, %select_n3A : i32
    %sub3A = arith.constant 1 : i32
    %sub3A_30 = arith.subi %add3A_29, %sub3A : i32
    "tpu.region"() ({
      %run_scoped3A = tpu.sem_alloc : memref<!tpu.dma_semaphore, #tpu.memory_space<semaphore_mem>>
      %dma_start3A_127 = arith.constant 0 : i32
      %dma_start3A_128 = arith.constant 0 : i32
      %dma_start3A_129 = tpu.memref_slice %arg3[%select_n3A_28, %dma_start3A_127, %dma_start3A_128] : memref<2528x2x128xi32, #tpu.memory_space<hbm>> -> memref<1x2x128xi32, #tpu.memory_space<hbm>>
      %dma_start3A_130 = tpu.memref_squeeze %dma_start3A_129 : memref<1x2x128xi32, #tpu.memory_space<hbm>> -> memref<2x128xi32, #tpu.memory_space<hbm>>
      %dma_start3A_131 = arith.constant 0 : i32
      %dma_start3A_132 = arith.constant 0 : i32
      %dma_start3A_133 = tpu.memref_slice %arg3[%select_n3A_28, %dma_start3A_131, %dma_start3A_132] : memref<2528x2x128xi32, #tpu.memory_space<hbm>> -> memref<1x2x128xi32, #tpu.memory_space<hbm>>
      %dma_start3A_134 = tpu.memref_squeeze %dma_start3A_133 : memref<1x2x128xi32, #tpu.memory_space<hbm>> -> memref<2x128xi32, #tpu.memory_space<hbm>>
      tpu.enqueue_dma source(%dma_start3A_134 : memref<2x128xi32, #tpu.memory_space<hbm>>) target(%arg6 : memref<2x128xi32, #tpu.memory_space<vmem>>) target_semaphore(%run_scoped3A : memref<!tpu.dma_semaphore, #tpu.memory_space<semaphore_mem>>)
      %dma_wait3A_135 = arith.constant 0 : i32
      %dma_wait3A_136 = arith.constant 0 : i32
      %dma_wait3A_137 = tpu.memref_slice %arg3[%select_n3A_28, %dma_wait3A_135, %dma_wait3A_136] : memref<2528x2x128xi32, #tpu.memory_space<hbm>> -> memref<1x2x128xi32, #tpu.memory_space<hbm>>
      %dma_wait3A_138 = tpu.memref_squeeze %dma_wait3A_137 : memref<1x2x128xi32, #tpu.memory_space<hbm>> -> memref<2x128xi32, #tpu.memory_space<hbm>>
      %dma_wait3A_139 = arith.constant 0 : i32
      %dma_wait3A_140 = arith.constant 0 : i32
      %dma_wait3A_141 = tpu.memref_slice %arg3[%select_n3A_28, %dma_wait3A_139, %dma_wait3A_140] : memref<2528x2x128xi32, #tpu.memory_space<hbm>> -> memref<1x2x128xi32, #tpu.memory_space<hbm>>
      %dma_wait3A_142 = tpu.memref_squeeze %dma_wait3A_141 : memref<1x2x128xi32, #tpu.memory_space<hbm>> -> memref<2x128xi32, #tpu.memory_space<hbm>>
      tpu.wait_dma2 semaphore(%run_scoped3A : memref<!tpu.dma_semaphore, #tpu.memory_space<semaphore_mem>>) src(%dma_wait3A_142 : memref<2x128xi32, #tpu.memory_space<hbm>>) dst(%arg6 : memref<2x128xi32, #tpu.memory_space<vmem>>)
      tpu.yield
    }) : () -> ()
    %dma_start3A = arith.constant 0 : i32
    %dma_start3A_31 = arith.constant 0 : i32
    %dma_start3A_32 = tpu.memref_slice %arg6[%dma_start3A, %dma_start3A_31] : memref<2x128xi32, #tpu.memory_space<vmem>> -> memref<1x128xi32, #tpu.memory_space<vmem>>
    %dma_start3A_33 = tpu.memref_squeeze %dma_start3A_32 : memref<1x128xi32, #tpu.memory_space<vmem>> -> memref<128xi32, #tpu.memory_space<vmem>>
    %dma_start3A_34 = arith.constant 0 : i32
    %dma_start3A_35 = arith.constant 0 : i32
    %dma_start3A_36 = tpu.memref_slice %arg2[%dma_start3A_34, %dma_start3A_35] : memref<10240x128xf32, #tpu.memory_space<hbm>> -> memref<10240x128xf32, #tpu.memory_space<hbm>>
    tpu.enqueue_indirect_dma source(%dma_start3A_36 : memref<10240x128xf32, #tpu.memory_space<hbm>>) target(%arg8 : memref<128x128xf32, #tpu.memory_space<vmem>>) offsets(%dma_start3A_33 : memref<128xi32, #tpu.memory_space<vmem>>) semaphore(%arg13 : memref<!tpu.dma_semaphore, #tpu.memory_space<semaphore_mem>>)
    %add3A_37 = arith.constant 1 : i32
    %add3A_38 = arith.addi %select_n3A_28, %add3A_37 : i32
    %dma_start3A_39 = arith.constant 0 : i32
    %dma_start3A_40 = arith.constant 0 : i32
    %dma_start3A_41 = tpu.memref_slice %arg3[%add3A_38, %dma_start3A_39, %dma_start3A_40] : memref<2528x2x128xi32, #tpu.memory_space<hbm>> -> memref<1x2x128xi32, #tpu.memory_space<hbm>>
    %dma_start3A_42 = tpu.memref_squeeze %dma_start3A_41 : memref<1x2x128xi32, #tpu.memory_space<hbm>> -> memref<2x128xi32, #tpu.memory_space<hbm>>
    %dma_start3A_43 = arith.constant 0 : i32
    %dma_start3A_44 = arith.constant 0 : i32
    %dma_start3A_45 = tpu.memref_slice %arg3[%add3A_38, %dma_start3A_43, %dma_start3A_44] : memref<2528x2x128xi32, #tpu.memory_space<hbm>> -> memref<1x2x128xi32, #tpu.memory_space<hbm>>
    %dma_start3A_46 = tpu.memref_squeeze %dma_start3A_45 : memref<1x2x128xi32, #tpu.memory_space<hbm>> -> memref<2x128xi32, #tpu.memory_space<hbm>>
    tpu.enqueue_dma source(%dma_start3A_46 : memref<2x128xi32, #tpu.memory_space<hbm>>) target(%arg7 : memref<2x128xi32, #tpu.memory_space<vmem>>) target_semaphore(%arg12 : memref<!tpu.dma_semaphore, #tpu.memory_space<semaphore_mem>>)
    %jit3A_47 = arith.constant 2 : i32
    %div3A = arith.divsi %select_n3A, %jit3A_47 : i32
    %sign3A = arith.constant 0 : i32
    %sign3A_48 = arith.cmpi sgt, %select_n3A, %sign3A : i32
    %sign3A_49 = arith.extui %sign3A_48 : i1 to i32
    %sign3A_50 = arith.constant 0 : i32
    %sign3A_51 = arith.cmpi slt, %select_n3A, %sign3A_50 : i32
    %sign3A_52 = arith.extui %sign3A_51 : i1 to i32
    %sign3A_53 = arith.subi %sign3A_49, %sign3A_52 : i32
    %sign3A_54 = arith.constant 0 : i32
    %sign3A_55 = arith.cmpi sgt, %jit3A_47, %sign3A_54 : i32
    %sign3A_56 = arith.extui %sign3A_55 : i1 to i32
    %sign3A_57 = arith.constant 0 : i32
    %sign3A_58 = arith.cmpi slt, %jit3A_47, %sign3A_57 : i32
    %sign3A_59 = arith.extui %sign3A_58 : i1 to i32
    %sign3A_60 = arith.subi %sign3A_56, %sign3A_59 : i32
    %ne3A = arith.cmpi ne, %sign3A_53, %sign3A_60 : i32
    %rem3A = arith.remsi %select_n3A, %jit3A_47 : i32
    %ne3A_61 = arith.constant 0 : i32
    %ne3A_62 = arith.cmpi ne, %rem3A, %ne3A_61 : i32
    %and3A = arith.andi %ne3A, %ne3A_62 : i1
    %sub3A_63 = arith.constant 1 : i32
    %sub3A_64 = arith.subi %div3A, %sub3A_63 : i32
    %select_n3A_65 = arith.select %and3A, %sub3A_64, %div3A : i32
    %while3A = arith.constant 0 : i32
    %while3A_66 = arith.constant 0 : i32
    %while3A_67 = arith.subi %select_n3A_65, %while3A_66 : i32
    %while3A_68 = arith.addi %while3A_66, %while3A_67 : i32
    %while3A_69 = arith.constant 1 : i32
    %while3A_70 = arith.divsi %while3A_67, %while3A_69 : i32
    %while3A_71 = arith.muli %while3A_70, %while3A_69 : i32
    %while3A_72 = arith.addi %while3A_66, %while3A_71 : i32
    %while3A_73 = arith.constant 1 : i32
    scf.for %while3A_127 = %while3A_66 to %while3A_72 step %while3A_73  : i32 {
      %mul3A_128 = arith.constant 2 : i32
      %mul3A_129 = arith.muli %mul3A_128, %while3A_127 : i32
      %add3A_130 = arith.addi %select_n3A_28, %mul3A_129 : i32
      %add3A_131 = arith.constant 0 : i32
      %add3A_132 = arith.addi %add3A_130, %add3A_131 : i32
      %add3A_133 = arith.constant 1 : i32
      %add3A_134 = arith.addi %add3A_132, %add3A_133 : i32
      %min3A = arith.minsi %add3A_134, %sub3A_30 : i32
      %add3A_135 = arith.constant 0 : i32
      %add3A_136 = arith.addi %add3A_130, %add3A_135 : i32
      %add3A_137 = arith.constant 2 : i32
      %add3A_138 = arith.addi %add3A_136, %add3A_137 : i32
      %min3A_139 = arith.minsi %add3A_138, %sub3A_30 : i32
      %dma_wait3A_140 = arith.constant 0 : i32
      %dma_wait3A_141 = arith.constant 0 : i32
      %dma_wait3A_142 = tpu.memref_slice %arg3[%min3A, %dma_wait3A_140, %dma_wait3A_141] : memref<2528x2x128xi32, #tpu.memory_space<hbm>> -> memref<1x2x128xi32, #tpu.memory_space<hbm>>
      %dma_wait3A_143 = tpu.memref_squeeze %dma_wait3A_142 : memref<1x2x128xi32, #tpu.memory_space<hbm>> -> memref<2x128xi32, #tpu.memory_space<hbm>>
      %dma_wait3A_144 = arith.constant 0 : i32
      %dma_wait3A_145 = arith.constant 0 : i32
      %dma_wait3A_146 = tpu.memref_slice %arg3[%min3A, %dma_wait3A_144, %dma_wait3A_145] : memref<2528x2x128xi32, #tpu.memory_space<hbm>> -> memref<1x2x128xi32, #tpu.memory_space<hbm>>
      %dma_wait3A_147 = tpu.memref_squeeze %dma_wait3A_146 : memref<1x2x128xi32, #tpu.memory_space<hbm>> -> memref<2x128xi32, #tpu.memory_space<hbm>>
      tpu.wait_dma2 semaphore(%arg12 : memref<!tpu.dma_semaphore, #tpu.memory_space<semaphore_mem>>) src(%dma_wait3A_147 : memref<2x128xi32, #tpu.memory_space<hbm>>) dst(%arg7 : memref<2x128xi32, #tpu.memory_space<vmem>>)
      %dma_start3A_148 = arith.constant 0 : i32
      %dma_start3A_149 = arith.constant 0 : i32
      %dma_start3A_150 = tpu.memref_slice %arg7[%dma_start3A_148, %dma_start3A_149] : memref<2x128xi32, #tpu.memory_space<vmem>> -> memref<1x128xi32, #tpu.memory_space<vmem>>
      %dma_start3A_151 = tpu.memref_squeeze %dma_start3A_150 : memref<1x128xi32, #tpu.memory_space<vmem>> -> memref<128xi32, #tpu.memory_space<vmem>>
      %dma_start3A_152 = arith.constant 0 : i32
      %dma_start3A_153 = arith.constant 0 : i32
      %dma_start3A_154 = tpu.memref_slice %arg2[%dma_start3A_152, %dma_start3A_153] : memref<10240x128xf32, #tpu.memory_space<hbm>> -> memref<10240x128xf32, #tpu.memory_space<hbm>>
      tpu.enqueue_indirect_dma source(%dma_start3A_154 : memref<10240x128xf32, #tpu.memory_space<hbm>>) target(%arg9 : memref<128x128xf32, #tpu.memory_space<vmem>>) offsets(%dma_start3A_151 : memref<128xi32, #tpu.memory_space<vmem>>) semaphore(%arg14 : memref<!tpu.dma_semaphore, #tpu.memory_space<semaphore_mem>>)
      %dma_wait3A_155 = arith.constant 0 : i32
      %dma_wait3A_156 = arith.constant 0 : i32
      %dma_wait3A_157 = tpu.memref_slice %arg6[%dma_wait3A_155, %dma_wait3A_156] : memref<2x128xi32, #tpu.memory_space<vmem>> -> memref<1x128xi32, #tpu.memory_space<vmem>>
      %dma_wait3A_158 = tpu.memref_squeeze %dma_wait3A_157 : memref<1x128xi32, #tpu.memory_space<vmem>> -> memref<128xi32, #tpu.memory_space<vmem>>
      %dma_wait3A_159 = arith.constant 0 : i32
      %dma_wait3A_160 = arith.constant 0 : i32
      %dma_wait3A_161 = tpu.memref_slice %arg2[%dma_wait3A_159, %dma_wait3A_160] : memref<10240x128xf32, #tpu.memory_space<hbm>> -> memref<10240x128xf32, #tpu.memory_space<hbm>>
      tpu.wait_indirect_dma semaphore(%arg13 : memref<!tpu.dma_semaphore, #tpu.memory_space<semaphore_mem>>) src(%dma_wait3A_161 : memref<10240x128xf32, #tpu.memory_space<hbm>>) dst(%arg8 : memref<128x128xf32, #tpu.memory_space<vmem>>)
      %run_scoped3A = arith.constant 1 : i32
      "tpu.region"() ({
        %run_scoped3A_211 = tpu.sem_alloc : memref<!tpu.dma_semaphore, #tpu.memory_space<semaphore_mem>>
        %dma_start3A_212 = arith.constant 0 : i32
        %dma_start3A_213 = tpu.memref_slice %arg6[%run_scoped3A, %dma_start3A_212] : memref<2x128xi32, #tpu.memory_space<vmem>> -> memref<1x128xi32, #tpu.memory_space<vmem>>
        %dma_start3A_214 = tpu.memref_squeeze %dma_start3A_213 : memref<1x128xi32, #tpu.memory_space<vmem>> -> memref<128xi32, #tpu.memory_space<vmem>>
        %dma_start3A_215 = arith.constant 0 : i32
        %dma_start3A_216 = arith.constant 0 : i32
        %dma_start3A_217 = tpu.memref_slice %arg10[%dma_start3A_215, %dma_start3A_216] : memref<10240x128xf32, #tpu.memory_space<vmem_shared>> -> memref<10240x128xf32, #tpu.memory_space<vmem_shared>>
        tpu.enqueue_indirect_dma source(%arg8 : memref<128x128xf32, #tpu.memory_space<vmem>>) target(%dma_start3A_217 : memref<10240x128xf32, #tpu.memory_space<vmem_shared>>) offsets(%dma_start3A_214 : memref<128xi32, #tpu.memory_space<vmem>>) semaphore(%run_scoped3A_211 : memref<!tpu.dma_semaphore, #tpu.memory_space<semaphore_mem>>) {add = true}
        %dma_wait3A_218 = arith.constant 0 : i32
        %dma_wait3A_219 = tpu.memref_slice %arg6[%run_scoped3A, %dma_wait3A_218] : memref<2x128xi32, #tpu.memory_space<vmem>> -> memref<1x128xi32, #tpu.memory_space<vmem>>
        %dma_wait3A_220 = tpu.memref_squeeze %dma_wait3A_219 : memref<1x128xi32, #tpu.memory_space<vmem>> -> memref<128xi32, #tpu.memory_space<vmem>>
        %dma_wait3A_221 = arith.constant 0 : i32
        %dma_wait3A_222 = arith.constant 0 : i32
        %dma_wait3A_223 = tpu.memref_slice %arg10[%dma_wait3A_221, %dma_wait3A_222] : memref<10240x128xf32, #tpu.memory_space<vmem_shared>> -> memref<10240x128xf32, #tpu.memory_space<vmem_shared>>
        tpu.wait_indirect_dma semaphore(%run_scoped3A_211 : memref<!tpu.dma_semaphore, #tpu.memory_space<semaphore_mem>>) src(%arg8 : memref<128x128xf32, #tpu.memory_space<vmem>>) dst(%dma_wait3A_223 : memref<10240x128xf32, #tpu.memory_space<vmem_shared>>)
        tpu.yield
      }) : () -> ()
      %dma_start3A_162 = arith.constant 0 : i32
      %dma_start3A_163 = arith.constant 0 : i32
      %dma_start3A_164 = tpu.memref_slice %arg3[%min3A_139, %dma_start3A_162, %dma_start3A_163] : memref<2528x2x128xi32, #tpu.memory_space<hbm>> -> memref<1x2x128xi32, #tpu.memory_space<hbm>>
      %dma_start3A_165 = tpu.memref_squeeze %dma_start3A_164 : memref<1x2x128xi32, #tpu.memory_space<hbm>> -> memref<2x128xi32, #tpu.memory_space<hbm>>
      %dma_start3A_166 = arith.constant 0 : i32
      %dma_start3A_167 = arith.constant 0 : i32
      %dma_start3A_168 = tpu.memref_slice %arg3[%min3A_139, %dma_start3A_166, %dma_start3A_167] : memref<2528x2x128xi32, #tpu.memory_space<hbm>> -> memref<1x2x128xi32, #tpu.memory_space<hbm>>
      %dma_start3A_169 = tpu.memref_squeeze %dma_start3A_168 : memref<1x2x128xi32, #tpu.memory_space<hbm>> -> memref<2x128xi32, #tpu.memory_space<hbm>>
      tpu.enqueue_dma source(%dma_start3A_169 : memref<2x128xi32, #tpu.memory_space<hbm>>) target(%arg6 : memref<2x128xi32, #tpu.memory_space<vmem>>) target_semaphore(%arg11 : memref<!tpu.dma_semaphore, #tpu.memory_space<semaphore_mem>>)
      %add3A_170 = arith.constant 1 : i32
      %add3A_171 = arith.addi %add3A_130, %add3A_170 : i32
      %add3A_172 = arith.constant 1 : i32
      %add3A_173 = arith.addi %add3A_171, %add3A_172 : i32
      %min3A_174 = arith.minsi %add3A_173, %sub3A_30 : i32
      %add3A_175 = arith.constant 1 : i32
      %add3A_176 = arith.addi %add3A_130, %add3A_175 : i32
      %add3A_177 = arith.constant 2 : i32
      %add3A_178 = arith.addi %add3A_176, %add3A_177 : i32
      %min3A_179 = arith.minsi %add3A_178, %sub3A_30 : i32
      %dma_wait3A_180 = arith.constant 0 : i32
      %dma_wait3A_181 = arith.constant 0 : i32
      %dma_wait3A_182 = tpu.memref_slice %arg3[%min3A_174, %dma_wait3A_180, %dma_wait3A_181] : memref<2528x2x128xi32, #tpu.memory_space<hbm>> -> memref<1x2x128xi32, #tpu.memory_space<hbm>>
      %dma_wait3A_183 = tpu.memref_squeeze %dma_wait3A_182 : memref<1x2x128xi32, #tpu.memory_space<hbm>> -> memref<2x128xi32, #tpu.memory_space<hbm>>
      %dma_wait3A_184 = arith.constant 0 : i32
      %dma_wait3A_185 = arith.constant 0 : i32
      %dma_wait3A_186 = tpu.memref_slice %arg3[%min3A_174, %dma_wait3A_184, %dma_wait3A_185] : memref<2528x2x128xi32, #tpu.memory_space<hbm>> -> memref<1x2x128xi32, #tpu.memory_space<hbm>>
      %dma_wait3A_187 = tpu.memref_squeeze %dma_wait3A_186 : memref<1x2x128xi32, #tpu.memory_space<hbm>> -> memref<2x128xi32, #tpu.memory_space<hbm>>
      tpu.wait_dma2 semaphore(%arg11 : memref<!tpu.dma_semaphore, #tpu.memory_space<semaphore_mem>>) src(%dma_wait3A_187 : memref<2x128xi32, #tpu.memory_space<hbm>>) dst(%arg6 : memref<2x128xi32, #tpu.memory_space<vmem>>)
      %dma_start3A_188 = arith.constant 0 : i32
      %dma_start3A_189 = arith.constant 0 : i32
      %dma_start3A_190 = tpu.memref_slice %arg6[%dma_start3A_188, %dma_start3A_189] : memref<2x128xi32, #tpu.memory_space<vmem>> -> memref<1x128xi32, #tpu.memory_space<vmem>>
      %dma_start3A_191 = tpu.memref_squeeze %dma_start3A_190 : memref<1x128xi32, #tpu.memory_space<vmem>> -> memref<128xi32, #tpu.memory_space<vmem>>
      %dma_start3A_192 = arith.constant 0 : i32
      %dma_start3A_193 = arith.constant 0 : i32
      %dma_start3A_194 = tpu.memref_slice %arg2[%dma_start3A_192, %dma_start3A_193] : memref<10240x128xf32, #tpu.memory_space<hbm>> -> memref<10240x128xf32, #tpu.memory_space<hbm>>
      tpu.enqueue_indirect_dma source(%dma_start3A_194 : memref<10240x128xf32, #tpu.memory_space<hbm>>) target(%arg8 : memref<128x128xf32, #tpu.memory_space<vmem>>) offsets(%dma_start3A_191 : memref<128xi32, #tpu.memory_space<vmem>>) semaphore(%arg13 : memref<!tpu.dma_semaphore, #tpu.memory_space<semaphore_mem>>)
      %dma_wait3A_195 = arith.constant 0 : i32
      %dma_wait3A_196 = arith.constant 0 : i32
      %dma_wait3A_197 = tpu.memref_slice %arg7[%dma_wait3A_195, %dma_wait3A_196] : memref<2x128xi32, #tpu.memory_space<vmem>> -> memref<1x128xi32, #tpu.memory_space<vmem>>
      %dma_wait3A_198 = tpu.memref_squeeze %dma_wait3A_197 : memref<1x128xi32, #tpu.memory_space<vmem>> -> memref<128xi32, #tpu.memory_space<vmem>>
      %dma_wait3A_199 = arith.constant 0 : i32
      %dma_wait3A_200 = arith.constant 0 : i32
      %dma_wait3A_201 = tpu.memref_slice %arg2[%dma_wait3A_199, %dma_wait3A_200] : memref<10240x128xf32, #tpu.memory_space<hbm>> -> memref<10240x128xf32, #tpu.memory_space<hbm>>
      tpu.wait_indirect_dma semaphore(%arg14 : memref<!tpu.dma_semaphore, #tpu.memory_space<semaphore_mem>>) src(%dma_wait3A_201 : memref<10240x128xf32, #tpu.memory_space<hbm>>) dst(%arg9 : memref<128x128xf32, #tpu.memory_space<vmem>>)
      %run_scoped3A_202 = arith.constant 1 : i32
      "tpu.region"() ({
        %run_scoped3A_211 = tpu.sem_alloc : memref<!tpu.dma_semaphore, #tpu.memory_space<semaphore_mem>>
        %dma_start3A_212 = arith.constant 0 : i32
        %dma_start3A_213 = tpu.memref_slice %arg7[%run_scoped3A_202, %dma_start3A_212] : memref<2x128xi32, #tpu.memory_space<vmem>> -> memref<1x128xi32, #tpu.memory_space<vmem>>
        %dma_start3A_214 = tpu.memref_squeeze %dma_start3A_213 : memref<1x128xi32, #tpu.memory_space<vmem>> -> memref<128xi32, #tpu.memory_space<vmem>>
        %dma_start3A_215 = arith.constant 0 : i32
        %dma_start3A_216 = arith.constant 0 : i32
        %dma_start3A_217 = tpu.memref_slice %arg10[%dma_start3A_215, %dma_start3A_216] : memref<10240x128xf32, #tpu.memory_space<vmem_shared>> -> memref<10240x128xf32, #tpu.memory_space<vmem_shared>>
        tpu.enqueue_indirect_dma source(%arg9 : memref<128x128xf32, #tpu.memory_space<vmem>>) target(%dma_start3A_217 : memref<10240x128xf32, #tpu.memory_space<vmem_shared>>) offsets(%dma_start3A_214 : memref<128xi32, #tpu.memory_space<vmem>>) semaphore(%run_scoped3A_211 : memref<!tpu.dma_semaphore, #tpu.memory_space<semaphore_mem>>) {add = true}
        %dma_wait3A_218 = arith.constant 0 : i32
        %dma_wait3A_219 = tpu.memref_slice %arg7[%run_scoped3A_202, %dma_wait3A_218] : memref<2x128xi32, #tpu.memory_space<vmem>> -> memref<1x128xi32, #tpu.memory_space<vmem>>
        %dma_wait3A_220 = tpu.memref_squeeze %dma_wait3A_219 : memref<1x128xi32, #tpu.memory_space<vmem>> -> memref<128xi32, #tpu.memory_space<vmem>>
        %dma_wait3A_221 = arith.constant 0 : i32
        %dma_wait3A_222 = arith.constant 0 : i32
        %dma_wait3A_223 = tpu.memref_slice %arg10[%dma_wait3A_221, %dma_wait3A_222] : memref<10240x128xf32, #tpu.memory_space<vmem_shared>> -> memref<10240x128xf32, #tpu.memory_space<vmem_shared>>
        tpu.wait_indirect_dma semaphore(%run_scoped3A_211 : memref<!tpu.dma_semaphore, #tpu.memory_space<semaphore_mem>>) src(%arg9 : memref<128x128xf32, #tpu.memory_space<vmem>>) dst(%dma_wait3A_223 : memref<10240x128xf32, #tpu.memory_space<vmem_shared>>)
        tpu.yield
      }) : () -> ()
      %dma_start3A_203 = arith.constant 0 : i32
      %dma_start3A_204 = arith.constant 0 : i32
      %dma_start3A_205 = tpu.memref_slice %arg3[%min3A_179, %dma_start3A_203, %dma_start3A_204] : memref<2528x2x128xi32, #tpu.memory_space<hbm>> -> memref<1x2x128xi32, #tpu.memory_space<hbm>>
      %dma_start3A_206 = tpu.memref_squeeze %dma_start3A_205 : memref<1x2x128xi32, #tpu.memory_space<hbm>> -> memref<2x128xi32, #tpu.memory_space<hbm>>
      %dma_start3A_207 = arith.constant 0 : i32
      %dma_start3A_208 = arith.constant 0 : i32
      %dma_start3A_209 = tpu.memref_slice %arg3[%min3A_179, %dma_start3A_207, %dma_start3A_208] : memref<2528x2x128xi32, #tpu.memory_space<hbm>> -> memref<1x2x128xi32, #tpu.memory_space<hbm>>
      %dma_start3A_210 = tpu.memref_squeeze %dma_start3A_209 : memref<1x2x128xi32, #tpu.memory_space<hbm>> -> memref<2x128xi32, #tpu.memory_space<hbm>>
      tpu.enqueue_dma source(%dma_start3A_210 : memref<2x128xi32, #tpu.memory_space<hbm>>) target(%arg7 : memref<2x128xi32, #tpu.memory_space<vmem>>) target_semaphore(%arg12 : memref<!tpu.dma_semaphore, #tpu.memory_space<semaphore_mem>>)
    }
    %while3A_74 = arith.constant 1 : i32
    scf.for %while3A_127 = %while3A_72 to %while3A_68 step %while3A_74  : i32 {
      %mul3A_128 = arith.constant 2 : i32
      %mul3A_129 = arith.muli %mul3A_128, %while3A_127 : i32
      %add3A_130 = arith.addi %select_n3A_28, %mul3A_129 : i32
      %add3A_131 = arith.constant 0 : i32
      %add3A_132 = arith.addi %add3A_130, %add3A_131 : i32
      %add3A_133 = arith.constant 1 : i32
      %add3A_134 = arith.addi %add3A_132, %add3A_133 : i32
      %min3A = arith.minsi %add3A_134, %sub3A_30 : i32
      %add3A_135 = arith.constant 0 : i32
      %add3A_136 = arith.addi %add3A_130, %add3A_135 : i32
      %add3A_137 = arith.constant 2 : i32
      %add3A_138 = arith.addi %add3A_136, %add3A_137 : i32
      %min3A_139 = arith.minsi %add3A_138, %sub3A_30 : i32
      %dma_wait3A_140 = arith.constant 0 : i32
      %dma_wait3A_141 = arith.constant 0 : i32
      %dma_wait3A_142 = tpu.memref_slice %arg3[%min3A, %dma_wait3A_140, %dma_wait3A_141] : memref<2528x2x128xi32, #tpu.memory_space<hbm>> -> memref<1x2x128xi32, #tpu.memory_space<hbm>>
      %dma_wait3A_143 = tpu.memref_squeeze %dma_wait3A_142 : memref<1x2x128xi32, #tpu.memory_space<hbm>> -> memref<2x128xi32, #tpu.memory_space<hbm>>
      %dma_wait3A_144 = arith.constant 0 : i32
      %dma_wait3A_145 = arith.constant 0 : i32
      %dma_wait3A_146 = tpu.memref_slice %arg3[%min3A, %dma_wait3A_144, %dma_wait3A_145] : memref<2528x2x128xi32, #tpu.memory_space<hbm>> -> memref<1x2x128xi32, #tpu.memory_space<hbm>>
      %dma_wait3A_147 = tpu.memref_squeeze %dma_wait3A_146 : memref<1x2x128xi32, #tpu.memory_space<hbm>> -> memref<2x128xi32, #tpu.memory_space<hbm>>
      tpu.wait_dma2 semaphore(%arg12 : memref<!tpu.dma_semaphore, #tpu.memory_space<semaphore_mem>>) src(%dma_wait3A_147 : memref<2x128xi32, #tpu.memory_space<hbm>>) dst(%arg7 : memref<2x128xi32, #tpu.memory_space<vmem>>)
      %dma_start3A_148 = arith.constant 0 : i32
      %dma_start3A_149 = arith.constant 0 : i32
      %dma_start3A_150 = tpu.memref_slice %arg7[%dma_start3A_148, %dma_start3A_149] : memref<2x128xi32, #tpu.memory_space<vmem>> -> memref<1x128xi32, #tpu.memory_space<vmem>>
      %dma_start3A_151 = tpu.memref_squeeze %dma_start3A_150 : memref<1x128xi32, #tpu.memory_space<vmem>> -> memref<128xi32, #tpu.memory_space<vmem>>
      %dma_start3A_152 = arith.constant 0 : i32
      %dma_start3A_153 = arith.constant 0 : i32
      %dma_start3A_154 = tpu.memref_slice %arg2[%dma_start3A_152, %dma_start3A_153] : memref<10240x128xf32, #tpu.memory_space<hbm>> -> memref<10240x128xf32, #tpu.memory_space<hbm>>
      tpu.enqueue_indirect_dma source(%dma_start3A_154 : memref<10240x128xf32, #tpu.memory_space<hbm>>) target(%arg9 : memref<128x128xf32, #tpu.memory_space<vmem>>) offsets(%dma_start3A_151 : memref<128xi32, #tpu.memory_space<vmem>>) semaphore(%arg14 : memref<!tpu.dma_semaphore, #tpu.memory_space<semaphore_mem>>)
      %dma_wait3A_155 = arith.constant 0 : i32
      %dma_wait3A_156 = arith.constant 0 : i32
      %dma_wait3A_157 = tpu.memref_slice %arg6[%dma_wait3A_155, %dma_wait3A_156] : memref<2x128xi32, #tpu.memory_space<vmem>> -> memref<1x128xi32, #tpu.memory_space<vmem>>
      %dma_wait3A_158 = tpu.memref_squeeze %dma_wait3A_157 : memref<1x128xi32, #tpu.memory_space<vmem>> -> memref<128xi32, #tpu.memory_space<vmem>>
      %dma_wait3A_159 = arith.constant 0 : i32
      %dma_wait3A_160 = arith.constant 0 : i32
      %dma_wait3A_161 = tpu.memref_slice %arg2[%dma_wait3A_159, %dma_wait3A_160] : memref<10240x128xf32, #tpu.memory_space<hbm>> -> memref<10240x128xf32, #tpu.memory_space<hbm>>
      tpu.wait_indirect_dma semaphore(%arg13 : memref<!tpu.dma_semaphore, #tpu.memory_space<semaphore_mem>>) src(%dma_wait3A_161 : memref<10240x128xf32, #tpu.memory_space<hbm>>) dst(%arg8 : memref<128x128xf32, #tpu.memory_space<vmem>>)
      %run_scoped3A = arith.constant 1 : i32
      "tpu.region"() ({
        %run_scoped3A_211 = tpu.sem_alloc : memref<!tpu.dma_semaphore, #tpu.memory_space<semaphore_mem>>
        %dma_start3A_212 = arith.constant 0 : i32
        %dma_start3A_213 = tpu.memref_slice %arg6[%run_scoped3A, %dma_start3A_212] : memref<2x128xi32, #tpu.memory_space<vmem>> -> memref<1x128xi32, #tpu.memory_space<vmem>>
        %dma_start3A_214 = tpu.memref_squeeze %dma_start3A_213 : memref<1x128xi32, #tpu.memory_space<vmem>> -> memref<128xi32, #tpu.memory_space<vmem>>
        %dma_start3A_215 = arith.constant 0 : i32
        %dma_start3A_216 = arith.constant 0 : i32
        %dma_start3A_217 = tpu.memref_slice %arg10[%dma_start3A_215, %dma_start3A_216] : memref<10240x128xf32, #tpu.memory_space<vmem_shared>> -> memref<10240x128xf32, #tpu.memory_space<vmem_shared>>
        tpu.enqueue_indirect_dma source(%arg8 : memref<128x128xf32, #tpu.memory_space<vmem>>) target(%dma_start3A_217 : memref<10240x128xf32, #tpu.memory_space<vmem_shared>>) offsets(%dma_start3A_214 : memref<128xi32, #tpu.memory_space<vmem>>) semaphore(%run_scoped3A_211 : memref<!tpu.dma_semaphore, #tpu.memory_space<semaphore_mem>>) {add = true}
        %dma_wait3A_218 = arith.constant 0 : i32
        %dma_wait3A_219 = tpu.memref_slice %arg6[%run_scoped3A, %dma_wait3A_218] : memref<2x128xi32, #tpu.memory_space<vmem>> -> memref<1x128xi32, #tpu.memory_space<vmem>>
        %dma_wait3A_220 = tpu.memref_squeeze %dma_wait3A_219 : memref<1x128xi32, #tpu.memory_space<vmem>> -> memref<128xi32, #tpu.memory_space<vmem>>
        %dma_wait3A_221 = arith.constant 0 : i32
        %dma_wait3A_222 = arith.constant 0 : i32
        %dma_wait3A_223 = tpu.memref_slice %arg10[%dma_wait3A_221, %dma_wait3A_222] : memref<10240x128xf32, #tpu.memory_space<vmem_shared>> -> memref<10240x128xf32, #tpu.memory_space<vmem_shared>>
        tpu.wait_indirect_dma semaphore(%run_scoped3A_211 : memref<!tpu.dma_semaphore, #tpu.memory_space<semaphore_mem>>) src(%arg8 : memref<128x128xf32, #tpu.memory_space<vmem>>) dst(%dma_wait3A_223 : memref<10240x128xf32, #tpu.memory_space<vmem_shared>>)
        tpu.yield
      }) : () -> ()
      %dma_start3A_162 = arith.constant 0 : i32
      %dma_start3A_163 = arith.constant 0 : i32
      %dma_start3A_164 = tpu.memref_slice %arg3[%min3A_139, %dma_start3A_162, %dma_start3A_163] : memref<2528x2x128xi32, #tpu.memory_space<hbm>> -> memref<1x2x128xi32, #tpu.memory_space<hbm>>
      %dma_start3A_165 = tpu.memref_squeeze %dma_start3A_164 : memref<1x2x128xi32, #tpu.memory_space<hbm>> -> memref<2x128xi32, #tpu.memory_space<hbm>>
      %dma_start3A_166 = arith.constant 0 : i32
      %dma_start3A_167 = arith.constant 0 : i32
      %dma_start3A_168 = tpu.memref_slice %arg3[%min3A_139, %dma_start3A_166, %dma_start3A_167] : memref<2528x2x128xi32, #tpu.memory_space<hbm>> -> memref<1x2x128xi32, #tpu.memory_space<hbm>>
      %dma_start3A_169 = tpu.memref_squeeze %dma_start3A_168 : memref<1x2x128xi32, #tpu.memory_space<hbm>> -> memref<2x128xi32, #tpu.memory_space<hbm>>
      tpu.enqueue_dma source(%dma_start3A_169 : memref<2x128xi32, #tpu.memory_space<hbm>>) target(%arg6 : memref<2x128xi32, #tpu.memory_space<vmem>>) target_semaphore(%arg11 : memref<!tpu.dma_semaphore, #tpu.memory_space<semaphore_mem>>)
      %add3A_170 = arith.constant 1 : i32
      %add3A_171 = arith.addi %add3A_130, %add3A_170 : i32
      %add3A_172 = arith.constant 1 : i32
      %add3A_173 = arith.addi %add3A_171, %add3A_172 : i32
      %min3A_174 = arith.minsi %add3A_173, %sub3A_30 : i32
      %add3A_175 = arith.constant 1 : i32
      %add3A_176 = arith.addi %add3A_130, %add3A_175 : i32
      %add3A_177 = arith.constant 2 : i32
      %add3A_178 = arith.addi %add3A_176, %add3A_177 : i32
      %min3A_179 = arith.minsi %add3A_178, %sub3A_30 : i32
      %dma_wait3A_180 = arith.constant 0 : i32
      %dma_wait3A_181 = arith.constant 0 : i32
      %dma_wait3A_182 = tpu.memref_slice %arg3[%min3A_174, %dma_wait3A_180, %dma_wait3A_181] : memref<2528x2x128xi32, #tpu.memory_space<hbm>> -> memref<1x2x128xi32, #tpu.memory_space<hbm>>
      %dma_wait3A_183 = tpu.memref_squeeze %dma_wait3A_182 : memref<1x2x128xi32, #tpu.memory_space<hbm>> -> memref<2x128xi32, #tpu.memory_space<hbm>>
      %dma_wait3A_184 = arith.constant 0 : i32
      %dma_wait3A_185 = arith.constant 0 : i32
      %dma_wait3A_186 = tpu.memref_slice %arg3[%min3A_174, %dma_wait3A_184, %dma_wait3A_185] : memref<2528x2x128xi32, #tpu.memory_space<hbm>> -> memref<1x2x128xi32, #tpu.memory_space<hbm>>
      %dma_wait3A_187 = tpu.memref_squeeze %dma_wait3A_186 : memref<1x2x128xi32, #tpu.memory_space<hbm>> -> memref<2x128xi32, #tpu.memory_space<hbm>>
      tpu.wait_dma2 semaphore(%arg11 : memref<!tpu.dma_semaphore, #tpu.memory_space<semaphore_mem>>) src(%dma_wait3A_187 : memref<2x128xi32, #tpu.memory_space<hbm>>) dst(%arg6 : memref<2x128xi32, #tpu.memory_space<vmem>>)
      %dma_start3A_188 = arith.constant 0 : i32
      %dma_start3A_189 = arith.constant 0 : i32
      %dma_start3A_190 = tpu.memref_slice %arg6[%dma_start3A_188, %dma_start3A_189] : memref<2x128xi32, #tpu.memory_space<vmem>> -> memref<1x128xi32, #tpu.memory_space<vmem>>
      %dma_start3A_191 = tpu.memref_squeeze %dma_start3A_190 : memref<1x128xi32, #tpu.memory_space<vmem>> -> memref<128xi32, #tpu.memory_space<vmem>>
      %dma_start3A_192 = arith.constant 0 : i32
      %dma_start3A_193 = arith.constant 0 : i32
      %dma_start3A_194 = tpu.memref_slice %arg2[%dma_start3A_192, %dma_start3A_193] : memref<10240x128xf32, #tpu.memory_space<hbm>> -> memref<10240x128xf32, #tpu.memory_space<hbm>>
      tpu.enqueue_indirect_dma source(%dma_start3A_194 : memref<10240x128xf32, #tpu.memory_space<hbm>>) target(%arg8 : memref<128x128xf32, #tpu.memory_space<vmem>>) offsets(%dma_start3A_191 : memref<128xi32, #tpu.memory_space<vmem>>) semaphore(%arg13 : memref<!tpu.dma_semaphore, #tpu.memory_space<semaphore_mem>>)
      %dma_wait3A_195 = arith.constant 0 : i32
      %dma_wait3A_196 = arith.constant 0 : i32
      %dma_wait3A_197 = tpu.memref_slice %arg7[%dma_wait3A_195, %dma_wait3A_196] : memref<2x128xi32, #tpu.memory_space<vmem>> -> memref<1x128xi32, #tpu.memory_space<vmem>>
      %dma_wait3A_198 = tpu.memref_squeeze %dma_wait3A_197 : memref<1x128xi32, #tpu.memory_space<vmem>> -> memref<128xi32, #tpu.memory_space<vmem>>
      %dma_wait3A_199 = arith.constant 0 : i32
      %dma_wait3A_200 = arith.constant 0 : i32
      %dma_wait3A_201 = tpu.memref_slice %arg2[%dma_wait3A_199, %dma_wait3A_200] : memref<10240x128xf32, #tpu.memory_space<hbm>> -> memref<10240x128xf32, #tpu.memory_space<hbm>>
      tpu.wait_indirect_dma semaphore(%arg14 : memref<!tpu.dma_semaphore, #tpu.memory_space<semaphore_mem>>) src(%dma_wait3A_201 : memref<10240x128xf32, #tpu.memory_space<hbm>>) dst(%arg9 : memref<128x128xf32, #tpu.memory_space<vmem>>)
      %run_scoped3A_202 = arith.constant 1 : i32
      "tpu.region"() ({
        %run_scoped3A_211 = tpu.sem_alloc : memref<!tpu.dma_semaphore, #tpu.memory_space<semaphore_mem>>
        %dma_start3A_212 = arith.constant 0 : i32
        %dma_start3A_213 = tpu.memref_slice %arg7[%run_scoped3A_202, %dma_start3A_212] : memref<2x128xi32, #tpu.memory_space<vmem>> -> memref<1x128xi32, #tpu.memory_space<vmem>>
        %dma_start3A_214 = tpu.memref_squeeze %dma_start3A_213 : memref<1x128xi32, #tpu.memory_space<vmem>> -> memref<128xi32, #tpu.memory_space<vmem>>
        %dma_start3A_215 = arith.constant 0 : i32
        %dma_start3A_216 = arith.constant 0 : i32
        %dma_start3A_217 = tpu.memref_slice %arg10[%dma_start3A_215, %dma_start3A_216] : memref<10240x128xf32, #tpu.memory_space<vmem_shared>> -> memref<10240x128xf32, #tpu.memory_space<vmem_shared>>
        tpu.enqueue_indirect_dma source(%arg9 : memref<128x128xf32, #tpu.memory_space<vmem>>) target(%dma_start3A_217 : memref<10240x128xf32, #tpu.memory_space<vmem_shared>>) offsets(%dma_start3A_214 : memref<128xi32, #tpu.memory_space<vmem>>) semaphore(%run_scoped3A_211 : memref<!tpu.dma_semaphore, #tpu.memory_space<semaphore_mem>>) {add = true}
        %dma_wait3A_218 = arith.constant 0 : i32
        %dma_wait3A_219 = tpu.memref_slice %arg7[%run_scoped3A_202, %dma_wait3A_218] : memref<2x128xi32, #tpu.memory_space<vmem>> -> memref<1x128xi32, #tpu.memory_space<vmem>>
        %dma_wait3A_220 = tpu.memref_squeeze %dma_wait3A_219 : memref<1x128xi32, #tpu.memory_space<vmem>> -> memref<128xi32, #tpu.memory_space<vmem>>
        %dma_wait3A_221 = arith.constant 0 : i32
        %dma_wait3A_222 = arith.constant 0 : i32
        %dma_wait3A_223 = tpu.memref_slice %arg10[%dma_wait3A_221, %dma_wait3A_222] : memref<10240x128xf32, #tpu.memory_space<vmem_shared>> -> memref<10240x128xf32, #tpu.memory_space<vmem_shared>>
        tpu.wait_indirect_dma semaphore(%run_scoped3A_211 : memref<!tpu.dma_semaphore, #tpu.memory_space<semaphore_mem>>) src(%arg9 : memref<128x128xf32, #tpu.memory_space<vmem>>) dst(%dma_wait3A_223 : memref<10240x128xf32, #tpu.memory_space<vmem_shared>>)
        tpu.yield
      }) : () -> ()
      %dma_start3A_203 = arith.constant 0 : i32
      %dma_start3A_204 = arith.constant 0 : i32
      %dma_start3A_205 = tpu.memref_slice %arg3[%min3A_179, %dma_start3A_203, %dma_start3A_204] : memref<2528x2x128xi32, #tpu.memory_space<hbm>> -> memref<1x2x128xi32, #tpu.memory_space<hbm>>
      %dma_start3A_206 = tpu.memref_squeeze %dma_start3A_205 : memref<1x2x128xi32, #tpu.memory_space<hbm>> -> memref<2x128xi32, #tpu.memory_space<hbm>>
      %dma_start3A_207 = arith.constant 0 : i32
      %dma_start3A_208 = arith.constant 0 : i32
      %dma_start3A_209 = tpu.memref_slice %arg3[%min3A_179, %dma_start3A_207, %dma_start3A_208] : memref<2528x2x128xi32, #tpu.memory_space<hbm>> -> memref<1x2x128xi32, #tpu.memory_space<hbm>>
      %dma_start3A_210 = tpu.memref_squeeze %dma_start3A_209 : memref<1x2x128xi32, #tpu.memory_space<hbm>> -> memref<2x128xi32, #tpu.memory_space<hbm>>
      tpu.enqueue_dma source(%dma_start3A_210 : memref<2x128xi32, #tpu.memory_space<hbm>>) target(%arg7 : memref<2x128xi32, #tpu.memory_space<vmem>>) target_semaphore(%arg12 : memref<!tpu.dma_semaphore, #tpu.memory_space<semaphore_mem>>)
    }
    %dma_wait3A = arith.constant 0 : i32
    %dma_wait3A_75 = arith.constant 0 : i32
    %dma_wait3A_76 = tpu.memref_slice %arg3[%sub3A_30, %dma_wait3A, %dma_wait3A_75] : memref<2528x2x128xi32, #tpu.memory_space<hbm>> -> memref<1x2x128xi32, #tpu.memory_space<hbm>>
    %dma_wait3A_77 = tpu.memref_squeeze %dma_wait3A_76 : memref<1x2x128xi32, #tpu.memory_space<hbm>> -> memref<2x128xi32, #tpu.memory_space<hbm>>
    %dma_wait3A_78 = arith.constant 0 : i32
    %dma_wait3A_79 = arith.constant 0 : i32
    %dma_wait3A_80 = tpu.memref_slice %arg3[%sub3A_30, %dma_wait3A_78, %dma_wait3A_79] : memref<2528x2x128xi32, #tpu.memory_space<hbm>> -> memref<1x2x128xi32, #tpu.memory_space<hbm>>
    %dma_wait3A_81 = tpu.memref_squeeze %dma_wait3A_80 : memref<1x2x128xi32, #tpu.memory_space<hbm>> -> memref<2x128xi32, #tpu.memory_space<hbm>>
    tpu.wait_dma2 semaphore(%arg12 : memref<!tpu.dma_semaphore, #tpu.memory_space<semaphore_mem>>) src(%dma_wait3A_81 : memref<2x128xi32, #tpu.memory_space<hbm>>) dst(%arg7 : memref<2x128xi32, #tpu.memory_space<vmem>>)
    %dma_wait3A_82 = arith.constant 0 : i32
    %dma_wait3A_83 = arith.constant 0 : i32
    %dma_wait3A_84 = tpu.memref_slice %arg6[%dma_wait3A_82, %dma_wait3A_83] : memref<2x128xi32, #tpu.memory_space<vmem>> -> memref<1x128xi32, #tpu.memory_space<vmem>>
    %dma_wait3A_85 = tpu.memref_squeeze %dma_wait3A_84 : memref<1x128xi32, #tpu.memory_space<vmem>> -> memref<128xi32, #tpu.memory_space<vmem>>
    %dma_wait3A_86 = arith.constant 0 : i32
    %dma_wait3A_87 = arith.constant 0 : i32
    %dma_wait3A_88 = tpu.memref_slice %arg2[%dma_wait3A_86, %dma_wait3A_87] : memref<10240x128xf32, #tpu.memory_space<hbm>> -> memref<10240x128xf32, #tpu.memory_space<hbm>>
    tpu.wait_indirect_dma semaphore(%arg13 : memref<!tpu.dma_semaphore, #tpu.memory_space<semaphore_mem>>) src(%dma_wait3A_88 : memref<10240x128xf32, #tpu.memory_space<hbm>>) dst(%arg8 : memref<128x128xf32, #tpu.memory_space<vmem>>)
    %barrier3A_89 = arith.constant 0 : index
    tpu.barrier barrier_id(%barrier3A_89)
    %mul3A_90 = arith.constant 640 : i32
    %mul3A_91 = arith.muli %arg1, %mul3A_90 : i32
    %add3A_92 = arith.constant 0 : i32
    %add3A_93 = arith.addi %mul3A_91, %add3A_92 : i32
    "tpu.region"() ({
      %run_scoped3A = tpu.sem_alloc : memref<!tpu.dma_semaphore, #tpu.memory_space<semaphore_mem>>
      %dma_start3A_127 = arith.constant 0 : i32
      %dma_start3A_128 = tpu.memref_slice %arg10[%add3A_93, %dma_start3A_127] : memref<10240x128xf32, #tpu.memory_space<vmem_shared>> -> memref<128x128xf32, #tpu.memory_space<vmem_shared>>
      %dma_start3A_129 = arith.constant 0 : i32
      %dma_start3A_130 = tpu.memref_slice %arg10[%add3A_93, %dma_start3A_129] : memref<10240x128xf32, #tpu.memory_space<vmem_shared>> -> memref<128x128xf32, #tpu.memory_space<vmem_shared>>
      tpu.enqueue_dma source(%dma_start3A_130 : memref<128x128xf32, #tpu.memory_space<vmem_shared>>) target(%arg8 : memref<128x128xf32, #tpu.memory_space<vmem>>) target_semaphore(%run_scoped3A : memref<!tpu.dma_semaphore, #tpu.memory_space<semaphore_mem>>)
      %dma_wait3A_131 = arith.constant 0 : i32
      %dma_wait3A_132 = tpu.memref_slice %arg10[%add3A_93, %dma_wait3A_131] : memref<10240x128xf32, #tpu.memory_space<vmem_shared>> -> memref<128x128xf32, #tpu.memory_space<vmem_shared>>
      %dma_wait3A_133 = arith.constant 0 : i32
      %dma_wait3A_134 = tpu.memref_slice %arg10[%add3A_93, %dma_wait3A_133] : memref<10240x128xf32, #tpu.memory_space<vmem_shared>> -> memref<128x128xf32, #tpu.memory_space<vmem_shared>>
      tpu.wait_dma2 semaphore(%run_scoped3A : memref<!tpu.dma_semaphore, #tpu.memory_space<semaphore_mem>>) src(%dma_wait3A_134 : memref<128x128xf32, #tpu.memory_space<vmem_shared>>) dst(%arg8 : memref<128x128xf32, #tpu.memory_space<vmem>>)
      tpu.yield
    }) : () -> ()
    %mul3A_94 = arith.constant 10240 : i32
    %mul3A_95 = arith.muli %arg0, %mul3A_94 : i32
    %add3A_96 = arith.addi %mul3A_95, %mul3A_91 : i32
    %add3A_97 = arith.constant 0 : i32
    %add3A_98 = arith.addi %add3A_96, %add3A_97 : i32
    "tpu.region"() ({
      %run_scoped3A = tpu.sem_alloc : memref<!tpu.dma_semaphore, #tpu.memory_space<semaphore_mem>>
      %dma_start3A_127 = arith.constant 0 : i32
      %dma_start3A_128 = tpu.memref_slice %arg5[%add3A_98, %dma_start3A_127] : memref<20480x128xf32, #tpu.memory_space<hbm>> -> memref<128x128xf32, #tpu.memory_space<hbm>>
      %dma_start3A_129 = arith.constant 0 : i32
      %dma_start3A_130 = tpu.memref_slice %arg5[%add3A_98, %dma_start3A_129] : memref<20480x128xf32, #tpu.memory_space<hbm>> -> memref<128x128xf32, #tpu.memory_space<hbm>>
      tpu.enqueue_dma source(%arg8 : memref<128x128xf32, #tpu.memory_space<vmem>>) target(%dma_start3A_130 : memref<128x128xf32, #tpu.memory_space<hbm>>) target_semaphore(%run_scoped3A : memref<!tpu.dma_semaphore, #tpu.memory_space<semaphore_mem>>)
      %dma_wait3A_131 = arith.constant 0 : i32
      %dma_wait3A_132 = tpu.memref_slice %arg5[%add3A_98, %dma_wait3A_131] : memref<20480x128xf32, #tpu.memory_space<hbm>> -> memref<128x128xf32, #tpu.memory_space<hbm>>
      %dma_wait3A_133 = arith.constant 0 : i32
      %dma_wait3A_134 = tpu.memref_slice %arg5[%add3A_98, %dma_wait3A_133] : memref<20480x128xf32, #tpu.memory_space<hbm>> -> memref<128x128xf32, #tpu.memory_space<hbm>>
      tpu.wait_dma2 semaphore(%run_scoped3A : memref<!tpu.dma_semaphore, #tpu.memory_space<semaphore_mem>>) src(%arg8 : memref<128x128xf32, #tpu.memory_space<vmem>>) dst(%dma_wait3A_134 : memref<128x128xf32, #tpu.memory_space<hbm>>)
      tpu.yield
    }) : () -> ()
    %add3A_99 = arith.constant 128 : i32
    %add3A_100 = arith.addi %mul3A_91, %add3A_99 : i32
    "tpu.region"() ({
      %run_scoped3A = tpu.sem_alloc : memref<!tpu.dma_semaphore, #tpu.memory_space<semaphore_mem>>
      %dma_start3A_127 = arith.constant 0 : i32
      %dma_start3A_128 = tpu.memref_slice %arg10[%add3A_100, %dma_start3A_127] : memref<10240x128xf32, #tpu.memory_space<vmem_shared>> -> memref<128x128xf32, #tpu.memory_space<vmem_shared>>
      %dma_start3A_129 = arith.constant 0 : i32
      %dma_start3A_130 = tpu.memref_slice %arg10[%add3A_100, %dma_start3A_129] : memref<10240x128xf32, #tpu.memory_space<vmem_shared>> -> memref<128x128xf32, #tpu.memory_space<vmem_shared>>
      tpu.enqueue_dma source(%dma_start3A_130 : memref<128x128xf32, #tpu.memory_space<vmem_shared>>) target(%arg8 : memref<128x128xf32, #tpu.memory_space<vmem>>) target_semaphore(%run_scoped3A : memref<!tpu.dma_semaphore, #tpu.memory_space<semaphore_mem>>)
      %dma_wait3A_131 = arith.constant 0 : i32
      %dma_wait3A_132 = tpu.memref_slice %arg10[%add3A_100, %dma_wait3A_131] : memref<10240x128xf32, #tpu.memory_space<vmem_shared>> -> memref<128x128xf32, #tpu.memory_space<vmem_shared>>
      %dma_wait3A_133 = arith.constant 0 : i32
      %dma_wait3A_134 = tpu.memref_slice %arg10[%add3A_100, %dma_wait3A_133] : memref<10240x128xf32, #tpu.memory_space<vmem_shared>> -> memref<128x128xf32, #tpu.memory_space<vmem_shared>>
      tpu.wait_dma2 semaphore(%run_scoped3A : memref<!tpu.dma_semaphore, #tpu.memory_space<semaphore_mem>>) src(%dma_wait3A_134 : memref<128x128xf32, #tpu.memory_space<vmem_shared>>) dst(%arg8 : memref<128x128xf32, #tpu.memory_space<vmem>>)
      tpu.yield
    }) : () -> ()
    %mul3A_101 = arith.constant 10240 : i32
    %mul3A_102 = arith.muli %arg0, %mul3A_101 : i32
    %add3A_103 = arith.addi %mul3A_102, %mul3A_91 : i32
    %add3A_104 = arith.constant 128 : i32
    %add3A_105 = arith.addi %add3A_103, %add3A_104 : i32
    "tpu.region"() ({
      %run_scoped3A = tpu.sem_alloc : memref<!tpu.dma_semaphore, #tpu.memory_space<semaphore_mem>>
      %dma_start3A_127 = arith.constant 0 : i32
      %dma_start3A_128 = tpu.memref_slice %arg5[%add3A_105, %dma_start3A_127] : memref<20480x128xf32, #tpu.memory_space<hbm>> -> memref<128x128xf32, #tpu.memory_space<hbm>>
      %dma_start3A_129 = arith.constant 0 : i32
      %dma_start3A_130 = tpu.memref_slice %arg5[%add3A_105, %dma_start3A_129] : memref<20480x128xf32, #tpu.memory_space<hbm>> -> memref<128x128xf32, #tpu.memory_space<hbm>>
      tpu.enqueue_dma source(%arg8 : memref<128x128xf32, #tpu.memory_space<vmem>>) target(%dma_start3A_130 : memref<128x128xf32, #tpu.memory_space<hbm>>) target_semaphore(%run_scoped3A : memref<!tpu.dma_semaphore, #tpu.memory_space<semaphore_mem>>)
      %dma_wait3A_131 = arith.constant 0 : i32
      %dma_wait3A_132 = tpu.memref_slice %arg5[%add3A_105, %dma_wait3A_131] : memref<20480x128xf32, #tpu.memory_space<hbm>> -> memref<128x128xf32, #tpu.memory_space<hbm>>
      %dma_wait3A_133 = arith.constant 0 : i32
      %dma_wait3A_134 = tpu.memref_slice %arg5[%add3A_105, %dma_wait3A_133] : memref<20480x128xf32, #tpu.memory_space<hbm>> -> memref<128x128xf32, #tpu.memory_space<hbm>>
      tpu.wait_dma2 semaphore(%run_scoped3A : memref<!tpu.dma_semaphore, #tpu.memory_space<semaphore_mem>>) src(%arg8 : memref<128x128xf32, #tpu.memory_space<vmem>>) dst(%dma_wait3A_134 : memref<128x128xf32, #tpu.memory_space<hbm>>)
      tpu.yield
    }) : () -> ()
    %add3A_106 = arith.constant 256 : i32
    %add3A_107 = arith.addi %mul3A_91, %add3A_106 : i32
    "tpu.region"() ({
      %run_scoped3A = tpu.sem_alloc : memref<!tpu.dma_semaphore, #tpu.memory_space<semaphore_mem>>
      %dma_start3A_127 = arith.constant 0 : i32
      %dma_start3A_128 = tpu.memref_slice %arg10[%add3A_107, %dma_start3A_127] : memref<10240x128xf32, #tpu.memory_space<vmem_shared>> -> memref<128x128xf32, #tpu.memory_space<vmem_shared>>
      %dma_start3A_129 = arith.constant 0 : i32
      %dma_start3A_130 = tpu.memref_slice %arg10[%add3A_107, %dma_start3A_129] : memref<10240x128xf32, #tpu.memory_space<vmem_shared>> -> memref<128x128xf32, #tpu.memory_space<vmem_shared>>
      tpu.enqueue_dma source(%dma_start3A_130 : memref<128x128xf32, #tpu.memory_space<vmem_shared>>) target(%arg8 : memref<128x128xf32, #tpu.memory_space<vmem>>) target_semaphore(%run_scoped3A : memref<!tpu.dma_semaphore, #tpu.memory_space<semaphore_mem>>)
      %dma_wait3A_131 = arith.constant 0 : i32
      %dma_wait3A_132 = tpu.memref_slice %arg10[%add3A_107, %dma_wait3A_131] : memref<10240x128xf32, #tpu.memory_space<vmem_shared>> -> memref<128x128xf32, #tpu.memory_space<vmem_shared>>
      %dma_wait3A_133 = arith.constant 0 : i32
      %dma_wait3A_134 = tpu.memref_slice %arg10[%add3A_107, %dma_wait3A_133] : memref<10240x128xf32, #tpu.memory_space<vmem_shared>> -> memref<128x128xf32, #tpu.memory_space<vmem_shared>>
      tpu.wait_dma2 semaphore(%run_scoped3A : memref<!tpu.dma_semaphore, #tpu.memory_space<semaphore_mem>>) src(%dma_wait3A_134 : memref<128x128xf32, #tpu.memory_space<vmem_shared>>) dst(%arg8 : memref<128x128xf32, #tpu.memory_space<vmem>>)
      tpu.yield
    }) : () -> ()
    %mul3A_108 = arith.constant 10240 : i32
    %mul3A_109 = arith.muli %arg0, %mul3A_108 : i32
    %add3A_110 = arith.addi %mul3A_109, %mul3A_91 : i32
    %add3A_111 = arith.constant 256 : i32
    %add3A_112 = arith.addi %add3A_110, %add3A_111 : i32
    "tpu.region"() ({
      %run_scoped3A = tpu.sem_alloc : memref<!tpu.dma_semaphore, #tpu.memory_space<semaphore_mem>>
      %dma_start3A_127 = arith.constant 0 : i32
      %dma_start3A_128 = tpu.memref_slice %arg5[%add3A_112, %dma_start3A_127] : memref<20480x128xf32, #tpu.memory_space<hbm>> -> memref<128x128xf32, #tpu.memory_space<hbm>>
      %dma_start3A_129 = arith.constant 0 : i32
      %dma_start3A_130 = tpu.memref_slice %arg5[%add3A_112, %dma_start3A_129] : memref<20480x128xf32, #tpu.memory_space<hbm>> -> memref<128x128xf32, #tpu.memory_space<hbm>>
      tpu.enqueue_dma source(%arg8 : memref<128x128xf32, #tpu.memory_space<vmem>>) target(%dma_start3A_130 : memref<128x128xf32, #tpu.memory_space<hbm>>) target_semaphore(%run_scoped3A : memref<!tpu.dma_semaphore, #tpu.memory_space<semaphore_mem>>)
      %dma_wait3A_131 = arith.constant 0 : i32
      %dma_wait3A_132 = tpu.memref_slice %arg5[%add3A_112, %dma_wait3A_131] : memref<20480x128xf32, #tpu.memory_space<hbm>> -> memref<128x128xf32, #tpu.memory_space<hbm>>
      %dma_wait3A_133 = arith.constant 0 : i32
      %dma_wait3A_134 = tpu.memref_slice %arg5[%add3A_112, %dma_wait3A_133] : memref<20480x128xf32, #tpu.memory_space<hbm>> -> memref<128x128xf32, #tpu.memory_space<hbm>>
      tpu.wait_dma2 semaphore(%run_scoped3A : memref<!tpu.dma_semaphore, #tpu.memory_space<semaphore_mem>>) src(%arg8 : memref<128x128xf32, #tpu.memory_space<vmem>>) dst(%dma_wait3A_134 : memref<128x128xf32, #tpu.memory_space<hbm>>)
      tpu.yield
    }) : () -> ()
    %add3A_113 = arith.constant 384 : i32
    %add3A_114 = arith.addi %mul3A_91, %add3A_113 : i32
    "tpu.region"() ({
      %run_scoped3A = tpu.sem_alloc : memref<!tpu.dma_semaphore, #tpu.memory_space<semaphore_mem>>
      %dma_start3A_127 = arith.constant 0 : i32
      %dma_start3A_128 = tpu.memref_slice %arg10[%add3A_114, %dma_start3A_127] : memref<10240x128xf32, #tpu.memory_space<vmem_shared>> -> memref<128x128xf32, #tpu.memory_space<vmem_shared>>
      %dma_start3A_129 = arith.constant 0 : i32
      %dma_start3A_130 = tpu.memref_slice %arg10[%add3A_114, %dma_start3A_129] : memref<10240x128xf32, #tpu.memory_space<vmem_shared>> -> memref<128x128xf32, #tpu.memory_space<vmem_shared>>
      tpu.enqueue_dma source(%dma_start3A_130 : memref<128x128xf32, #tpu.memory_space<vmem_shared>>) target(%arg8 : memref<128x128xf32, #tpu.memory_space<vmem>>) target_semaphore(%run_scoped3A : memref<!tpu.dma_semaphore, #tpu.memory_space<semaphore_mem>>)
      %dma_wait3A_131 = arith.constant 0 : i32
      %dma_wait3A_132 = tpu.memref_slice %arg10[%add3A_114, %dma_wait3A_131] : memref<10240x128xf32, #tpu.memory_space<vmem_shared>> -> memref<128x128xf32, #tpu.memory_space<vmem_shared>>
      %dma_wait3A_133 = arith.constant 0 : i32
      %dma_wait3A_134 = tpu.memref_slice %arg10[%add3A_114, %dma_wait3A_133] : memref<10240x128xf32, #tpu.memory_space<vmem_shared>> -> memref<128x128xf32, #tpu.memory_space<vmem_shared>>
      tpu.wait_dma2 semaphore(%run_scoped3A : memref<!tpu.dma_semaphore, #tpu.memory_space<semaphore_mem>>) src(%dma_wait3A_134 : memref<128x128xf32, #tpu.memory_space<vmem_shared>>) dst(%arg8 : memref<128x128xf32, #tpu.memory_space<vmem>>)
      tpu.yield
    }) : () -> ()
    %mul3A_115 = arith.constant 10240 : i32
    %mul3A_116 = arith.muli %arg0, %mul3A_115 : i32
    %add3A_117 = arith.addi %mul3A_116, %mul3A_91 : i32
    %add3A_118 = arith.constant 384 : i32
    %add3A_119 = arith.addi %add3A_117, %add3A_118 : i32
    "tpu.region"() ({
      %run_scoped3A = tpu.sem_alloc : memref<!tpu.dma_semaphore, #tpu.memory_space<semaphore_mem>>
      %dma_start3A_127 = arith.constant 0 : i32
      %dma_start3A_128 = tpu.memref_slice %arg5[%add3A_119, %dma_start3A_127] : memref<20480x128xf32, #tpu.memory_space<hbm>> -> memref<128x128xf32, #tpu.memory_space<hbm>>
      %dma_start3A_129 = arith.constant 0 : i32
      %dma_start3A_130 = tpu.memref_slice %arg5[%add3A_119, %dma_start3A_129] : memref<20480x128xf32, #tpu.memory_space<hbm>> -> memref<128x128xf32, #tpu.memory_space<hbm>>
      tpu.enqueue_dma source(%arg8 : memref<128x128xf32, #tpu.memory_space<vmem>>) target(%dma_start3A_130 : memref<128x128xf32, #tpu.memory_space<hbm>>) target_semaphore(%run_scoped3A : memref<!tpu.dma_semaphore, #tpu.memory_space<semaphore_mem>>)
      %dma_wait3A_131 = arith.constant 0 : i32
      %dma_wait3A_132 = tpu.memref_slice %arg5[%add3A_119, %dma_wait3A_131] : memref<20480x128xf32, #tpu.memory_space<hbm>> -> memref<128x128xf32, #tpu.memory_space<hbm>>
      %dma_wait3A_133 = arith.constant 0 : i32
      %dma_wait3A_134 = tpu.memref_slice %arg5[%add3A_119, %dma_wait3A_133] : memref<20480x128xf32, #tpu.memory_space<hbm>> -> memref<128x128xf32, #tpu.memory_space<hbm>>
      tpu.wait_dma2 semaphore(%run_scoped3A : memref<!tpu.dma_semaphore, #tpu.memory_space<semaphore_mem>>) src(%arg8 : memref<128x128xf32, #tpu.memory_space<vmem>>) dst(%dma_wait3A_134 : memref<128x128xf32, #tpu.memory_space<hbm>>)
      tpu.yield
    }) : () -> ()
    %add3A_120 = arith.constant 512 : i32
    %add3A_121 = arith.addi %mul3A_91, %add3A_120 : i32
    "tpu.region"() ({
      %run_scoped3A = tpu.sem_alloc : memref<!tpu.dma_semaphore, #tpu.memory_space<semaphore_mem>>
      %dma_start3A_127 = arith.constant 0 : i32
      %dma_start3A_128 = tpu.memref_slice %arg10[%add3A_121, %dma_start3A_127] : memref<10240x128xf32, #tpu.memory_space<vmem_shared>> -> memref<128x128xf32, #tpu.memory_space<vmem_shared>>
      %dma_start3A_129 = arith.constant 0 : i32
      %dma_start3A_130 = tpu.memref_slice %arg10[%add3A_121, %dma_start3A_129] : memref<10240x128xf32, #tpu.memory_space<vmem_shared>> -> memref<128x128xf32, #tpu.memory_space<vmem_shared>>
      tpu.enqueue_dma source(%dma_start3A_130 : memref<128x128xf32, #tpu.memory_space<vmem_shared>>) target(%arg8 : memref<128x128xf32, #tpu.memory_space<vmem>>) target_semaphore(%run_scoped3A : memref<!tpu.dma_semaphore, #tpu.memory_space<semaphore_mem>>)
      %dma_wait3A_131 = arith.constant 0 : i32
      %dma_wait3A_132 = tpu.memref_slice %arg10[%add3A_121, %dma_wait3A_131] : memref<10240x128xf32, #tpu.memory_space<vmem_shared>> -> memref<128x128xf32, #tpu.memory_space<vmem_shared>>
      %dma_wait3A_133 = arith.constant 0 : i32
      %dma_wait3A_134 = tpu.memref_slice %arg10[%add3A_121, %dma_wait3A_133] : memref<10240x128xf32, #tpu.memory_space<vmem_shared>> -> memref<128x128xf32, #tpu.memory_space<vmem_shared>>
      tpu.wait_dma2 semaphore(%run_scoped3A : memref<!tpu.dma_semaphore, #tpu.memory_space<semaphore_mem>>) src(%dma_wait3A_134 : memref<128x128xf32, #tpu.memory_space<vmem_shared>>) dst(%arg8 : memref<128x128xf32, #tpu.memory_space<vmem>>)
      tpu.yield
    }) : () -> ()
    %mul3A_122 = arith.constant 10240 : i32
    %mul3A_123 = arith.muli %arg0, %mul3A_122 : i32
    %add3A_124 = arith.addi %mul3A_123, %mul3A_91 : i32
    %add3A_125 = arith.constant 512 : i32
    %add3A_126 = arith.addi %add3A_124, %add3A_125 : i32
    "tpu.region"() ({
      %run_scoped3A = tpu.sem_alloc : memref<!tpu.dma_semaphore, #tpu.memory_space<semaphore_mem>>
      %dma_start3A_127 = arith.constant 0 : i32
      %dma_start3A_128 = tpu.memref_slice %arg5[%add3A_126, %dma_start3A_127] : memref<20480x128xf32, #tpu.memory_space<hbm>> -> memref<128x128xf32, #tpu.memory_space<hbm>>
      %dma_start3A_129 = arith.constant 0 : i32
      %dma_start3A_130 = tpu.memref_slice %arg5[%add3A_126, %dma_start3A_129] : memref<20480x128xf32, #tpu.memory_space<hbm>> -> memref<128x128xf32, #tpu.memory_space<hbm>>
      tpu.enqueue_dma source(%arg8 : memref<128x128xf32, #tpu.memory_space<vmem>>) target(%dma_start3A_130 : memref<128x128xf32, #tpu.memory_space<hbm>>) target_semaphore(%run_scoped3A : memref<!tpu.dma_semaphore, #tpu.memory_space<semaphore_mem>>)
      %dma_wait3A_131 = arith.constant 0 : i32
      %dma_wait3A_132 = tpu.memref_slice %arg5[%add3A_126, %dma_wait3A_131] : memref<20480x128xf32, #tpu.memory_space<hbm>> -> memref<128x128xf32, #tpu.memory_space<hbm>>
      %dma_wait3A_133 = arith.constant 0 : i32
      %dma_wait3A_134 = tpu.memref_slice %arg5[%add3A_126, %dma_wait3A_133] : memref<20480x128xf32, #tpu.memory_space<hbm>> -> memref<128x128xf32, #tpu.memory_space<hbm>>
      tpu.wait_dma2 semaphore(%run_scoped3A : memref<!tpu.dma_semaphore, #tpu.memory_space<semaphore_mem>>) src(%arg8 : memref<128x128xf32, #tpu.memory_space<vmem>>) dst(%dma_wait3A_134 : memref<128x128xf32, #tpu.memory_space<hbm>>)
      tpu.yield
    }) : () -> ()
    return
  }
}

#map = affine_map<(d0, d1) -> (0, 0)>
#map1 = affine_map<(d0, d1) -> (0, 0, 0)>
module attributes {stable_mosaic.version = 14 : i64} {
  func.func @edge_kernel(%arg0: i32, %arg1: i32, %arg2: memref<10240x128xf32, #tpu.memory_space<hbm>>, %arg3: memref<2528x2x128xi32, #tpu.memory_space<hbm>>, %arg4: memref<128x128xf32, #tpu.memory_space<hbm>>, %arg5: memref<20480x128xf32, #tpu.memory_space<hbm>>, %arg6: memref<2x128xi32, #tpu.memory_space<vmem>>, %arg7: memref<2x128xi32, #tpu.memory_space<vmem>>, %arg8: memref<128x128xf32, #tpu.memory_space<vmem>>, %arg9: memref<128x128xf32, #tpu.memory_space<vmem>>, %arg10: memref<10240x128xf32, #tpu.memory_space<vmem_shared>>, %arg11: memref<!tpu.dma_semaphore, #tpu.memory_space<semaphore_mem>>, %arg12: memref<!tpu.dma_semaphore, #tpu.memory_space<semaphore_mem>>, %arg13: memref<!tpu.dma_semaphore, #tpu.memory_space<semaphore_mem>>, %arg14: memref<!tpu.dma_semaphore, #tpu.memory_space<semaphore_mem>>) attributes {dimension_semantics = [#tpu.dimension_semantics<core_parallel>, #tpu.dimension_semantics<subcore_parallel>], iteration_bounds = array<i64: 2, 16>, scalar_prefetch = 0 : i64, scratch_operands = 9 : i64, tpu.core_type = #tpu.core_type<sc_vector_subcore>, window_params = [{transform_indices = #map}, {transform_indices = #map1}, {transform_indices = #map}, {transform_indices = #map}]} {
    "tpu.region"() ({
      %run_scoped3A = tpu.sem_alloc : memref<!tpu.dma_semaphore, #tpu.memory_space<semaphore_mem>>
      tpu.enqueue_dma source(%arg4 : memref<128x128xf32, #tpu.memory_space<hbm>>) target(%arg8 : memref<128x128xf32, #tpu.memory_space<vmem>>) target_semaphore(%run_scoped3A : memref<!tpu.dma_semaphore, #tpu.memory_space<semaphore_mem>>)
      tpu.wait_dma2 semaphore(%run_scoped3A : memref<!tpu.dma_semaphore, #tpu.memory_space<semaphore_mem>>) src(%arg4 : memref<128x128xf32, #tpu.memory_space<hbm>>) dst(%arg8 : memref<128x128xf32, #tpu.memory_space<vmem>>)
      tpu.yield
    }) : () -> ()
    %mul3A = arith.constant 640 : i32
    %mul3A_0 = arith.muli %arg1, %mul3A : i32
    %add3A = arith.constant 0 : i32
    %add3A_1 = arith.addi %mul3A_0, %add3A : i32
    "tpu.region"() ({
      %run_scoped3A = tpu.sem_alloc : memref<!tpu.dma_semaphore, #tpu.memory_space<semaphore_mem>>
      %dma_start3A_127 = arith.constant 0 : i32
      %dma_start3A_128 = tpu.memref_slice %arg10[%add3A_1, %dma_start3A_127] : memref<10240x128xf32, #tpu.memory_space<vmem_shared>> -> memref<128x128xf32, #tpu.memory_space<vmem_shared>>
      %dma_start3A_129 = arith.constant 0 : i32
      %dma_start3A_130 = tpu.memref_slice %arg10[%add3A_1, %dma_start3A_129] : memref<10240x128xf32, #tpu.memory_space<vmem_shared>> -> memref<128x128xf32, #tpu.memory_space<vmem_shared>>
      tpu.enqueue_dma source(%arg8 : memref<128x128xf32, #tpu.memory_space<vmem>>) target(%dma_start3A_130 : memref<128x128xf32, #tpu.memory_space<vmem_shared>>) target_semaphore(%run_scoped3A : memref<!tpu.dma_semaphore, #tpu.memory_space<semaphore_mem>>)
      %dma_wait3A_131 = arith.constant 0 : i32
      %dma_wait3A_132 = tpu.memref_slice %arg10[%add3A_1, %dma_wait3A_131] : memref<10240x128xf32, #tpu.memory_space<vmem_shared>> -> memref<128x128xf32, #tpu.memory_space<vmem_shared>>
      %dma_wait3A_133 = arith.constant 0 : i32
      %dma_wait3A_134 = tpu.memref_slice %arg10[%add3A_1, %dma_wait3A_133] : memref<10240x128xf32, #tpu.memory_space<vmem_shared>> -> memref<128x128xf32, #tpu.memory_space<vmem_shared>>
      tpu.wait_dma2 semaphore(%run_scoped3A : memref<!tpu.dma_semaphore, #tpu.memory_space<semaphore_mem>>) src(%arg8 : memref<128x128xf32, #tpu.memory_space<vmem>>) dst(%dma_wait3A_134 : memref<128x128xf32, #tpu.memory_space<vmem_shared>>)
      tpu.yield
    }) : () -> ()
    %mul3A_2 = arith.constant 640 : i32
    %mul3A_3 = arith.muli %arg1, %mul3A_2 : i32
    %add3A_4 = arith.constant 128 : i32
    %add3A_5 = arith.addi %mul3A_3, %add3A_4 : i32
    "tpu.region"() ({
      %run_scoped3A = tpu.sem_alloc : memref<!tpu.dma_semaphore, #tpu.memory_space<semaphore_mem>>
      %dma_start3A_127 = arith.constant 0 : i32
      %dma_start3A_128 = tpu.memref_slice %arg10[%add3A_5, %dma_start3A_127] : memref<10240x128xf32, #tpu.memory_space<vmem_shared>> -> memref<128x128xf32, #tpu.memory_space<vmem_shared>>
      %dma_start3A_129 = arith.constant 0 : i32
      %dma_start3A_130 = tpu.memref_slice %arg10[%add3A_5, %dma_start3A_129] : memref<10240x128xf32, #tpu.memory_space<vmem_shared>> -> memref<128x128xf32, #tpu.memory_space<vmem_shared>>
      tpu.enqueue_dma source(%arg8 : memref<128x128xf32, #tpu.memory_space<vmem>>) target(%dma_start3A_130 : memref<128x128xf32, #tpu.memory_space<vmem_shared>>) target_semaphore(%run_scoped3A : memref<!tpu.dma_semaphore, #tpu.memory_space<semaphore_mem>>)
      %dma_wait3A_131 = arith.constant 0 : i32
      %dma_wait3A_132 = tpu.memref_slice %arg10[%add3A_5, %dma_wait3A_131] : memref<10240x128xf32, #tpu.memory_space<vmem_shared>> -> memref<128x128xf32, #tpu.memory_space<vmem_shared>>
      %dma_wait3A_133 = arith.constant 0 : i32
      %dma_wait3A_134 = tpu.memref_slice %arg10[%add3A_5, %dma_wait3A_133] : memref<10240x128xf32, #tpu.memory_space<vmem_shared>> -> memref<128x128xf32, #tpu.memory_space<vmem_shared>>
      tpu.wait_dma2 semaphore(%run_scoped3A : memref<!tpu.dma_semaphore, #tpu.memory_space<semaphore_mem>>) src(%arg8 : memref<128x128xf32, #tpu.memory_space<vmem>>) dst(%dma_wait3A_134 : memref<128x128xf32, #tpu.memory_space<vmem_shared>>)
      tpu.yield
    }) : () -> ()
    %mul3A_6 = arith.constant 640 : i32
    %mul3A_7 = arith.muli %arg1, %mul3A_6 : i32
    %add3A_8 = arith.constant 256 : i32
    %add3A_9 = arith.addi %mul3A_7, %add3A_8 : i32
    "tpu.region"() ({
      %run_scoped3A = tpu.sem_alloc : memref<!tpu.dma_semaphore, #tpu.memory_space<semaphore_mem>>
      %dma_start3A_127 = arith.constant 0 : i32
      %dma_start3A_128 = tpu.memref_slice %arg10[%add3A_9, %dma_start3A_127] : memref<10240x128xf32, #tpu.memory_space<vmem_shared>> -> memref<128x128xf32, #tpu.memory_space<vmem_shared>>
      %dma_start3A_129 = arith.constant 0 : i32
      %dma_start3A_130 = tpu.memref_slice %arg10[%add3A_9, %dma_start3A_129] : memref<10240x128xf32, #tpu.memory_space<vmem_shared>> -> memref<128x128xf32, #tpu.memory_space<vmem_shared>>
      tpu.enqueue_dma source(%arg8 : memref<128x128xf32, #tpu.memory_space<vmem>>) target(%dma_start3A_130 : memref<128x128xf32, #tpu.memory_space<vmem_shared>>) target_semaphore(%run_scoped3A : memref<!tpu.dma_semaphore, #tpu.memory_space<semaphore_mem>>)
      %dma_wait3A_131 = arith.constant 0 : i32
      %dma_wait3A_132 = tpu.memref_slice %arg10[%add3A_9, %dma_wait3A_131] : memref<10240x128xf32, #tpu.memory_space<vmem_shared>> -> memref<128x128xf32, #tpu.memory_space<vmem_shared>>
      %dma_wait3A_133 = arith.constant 0 : i32
      %dma_wait3A_134 = tpu.memref_slice %arg10[%add3A_9, %dma_wait3A_133] : memref<10240x128xf32, #tpu.memory_space<vmem_shared>> -> memref<128x128xf32, #tpu.memory_space<vmem_shared>>
      tpu.wait_dma2 semaphore(%run_scoped3A : memref<!tpu.dma_semaphore, #tpu.memory_space<semaphore_mem>>) src(%arg8 : memref<128x128xf32, #tpu.memory_space<vmem>>) dst(%dma_wait3A_134 : memref<128x128xf32, #tpu.memory_space<vmem_shared>>)
      tpu.yield
    }) : () -> ()
    %mul3A_10 = arith.constant 640 : i32
    %mul3A_11 = arith.muli %arg1, %mul3A_10 : i32
    %add3A_12 = arith.constant 384 : i32
    %add3A_13 = arith.addi %mul3A_11, %add3A_12 : i32
    "tpu.region"() ({
      %run_scoped3A = tpu.sem_alloc : memref<!tpu.dma_semaphore, #tpu.memory_space<semaphore_mem>>
      %dma_start3A_127 = arith.constant 0 : i32
      %dma_start3A_128 = tpu.memref_slice %arg10[%add3A_13, %dma_start3A_127] : memref<10240x128xf32, #tpu.memory_space<vmem_shared>> -> memref<128x128xf32, #tpu.memory_space<vmem_shared>>
      %dma_start3A_129 = arith.constant 0 : i32
      %dma_start3A_130 = tpu.memref_slice %arg10[%add3A_13, %dma_start3A_129] : memref<10240x128xf32, #tpu.memory_space<vmem_shared>> -> memref<128x128xf32, #tpu.memory_space<vmem_shared>>
      tpu.enqueue_dma source(%arg8 : memref<128x128xf32, #tpu.memory_space<vmem>>) target(%dma_start3A_130 : memref<128x128xf32, #tpu.memory_space<vmem_shared>>) target_semaphore(%run_scoped3A : memref<!tpu.dma_semaphore, #tpu.memory_space<semaphore_mem>>)
      %dma_wait3A_131 = arith.constant 0 : i32
      %dma_wait3A_132 = tpu.memref_slice %arg10[%add3A_13, %dma_wait3A_131] : memref<10240x128xf32, #tpu.memory_space<vmem_shared>> -> memref<128x128xf32, #tpu.memory_space<vmem_shared>>
      %dma_wait3A_133 = arith.constant 0 : i32
      %dma_wait3A_134 = tpu.memref_slice %arg10[%add3A_13, %dma_wait3A_133] : memref<10240x128xf32, #tpu.memory_space<vmem_shared>> -> memref<128x128xf32, #tpu.memory_space<vmem_shared>>
      tpu.wait_dma2 semaphore(%run_scoped3A : memref<!tpu.dma_semaphore, #tpu.memory_space<semaphore_mem>>) src(%arg8 : memref<128x128xf32, #tpu.memory_space<vmem>>) dst(%dma_wait3A_134 : memref<128x128xf32, #tpu.memory_space<vmem_shared>>)
      tpu.yield
    }) : () -> ()
    %mul3A_14 = arith.constant 640 : i32
    %mul3A_15 = arith.muli %arg1, %mul3A_14 : i32
    %add3A_16 = arith.constant 512 : i32
    %add3A_17 = arith.addi %mul3A_15, %add3A_16 : i32
    "tpu.region"() ({
      %run_scoped3A = tpu.sem_alloc : memref<!tpu.dma_semaphore, #tpu.memory_space<semaphore_mem>>
      %dma_start3A_127 = arith.constant 0 : i32
      %dma_start3A_128 = tpu.memref_slice %arg10[%add3A_17, %dma_start3A_127] : memref<10240x128xf32, #tpu.memory_space<vmem_shared>> -> memref<128x128xf32, #tpu.memory_space<vmem_shared>>
      %dma_start3A_129 = arith.constant 0 : i32
      %dma_start3A_130 = tpu.memref_slice %arg10[%add3A_17, %dma_start3A_129] : memref<10240x128xf32, #tpu.memory_space<vmem_shared>> -> memref<128x128xf32, #tpu.memory_space<vmem_shared>>
      tpu.enqueue_dma source(%arg8 : memref<128x128xf32, #tpu.memory_space<vmem>>) target(%dma_start3A_130 : memref<128x128xf32, #tpu.memory_space<vmem_shared>>) target_semaphore(%run_scoped3A : memref<!tpu.dma_semaphore, #tpu.memory_space<semaphore_mem>>)
      %dma_wait3A_131 = arith.constant 0 : i32
      %dma_wait3A_132 = tpu.memref_slice %arg10[%add3A_17, %dma_wait3A_131] : memref<10240x128xf32, #tpu.memory_space<vmem_shared>> -> memref<128x128xf32, #tpu.memory_space<vmem_shared>>
      %dma_wait3A_133 = arith.constant 0 : i32
      %dma_wait3A_134 = tpu.memref_slice %arg10[%add3A_17, %dma_wait3A_133] : memref<10240x128xf32, #tpu.memory_space<vmem_shared>> -> memref<128x128xf32, #tpu.memory_space<vmem_shared>>
      tpu.wait_dma2 semaphore(%run_scoped3A : memref<!tpu.dma_semaphore, #tpu.memory_space<semaphore_mem>>) src(%arg8 : memref<128x128xf32, #tpu.memory_space<vmem>>) dst(%dma_wait3A_134 : memref<128x128xf32, #tpu.memory_space<vmem_shared>>)
      tpu.yield
    }) : () -> ()
    %barrier3A = arith.constant 0 : index
    tpu.barrier barrier_id(%barrier3A)
    %eq3A = arith.constant 0 : i32
    %eq3A_18 = arith.cmpi eq, %arg0, %eq3A : i32
    %jit3A = arith.constant 124 : i32
    %jit3A_19 = arith.constant 34 : i32
    %select_n3A = arith.select %eq3A_18, %jit3A, %jit3A_19 : i32
    %eq3A_20 = arith.constant 0 : i32
    %eq3A_21 = arith.cmpi eq, %arg0, %eq3A_20 : i32
    %mul3A_22 = arith.constant 124 : i32
    %mul3A_23 = arith.muli %arg1, %mul3A_22 : i32
    %mul3A_24 = arith.constant 34 : i32
    %mul3A_25 = arith.muli %arg1, %mul3A_24 : i32
    %add3A_26 = arith.constant 1984 : i32
    %add3A_27 = arith.addi %add3A_26, %mul3A_25 : i32
    %select_n3A_28 = arith.select %eq3A_21, %mul3A_23, %add3A_27 : i32
    %add3A_29 = arith.addi %select_n3A_28, %select_n3A : i32
    %sub3A = arith.constant 1 : i32
    %sub3A_30 = arith.subi %add3A_29, %sub3A : i32
    "tpu.region"() ({
      %run_scoped3A = tpu.sem_alloc : memref<!tpu.dma_semaphore, #tpu.memory_space<semaphore_mem>>
      %dma_start3A_127 = arith.constant 0 : i32
      %dma_start3A_128 = arith.constant 0 : i32
      %dma_start3A_129 = tpu.memref_slice %arg3[%select_n3A_28, %dma_start3A_127, %dma_start3A_128] : memref<2528x2x128xi32, #tpu.memory_space<hbm>> -> memref<1x2x128xi32, #tpu.memory_space<hbm>>
      %dma_start3A_130 = tpu.memref_squeeze %dma_start3A_129 : memref<1x2x128xi32, #tpu.memory_space<hbm>> -> memref<2x128xi32, #tpu.memory_space<hbm>>
      %dma_start3A_131 = arith.constant 0 : i32
      %dma_start3A_132 = arith.constant 0 : i32
      %dma_start3A_133 = tpu.memref_slice %arg3[%select_n3A_28, %dma_start3A_131, %dma_start3A_132] : memref<2528x2x128xi32, #tpu.memory_space<hbm>> -> memref<1x2x128xi32, #tpu.memory_space<hbm>>
      %dma_start3A_134 = tpu.memref_squeeze %dma_start3A_133 : memref<1x2x128xi32, #tpu.memory_space<hbm>> -> memref<2x128xi32, #tpu.memory_space<hbm>>
      tpu.enqueue_dma source(%dma_start3A_134 : memref<2x128xi32, #tpu.memory_space<hbm>>) target(%arg6 : memref<2x128xi32, #tpu.memory_space<vmem>>) target_semaphore(%run_scoped3A : memref<!tpu.dma_semaphore, #tpu.memory_space<semaphore_mem>>)
      %dma_wait3A_135 = arith.constant 0 : i32
      %dma_wait3A_136 = arith.constant 0 : i32
      %dma_wait3A_137 = tpu.memref_slice %arg3[%select_n3A_28, %dma_wait3A_135, %dma_wait3A_136] : memref<2528x2x128xi32, #tpu.memory_space<hbm>> -> memref<1x2x128xi32, #tpu.memory_space<hbm>>
      %dma_wait3A_138 = tpu.memref_squeeze %dma_wait3A_137 : memref<1x2x128xi32, #tpu.memory_space<hbm>> -> memref<2x128xi32, #tpu.memory_space<hbm>>
      %dma_wait3A_139 = arith.constant 0 : i32
      %dma_wait3A_140 = arith.constant 0 : i32
      %dma_wait3A_141 = tpu.memref_slice %arg3[%select_n3A_28, %dma_wait3A_139, %dma_wait3A_140] : memref<2528x2x128xi32, #tpu.memory_space<hbm>> -> memref<1x2x128xi32, #tpu.memory_space<hbm>>
      %dma_wait3A_142 = tpu.memref_squeeze %dma_wait3A_141 : memref<1x2x128xi32, #tpu.memory_space<hbm>> -> memref<2x128xi32, #tpu.memory_space<hbm>>
      tpu.wait_dma2 semaphore(%run_scoped3A : memref<!tpu.dma_semaphore, #tpu.memory_space<semaphore_mem>>) src(%dma_wait3A_142 : memref<2x128xi32, #tpu.memory_space<hbm>>) dst(%arg6 : memref<2x128xi32, #tpu.memory_space<vmem>>)
      tpu.yield
    }) : () -> ()
    %dma_start3A = arith.constant 0 : i32
    %dma_start3A_31 = arith.constant 0 : i32
    %dma_start3A_32 = tpu.memref_slice %arg6[%dma_start3A, %dma_start3A_31] : memref<2x128xi32, #tpu.memory_space<vmem>> -> memref<1x128xi32, #tpu.memory_space<vmem>>
    %dma_start3A_33 = tpu.memref_squeeze %dma_start3A_32 : memref<1x128xi32, #tpu.memory_space<vmem>> -> memref<128xi32, #tpu.memory_space<vmem>>
    %dma_start3A_34 = arith.constant 0 : i32
    %dma_start3A_35 = arith.constant 0 : i32
    %dma_start3A_36 = tpu.memref_slice %arg2[%dma_start3A_34, %dma_start3A_35] : memref<10240x128xf32, #tpu.memory_space<hbm>> -> memref<10240x128xf32, #tpu.memory_space<hbm>>
    tpu.enqueue_indirect_dma source(%dma_start3A_36 : memref<10240x128xf32, #tpu.memory_space<hbm>>) target(%arg8 : memref<128x128xf32, #tpu.memory_space<vmem>>) offsets(%dma_start3A_33 : memref<128xi32, #tpu.memory_space<vmem>>) semaphore(%arg13 : memref<!tpu.dma_semaphore, #tpu.memory_space<semaphore_mem>>)
    %add3A_37 = arith.constant 1 : i32
    %add3A_38 = arith.addi %select_n3A_28, %add3A_37 : i32
    %dma_start3A_39 = arith.constant 0 : i32
    %dma_start3A_40 = arith.constant 0 : i32
    %dma_start3A_41 = tpu.memref_slice %arg3[%add3A_38, %dma_start3A_39, %dma_start3A_40] : memref<2528x2x128xi32, #tpu.memory_space<hbm>> -> memref<1x2x128xi32, #tpu.memory_space<hbm>>
    %dma_start3A_42 = tpu.memref_squeeze %dma_start3A_41 : memref<1x2x128xi32, #tpu.memory_space<hbm>> -> memref<2x128xi32, #tpu.memory_space<hbm>>
    %dma_start3A_43 = arith.constant 0 : i32
    %dma_start3A_44 = arith.constant 0 : i32
    %dma_start3A_45 = tpu.memref_slice %arg3[%add3A_38, %dma_start3A_43, %dma_start3A_44] : memref<2528x2x128xi32, #tpu.memory_space<hbm>> -> memref<1x2x128xi32, #tpu.memory_space<hbm>>
    %dma_start3A_46 = tpu.memref_squeeze %dma_start3A_45 : memref<1x2x128xi32, #tpu.memory_space<hbm>> -> memref<2x128xi32, #tpu.memory_space<hbm>>
    tpu.enqueue_dma source(%dma_start3A_46 : memref<2x128xi32, #tpu.memory_space<hbm>>) target(%arg7 : memref<2x128xi32, #tpu.memory_space<vmem>>) target_semaphore(%arg12 : memref<!tpu.dma_semaphore, #tpu.memory_space<semaphore_mem>>)
    %jit3A_47 = arith.constant 2 : i32
    %div3A = arith.divsi %select_n3A, %jit3A_47 : i32
    %sign3A = arith.constant 0 : i32
    %sign3A_48 = arith.cmpi sgt, %select_n3A, %sign3A : i32
    %sign3A_49 = arith.extui %sign3A_48 : i1 to i32
    %sign3A_50 = arith.constant 0 : i32
    %sign3A_51 = arith.cmpi slt, %select_n3A, %sign3A_50 : i32
    %sign3A_52 = arith.extui %sign3A_51 : i1 to i32
    %sign3A_53 = arith.subi %sign3A_49, %sign3A_52 : i32
    %sign3A_54 = arith.constant 0 : i32
    %sign3A_55 = arith.cmpi sgt, %jit3A_47, %sign3A_54 : i32
    %sign3A_56 = arith.extui %sign3A_55 : i1 to i32
    %sign3A_57 = arith.constant 0 : i32
    %sign3A_58 = arith.cmpi slt, %jit3A_47, %sign3A_57 : i32
    %sign3A_59 = arith.extui %sign3A_58 : i1 to i32
    %sign3A_60 = arith.subi %sign3A_56, %sign3A_59 : i32
    %ne3A = arith.cmpi ne, %sign3A_53, %sign3A_60 : i32
    %rem3A = arith.remsi %select_n3A, %jit3A_47 : i32
    %ne3A_61 = arith.constant 0 : i32
    %ne3A_62 = arith.cmpi ne, %rem3A, %ne3A_61 : i32
    %and3A = arith.andi %ne3A, %ne3A_62 : i1
    %sub3A_63 = arith.constant 1 : i32
    %sub3A_64 = arith.subi %div3A, %sub3A_63 : i32
    %select_n3A_65 = arith.select %and3A, %sub3A_64, %div3A : i32
    %while3A = arith.constant 0 : i32
    %while3A_66 = arith.constant 0 : i32
    %while3A_67 = arith.subi %select_n3A_65, %while3A_66 : i32
    %while3A_68 = arith.addi %while3A_66, %while3A_67 : i32
    %while3A_69 = arith.constant 1 : i32
    %while3A_70 = arith.divsi %while3A_67, %while3A_69 : i32
    %while3A_71 = arith.muli %while3A_70, %while3A_69 : i32
    %while3A_72 = arith.addi %while3A_66, %while3A_71 : i32
    %while3A_73 = arith.constant 1 : i32
    scf.for %while3A_127 = %while3A_66 to %while3A_72 step %while3A_73  : i32 {
      %mul3A_128 = arith.constant 2 : i32
      %mul3A_129 = arith.muli %mul3A_128, %while3A_127 : i32
      %add3A_130 = arith.addi %select_n3A_28, %mul3A_129 : i32
      %add3A_131 = arith.constant 0 : i32
      %add3A_132 = arith.addi %add3A_130, %add3A_131 : i32
      %add3A_133 = arith.constant 1 : i32
      %add3A_134 = arith.addi %add3A_132, %add3A_133 : i32
      %min3A = arith.minsi %add3A_134, %sub3A_30 : i32
      %add3A_135 = arith.constant 0 : i32
      %add3A_136 = arith.addi %add3A_130, %add3A_135 : i32
      %add3A_137 = arith.constant 2 : i32
      %add3A_138 = arith.addi %add3A_136, %add3A_137 : i32
      %min3A_139 = arith.minsi %add3A_138, %sub3A_30 : i32
      %dma_wait3A_140 = arith.constant 0 : i32
      %dma_wait3A_141 = arith.constant 0 : i32
      %dma_wait3A_142 = tpu.memref_slice %arg3[%min3A, %dma_wait3A_140, %dma_wait3A_141] : memref<2528x2x128xi32, #tpu.memory_space<hbm>> -> memref<1x2x128xi32, #tpu.memory_space<hbm>>
      %dma_wait3A_143 = tpu.memref_squeeze %dma_wait3A_142 : memref<1x2x128xi32, #tpu.memory_space<hbm>> -> memref<2x128xi32, #tpu.memory_space<hbm>>
      %dma_wait3A_144 = arith.constant 0 : i32
      %dma_wait3A_145 = arith.constant 0 : i32
      %dma_wait3A_146 = tpu.memref_slice %arg3[%min3A, %dma_wait3A_144, %dma_wait3A_145] : memref<2528x2x128xi32, #tpu.memory_space<hbm>> -> memref<1x2x128xi32, #tpu.memory_space<hbm>>
      %dma_wait3A_147 = tpu.memref_squeeze %dma_wait3A_146 : memref<1x2x128xi32, #tpu.memory_space<hbm>> -> memref<2x128xi32, #tpu.memory_space<hbm>>
      tpu.wait_dma2 semaphore(%arg12 : memref<!tpu.dma_semaphore, #tpu.memory_space<semaphore_mem>>) src(%dma_wait3A_147 : memref<2x128xi32, #tpu.memory_space<hbm>>) dst(%arg7 : memref<2x128xi32, #tpu.memory_space<vmem>>)
      %dma_start3A_148 = arith.constant 0 : i32
      %dma_start3A_149 = arith.constant 0 : i32
      %dma_start3A_150 = tpu.memref_slice %arg7[%dma_start3A_148, %dma_start3A_149] : memref<2x128xi32, #tpu.memory_space<vmem>> -> memref<1x128xi32, #tpu.memory_space<vmem>>
      %dma_start3A_151 = tpu.memref_squeeze %dma_start3A_150 : memref<1x128xi32, #tpu.memory_space<vmem>> -> memref<128xi32, #tpu.memory_space<vmem>>
      %dma_start3A_152 = arith.constant 0 : i32
      %dma_start3A_153 = arith.constant 0 : i32
      %dma_start3A_154 = tpu.memref_slice %arg2[%dma_start3A_152, %dma_start3A_153] : memref<10240x128xf32, #tpu.memory_space<hbm>> -> memref<10240x128xf32, #tpu.memory_space<hbm>>
      tpu.enqueue_indirect_dma source(%dma_start3A_154 : memref<10240x128xf32, #tpu.memory_space<hbm>>) target(%arg9 : memref<128x128xf32, #tpu.memory_space<vmem>>) offsets(%dma_start3A_151 : memref<128xi32, #tpu.memory_space<vmem>>) semaphore(%arg14 : memref<!tpu.dma_semaphore, #tpu.memory_space<semaphore_mem>>)
      %dma_wait3A_155 = arith.constant 0 : i32
      %dma_wait3A_156 = arith.constant 0 : i32
      %dma_wait3A_157 = tpu.memref_slice %arg6[%dma_wait3A_155, %dma_wait3A_156] : memref<2x128xi32, #tpu.memory_space<vmem>> -> memref<1x128xi32, #tpu.memory_space<vmem>>
      %dma_wait3A_158 = tpu.memref_squeeze %dma_wait3A_157 : memref<1x128xi32, #tpu.memory_space<vmem>> -> memref<128xi32, #tpu.memory_space<vmem>>
      %dma_wait3A_159 = arith.constant 0 : i32
      %dma_wait3A_160 = arith.constant 0 : i32
      %dma_wait3A_161 = tpu.memref_slice %arg2[%dma_wait3A_159, %dma_wait3A_160] : memref<10240x128xf32, #tpu.memory_space<hbm>> -> memref<10240x128xf32, #tpu.memory_space<hbm>>
      tpu.wait_indirect_dma semaphore(%arg13 : memref<!tpu.dma_semaphore, #tpu.memory_space<semaphore_mem>>) src(%dma_wait3A_161 : memref<10240x128xf32, #tpu.memory_space<hbm>>) dst(%arg8 : memref<128x128xf32, #tpu.memory_space<vmem>>)
      %run_scoped3A = arith.constant 1 : i32
      "tpu.region"() ({
        %run_scoped3A_211 = tpu.sem_alloc : memref<!tpu.dma_semaphore, #tpu.memory_space<semaphore_mem>>
        %dma_start3A_212 = arith.constant 0 : i32
        %dma_start3A_213 = tpu.memref_slice %arg6[%run_scoped3A, %dma_start3A_212] : memref<2x128xi32, #tpu.memory_space<vmem>> -> memref<1x128xi32, #tpu.memory_space<vmem>>
        %dma_start3A_214 = tpu.memref_squeeze %dma_start3A_213 : memref<1x128xi32, #tpu.memory_space<vmem>> -> memref<128xi32, #tpu.memory_space<vmem>>
        %dma_start3A_215 = arith.constant 0 : i32
        %dma_start3A_216 = arith.constant 0 : i32
        %dma_start3A_217 = tpu.memref_slice %arg10[%dma_start3A_215, %dma_start3A_216] : memref<10240x128xf32, #tpu.memory_space<vmem_shared>> -> memref<10240x128xf32, #tpu.memory_space<vmem_shared>>
        tpu.enqueue_indirect_dma source(%arg8 : memref<128x128xf32, #tpu.memory_space<vmem>>) target(%dma_start3A_217 : memref<10240x128xf32, #tpu.memory_space<vmem_shared>>) offsets(%dma_start3A_214 : memref<128xi32, #tpu.memory_space<vmem>>) semaphore(%run_scoped3A_211 : memref<!tpu.dma_semaphore, #tpu.memory_space<semaphore_mem>>) {add = true}
        %dma_wait3A_218 = arith.constant 0 : i32
        %dma_wait3A_219 = tpu.memref_slice %arg6[%run_scoped3A, %dma_wait3A_218] : memref<2x128xi32, #tpu.memory_space<vmem>> -> memref<1x128xi32, #tpu.memory_space<vmem>>
        %dma_wait3A_220 = tpu.memref_squeeze %dma_wait3A_219 : memref<1x128xi32, #tpu.memory_space<vmem>> -> memref<128xi32, #tpu.memory_space<vmem>>
        %dma_wait3A_221 = arith.constant 0 : i32
        %dma_wait3A_222 = arith.constant 0 : i32
        %dma_wait3A_223 = tpu.memref_slice %arg10[%dma_wait3A_221, %dma_wait3A_222] : memref<10240x128xf32, #tpu.memory_space<vmem_shared>> -> memref<10240x128xf32, #tpu.memory_space<vmem_shared>>
        tpu.wait_indirect_dma semaphore(%run_scoped3A_211 : memref<!tpu.dma_semaphore, #tpu.memory_space<semaphore_mem>>) src(%arg8 : memref<128x128xf32, #tpu.memory_space<vmem>>) dst(%dma_wait3A_223 : memref<10240x128xf32, #tpu.memory_space<vmem_shared>>)
        tpu.yield
      }) : () -> ()
      %dma_start3A_162 = arith.constant 0 : i32
      %dma_start3A_163 = arith.constant 0 : i32
      %dma_start3A_164 = tpu.memref_slice %arg3[%min3A_139, %dma_start3A_162, %dma_start3A_163] : memref<2528x2x128xi32, #tpu.memory_space<hbm>> -> memref<1x2x128xi32, #tpu.memory_space<hbm>>
      %dma_start3A_165 = tpu.memref_squeeze %dma_start3A_164 : memref<1x2x128xi32, #tpu.memory_space<hbm>> -> memref<2x128xi32, #tpu.memory_space<hbm>>
      %dma_start3A_166 = arith.constant 0 : i32
      %dma_start3A_167 = arith.constant 0 : i32
      %dma_start3A_168 = tpu.memref_slice %arg3[%min3A_139, %dma_start3A_166, %dma_start3A_167] : memref<2528x2x128xi32, #tpu.memory_space<hbm>> -> memref<1x2x128xi32, #tpu.memory_space<hbm>>
      %dma_start3A_169 = tpu.memref_squeeze %dma_start3A_168 : memref<1x2x128xi32, #tpu.memory_space<hbm>> -> memref<2x128xi32, #tpu.memory_space<hbm>>
      tpu.enqueue_dma source(%dma_start3A_169 : memref<2x128xi32, #tpu.memory_space<hbm>>) target(%arg6 : memref<2x128xi32, #tpu.memory_space<vmem>>) target_semaphore(%arg11 : memref<!tpu.dma_semaphore, #tpu.memory_space<semaphore_mem>>)
      %add3A_170 = arith.constant 1 : i32
      %add3A_171 = arith.addi %add3A_130, %add3A_170 : i32
      %add3A_172 = arith.constant 1 : i32
      %add3A_173 = arith.addi %add3A_171, %add3A_172 : i32
      %min3A_174 = arith.minsi %add3A_173, %sub3A_30 : i32
      %add3A_175 = arith.constant 1 : i32
      %add3A_176 = arith.addi %add3A_130, %add3A_175 : i32
      %add3A_177 = arith.constant 2 : i32
      %add3A_178 = arith.addi %add3A_176, %add3A_177 : i32
      %min3A_179 = arith.minsi %add3A_178, %sub3A_30 : i32
      %dma_wait3A_180 = arith.constant 0 : i32
      %dma_wait3A_181 = arith.constant 0 : i32
      %dma_wait3A_182 = tpu.memref_slice %arg3[%min3A_174, %dma_wait3A_180, %dma_wait3A_181] : memref<2528x2x128xi32, #tpu.memory_space<hbm>> -> memref<1x2x128xi32, #tpu.memory_space<hbm>>
      %dma_wait3A_183 = tpu.memref_squeeze %dma_wait3A_182 : memref<1x2x128xi32, #tpu.memory_space<hbm>> -> memref<2x128xi32, #tpu.memory_space<hbm>>
      %dma_wait3A_184 = arith.constant 0 : i32
      %dma_wait3A_185 = arith.constant 0 : i32
      %dma_wait3A_186 = tpu.memref_slice %arg3[%min3A_174, %dma_wait3A_184, %dma_wait3A_185] : memref<2528x2x128xi32, #tpu.memory_space<hbm>> -> memref<1x2x128xi32, #tpu.memory_space<hbm>>
      %dma_wait3A_187 = tpu.memref_squeeze %dma_wait3A_186 : memref<1x2x128xi32, #tpu.memory_space<hbm>> -> memref<2x128xi32, #tpu.memory_space<hbm>>
      tpu.wait_dma2 semaphore(%arg11 : memref<!tpu.dma_semaphore, #tpu.memory_space<semaphore_mem>>) src(%dma_wait3A_187 : memref<2x128xi32, #tpu.memory_space<hbm>>) dst(%arg6 : memref<2x128xi32, #tpu.memory_space<vmem>>)
      %dma_start3A_188 = arith.constant 0 : i32
      %dma_start3A_189 = arith.constant 0 : i32
      %dma_start3A_190 = tpu.memref_slice %arg6[%dma_start3A_188, %dma_start3A_189] : memref<2x128xi32, #tpu.memory_space<vmem>> -> memref<1x128xi32, #tpu.memory_space<vmem>>
      %dma_start3A_191 = tpu.memref_squeeze %dma_start3A_190 : memref<1x128xi32, #tpu.memory_space<vmem>> -> memref<128xi32, #tpu.memory_space<vmem>>
      %dma_start3A_192 = arith.constant 0 : i32
      %dma_start3A_193 = arith.constant 0 : i32
      %dma_start3A_194 = tpu.memref_slice %arg2[%dma_start3A_192, %dma_start3A_193] : memref<10240x128xf32, #tpu.memory_space<hbm>> -> memref<10240x128xf32, #tpu.memory_space<hbm>>
      tpu.enqueue_indirect_dma source(%dma_start3A_194 : memref<10240x128xf32, #tpu.memory_space<hbm>>) target(%arg8 : memref<128x128xf32, #tpu.memory_space<vmem>>) offsets(%dma_start3A_191 : memref<128xi32, #tpu.memory_space<vmem>>) semaphore(%arg13 : memref<!tpu.dma_semaphore, #tpu.memory_space<semaphore_mem>>)
      %dma_wait3A_195 = arith.constant 0 : i32
      %dma_wait3A_196 = arith.constant 0 : i32
      %dma_wait3A_197 = tpu.memref_slice %arg7[%dma_wait3A_195, %dma_wait3A_196] : memref<2x128xi32, #tpu.memory_space<vmem>> -> memref<1x128xi32, #tpu.memory_space<vmem>>
      %dma_wait3A_198 = tpu.memref_squeeze %dma_wait3A_197 : memref<1x128xi32, #tpu.memory_space<vmem>> -> memref<128xi32, #tpu.memory_space<vmem>>
      %dma_wait3A_199 = arith.constant 0 : i32
      %dma_wait3A_200 = arith.constant 0 : i32
      %dma_wait3A_201 = tpu.memref_slice %arg2[%dma_wait3A_199, %dma_wait3A_200] : memref<10240x128xf32, #tpu.memory_space<hbm>> -> memref<10240x128xf32, #tpu.memory_space<hbm>>
      tpu.wait_indirect_dma semaphore(%arg14 : memref<!tpu.dma_semaphore, #tpu.memory_space<semaphore_mem>>) src(%dma_wait3A_201 : memref<10240x128xf32, #tpu.memory_space<hbm>>) dst(%arg9 : memref<128x128xf32, #tpu.memory_space<vmem>>)
      %run_scoped3A_202 = arith.constant 1 : i32
      "tpu.region"() ({
        %run_scoped3A_211 = tpu.sem_alloc : memref<!tpu.dma_semaphore, #tpu.memory_space<semaphore_mem>>
        %dma_start3A_212 = arith.constant 0 : i32
        %dma_start3A_213 = tpu.memref_slice %arg7[%run_scoped3A_202, %dma_start3A_212] : memref<2x128xi32, #tpu.memory_space<vmem>> -> memref<1x128xi32, #tpu.memory_space<vmem>>
        %dma_start3A_214 = tpu.memref_squeeze %dma_start3A_213 : memref<1x128xi32, #tpu.memory_space<vmem>> -> memref<128xi32, #tpu.memory_space<vmem>>
        %dma_start3A_215 = arith.constant 0 : i32
        %dma_start3A_216 = arith.constant 0 : i32
        %dma_start3A_217 = tpu.memref_slice %arg10[%dma_start3A_215, %dma_start3A_216] : memref<10240x128xf32, #tpu.memory_space<vmem_shared>> -> memref<10240x128xf32, #tpu.memory_space<vmem_shared>>
        tpu.enqueue_indirect_dma source(%arg9 : memref<128x128xf32, #tpu.memory_space<vmem>>) target(%dma_start3A_217 : memref<10240x128xf32, #tpu.memory_space<vmem_shared>>) offsets(%dma_start3A_214 : memref<128xi32, #tpu.memory_space<vmem>>) semaphore(%run_scoped3A_211 : memref<!tpu.dma_semaphore, #tpu.memory_space<semaphore_mem>>) {add = true}
        %dma_wait3A_218 = arith.constant 0 : i32
        %dma_wait3A_219 = tpu.memref_slice %arg7[%run_scoped3A_202, %dma_wait3A_218] : memref<2x128xi32, #tpu.memory_space<vmem>> -> memref<1x128xi32, #tpu.memory_space<vmem>>
        %dma_wait3A_220 = tpu.memref_squeeze %dma_wait3A_219 : memref<1x128xi32, #tpu.memory_space<vmem>> -> memref<128xi32, #tpu.memory_space<vmem>>
        %dma_wait3A_221 = arith.constant 0 : i32
        %dma_wait3A_222 = arith.constant 0 : i32
        %dma_wait3A_223 = tpu.memref_slice %arg10[%dma_wait3A_221, %dma_wait3A_222] : memref<10240x128xf32, #tpu.memory_space<vmem_shared>> -> memref<10240x128xf32, #tpu.memory_space<vmem_shared>>
        tpu.wait_indirect_dma semaphore(%run_scoped3A_211 : memref<!tpu.dma_semaphore, #tpu.memory_space<semaphore_mem>>) src(%arg9 : memref<128x128xf32, #tpu.memory_space<vmem>>) dst(%dma_wait3A_223 : memref<10240x128xf32, #tpu.memory_space<vmem_shared>>)
        tpu.yield
      }) : () -> ()
      %dma_start3A_203 = arith.constant 0 : i32
      %dma_start3A_204 = arith.constant 0 : i32
      %dma_start3A_205 = tpu.memref_slice %arg3[%min3A_179, %dma_start3A_203, %dma_start3A_204] : memref<2528x2x128xi32, #tpu.memory_space<hbm>> -> memref<1x2x128xi32, #tpu.memory_space<hbm>>
      %dma_start3A_206 = tpu.memref_squeeze %dma_start3A_205 : memref<1x2x128xi32, #tpu.memory_space<hbm>> -> memref<2x128xi32, #tpu.memory_space<hbm>>
      %dma_start3A_207 = arith.constant 0 : i32
      %dma_start3A_208 = arith.constant 0 : i32
      %dma_start3A_209 = tpu.memref_slice %arg3[%min3A_179, %dma_start3A_207, %dma_start3A_208] : memref<2528x2x128xi32, #tpu.memory_space<hbm>> -> memref<1x2x128xi32, #tpu.memory_space<hbm>>
      %dma_start3A_210 = tpu.memref_squeeze %dma_start3A_209 : memref<1x2x128xi32, #tpu.memory_space<hbm>> -> memref<2x128xi32, #tpu.memory_space<hbm>>
      tpu.enqueue_dma source(%dma_start3A_210 : memref<2x128xi32, #tpu.memory_space<hbm>>) target(%arg7 : memref<2x128xi32, #tpu.memory_space<vmem>>) target_semaphore(%arg12 : memref<!tpu.dma_semaphore, #tpu.memory_space<semaphore_mem>>)
    }
    %while3A_74 = arith.constant 1 : i32
    scf.for %while3A_127 = %while3A_72 to %while3A_68 step %while3A_74  : i32 {
      %mul3A_128 = arith.constant 2 : i32
      %mul3A_129 = arith.muli %mul3A_128, %while3A_127 : i32
      %add3A_130 = arith.addi %select_n3A_28, %mul3A_129 : i32
      %add3A_131 = arith.constant 0 : i32
      %add3A_132 = arith.addi %add3A_130, %add3A_131 : i32
      %add3A_133 = arith.constant 1 : i32
      %add3A_134 = arith.addi %add3A_132, %add3A_133 : i32
      %min3A = arith.minsi %add3A_134, %sub3A_30 : i32
      %add3A_135 = arith.constant 0 : i32
      %add3A_136 = arith.addi %add3A_130, %add3A_135 : i32
      %add3A_137 = arith.constant 2 : i32
      %add3A_138 = arith.addi %add3A_136, %add3A_137 : i32
      %min3A_139 = arith.minsi %add3A_138, %sub3A_30 : i32
      %dma_wait3A_140 = arith.constant 0 : i32
      %dma_wait3A_141 = arith.constant 0 : i32
      %dma_wait3A_142 = tpu.memref_slice %arg3[%min3A, %dma_wait3A_140, %dma_wait3A_141] : memref<2528x2x128xi32, #tpu.memory_space<hbm>> -> memref<1x2x128xi32, #tpu.memory_space<hbm>>
      %dma_wait3A_143 = tpu.memref_squeeze %dma_wait3A_142 : memref<1x2x128xi32, #tpu.memory_space<hbm>> -> memref<2x128xi32, #tpu.memory_space<hbm>>
      %dma_wait3A_144 = arith.constant 0 : i32
      %dma_wait3A_145 = arith.constant 0 : i32
      %dma_wait3A_146 = tpu.memref_slice %arg3[%min3A, %dma_wait3A_144, %dma_wait3A_145] : memref<2528x2x128xi32, #tpu.memory_space<hbm>> -> memref<1x2x128xi32, #tpu.memory_space<hbm>>
      %dma_wait3A_147 = tpu.memref_squeeze %dma_wait3A_146 : memref<1x2x128xi32, #tpu.memory_space<hbm>> -> memref<2x128xi32, #tpu.memory_space<hbm>>
      tpu.wait_dma2 semaphore(%arg12 : memref<!tpu.dma_semaphore, #tpu.memory_space<semaphore_mem>>) src(%dma_wait3A_147 : memref<2x128xi32, #tpu.memory_space<hbm>>) dst(%arg7 : memref<2x128xi32, #tpu.memory_space<vmem>>)
      %dma_start3A_148 = arith.constant 0 : i32
      %dma_start3A_149 = arith.constant 0 : i32
      %dma_start3A_150 = tpu.memref_slice %arg7[%dma_start3A_148, %dma_start3A_149] : memref<2x128xi32, #tpu.memory_space<vmem>> -> memref<1x128xi32, #tpu.memory_space<vmem>>
      %dma_start3A_151 = tpu.memref_squeeze %dma_start3A_150 : memref<1x128xi32, #tpu.memory_space<vmem>> -> memref<128xi32, #tpu.memory_space<vmem>>
      %dma_start3A_152 = arith.constant 0 : i32
      %dma_start3A_153 = arith.constant 0 : i32
      %dma_start3A_154 = tpu.memref_slice %arg2[%dma_start3A_152, %dma_start3A_153] : memref<10240x128xf32, #tpu.memory_space<hbm>> -> memref<10240x128xf32, #tpu.memory_space<hbm>>
      tpu.enqueue_indirect_dma source(%dma_start3A_154 : memref<10240x128xf32, #tpu.memory_space<hbm>>) target(%arg9 : memref<128x128xf32, #tpu.memory_space<vmem>>) offsets(%dma_start3A_151 : memref<128xi32, #tpu.memory_space<vmem>>) semaphore(%arg14 : memref<!tpu.dma_semaphore, #tpu.memory_space<semaphore_mem>>)
      %dma_wait3A_155 = arith.constant 0 : i32
      %dma_wait3A_156 = arith.constant 0 : i32
      %dma_wait3A_157 = tpu.memref_slice %arg6[%dma_wait3A_155, %dma_wait3A_156] : memref<2x128xi32, #tpu.memory_space<vmem>> -> memref<1x128xi32, #tpu.memory_space<vmem>>
      %dma_wait3A_158 = tpu.memref_squeeze %dma_wait3A_157 : memref<1x128xi32, #tpu.memory_space<vmem>> -> memref<128xi32, #tpu.memory_space<vmem>>
      %dma_wait3A_159 = arith.constant 0 : i32
      %dma_wait3A_160 = arith.constant 0 : i32
      %dma_wait3A_161 = tpu.memref_slice %arg2[%dma_wait3A_159, %dma_wait3A_160] : memref<10240x128xf32, #tpu.memory_space<hbm>> -> memref<10240x128xf32, #tpu.memory_space<hbm>>
      tpu.wait_indirect_dma semaphore(%arg13 : memref<!tpu.dma_semaphore, #tpu.memory_space<semaphore_mem>>) src(%dma_wait3A_161 : memref<10240x128xf32, #tpu.memory_space<hbm>>) dst(%arg8 : memref<128x128xf32, #tpu.memory_space<vmem>>)
      %run_scoped3A = arith.constant 1 : i32
      "tpu.region"() ({
        %run_scoped3A_211 = tpu.sem_alloc : memref<!tpu.dma_semaphore, #tpu.memory_space<semaphore_mem>>
        %dma_start3A_212 = arith.constant 0 : i32
        %dma_start3A_213 = tpu.memref_slice %arg6[%run_scoped3A, %dma_start3A_212] : memref<2x128xi32, #tpu.memory_space<vmem>> -> memref<1x128xi32, #tpu.memory_space<vmem>>
        %dma_start3A_214 = tpu.memref_squeeze %dma_start3A_213 : memref<1x128xi32, #tpu.memory_space<vmem>> -> memref<128xi32, #tpu.memory_space<vmem>>
        %dma_start3A_215 = arith.constant 0 : i32
        %dma_start3A_216 = arith.constant 0 : i32
        %dma_start3A_217 = tpu.memref_slice %arg10[%dma_start3A_215, %dma_start3A_216] : memref<10240x128xf32, #tpu.memory_space<vmem_shared>> -> memref<10240x128xf32, #tpu.memory_space<vmem_shared>>
        tpu.enqueue_indirect_dma source(%arg8 : memref<128x128xf32, #tpu.memory_space<vmem>>) target(%dma_start3A_217 : memref<10240x128xf32, #tpu.memory_space<vmem_shared>>) offsets(%dma_start3A_214 : memref<128xi32, #tpu.memory_space<vmem>>) semaphore(%run_scoped3A_211 : memref<!tpu.dma_semaphore, #tpu.memory_space<semaphore_mem>>) {add = true}
        %dma_wait3A_218 = arith.constant 0 : i32
        %dma_wait3A_219 = tpu.memref_slice %arg6[%run_scoped3A, %dma_wait3A_218] : memref<2x128xi32, #tpu.memory_space<vmem>> -> memref<1x128xi32, #tpu.memory_space<vmem>>
        %dma_wait3A_220 = tpu.memref_squeeze %dma_wait3A_219 : memref<1x128xi32, #tpu.memory_space<vmem>> -> memref<128xi32, #tpu.memory_space<vmem>>
        %dma_wait3A_221 = arith.constant 0 : i32
        %dma_wait3A_222 = arith.constant 0 : i32
        %dma_wait3A_223 = tpu.memref_slice %arg10[%dma_wait3A_221, %dma_wait3A_222] : memref<10240x128xf32, #tpu.memory_space<vmem_shared>> -> memref<10240x128xf32, #tpu.memory_space<vmem_shared>>
        tpu.wait_indirect_dma semaphore(%run_scoped3A_211 : memref<!tpu.dma_semaphore, #tpu.memory_space<semaphore_mem>>) src(%arg8 : memref<128x128xf32, #tpu.memory_space<vmem>>) dst(%dma_wait3A_223 : memref<10240x128xf32, #tpu.memory_space<vmem_shared>>)
        tpu.yield
      }) : () -> ()
      %dma_start3A_162 = arith.constant 0 : i32
      %dma_start3A_163 = arith.constant 0 : i32
      %dma_start3A_164 = tpu.memref_slice %arg3[%min3A_139, %dma_start3A_162, %dma_start3A_163] : memref<2528x2x128xi32, #tpu.memory_space<hbm>> -> memref<1x2x128xi32, #tpu.memory_space<hbm>>
      %dma_start3A_165 = tpu.memref_squeeze %dma_start3A_164 : memref<1x2x128xi32, #tpu.memory_space<hbm>> -> memref<2x128xi32, #tpu.memory_space<hbm>>
      %dma_start3A_166 = arith.constant 0 : i32
      %dma_start3A_167 = arith.constant 0 : i32
      %dma_start3A_168 = tpu.memref_slice %arg3[%min3A_139, %dma_start3A_166, %dma_start3A_167] : memref<2528x2x128xi32, #tpu.memory_space<hbm>> -> memref<1x2x128xi32, #tpu.memory_space<hbm>>
      %dma_start3A_169 = tpu.memref_squeeze %dma_start3A_168 : memref<1x2x128xi32, #tpu.memory_space<hbm>> -> memref<2x128xi32, #tpu.memory_space<hbm>>
      tpu.enqueue_dma source(%dma_start3A_169 : memref<2x128xi32, #tpu.memory_space<hbm>>) target(%arg6 : memref<2x128xi32, #tpu.memory_space<vmem>>) target_semaphore(%arg11 : memref<!tpu.dma_semaphore, #tpu.memory_space<semaphore_mem>>)
      %add3A_170 = arith.constant 1 : i32
      %add3A_171 = arith.addi %add3A_130, %add3A_170 : i32
      %add3A_172 = arith.constant 1 : i32
      %add3A_173 = arith.addi %add3A_171, %add3A_172 : i32
      %min3A_174 = arith.minsi %add3A_173, %sub3A_30 : i32
      %add3A_175 = arith.constant 1 : i32
      %add3A_176 = arith.addi %add3A_130, %add3A_175 : i32
      %add3A_177 = arith.constant 2 : i32
      %add3A_178 = arith.addi %add3A_176, %add3A_177 : i32
      %min3A_179 = arith.minsi %add3A_178, %sub3A_30 : i32
      %dma_wait3A_180 = arith.constant 0 : i32
      %dma_wait3A_181 = arith.constant 0 : i32
      %dma_wait3A_182 = tpu.memref_slice %arg3[%min3A_174, %dma_wait3A_180, %dma_wait3A_181] : memref<2528x2x128xi32, #tpu.memory_space<hbm>> -> memref<1x2x128xi32, #tpu.memory_space<hbm>>
      %dma_wait3A_183 = tpu.memref_squeeze %dma_wait3A_182 : memref<1x2x128xi32, #tpu.memory_space<hbm>> -> memref<2x128xi32, #tpu.memory_space<hbm>>
      %dma_wait3A_184 = arith.constant 0 : i32
      %dma_wait3A_185 = arith.constant 0 : i32
      %dma_wait3A_186 = tpu.memref_slice %arg3[%min3A_174, %dma_wait3A_184, %dma_wait3A_185] : memref<2528x2x128xi32, #tpu.memory_space<hbm>> -> memref<1x2x128xi32, #tpu.memory_space<hbm>>
      %dma_wait3A_187 = tpu.memref_squeeze %dma_wait3A_186 : memref<1x2x128xi32, #tpu.memory_space<hbm>> -> memref<2x128xi32, #tpu.memory_space<hbm>>
      tpu.wait_dma2 semaphore(%arg11 : memref<!tpu.dma_semaphore, #tpu.memory_space<semaphore_mem>>) src(%dma_wait3A_187 : memref<2x128xi32, #tpu.memory_space<hbm>>) dst(%arg6 : memref<2x128xi32, #tpu.memory_space<vmem>>)
      %dma_start3A_188 = arith.constant 0 : i32
      %dma_start3A_189 = arith.constant 0 : i32
      %dma_start3A_190 = tpu.memref_slice %arg6[%dma_start3A_188, %dma_start3A_189] : memref<2x128xi32, #tpu.memory_space<vmem>> -> memref<1x128xi32, #tpu.memory_space<vmem>>
      %dma_start3A_191 = tpu.memref_squeeze %dma_start3A_190 : memref<1x128xi32, #tpu.memory_space<vmem>> -> memref<128xi32, #tpu.memory_space<vmem>>
      %dma_start3A_192 = arith.constant 0 : i32
      %dma_start3A_193 = arith.constant 0 : i32
      %dma_start3A_194 = tpu.memref_slice %arg2[%dma_start3A_192, %dma_start3A_193] : memref<10240x128xf32, #tpu.memory_space<hbm>> -> memref<10240x128xf32, #tpu.memory_space<hbm>>
      tpu.enqueue_indirect_dma source(%dma_start3A_194 : memref<10240x128xf32, #tpu.memory_space<hbm>>) target(%arg8 : memref<128x128xf32, #tpu.memory_space<vmem>>) offsets(%dma_start3A_191 : memref<128xi32, #tpu.memory_space<vmem>>) semaphore(%arg13 : memref<!tpu.dma_semaphore, #tpu.memory_space<semaphore_mem>>)
      %dma_wait3A_195 = arith.constant 0 : i32
      %dma_wait3A_196 = arith.constant 0 : i32
      %dma_wait3A_197 = tpu.memref_slice %arg7[%dma_wait3A_195, %dma_wait3A_196] : memref<2x128xi32, #tpu.memory_space<vmem>> -> memref<1x128xi32, #tpu.memory_space<vmem>>
      %dma_wait3A_198 = tpu.memref_squeeze %dma_wait3A_197 : memref<1x128xi32, #tpu.memory_space<vmem>> -> memref<128xi32, #tpu.memory_space<vmem>>
      %dma_wait3A_199 = arith.constant 0 : i32
      %dma_wait3A_200 = arith.constant 0 : i32
      %dma_wait3A_201 = tpu.memref_slice %arg2[%dma_wait3A_199, %dma_wait3A_200] : memref<10240x128xf32, #tpu.memory_space<hbm>> -> memref<10240x128xf32, #tpu.memory_space<hbm>>
      tpu.wait_indirect_dma semaphore(%arg14 : memref<!tpu.dma_semaphore, #tpu.memory_space<semaphore_mem>>) src(%dma_wait3A_201 : memref<10240x128xf32, #tpu.memory_space<hbm>>) dst(%arg9 : memref<128x128xf32, #tpu.memory_space<vmem>>)
      %run_scoped3A_202 = arith.constant 1 : i32
      "tpu.region"() ({
        %run_scoped3A_211 = tpu.sem_alloc : memref<!tpu.dma_semaphore, #tpu.memory_space<semaphore_mem>>
        %dma_start3A_212 = arith.constant 0 : i32
        %dma_start3A_213 = tpu.memref_slice %arg7[%run_scoped3A_202, %dma_start3A_212] : memref<2x128xi32, #tpu.memory_space<vmem>> -> memref<1x128xi32, #tpu.memory_space<vmem>>
        %dma_start3A_214 = tpu.memref_squeeze %dma_start3A_213 : memref<1x128xi32, #tpu.memory_space<vmem>> -> memref<128xi32, #tpu.memory_space<vmem>>
        %dma_start3A_215 = arith.constant 0 : i32
        %dma_start3A_216 = arith.constant 0 : i32
        %dma_start3A_217 = tpu.memref_slice %arg10[%dma_start3A_215, %dma_start3A_216] : memref<10240x128xf32, #tpu.memory_space<vmem_shared>> -> memref<10240x128xf32, #tpu.memory_space<vmem_shared>>
        tpu.enqueue_indirect_dma source(%arg9 : memref<128x128xf32, #tpu.memory_space<vmem>>) target(%dma_start3A_217 : memref<10240x128xf32, #tpu.memory_space<vmem_shared>>) offsets(%dma_start3A_214 : memref<128xi32, #tpu.memory_space<vmem>>) semaphore(%run_scoped3A_211 : memref<!tpu.dma_semaphore, #tpu.memory_space<semaphore_mem>>) {add = true}
        %dma_wait3A_218 = arith.constant 0 : i32
        %dma_wait3A_219 = tpu.memref_slice %arg7[%run_scoped3A_202, %dma_wait3A_218] : memref<2x128xi32, #tpu.memory_space<vmem>> -> memref<1x128xi32, #tpu.memory_space<vmem>>
        %dma_wait3A_220 = tpu.memref_squeeze %dma_wait3A_219 : memref<1x128xi32, #tpu.memory_space<vmem>> -> memref<128xi32, #tpu.memory_space<vmem>>
        %dma_wait3A_221 = arith.constant 0 : i32
        %dma_wait3A_222 = arith.constant 0 : i32
        %dma_wait3A_223 = tpu.memref_slice %arg10[%dma_wait3A_221, %dma_wait3A_222] : memref<10240x128xf32, #tpu.memory_space<vmem_shared>> -> memref<10240x128xf32, #tpu.memory_space<vmem_shared>>
        tpu.wait_indirect_dma semaphore(%run_scoped3A_211 : memref<!tpu.dma_semaphore, #tpu.memory_space<semaphore_mem>>) src(%arg9 : memref<128x128xf32, #tpu.memory_space<vmem>>) dst(%dma_wait3A_223 : memref<10240x128xf32, #tpu.memory_space<vmem_shared>>)
        tpu.yield
      }) : () -> ()
      %dma_start3A_203 = arith.constant 0 : i32
      %dma_start3A_204 = arith.constant 0 : i32
      %dma_start3A_205 = tpu.memref_slice %arg3[%min3A_179, %dma_start3A_203, %dma_start3A_204] : memref<2528x2x128xi32, #tpu.memory_space<hbm>> -> memref<1x2x128xi32, #tpu.memory_space<hbm>>
      %dma_start3A_206 = tpu.memref_squeeze %dma_start3A_205 : memref<1x2x128xi32, #tpu.memory_space<hbm>> -> memref<2x128xi32, #tpu.memory_space<hbm>>
      %dma_start3A_207 = arith.constant 0 : i32
      %dma_start3A_208 = arith.constant 0 : i32
      %dma_start3A_209 = tpu.memref_slice %arg3[%min3A_179, %dma_start3A_207, %dma_start3A_208] : memref<2528x2x128xi32, #tpu.memory_space<hbm>> -> memref<1x2x128xi32, #tpu.memory_space<hbm>>
      %dma_start3A_210 = tpu.memref_squeeze %dma_start3A_209 : memref<1x2x128xi32, #tpu.memory_space<hbm>> -> memref<2x128xi32, #tpu.memory_space<hbm>>
      tpu.enqueue_dma source(%dma_start3A_210 : memref<2x128xi32, #tpu.memory_space<hbm>>) target(%arg7 : memref<2x128xi32, #tpu.memory_space<vmem>>) target_semaphore(%arg12 : memref<!tpu.dma_semaphore, #tpu.memory_space<semaphore_mem>>)
    }
    %dma_wait3A = arith.constant 0 : i32
    %dma_wait3A_75 = arith.constant 0 : i32
    %dma_wait3A_76 = tpu.memref_slice %arg3[%sub3A_30, %dma_wait3A, %dma_wait3A_75] : memref<2528x2x128xi32, #tpu.memory_space<hbm>> -> memref<1x2x128xi32, #tpu.memory_space<hbm>>
    %dma_wait3A_77 = tpu.memref_squeeze %dma_wait3A_76 : memref<1x2x128xi32, #tpu.memory_space<hbm>> -> memref<2x128xi32, #tpu.memory_space<hbm>>
    %dma_wait3A_78 = arith.constant 0 : i32
    %dma_wait3A_79 = arith.constant 0 : i32
    %dma_wait3A_80 = tpu.memref_slice %arg3[%sub3A_30, %dma_wait3A_78, %dma_wait3A_79] : memref<2528x2x128xi32, #tpu.memory_space<hbm>> -> memref<1x2x128xi32, #tpu.memory_space<hbm>>
    %dma_wait3A_81 = tpu.memref_squeeze %dma_wait3A_80 : memref<1x2x128xi32, #tpu.memory_space<hbm>> -> memref<2x128xi32, #tpu.memory_space<hbm>>
    tpu.wait_dma2 semaphore(%arg12 : memref<!tpu.dma_semaphore, #tpu.memory_space<semaphore_mem>>) src(%dma_wait3A_81 : memref<2x128xi32, #tpu.memory_space<hbm>>) dst(%arg7 : memref<2x128xi32, #tpu.memory_space<vmem>>)
    %dma_wait3A_82 = arith.constant 0 : i32
    %dma_wait3A_83 = arith.constant 0 : i32
    %dma_wait3A_84 = tpu.memref_slice %arg6[%dma_wait3A_82, %dma_wait3A_83] : memref<2x128xi32, #tpu.memory_space<vmem>> -> memref<1x128xi32, #tpu.memory_space<vmem>>
    %dma_wait3A_85 = tpu.memref_squeeze %dma_wait3A_84 : memref<1x128xi32, #tpu.memory_space<vmem>> -> memref<128xi32, #tpu.memory_space<vmem>>
    %dma_wait3A_86 = arith.constant 0 : i32
    %dma_wait3A_87 = arith.constant 0 : i32
    %dma_wait3A_88 = tpu.memref_slice %arg2[%dma_wait3A_86, %dma_wait3A_87] : memref<10240x128xf32, #tpu.memory_space<hbm>> -> memref<10240x128xf32, #tpu.memory_space<hbm>>
    tpu.wait_indirect_dma semaphore(%arg13 : memref<!tpu.dma_semaphore, #tpu.memory_space<semaphore_mem>>) src(%dma_wait3A_88 : memref<10240x128xf32, #tpu.memory_space<hbm>>) dst(%arg8 : memref<128x128xf32, #tpu.memory_space<vmem>>)
    %barrier3A_89 = arith.constant 0 : index
    tpu.barrier barrier_id(%barrier3A_89)
    %mul3A_90 = arith.constant 640 : i32
    %mul3A_91 = arith.muli %arg1, %mul3A_90 : i32
    %add3A_92 = arith.constant 0 : i32
    %add3A_93 = arith.addi %mul3A_91, %add3A_92 : i32
    "tpu.region"() ({
      %run_scoped3A = tpu.sem_alloc : memref<!tpu.dma_semaphore, #tpu.memory_space<semaphore_mem>>
      %dma_start3A_127 = arith.constant 0 : i32
      %dma_start3A_128 = tpu.memref_slice %arg10[%add3A_93, %dma_start3A_127] : memref<10240x128xf32, #tpu.memory_space<vmem_shared>> -> memref<128x128xf32, #tpu.memory_space<vmem_shared>>
      %dma_start3A_129 = arith.constant 0 : i32
      %dma_start3A_130 = tpu.memref_slice %arg10[%add3A_93, %dma_start3A_129] : memref<10240x128xf32, #tpu.memory_space<vmem_shared>> -> memref<128x128xf32, #tpu.memory_space<vmem_shared>>
      tpu.enqueue_dma source(%dma_start3A_130 : memref<128x128xf32, #tpu.memory_space<vmem_shared>>) target(%arg8 : memref<128x128xf32, #tpu.memory_space<vmem>>) target_semaphore(%run_scoped3A : memref<!tpu.dma_semaphore, #tpu.memory_space<semaphore_mem>>)
      %dma_wait3A_131 = arith.constant 0 : i32
      %dma_wait3A_132 = tpu.memref_slice %arg10[%add3A_93, %dma_wait3A_131] : memref<10240x128xf32, #tpu.memory_space<vmem_shared>> -> memref<128x128xf32, #tpu.memory_space<vmem_shared>>
      %dma_wait3A_133 = arith.constant 0 : i32
      %dma_wait3A_134 = tpu.memref_slice %arg10[%add3A_93, %dma_wait3A_133] : memref<10240x128xf32, #tpu.memory_space<vmem_shared>> -> memref<128x128xf32, #tpu.memory_space<vmem_shared>>
      tpu.wait_dma2 semaphore(%run_scoped3A : memref<!tpu.dma_semaphore, #tpu.memory_space<semaphore_mem>>) src(%dma_wait3A_134 : memref<128x128xf32, #tpu.memory_space<vmem_shared>>) dst(%arg8 : memref<128x128xf32, #tpu.memory_space<vmem>>)
      tpu.yield
    }) : () -> ()
    %mul3A_94 = arith.constant 10240 : i32
    %mul3A_95 = arith.muli %arg0, %mul3A_94 : i32
    %add3A_96 = arith.addi %mul3A_95, %mul3A_91 : i32
    %add3A_97 = arith.constant 0 : i32
    %add3A_98 = arith.addi %add3A_96, %add3A_97 : i32
    "tpu.region"() ({
      %run_scoped3A = tpu.sem_alloc : memref<!tpu.dma_semaphore, #tpu.memory_space<semaphore_mem>>
      %dma_start3A_127 = arith.constant 0 : i32
      %dma_start3A_128 = tpu.memref_slice %arg5[%add3A_98, %dma_start3A_127] : memref<20480x128xf32, #tpu.memory_space<hbm>> -> memref<128x128xf32, #tpu.memory_space<hbm>>
      %dma_start3A_129 = arith.constant 0 : i32
      %dma_start3A_130 = tpu.memref_slice %arg5[%add3A_98, %dma_start3A_129] : memref<20480x128xf32, #tpu.memory_space<hbm>> -> memref<128x128xf32, #tpu.memory_space<hbm>>
      tpu.enqueue_dma source(%arg8 : memref<128x128xf32, #tpu.memory_space<vmem>>) target(%dma_start3A_130 : memref<128x128xf32, #tpu.memory_space<hbm>>) target_semaphore(%run_scoped3A : memref<!tpu.dma_semaphore, #tpu.memory_space<semaphore_mem>>)
      %dma_wait3A_131 = arith.constant 0 : i32
      %dma_wait3A_132 = tpu.memref_slice %arg5[%add3A_98, %dma_wait3A_131] : memref<20480x128xf32, #tpu.memory_space<hbm>> -> memref<128x128xf32, #tpu.memory_space<hbm>>
      %dma_wait3A_133 = arith.constant 0 : i32
      %dma_wait3A_134 = tpu.memref_slice %arg5[%add3A_98, %dma_wait3A_133] : memref<20480x128xf32, #tpu.memory_space<hbm>> -> memref<128x128xf32, #tpu.memory_space<hbm>>
      tpu.wait_dma2 semaphore(%run_scoped3A : memref<!tpu.dma_semaphore, #tpu.memory_space<semaphore_mem>>) src(%arg8 : memref<128x128xf32, #tpu.memory_space<vmem>>) dst(%dma_wait3A_134 : memref<128x128xf32, #tpu.memory_space<hbm>>)
      tpu.yield
    }) : () -> ()
    %add3A_99 = arith.constant 128 : i32
    %add3A_100 = arith.addi %mul3A_91, %add3A_99 : i32
    "tpu.region"() ({
      %run_scoped3A = tpu.sem_alloc : memref<!tpu.dma_semaphore, #tpu.memory_space<semaphore_mem>>
      %dma_start3A_127 = arith.constant 0 : i32
      %dma_start3A_128 = tpu.memref_slice %arg10[%add3A_100, %dma_start3A_127] : memref<10240x128xf32, #tpu.memory_space<vmem_shared>> -> memref<128x128xf32, #tpu.memory_space<vmem_shared>>
      %dma_start3A_129 = arith.constant 0 : i32
      %dma_start3A_130 = tpu.memref_slice %arg10[%add3A_100, %dma_start3A_129] : memref<10240x128xf32, #tpu.memory_space<vmem_shared>> -> memref<128x128xf32, #tpu.memory_space<vmem_shared>>
      tpu.enqueue_dma source(%dma_start3A_130 : memref<128x128xf32, #tpu.memory_space<vmem_shared>>) target(%arg8 : memref<128x128xf32, #tpu.memory_space<vmem>>) target_semaphore(%run_scoped3A : memref<!tpu.dma_semaphore, #tpu.memory_space<semaphore_mem>>)
      %dma_wait3A_131 = arith.constant 0 : i32
      %dma_wait3A_132 = tpu.memref_slice %arg10[%add3A_100, %dma_wait3A_131] : memref<10240x128xf32, #tpu.memory_space<vmem_shared>> -> memref<128x128xf32, #tpu.memory_space<vmem_shared>>
      %dma_wait3A_133 = arith.constant 0 : i32
      %dma_wait3A_134 = tpu.memref_slice %arg10[%add3A_100, %dma_wait3A_133] : memref<10240x128xf32, #tpu.memory_space<vmem_shared>> -> memref<128x128xf32, #tpu.memory_space<vmem_shared>>
      tpu.wait_dma2 semaphore(%run_scoped3A : memref<!tpu.dma_semaphore, #tpu.memory_space<semaphore_mem>>) src(%dma_wait3A_134 : memref<128x128xf32, #tpu.memory_space<vmem_shared>>) dst(%arg8 : memref<128x128xf32, #tpu.memory_space<vmem>>)
      tpu.yield
    }) : () -> ()
    %mul3A_101 = arith.constant 10240 : i32
    %mul3A_102 = arith.muli %arg0, %mul3A_101 : i32
    %add3A_103 = arith.addi %mul3A_102, %mul3A_91 : i32
    %add3A_104 = arith.constant 128 : i32
    %add3A_105 = arith.addi %add3A_103, %add3A_104 : i32
    "tpu.region"() ({
      %run_scoped3A = tpu.sem_alloc : memref<!tpu.dma_semaphore, #tpu.memory_space<semaphore_mem>>
      %dma_start3A_127 = arith.constant 0 : i32
      %dma_start3A_128 = tpu.memref_slice %arg5[%add3A_105, %dma_start3A_127] : memref<20480x128xf32, #tpu.memory_space<hbm>> -> memref<128x128xf32, #tpu.memory_space<hbm>>
      %dma_start3A_129 = arith.constant 0 : i32
      %dma_start3A_130 = tpu.memref_slice %arg5[%add3A_105, %dma_start3A_129] : memref<20480x128xf32, #tpu.memory_space<hbm>> -> memref<128x128xf32, #tpu.memory_space<hbm>>
      tpu.enqueue_dma source(%arg8 : memref<128x128xf32, #tpu.memory_space<vmem>>) target(%dma_start3A_130 : memref<128x128xf32, #tpu.memory_space<hbm>>) target_semaphore(%run_scoped3A : memref<!tpu.dma_semaphore, #tpu.memory_space<semaphore_mem>>)
      %dma_wait3A_131 = arith.constant 0 : i32
      %dma_wait3A_132 = tpu.memref_slice %arg5[%add3A_105, %dma_wait3A_131] : memref<20480x128xf32, #tpu.memory_space<hbm>> -> memref<128x128xf32, #tpu.memory_space<hbm>>
      %dma_wait3A_133 = arith.constant 0 : i32
      %dma_wait3A_134 = tpu.memref_slice %arg5[%add3A_105, %dma_wait3A_133] : memref<20480x128xf32, #tpu.memory_space<hbm>> -> memref<128x128xf32, #tpu.memory_space<hbm>>
      tpu.wait_dma2 semaphore(%run_scoped3A : memref<!tpu.dma_semaphore, #tpu.memory_space<semaphore_mem>>) src(%arg8 : memref<128x128xf32, #tpu.memory_space<vmem>>) dst(%dma_wait3A_134 : memref<128x128xf32, #tpu.memory_space<hbm>>)
      tpu.yield
    }) : () -> ()
    %add3A_106 = arith.constant 256 : i32
    %add3A_107 = arith.addi %mul3A_91, %add3A_106 : i32
    "tpu.region"() ({
      %run_scoped3A = tpu.sem_alloc : memref<!tpu.dma_semaphore, #tpu.memory_space<semaphore_mem>>
      %dma_start3A_127 = arith.constant 0 : i32
      %dma_start3A_128 = tpu.memref_slice %arg10[%add3A_107, %dma_start3A_127] : memref<10240x128xf32, #tpu.memory_space<vmem_shared>> -> memref<128x128xf32, #tpu.memory_space<vmem_shared>>
      %dma_start3A_129 = arith.constant 0 : i32
      %dma_start3A_130 = tpu.memref_slice %arg10[%add3A_107, %dma_start3A_129] : memref<10240x128xf32, #tpu.memory_space<vmem_shared>> -> memref<128x128xf32, #tpu.memory_space<vmem_shared>>
      tpu.enqueue_dma source(%dma_start3A_130 : memref<128x128xf32, #tpu.memory_space<vmem_shared>>) target(%arg8 : memref<128x128xf32, #tpu.memory_space<vmem>>) target_semaphore(%run_scoped3A : memref<!tpu.dma_semaphore, #tpu.memory_space<semaphore_mem>>)
      %dma_wait3A_131 = arith.constant 0 : i32
      %dma_wait3A_132 = tpu.memref_slice %arg10[%add3A_107, %dma_wait3A_131] : memref<10240x128xf32, #tpu.memory_space<vmem_shared>> -> memref<128x128xf32, #tpu.memory_space<vmem_shared>>
      %dma_wait3A_133 = arith.constant 0 : i32
      %dma_wait3A_134 = tpu.memref_slice %arg10[%add3A_107, %dma_wait3A_133] : memref<10240x128xf32, #tpu.memory_space<vmem_shared>> -> memref<128x128xf32, #tpu.memory_space<vmem_shared>>
      tpu.wait_dma2 semaphore(%run_scoped3A : memref<!tpu.dma_semaphore, #tpu.memory_space<semaphore_mem>>) src(%dma_wait3A_134 : memref<128x128xf32, #tpu.memory_space<vmem_shared>>) dst(%arg8 : memref<128x128xf32, #tpu.memory_space<vmem>>)
      tpu.yield
    }) : () -> ()
    %mul3A_108 = arith.constant 10240 : i32
    %mul3A_109 = arith.muli %arg0, %mul3A_108 : i32
    %add3A_110 = arith.addi %mul3A_109, %mul3A_91 : i32
    %add3A_111 = arith.constant 256 : i32
    %add3A_112 = arith.addi %add3A_110, %add3A_111 : i32
    "tpu.region"() ({
      %run_scoped3A = tpu.sem_alloc : memref<!tpu.dma_semaphore, #tpu.memory_space<semaphore_mem>>
      %dma_start3A_127 = arith.constant 0 : i32
      %dma_start3A_128 = tpu.memref_slice %arg5[%add3A_112, %dma_start3A_127] : memref<20480x128xf32, #tpu.memory_space<hbm>> -> memref<128x128xf32, #tpu.memory_space<hbm>>
      %dma_start3A_129 = arith.constant 0 : i32
      %dma_start3A_130 = tpu.memref_slice %arg5[%add3A_112, %dma_start3A_129] : memref<20480x128xf32, #tpu.memory_space<hbm>> -> memref<128x128xf32, #tpu.memory_space<hbm>>
      tpu.enqueue_dma source(%arg8 : memref<128x128xf32, #tpu.memory_space<vmem>>) target(%dma_start3A_130 : memref<128x128xf32, #tpu.memory_space<hbm>>) target_semaphore(%run_scoped3A : memref<!tpu.dma_semaphore, #tpu.memory_space<semaphore_mem>>)
      %dma_wait3A_131 = arith.constant 0 : i32
      %dma_wait3A_132 = tpu.memref_slice %arg5[%add3A_112, %dma_wait3A_131] : memref<20480x128xf32, #tpu.memory_space<hbm>> -> memref<128x128xf32, #tpu.memory_space<hbm>>
      %dma_wait3A_133 = arith.constant 0 : i32
      %dma_wait3A_134 = tpu.memref_slice %arg5[%add3A_112, %dma_wait3A_133] : memref<20480x128xf32, #tpu.memory_space<hbm>> -> memref<128x128xf32, #tpu.memory_space<hbm>>
      tpu.wait_dma2 semaphore(%run_scoped3A : memref<!tpu.dma_semaphore, #tpu.memory_space<semaphore_mem>>) src(%arg8 : memref<128x128xf32, #tpu.memory_space<vmem>>) dst(%dma_wait3A_134 : memref<128x128xf32, #tpu.memory_space<hbm>>)
      tpu.yield
    }) : () -> ()
    %add3A_113 = arith.constant 384 : i32
    %add3A_114 = arith.addi %mul3A_91, %add3A_113 : i32
    "tpu.region"() ({
      %run_scoped3A = tpu.sem_alloc : memref<!tpu.dma_semaphore, #tpu.memory_space<semaphore_mem>>
      %dma_start3A_127 = arith.constant 0 : i32
      %dma_start3A_128 = tpu.memref_slice %arg10[%add3A_114, %dma_start3A_127] : memref<10240x128xf32, #tpu.memory_space<vmem_shared>> -> memref<128x128xf32, #tpu.memory_space<vmem_shared>>
      %dma_start3A_129 = arith.constant 0 : i32
      %dma_start3A_130 = tpu.memref_slice %arg10[%add3A_114, %dma_start3A_129] : memref<10240x128xf32, #tpu.memory_space<vmem_shared>> -> memref<128x128xf32, #tpu.memory_space<vmem_shared>>
      tpu.enqueue_dma source(%dma_start3A_130 : memref<128x128xf32, #tpu.memory_space<vmem_shared>>) target(%arg8 : memref<128x128xf32, #tpu.memory_space<vmem>>) target_semaphore(%run_scoped3A : memref<!tpu.dma_semaphore, #tpu.memory_space<semaphore_mem>>)
      %dma_wait3A_131 = arith.constant 0 : i32
      %dma_wait3A_132 = tpu.memref_slice %arg10[%add3A_114, %dma_wait3A_131] : memref<10240x128xf32, #tpu.memory_space<vmem_shared>> -> memref<128x128xf32, #tpu.memory_space<vmem_shared>>
      %dma_wait3A_133 = arith.constant 0 : i32
      %dma_wait3A_134 = tpu.memref_slice %arg10[%add3A_114, %dma_wait3A_133] : memref<10240x128xf32, #tpu.memory_space<vmem_shared>> -> memref<128x128xf32, #tpu.memory_space<vmem_shared>>
      tpu.wait_dma2 semaphore(%run_scoped3A : memref<!tpu.dma_semaphore, #tpu.memory_space<semaphore_mem>>) src(%dma_wait3A_134 : memref<128x128xf32, #tpu.memory_space<vmem_shared>>) dst(%arg8 : memref<128x128xf32, #tpu.memory_space<vmem>>)
      tpu.yield
    }) : () -> ()
    %mul3A_115 = arith.constant 10240 : i32
    %mul3A_116 = arith.muli %arg0, %mul3A_115 : i32
    %add3A_117 = arith.addi %mul3A_116, %mul3A_91 : i32
    %add3A_118 = arith.constant 384 : i32
    %add3A_119 = arith.addi %add3A_117, %add3A_118 : i32
    "tpu.region"() ({
      %run_scoped3A = tpu.sem_alloc : memref<!tpu.dma_semaphore, #tpu.memory_space<semaphore_mem>>
      %dma_start3A_127 = arith.constant 0 : i32
      %dma_start3A_128 = tpu.memref_slice %arg5[%add3A_119, %dma_start3A_127] : memref<20480x128xf32, #tpu.memory_space<hbm>> -> memref<128x128xf32, #tpu.memory_space<hbm>>
      %dma_start3A_129 = arith.constant 0 : i32
      %dma_start3A_130 = tpu.memref_slice %arg5[%add3A_119, %dma_start3A_129] : memref<20480x128xf32, #tpu.memory_space<hbm>> -> memref<128x128xf32, #tpu.memory_space<hbm>>
      tpu.enqueue_dma source(%arg8 : memref<128x128xf32, #tpu.memory_space<vmem>>) target(%dma_start3A_130 : memref<128x128xf32, #tpu.memory_space<hbm>>) target_semaphore(%run_scoped3A : memref<!tpu.dma_semaphore, #tpu.memory_space<semaphore_mem>>)
      %dma_wait3A_131 = arith.constant 0 : i32
      %dma_wait3A_132 = tpu.memref_slice %arg5[%add3A_119, %dma_wait3A_131] : memref<20480x128xf32, #tpu.memory_space<hbm>> -> memref<128x128xf32, #tpu.memory_space<hbm>>
      %dma_wait3A_133 = arith.constant 0 : i32
      %dma_wait3A_134 = tpu.memref_slice %arg5[%add3A_119, %dma_wait3A_133] : memref<20480x128xf32, #tpu.memory_space<hbm>> -> memref<128x128xf32, #tpu.memory_space<hbm>>
      tpu.wait_dma2 semaphore(%run_scoped3A : memref<!tpu.dma_semaphore, #tpu.memory_space<semaphore_mem>>) src(%arg8 : memref<128x128xf32, #tpu.memory_space<vmem>>) dst(%dma_wait3A_134 : memref<128x128xf32, #tpu.memory_space<hbm>>)
      tpu.yield
    }) : () -> ()
    %add3A_120 = arith.constant 512 : i32
    %add3A_121 = arith.addi %mul3A_91, %add3A_120 : i32
    "tpu.region"() ({
      %run_scoped3A = tpu.sem_alloc : memref<!tpu.dma_semaphore, #tpu.memory_space<semaphore_mem>>
      %dma_start3A_127 = arith.constant 0 : i32
      %dma_start3A_128 = tpu.memref_slice %arg10[%add3A_121, %dma_start3A_127] : memref<10240x128xf32, #tpu.memory_space<vmem_shared>> -> memref<128x128xf32, #tpu.memory_space<vmem_shared>>
      %dma_start3A_129 = arith.constant 0 : i32
      %dma_start3A_130 = tpu.memref_slice %arg10[%add3A_121, %dma_start3A_129] : memref<10240x128xf32, #tpu.memory_space<vmem_shared>> -> memref<128x128xf32, #tpu.memory_space<vmem_shared>>
      tpu.enqueue_dma source(%dma_start3A_130 : memref<128x128xf32, #tpu.memory_space<vmem_shared>>) target(%arg8 : memref<128x128xf32, #tpu.memory_space<vmem>>) target_semaphore(%run_scoped3A : memref<!tpu.dma_semaphore, #tpu.memory_space<semaphore_mem>>)
      %dma_wait3A_131 = arith.constant 0 : i32
      %dma_wait3A_132 = tpu.memref_slice %arg10[%add3A_121, %dma_wait3A_131] : memref<10240x128xf32, #tpu.memory_space<vmem_shared>> -> memref<128x128xf32, #tpu.memory_space<vmem_shared>>
      %dma_wait3A_133 = arith.constant 0 : i32
      %dma_wait3A_134 = tpu.memref_slice %arg10[%add3A_121, %dma_wait3A_133] : memref<10240x128xf32, #tpu.memory_space<vmem_shared>> -> memref<128x128xf32, #tpu.memory_space<vmem_shared>>
      tpu.wait_dma2 semaphore(%run_scoped3A : memref<!tpu.dma_semaphore, #tpu.memory_space<semaphore_mem>>) src(%dma_wait3A_134 : memref<128x128xf32, #tpu.memory_space<vmem_shared>>) dst(%arg8 : memref<128x128xf32, #tpu.memory_space<vmem>>)
      tpu.yield
    }) : () -> ()
    %mul3A_122 = arith.constant 10240 : i32
    %mul3A_123 = arith.muli %arg0, %mul3A_122 : i32
    %add3A_124 = arith.addi %mul3A_123, %mul3A_91 : i32
    %add3A_125 = arith.constant 512 : i32
    %add3A_126 = arith.addi %add3A_124, %add3A_125 : i32
    "tpu.region"() ({
      %run_scoped3A = tpu.sem_alloc : memref<!tpu.dma_semaphore, #tpu.memory_space<semaphore_mem>>
      %dma_start3A_127 = arith.constant 0 : i32
      %dma_start3A_128 = tpu.memref_slice %arg5[%add3A_126, %dma_start3A_127] : memref<20480x128xf32, #tpu.memory_space<hbm>> -> memref<128x128xf32, #tpu.memory_space<hbm>>
      %dma_start3A_129 = arith.constant 0 : i32
      %dma_start3A_130 = tpu.memref_slice %arg5[%add3A_126, %dma_start3A_129] : memref<20480x128xf32, #tpu.memory_space<hbm>> -> memref<128x128xf32, #tpu.memory_space<hbm>>
      tpu.enqueue_dma source(%arg8 : memref<128x128xf32, #tpu.memory_space<vmem>>) target(%dma_start3A_130 : memref<128x128xf32, #tpu.memory_space<hbm>>) target_semaphore(%run_scoped3A : memref<!tpu.dma_semaphore, #tpu.memory_space<semaphore_mem>>)
      %dma_wait3A_131 = arith.constant 0 : i32
      %dma_wait3A_132 = tpu.memref_slice %arg5[%add3A_126, %dma_wait3A_131] : memref<20480x128xf32, #tpu.memory_space<hbm>> -> memref<128x128xf32, #tpu.memory_space<hbm>>
      %dma_wait3A_133 = arith.constant 0 : i32
      %dma_wait3A_134 = tpu.memref_slice %arg5[%add3A_126, %dma_wait3A_133] : memref<20480x128xf32, #tpu.memory_space<hbm>> -> memref<128x128xf32, #tpu.memory_space<hbm>>
      tpu.wait_dma2 semaphore(%run_scoped3A : memref<!tpu.dma_semaphore, #tpu.memory_space<semaphore_mem>>) src(%arg8 : memref<128x128xf32, #tpu.memory_space<vmem>>) dst(%dma_wait3A_134 : memref<128x128xf32, #tpu.memory_space<hbm>>)
      tpu.yield
    }) : () -> ()
    return
  }
}

module attributes {stable_mosaic.version = 14 : i64} {
  func.func @_prep_body(%arg0: i32, %arg1: memref<256x128xf32, #tpu.memory_space<vmem>>, %arg2: memref<128x128xf32, #tpu.memory_space<vmem>>, %arg3: memref<32x256xf32, #tpu.memory_space<vmem>>, %arg4: memref<256x128xf32, #tpu.memory_space<vmem>>, %arg5: memref<256x1xf32, #tpu.memory_space<vmem>>) attributes {dimension_semantics = [#tpu.dimension_semantics<arbitrary>], iteration_bounds = array<i64: 40>, scalar_prefetch = 0 : i64, scratch_operands = 0 : i64, tpu.core_type = #tpu.core_type<tc>, window_params = [{transform_indices = @transform_0, window_bounds = array<i64: 256, 128>}, {pipeline_mode = #tpu.pipeline_mode<synchronous>, transform_indices = @transform_1, window_bounds = array<i64: 128, 128>}, {transform_indices = @transform_2, window_bounds = array<i64: 32, 256>}, {transform_indices = @transform_3, window_bounds = array<i64: 256, 128>}, {transform_indices = @transform_4, window_bounds = array<i64: 256, 1>}]} {
    %get3A = arith.constant 0 : index
    %get3A_0 = arith.constant 0 : index
    %get3A_1 = vector.load %arg3[%get3A, %get3A_0] : memref<32x256xf32, #tpu.memory_space<vmem>>, vector<32x256xf32>
    %reduce_sum3A = arith.constant dense<0.000000e+00> : vector<256xf32>
    %reduce_sum3A_2 = vector.multi_reduction <add>, %get3A_1, %reduce_sum3A [0] : vector<32x256xf32> to vector<256xf32>
    %reshape3A = vector.shape_cast %reduce_sum3A_2 : vector<256xf32> to vector<256x1xf32>
    %add3A = arith.constant 1.000000e+00 : f32
    %add3A_3 = vector.broadcast %add3A : f32 to vector<256x1xf32>
    %add3A_4 = arith.addf %reshape3A, %add3A_3 : vector<256x1xf32>
    %iota3A = tpu.iota {dimensions = array<i32: 0>} : vector<256x1xi32>
    %mul3A = arith.constant 256 : i32
    %mul3A_5 = arith.muli %arg0, %mul3A : i32
    %add3A_6 = vector.broadcast %mul3A_5 : i32 to vector<256x1xi32>
    %add3A_7 = arith.addi %iota3A, %add3A_6 : vector<256x1xi32>
    %lt3A = arith.constant 10000 : i32
    %lt3A_8 = vector.broadcast %lt3A : i32 to vector<256x1xi32>
    %lt3A_9 = arith.cmpi slt, %add3A_7, %lt3A_8 : vector<256x1xi32>
    %rsqrt3A = math.rsqrt %add3A_4 : vector<256x1xf32>
    %jit3A = arith.constant 0.000000e+00 : f32
    %broadcast_in_dim3A = vector.broadcast %jit3A : f32 to vector<256x1xf32>
    %select_n3A = arith.select %lt3A_9, %rsqrt3A, %broadcast_in_dim3A : vector<256x1xi1>, vector<256x1xf32>
    %swap3A = arith.constant 0 : index
    %swap3A_10 = arith.constant 0 : index
    %swap3A_11 = vector.load %arg5[%swap3A, %swap3A_10] : memref<256x1xf32, #tpu.memory_space<vmem>>, vector<256x1xf32>
    tpu.vector_store %arg5[%swap3A, %swap3A_10], %select_n3A {strides = array<i32>} : memref<256x1xf32, #tpu.memory_space<vmem>>, vector<256x1xf32>,
    %get3A_12 = arith.constant 0 : index
    %get3A_13 = arith.constant 0 : index
    %get3A_14 = vector.load %arg1[%get3A_12, %get3A_13] : memref<256x128xf32, #tpu.memory_space<vmem>>, vector<256x128xf32>
    %get3A_15 = arith.constant 0 : index
    %get3A_16 = arith.constant 0 : index
    %get3A_17 = vector.load %arg2[%get3A_15, %get3A_16] : memref<128x128xf32, #tpu.memory_space<vmem>>, vector<128x128xf32>
    %dot_general3A = arith.constant dense<0.000000e+00> : vector<256x128xf32>
    %dot_general3A_18 = tpu.matmul %get3A_14, %get3A_17, %dot_general3A {dimension_numbers = #tpu.dot_dimension_numbers<[1], [0], [0], [1], [0, 0, 1, 1], [], []>, transpose_lhs_hint = false} : vector<256x128xf32>, vector<128x128xf32>, vector<256x128xf32> -> vector<256x128xf32>
    %mul3A_19 = vector.broadcast %select_n3A : vector<256x1xf32> to vector<256x128xf32>
    %mul3A_20 = arith.mulf %dot_general3A_18, %mul3A_19 : vector<256x128xf32>
    %swap3A_21 = arith.constant 0 : index
    %swap3A_22 = arith.constant 0 : index
    %swap3A_23 = vector.load %arg4[%swap3A_21, %swap3A_22] : memref<256x128xf32, #tpu.memory_space<vmem>>, vector<256x128xf32>
    tpu.vector_store %arg4[%swap3A_21, %swap3A_22], %mul3A_20 {strides = array<i32>} : memref<256x128xf32, #tpu.memory_space<vmem>>, vector<256x128xf32>,
    return
  }
  func.func @transform_0(%arg0: i32) -> (i32, i32) {
    %c0_i32 = arith.constant 0 : i32
    %c0_i32_0 = arith.constant 0 : i32
    return %arg0, %c0_i32 : i32, i32
  }
  func.func @transform_1(%arg0: i32) -> (i32, i32) {
    %c0_i32 = arith.constant 0 : i32
    %c0_i32_0 = arith.constant 0 : i32
    %c0_i32_1 = arith.constant 0 : i32
    return %c0_i32, %c0_i32_0 : i32, i32
  }
  func.func @transform_2(%arg0: i32) -> (i32, i32) {
    %c0_i32 = arith.constant 0 : i32
    %c0_i32_0 = arith.constant 0 : i32
    return %c0_i32, %arg0 : i32, i32
  }
  func.func @transform_3(%arg0: i32) -> (i32, i32) {
    %c0_i32 = arith.constant 0 : i32
    %c0_i32_0 = arith.constant 0 : i32
    return %arg0, %c0_i32 : i32, i32
  }
  func.func @transform_4(%arg0: i32) -> (i32, i32) {
    %c0_i32 = arith.constant 0 : i32
    %c0_i32_0 = arith.constant 0 : i32
    return %arg0, %c0_i32 : i32, i32
  }
}

module attributes {stable_mosaic.version = 14 : i64} {
  func.func @_combine_body(%arg0: i32, %arg1: memref<256x128xf32, #tpu.memory_space<vmem>>, %arg2: memref<256x128xf32, #tpu.memory_space<vmem>>, %arg3: memref<256x128xf32, #tpu.memory_space<vmem>>, %arg4: memref<256x1xf32, #tpu.memory_space<vmem>>, %arg5: memref<1x128xf32, #tpu.memory_space<vmem>>, %arg6: memref<128x128xf32, #tpu.memory_space<vmem>>, %arg7: memref<256x128xf32, #tpu.memory_space<vmem>>) attributes {dimension_semantics = [#tpu.dimension_semantics<arbitrary>], iteration_bounds = array<i64: 40>, scalar_prefetch = 0 : i64, scratch_operands = 0 : i64, tpu.core_type = #tpu.core_type<tc>, window_params = [{transform_indices = @transform_0, window_bounds = array<i64: 256, 128>}, {transform_indices = @transform_1, window_bounds = array<i64: 256, 128>}, {transform_indices = @transform_2, window_bounds = array<i64: 256, 128>}, {transform_indices = @transform_3, window_bounds = array<i64: 256, 1>}, {pipeline_mode = #tpu.pipeline_mode<synchronous>, transform_indices = @transform_4, window_bounds = array<i64: 1, 128>}, {pipeline_mode = #tpu.pipeline_mode<synchronous>, transform_indices = @transform_5, window_bounds = array<i64: 128, 128>}, {transform_indices = @transform_6, window_bounds = array<i64: 256, 128>}]} {
    %get3A = arith.constant 0 : index
    %get3A_0 = arith.constant 0 : index
    %get3A_1 = vector.load %arg4[%get3A, %get3A_0] : memref<256x1xf32, #tpu.memory_space<vmem>>, vector<256x1xf32>
    %get3A_2 = arith.constant 0 : index
    %get3A_3 = arith.constant 0 : index
    %get3A_4 = vector.load %arg1[%get3A_2, %get3A_3] : memref<256x128xf32, #tpu.memory_space<vmem>>, vector<256x128xf32>
    %get3A_5 = arith.constant 0 : index
    %get3A_6 = arith.constant 0 : index
    %get3A_7 = vector.load %arg2[%get3A_5, %get3A_6] : memref<256x128xf32, #tpu.memory_space<vmem>>, vector<256x128xf32>
    %add3A = arith.addf %get3A_4, %get3A_7 : vector<256x128xf32>
    %get3A_8 = arith.constant 0 : index
    %get3A_9 = arith.constant 0 : index
    %get3A_10 = vector.load %arg3[%get3A_8, %get3A_9] : memref<256x128xf32, #tpu.memory_space<vmem>>, vector<256x128xf32>
    %add3A_11 = arith.addf %add3A, %get3A_10 : vector<256x128xf32>
    %mul3A = vector.broadcast %get3A_1 : vector<256x1xf32> to vector<256x128xf32>
    %mul3A_12 = arith.mulf %add3A_11, %mul3A : vector<256x128xf32>
    %get3A_13 = arith.constant 0 : index
    %get3A_14 = arith.constant 0 : index
    %get3A_15 = vector.load %arg5[%get3A_13, %get3A_14] : memref<1x128xf32, #tpu.memory_space<vmem>>, vector<1x128xf32>
    %add3A_16 = vector.broadcast %get3A_15 : vector<1x128xf32> to vector<256x128xf32>
    %add3A_17 = arith.addf %mul3A_12, %add3A_16 : vector<256x128xf32>
    %max3A = arith.constant 0.000000e+00 : f32
    %max3A_18 = vector.broadcast %max3A : f32 to vector<256x128xf32>
    %max3A_19 = arith.maximumf %add3A_17, %max3A_18 : vector<256x128xf32>
    %get3A_20 = arith.constant 0 : index
    %get3A_21 = arith.constant 0 : index
    %get3A_22 = vector.load %arg6[%get3A_20, %get3A_21] : memref<128x128xf32, #tpu.memory_space<vmem>>, vector<128x128xf32>
    %dot_general3A = arith.constant dense<0.000000e+00> : vector<256x128xf32>
    %dot_general3A_23 = tpu.matmul %max3A_19, %get3A_22, %dot_general3A {dimension_numbers = #tpu.dot_dimension_numbers<[1], [0], [0], [1], [0, 0, 1, 1], [], []>, transpose_lhs_hint = false} : vector<256x128xf32>, vector<128x128xf32>, vector<256x128xf32> -> vector<256x128xf32>
    %mul3A_24 = vector.broadcast %get3A_1 : vector<256x1xf32> to vector<256x128xf32>
    %mul3A_25 = arith.mulf %dot_general3A_23, %mul3A_24 : vector<256x128xf32>
    %swap3A = arith.constant 0 : index
    %swap3A_26 = arith.constant 0 : index
    %swap3A_27 = vector.load %arg7[%swap3A, %swap3A_26] : memref<256x128xf32, #tpu.memory_space<vmem>>, vector<256x128xf32>
    tpu.vector_store %arg7[%swap3A, %swap3A_26], %mul3A_25 {strides = array<i32>} : memref<256x128xf32, #tpu.memory_space<vmem>>, vector<256x128xf32>,
    return
  }
  func.func @transform_0(%arg0: i32) -> (i32, i32) {
    %c0_i32 = arith.constant 0 : i32
    %c0_i32_0 = arith.constant 0 : i32
    return %arg0, %c0_i32 : i32, i32
  }
  func.func @transform_1(%arg0: i32) -> (i32, i32) {
    %add3A = arith.constant 40 : i32
    %add3A_0 = arith.addi %arg0, %add3A : i32
    %c0_i32 = arith.constant 0 : i32
    %c0_i32_1 = arith.constant 0 : i32
    return %add3A_0, %c0_i32 : i32, i32
  }
  func.func @transform_2(%arg0: i32) -> (i32, i32) {
    %c0_i32 = arith.constant 0 : i32
    %c0_i32_0 = arith.constant 0 : i32
    return %arg0, %c0_i32 : i32, i32
  }
  func.func @transform_3(%arg0: i32) -> (i32, i32) {
    %c0_i32 = arith.constant 0 : i32
    %c0_i32_0 = arith.constant 0 : i32
    return %arg0, %c0_i32 : i32, i32
  }
  func.func @transform_4(%arg0: i32) -> (i32, i32) {
    %c0_i32 = arith.constant 0 : i32
    %c0_i32_0 = arith.constant 0 : i32
    %c0_i32_1 = arith.constant 0 : i32
    return %c0_i32, %c0_i32_0 : i32, i32
  }
  func.func @transform_5(%arg0: i32) -> (i32, i32) {
    %c0_i32 = arith.constant 0 : i32
    %c0_i32_0 = arith.constant 0 : i32
    %c0_i32_1 = arith.constant 0 : i32
    return %c0_i32, %c0_i32_0 : i32, i32
  }
  func.func @transform_6(%arg0: i32) -> (i32, i32) {
    %c0_i32 = arith.constant 0 : i32
    %c0_i32_0 = arith.constant 0 : i32
    return %arg0, %c0_i32 : i32, i32
  }
}

module attributes {stable_mosaic.version = 14 : i64} {
  func.func @_final_body(%arg0: i32, %arg1: memref<256x128xf32, #tpu.memory_space<vmem>>, %arg2: memref<256x128xf32, #tpu.memory_space<vmem>>, %arg3: memref<256x128xf32, #tpu.memory_space<vmem>>, %arg4: memref<256x1xf32, #tpu.memory_space<vmem>>, %arg5: memref<1x128xf32, #tpu.memory_space<vmem>>, %arg6: memref<256x128xf32, #tpu.memory_space<vmem>>) attributes {dimension_semantics = [#tpu.dimension_semantics<arbitrary>], iteration_bounds = array<i64: 40>, scalar_prefetch = 0 : i64, scratch_operands = 0 : i64, tpu.core_type = #tpu.core_type<tc>, window_params = [{transform_indices = @transform_0, window_bounds = array<i64: 256, 128>}, {transform_indices = @transform_1, window_bounds = array<i64: 256, 128>}, {transform_indices = @transform_2, window_bounds = array<i64: 256, 128>}, {transform_indices = @transform_3, window_bounds = array<i64: 256, 1>}, {pipeline_mode = #tpu.pipeline_mode<synchronous>, transform_indices = @transform_4, window_bounds = array<i64: 1, 128>}, {transform_indices = @transform_5, window_bounds = array<i64: 256, 128>}]} {
    %get3A = arith.constant 0 : index
    %get3A_0 = arith.constant 0 : index
    %get3A_1 = vector.load %arg1[%get3A, %get3A_0] : memref<256x128xf32, #tpu.memory_space<vmem>>, vector<256x128xf32>
    %get3A_2 = arith.constant 0 : index
    %get3A_3 = arith.constant 0 : index
    %get3A_4 = vector.load %arg2[%get3A_2, %get3A_3] : memref<256x128xf32, #tpu.memory_space<vmem>>, vector<256x128xf32>
    %add3A = arith.addf %get3A_1, %get3A_4 : vector<256x128xf32>
    %get3A_5 = arith.constant 0 : index
    %get3A_6 = arith.constant 0 : index
    %get3A_7 = vector.load %arg3[%get3A_5, %get3A_6] : memref<256x128xf32, #tpu.memory_space<vmem>>, vector<256x128xf32>
    %add3A_8 = arith.addf %add3A, %get3A_7 : vector<256x128xf32>
    %get3A_9 = arith.constant 0 : index
    %get3A_10 = arith.constant 0 : index
    %get3A_11 = vector.load %arg4[%get3A_9, %get3A_10] : memref<256x1xf32, #tpu.memory_space<vmem>>, vector<256x1xf32>
    %mul3A = vector.broadcast %get3A_11 : vector<256x1xf32> to vector<256x128xf32>
    %mul3A_12 = arith.mulf %add3A_8, %mul3A : vector<256x128xf32>
    %get3A_13 = arith.constant 0 : index
    %get3A_14 = arith.constant 0 : index
    %get3A_15 = vector.load %arg5[%get3A_13, %get3A_14] : memref<1x128xf32, #tpu.memory_space<vmem>>, vector<1x128xf32>
    %add3A_16 = vector.broadcast %get3A_15 : vector<1x128xf32> to vector<256x128xf32>
    %add3A_17 = arith.addf %mul3A_12, %add3A_16 : vector<256x128xf32>
    %max3A = arith.constant 0.000000e+00 : f32
    %max3A_18 = vector.broadcast %max3A : f32 to vector<256x128xf32>
    %max3A_19 = arith.maximumf %add3A_17, %max3A_18 : vector<256x128xf32>
    %swap3A = arith.constant 0 : index
    %swap3A_20 = arith.constant 0 : index
    %swap3A_21 = vector.load %arg6[%swap3A, %swap3A_20] : memref<256x128xf32, #tpu.memory_space<vmem>>, vector<256x128xf32>
    tpu.vector_store %arg6[%swap3A, %swap3A_20], %max3A_19 {strides = array<i32>} : memref<256x128xf32, #tpu.memory_space<vmem>>, vector<256x128xf32>,
    return
  }
  func.func @transform_0(%arg0: i32) -> (i32, i32) {
    %c0_i32 = arith.constant 0 : i32
    %c0_i32_0 = arith.constant 0 : i32
    return %arg0, %c0_i32 : i32, i32
  }
  func.func @transform_1(%arg0: i32) -> (i32, i32) {
    %add3A = arith.constant 40 : i32
    %add3A_0 = arith.addi %arg0, %add3A : i32
    %c0_i32 = arith.constant 0 : i32
    %c0_i32_1 = arith.constant 0 : i32
    return %add3A_0, %c0_i32 : i32, i32
  }
  func.func @transform_2(%arg0: i32) -> (i32, i32) {
    %c0_i32 = arith.constant 0 : i32
    %c0_i32_0 = arith.constant 0 : i32
    return %arg0, %c0_i32 : i32, i32
  }
  func.func @transform_3(%arg0: i32) -> (i32, i32) {
    %c0_i32 = arith.constant 0 : i32
    %c0_i32_0 = arith.constant 0 : i32
    return %arg0, %c0_i32 : i32, i32
  }
  func.func @transform_4(%arg0: i32) -> (i32, i32) {
    %c0_i32 = arith.constant 0 : i32
    %c0_i32_0 = arith.constant 0 : i32
    %c0_i32_1 = arith.constant 0 : i32
    return %c0_i32, %c0_i32_0 : i32, i32
  }
  func.func @transform_5(%arg0: i32) -> (i32, i32) {
    %c0_i32 = arith.constant 0 : i32
    %c0_i32_0 = arith.constant 0 : i32
    return %arg0, %c0_i32 : i32, i32
  }
}

</mosaic_0001>

<sc_bundles>
// kernel: kernel.12.cloned.1.call-start
scs
__scs_entry_jumppad:
0x0: {  	(pc) =	sbr.rel $0x88, $3  }
0x1: {  	(tag) =	ssettag $0x0;
	lr =	simm.s32 $0x1  }
0x2: {  	[smem:$0x3F97] =	sst lr;
	_ =	strace $0xD0000000  }
0x3: {  	_ = 	snop  }
0x4: {  	_ = 	snop  }
0x5: {  	_ = 	snop  }
0x6: {  	_ = 	snop  }
0x7: {  	_ = 	snop  }
__scs_overlays_trampoline_lowered:
0x8: {  	[smem:$0x3FA6] =	sst s0  }
0x9: {  	[smem:$0x3FA7] =	sst s1  }
0xa: {  	[smem:$0x3FA8] =	sst s2  }
0xb: {  	[smem:$0x3FA9] =	sst s3  }
0xc: {  	[smem:$0x3FAA] =	sst s4  }
0xd: {  	[smem:$0x3FAB] =	sst s5  }
0xe: {  	[smem:$0x3FAC] =	sst s6  }
0xf: {  	[smem:$0x3FAD] =	sst s7  }
0x10: {  	[smem:$0x3FAE] =	sst s8  }
0x11: {  	[smem:$0x3FAF] =	sst s9;
	s0 =	simm.s32 @!p0 $0x0  }
0x12: {  	s1 =	sld [smem:$0x3F95];
	s0 =	simm.s32 @p0 $0x1  }
0x13: {  	[smem:$0x3FB0] =	sst s0;
	s0 =	simm.s32 @!p1 $0x0  }
0x14: {  	s2 =	sld [smem:$0x3F94];
	s0 =	simm.s32 @p1 $0x1  }
0x15: {  	[smem:$0x3FB1] =	sst s0;
	s0 =	simm.s32 @!p2 $0x0  }
0x16: {  	s3 =	sld [smem:$0x3FDB];
	s0 =	simm.s32 @p2 $0x1  }
0x17: {  	s4 =	simm.s32 $0x1BF5;
	[smem:$0x3FB3] =	sst s0  }
0x18: {  	s0 =	sld [smem:$0x3F96];
	_ =	swait.ge [sflag:s4], $0x0  }
0x19: {  	s7 =	sld [smem:$0x3F97]  }
0x1a: {  	s8 =	sadd.s32 $0xFFFFE003, lr  }
0x1b: {  	s9 =	sadd.s32 $0xFFFFFEF7, lr;
	s5 =	simm.s32 $0xFFFFFFFF;
	p2 =	slt.u32 s8, $0xFFFFF086  }
0x1c: {  	p1 =	slt.u32 s9, $0xF7A;
	s5 =	simm.s32 @!p2 $0x0  }
0x1d: {  	s5 =	simm.s32 @p1 $0x1;
	p0 =	seq.s32 s7, s2  }
0x1e: {  	s7 =	smul.u32 @!p0 $0xF7A, s2;
	p2 =	seq.s32 @!p0 s5, $0x0  }
0x1f: {  	s9 =	smul.u32 $0xF7A, s1;
	s8 =	simm.s32 @!p0 $0x1BF5;
	p2 =	por !p2, p0  }
0x20: {  	[sflag:s8] =	ssyncset.s32 @!p0 $0xFFFFF086;
	s6 =	sadd.s32 @!p0 s3, s7;
	s7 =	simm.s32 @!p0 $0x108  }
0x21: {  	s3 =	sadd.s32 s3, s9;
	s6 =	sadd.s32 @!p0 $0x88, s6;
	s7 =	simm.s32 @p2 $0x1082  }
0x22: {  	[simem:s7], [sflag:s8] =	dma.local @!p0 [hbm:s6], $0xF7A  }
0x23: {  	s9 =	sor.u32 $0xD0000000, s2;
	s6 =	simm.s32 $0x108;
	_ =	swait.ge @!p0 [sflag:s8], $0x0  }
0x24: {  	s3 =	sadd.s32 $0x88, s3;
	s6 =	simm.s32 @!p1 $0x1082;
	[sflag:s4] =	ssyncset.s32 $0xFFFFF086  }
0x25: {  	[simem:s6], [sflag:s4] =	dma.local [hbm:s3], $0xF7A  }
0x26: {  	[smem:$0x3F97] =	sst s1;
	(tag) =	ssettag s2;
	_ =	strace s9  }
0x27: {  	s1 =	sld [smem:$0x3FA7]  }
0x28: {  	s2 =	sld [smem:$0x3FA8]  }
0x29: {  	s4 =	sld [smem:$0x3FAA]  }
0x2a: {  	p0 =	seq.s32 s5, $0x0;
	s5 =	sld [smem:$0x3FAB]  }
0x2b: {  	s6 =	sld [smem:$0x3FAC]  }
0x2c: {  	s7 =	sld [smem:$0x3FAD]  }
0x2d: {  	s3 =	simm.s32 $0x108;
	s8 =	sld [smem:$0x3FAE]  }
0x2e: {  	s3 =	simm.s32 @!p0 $0x1082;
	s9 =	sld [smem:$0x3FAF]  }
0x2f: {  	lr =	sadd.s32 s0, s3;
	s0 =	sld [smem:$0x3FA6]  }
0x30: {  	s3 =	sld [smem:$0x3FA9]  }
0x31: {  	[smem:$0x3FB2] =	sst s10  }
0x32: {  	s10 =	sld [smem:$0x3FB0];
	_ =	sdelay $0x3  }
0x33: {  	p0 =	seq.s32 s10, $0x1;
	s10 =	sld [smem:$0x3FB2];
	_ =	sdelay $0x3  }
0x34: {  	[smem:$0x3FB2] =	sst s10  }
0x35: {  	s10 =	sld [smem:$0x3FB1];
	_ =	sdelay $0x3  }
0x36: {  	p1 =	seq.s32 s10, $0x1;
	s10 =	sld [smem:$0x3FB2];
	_ =	sdelay $0x3  }
0x37: {  	[smem:$0x3FB2] =	sst s10  }
0x38: {  	s10 =	sld [smem:$0x3FB3]  }
0x39: {  	_ = 	snop;
	(pc) =	sbr.ind lr, $3  }
0x3a: {  	_ = 	snop  }
0x3b: {  	_ = 	snop  }
0x3c: {  	p2 =	seq.s32 s10, $0x1;
	s10 =	sld [smem:$0x3FB2]  }
0x3d: {  	_ =	shalt  }
0x3e: {  	_ =	shalt  }
0x3f: {  	_ =	shalt  }
0x40: {  	_ =	shalt  }
0x41: {  	_ =	shalt  }
0x42: {  	_ =	shalt  }
0x43: {  	_ =	shalt  }
0x44: {  	_ =	shalt  }
0x45: {  	_ =	shalt  }
0x46: {  	_ =	shalt  }
0x47: {  	_ =	shalt  }
0x48: {  	_ =	shalt  }
0x49: {  	_ =	shalt  }
0x4a: {  	_ =	shalt  }
0x4b: {  	_ =	shalt  }
0x4c: {  	_ =	shalt  }
0x4d: {  	_ =	shalt  }
0x4e: {  	_ =	shalt  }
0x4f: {  	_ =	shalt  }
0x50: {  	_ =	shalt  }
0x51: {  	_ =	shalt  }
0x52: {  	_ =	shalt  }
0x53: {  	_ =	shalt  }
0x54: {  	_ =	shalt  }
0x55: {  	_ =	shalt  }
0x56: {  	_ =	shalt  }
0x57: {  	_ =	shalt  }
0x58: {  	_ =	shalt  }
0x59: {  	_ =	shalt  }
0x5a: {  	_ =	shalt  }
0x5b: {  	_ =	shalt  }
0x5c: {  	_ =	shalt  }
0x5d: {  	_ =	shalt  }
0x5e: {  	_ =	shalt  }
0x5f: {  	_ =	shalt  }
0x60: {  	_ =	shalt  }
0x61: {  	_ =	shalt  }
0x62: {  	_ =	shalt  }
0x63: {  	_ =	shalt  }
0x64: {  	_ =	shalt  }
0x65: {  	_ =	shalt  }
0x66: {  	_ =	shalt  }
0x67: {  	_ =	shalt  }
0x68: {  	_ =	shalt  }
0x69: {  	_ =	shalt  }
0x6a: {  	_ =	shalt  }
0x6b: {  	_ =	shalt  }
0x6c: {  	_ =	shalt  }
0x6d: {  	_ =	shalt  }
0x6e: {  	_ =	shalt  }
0x6f: {  	_ =	shalt  }
0x70: {  	_ =	shalt  }
0x71: {  	_ =	shalt  }
0x72: {  	_ =	shalt  }
0x73: {  	_ =	shalt  }
0x74: {  	_ =	shalt  }
0x75: {  	_ =	shalt  }
0x76: {  	_ =	shalt  }
0x77: {  	_ =	shalt  }
0x78: {  	_ =	shalt  }
0x79: {  	_ =	shalt  }
0x7a: {  	_ =	shalt  }
0x7b: {  	_ =	shalt  }
0x7c: {  	_ =	shalt  }
0x7d: {  	_ =	shalt  }
0x7e: {  	_ =	shalt  }
0x7f: {  	_ =	shalt  }
0x80: {  	_ =	shalt  }
0x81: {  	_ =	shalt  }
0x82: {  	_ =	shalt  }
0x83: {  	_ =	shalt  }
0x84: {  	_ =	shalt  }
0x85: {  	_ =	shalt  }
0x86: {  	_ =	shalt  }
0x87: {  	_ =	shalt  }
.Lfunc_end0:
.L_simem_size_0:
called_computation_lowered:
.L_overlay_start_0:
0x88: {  	s2 =	sld [smem:$0x3FD9]  }
0x89: {  	s3 =	sld [smem:$0x3FFE];
	_ =	sdelay $0x1  }
0x8a: {  	s1 =	srdreg.scid  }
0x8b: {  	s0 =	sand.u32 $0x1, s1  }
0x8c: {  	s16 =	sshll.u32 s0, $0xA;
	s2 =	sadd.s32 s3, s2  }
0x8d: {  	s2 =	sadd.s32 s2, s16  }
0x8e: {  	[smem:$0x3FBE] =	sst s2  }
0x8f: {  	_ = 	snop  }
0x90: {  	(tm) =	ssettm $0x1  }
0x91: {  	s17 =	sld [smem:$0x3FFB];
	_ =	sdelay $0x3  }
0x92: {  	_ =	strace s17  }
0x93: {  	s2 =	sld [smem:$0x3FFC];
	_ =	sdelay $0x3  }
0x94: {  	_ =	strace s2  }
0x95: {  	s2 =	sld [smem:$0x3FFD];
	_ =	sdelay $0x3  }
0x96: {  	_ =	strace s2  }
0x97: {  	_ =	strace $0x8FFFFFFF  }
0x98: {  	s18 =	sld [smem:$0x3FDB];
	_ =	sdelay $0x1  }
0x99: {  	s19 =	simm.s32 $_scs_section_size  }
0x9a: {  	s4 =	simm.s32 $_size__tile_overlayer_lowered;
	s5 =	simm.s32 $_tile_overlayer_lowered  }
0x9b: {  	s22 =	simm.s32 $0x1BFF;
	s21 =	sshll.u32 s5, $0x1;
	s2 =	sadd.s32 s19, s18  }
0x9c: {  	s6 =	simm.s32 $0x0;
	s20 =	sshll.u32 s4, $0x1;
	s4 =	sadd.s32 s21, s2  }
0x9d: {  	[timem:s6], [sflag:s22] =	dma.local [hbm:s4], s20  }
0x9e: {  	_ =	swait.ge [sflag:s22], s20  }
0x9f: {  	s3 =	ssub.s32 $0x0, s20;
	[sflag:s22] =	ssyncset.done $0x0  }
0xa0: {  	[sflag:s22] =	ssyncadd.s32 s3;
	_ =	sdelay $0x1  }
0xa1: {  	s23 =	simm.s32 $0x1B8B  }
0xa2: {  	_ =	swait.ge [sflag:s23], $0x1  }
0xa3: {  	[sflag:s23] =	ssyncset.done $0x0  }
0xa4: {  	s25 =	simm.s32 $0x1B8E;
	s24 =	sld [smem:$0x3FFE];
	[sflag:s23] =	ssyncadd.s32 $0xFFFFFFFF  }
0xa5: {  	s26 =	simm.s32 $execute0_lowered;
	[smem:$0x3FD2] =	sst s25  }
0xa6: {  	s4 =	sshll.u32 s26, $0x1;
	_ =	strace $0x80000046;
	[dreg:$0x1] =	wrdreg $0xFFFFFFFF  }
0xa7: {  	s28 =	simm.s32 $_size_execute0_lowered;
	s2 =	sadd.s32 s2, s4;
	[dreg:$0x0] =	wrdreg $0x0  }
0xa8: {  	s4 =	sshll.u32 s28, $0x1;
	[dreg:$0x2] =	wrdreg s2  }
0xa9: {  	[dreg:$0x3] =	wrdreg s4  }
0xaa: {  	[dreg:$0x4] =	wrdreg $0xC0  }
0xab: {  	_ =	task [dreg:s6], $0x5FFFF  }
0xac: {  	[dreg:$0x1] =	wrdreg $0xFFFFFFFF  }
0xad: {  	[dreg:$0x0] =	wrdreg $0x60  }
0xae: {  	[dreg:$0x2] =	wrdreg s24  }
0xaf: {  	[dreg:$0x3] =	wrdreg $0x9  }
0xb0: {  	_ =	task.clear_ibuf [dreg:s6], $0x4FFFF;
	_ =	strace $0x90000046  }
0xb1: {  	s29 =	simm.s32 $0x9;
	_ =	strace $0x80000048  }
0xb2: {  	_ =	swait.ge [sflag:s29], $0x1  }
0xb3: {  	[sflag:s29] =	ssyncadd.s32 $0xFFFFFFFF  }
0xb4: {  	_ =	strace $0x90000048  }
0xb5: {  	_ =	sfence  }
0xb6: {  	s30 =	sld [smem:$0x0];
	_ =	sdelay $0x2  }
0xb7: {  	s31 =	sshll.u32 s1, $0xD;
	s1 =	sshrl.u32 s1, $0x2  }
0xb8: {  	s3 =	sand.u32 $0x4000, s31;
	s1 =	sadd.s32 s1, s30  }
0xb9: {  	s0 =	sor.u32 s3, s0;
	s1 =	sshll.u32 s1, $0x11  }
0xba: {  	s0 =	sor.u32 s1, s0  }
0xbb: {  	s0 =	sadd.s32 $0x8F2B, s0  }
0xbc: {  	[sflag:s0] =	ssyncadd.remote.s32 $0x1  }
0xbd: {  	_ =	sfence.sel $0xFFFF  }
0xbe: {  	[dreg:$0x0] =	wrdreg $0xFFFFFFFF;
	(pc) =	sbr.abs _section_cstart, $3  }
0xbf: {  	[dreg:$0x1] =	wrdreg $0xFFFFFFFF  }
0xc0: {  	_ =	task.clear_ibuf [dreg:s6], $0x2FFFF;
	_ =	strace $0x9FFFFFFF  }
0xc1: {  	(tm) =	ssettm $0x7FFFFFFF  }
tec
execute0_lowered:
.L_overlay_start_1:
0x0: {  	(tag) =	ssettag $0x1  }
0x1: {  	s0 =	srdreg.scid;
	s4 =	rddreg [dreg:$0x0]  }
0x2: {  	s9 =	simm.s32 $0x400;
	s10 =	simm.s32 $0x0;
	s3 =	sand.u32 $0x1, s0  }
0x3: {  	s0 =	stileid.u32;
	s1 =	sshll.u32 s3, $0x4;
	s5 =	smul.u32 $0x4F00, s3  }
0x4: {  	s7 =	sshll.u32 s0, $0x7;
	s29 =	ssub.s32 $0x2, s3;
	s2 =	sor.u32 s0, s1  }
0x5: {  	s8 =	smul.u32 $0x4F0, s0;
	s3 =	sadd.s32 $0xDE00, s4;
	s6 =	sshrl.u32 s2, $0x3  }
0x6: {  	s1 =	rddreg [dreg:$0x1];
	s7 =	sand.u32 $0x380, s7;
	s6 =	smul.u32 $0x14000, s6  }
0x7: {  	s30 =	sshrl.u32 s29, $0x1;
	s2 =	simm.s32 $0x0;
	s5 =	sadd.s32 s5, s4  }
0x8: {  	[smem:$0x7FF] =	sst s2;
	s31 =	sadd.s32 s8, s5;
	s6 =	sor.u32 s7, s6  }
0x9: {  	s8 =	simm.s32 $0x1;
	_ =	strace $0x80000047;
	s6 =	sshrl.u32 s6, $0x3  }
0xa: {  	s7 =	simm.s32 $0x80;
	s4 =	sadd.s32 s6, s4;
	s6 =	ssub.s32 s29, s30  }
0xb: {  	v0 =	vimm.f32 $1.000000000e+00;
	s4 =	sadd.s32 $0xE400, s4;
	s5 =	smax.u32 s6, $0x1;
	s6 =	sadd.s32 $0x4000, s31  }
.LBB2_1:
0xc: {  	[tilespmem:s7], [sflag:$0x1] =	stream.linear.gather [hbm4b:s3+s2], $0x2800, $0x38;
	[tilespmem:$0x2880] =	vst v63  }
0xd: {  	_ =	swait.ge [sflag:s8], $0x2800  }
0xe: {  	[sflag:s8] =	ssyncset.done $0x0  }
0xf: {  	s11 =	simm.s32 $0x0;
	[sflag:s8] =	ssyncadd.s32 $0xFFFFD800  }
.LBB2_2:
0x10: {  	s12 =	sadd.s32 s11, s6  }
0x11: {  	[tilespmem:s2], [sflag:$0x1] =	stream.linear.gather [hbm4b:s12+s2], $0x80, $0x38;
	[tilespmem:$0x2880] =	vst v63  }
0x12: {  	_ =	swait.ge [sflag:s8], $0x80  }
0x13: {  	[sflag:s8] =	ssyncset.done $0x0  }
0x14: {  	[sflag:s8] =	ssyncadd.s32 $0xFFFFFF80  }
0x15: {  	v1 =	vld [tilespmem:$0x0];
	_ =	sdelay $0x7  }
0x16: {  	[tilespmem:v1+s7+$0x0] =	vst.idx.add.f32.msk $0xffff, v0  }
0x17: {  	v1 =	vld [tilespmem:$0x10];
	_ =	sdelay $0x7  }
0x18: {  	[tilespmem:v1+s7+$0x0] =	vst.idx.add.f32.msk $0xffff, v0  }
0x19: {  	v1 =	vld [tilespmem:$0x20];
	_ =	sdelay $0x7  }
0x1a: {  	[tilespmem:v1+s7+$0x0] =	vst.idx.add.f32.msk $0xffff, v0  }
0x1b: {  	v1 =	vld [tilespmem:$0x30];
	_ =	sdelay $0x7  }
0x1c: {  	[tilespmem:v1+s7+$0x0] =	vst.idx.add.f32.msk $0xffff, v0  }
0x1d: {  	v1 =	vld [tilespmem:$0x40];
	_ =	sdelay $0x7  }
0x1e: {  	[tilespmem:v1+s7+$0x0] =	vst.idx.add.f32.msk $0xffff, v0  }
0x1f: {  	v1 =	vld [tilespmem:$0x50];
	_ =	sdelay $0x7  }
0x20: {  	[tilespmem:v1+s7+$0x0] =	vst.idx.add.f32.msk $0xffff, v0  }
0x21: {  	v1 =	vld [tilespmem:$0x60];
	_ =	sdelay $0x7  }
0x22: {  	[tilespmem:v1+s7+$0x0] =	vst.idx.add.f32.msk $0xffff, v0  }
0x23: {  	v1 =	vld [tilespmem:$0x70];
	_ =	sdelay $0x2  }
0x24: {  	p0 =	sne.s32 s11, $0x4E0  }
.Ltmp0:
0x25: {  	_ = 	snop;
	(pc) =	sbr.rel @p0 .LBB2_2-.Ltmp0, $2  }
0x26: {  	_ =	sdelay $0x2  }
0x27: {  	s11 =	sadd.s32 $0x10, s11;
	[tilespmem:v1+s7+$0x0] =	vst.idx.add.f32.msk $0xffff, v0  }
0x28: {  	s10 =	sadd.s32 $0x1, s10  }
0x29: {  	p0 =	sne.s32 s10, s5  }
.Ltmp1:
0x2a: {  	_ = 	snop;
	(pc) =	sbr.rel @p0 .LBB2_1-.Ltmp1, $4  }
0x2b: {  	[hbm4b:s4+s7] =	stream.strided.scatter [tilespmem:s7], [sflag:$0x1], $0x2800, s9, s7, $0x38;
	[tilespmem:$0x2880] =	vst v63  }
0x2c: {  	_ =	swait.ge [sflag:s8], $0x2800  }
0x2d: {  	[sflag:s8] =	ssyncset.done $0x0  }
0x2e: {  	[sflag:s8] =	ssyncadd.s32 $0xFFFFD800  }
0x2f: {  	_ =	sfence.sel $0x180000  }
0x30: {  	[bflag:$0x0] =	sbarrier.arrive $0xFFFF  }
0x31: {  	p0 =	sne.s32 s0, $0x0;
	_ =	strace $0x90000047  }
0x32: {  	s0 =	sadd.s32 @!p0 $0x100000, s1;
	[bflag:$0x2] =	sbarrier.arrive $0xFFFF  }
0x33: {  	[sflag:s0] =	ssyncadd.tile.s32 @!p0 $0x1;
	_ =	shalt  }
.Lfunc_end2:
_tile_overlayer_lowered:
.L_overlay_start_2:
0x34: {  	(tag) =	ssettag $0x2  }
0x35: {  	s0 =	rddreg [dreg:$0x0];
	s2 =	stileid.u32  }
0x36: {  	s1 =	rddreg [dreg:$0x1];
	p0 =	sne.s32 s2, $0x0  }
0x37: {  	s3 =	rddreg [dreg:$0x2];
	[bflag:$0x3] =	sbarrier.arrive $0xFFFF;
	s2 =	simm.s32 @!p0 $0x1C01  }
0x38: {  	[timem:s3], [sflag:s2] =	dma.local @!p0 [hbm:s0], s1  }
0x39: {  	s0 =	simm.s32 @!p0 $0x1  }
0x3a: {  	_ =	swait.ge @!p0 [sflag:s0], s1  }
0x3b: {  	s1 =	ssub.s32 @!p0 $0x0, s1;
	[sflag:s0] =	ssyncset.done @!p0 $0x0  }
0x3c: {  	[sflag:s0] =	ssyncadd.s32 @!p0 s1  }
0x3d: {  	[bflag:$0x3] =	sbarrier.arrive $0xFFFF  }
0x3e: {  	_ =	shalt  }

// kernel: kernel.15.cloned.1.call-start
scs
__scs_entry_jumppad:
0x0: {  	(pc) =	sbr.rel $0x88, $3  }
0x1: {  	(tag) =	ssettag $0x0;
	lr =	simm.s32 $0x1  }
0x2: {  	[smem:$0x3F97] =	sst lr;
	_ =	strace $0xD0000000  }
0x3: {  	_ = 	snop  }
0x4: {  	_ = 	snop  }
0x5: {  	_ = 	snop  }
0x6: {  	_ = 	snop  }
0x7: {  	_ = 	snop  }
__scs_overlays_trampoline_lowered:
0x8: {  	[smem:$0x3FA6] =	sst s0  }
0x9: {  	[smem:$0x3FA7] =	sst s1  }
0xa: {  	[smem:$0x3FA8] =	sst s2  }
0xb: {  	[smem:$0x3FA9] =	sst s3  }
0xc: {  	[smem:$0x3FAA] =	sst s4  }
0xd: {  	[smem:$0x3FAB] =	sst s5  }
0xe: {  	[smem:$0x3FAC] =	sst s6  }
0xf: {  	[smem:$0x3FAD] =	sst s7  }
0x10: {  	[smem:$0x3FAE] =	sst s8  }
0x11: {  	[smem:$0x3FAF] =	sst s9;
	s0 =	simm.s32 @!p0 $0x0  }
0x12: {  	s1 =	sld [smem:$0x3F95];
	s0 =	simm.s32 @p0 $0x1  }
0x13: {  	[smem:$0x3FB0] =	sst s0;
	s0 =	simm.s32 @!p1 $0x0  }
0x14: {  	s2 =	sld [smem:$0x3F94];
	s0 =	simm.s32 @p1 $0x1  }
0x15: {  	[smem:$0x3FB1] =	sst s0;
	s0 =	simm.s32 @!p2 $0x0  }
0x16: {  	s3 =	sld [smem:$0x3FDB];
	s0 =	simm.s32 @p2 $0x1  }
0x17: {  	s4 =	simm.s32 $0x1BF5;
	[smem:$0x3FB3] =	sst s0  }
0x18: {  	s0 =	sld [smem:$0x3F96];
	_ =	swait.ge [sflag:s4], $0x0  }
0x19: {  	s7 =	sld [smem:$0x3F97]  }
0x1a: {  	s8 =	sadd.s32 $0xFFFFE003, lr  }
0x1b: {  	s9 =	sadd.s32 $0xFFFFFEF7, lr;
	s5 =	simm.s32 $0xFFFFFFFF;
	p2 =	slt.u32 s8, $0xFFFFF086  }
0x1c: {  	p1 =	slt.u32 s9, $0xF7A;
	s5 =	simm.s32 @!p2 $0x0  }
0x1d: {  	s5 =	simm.s32 @p1 $0x1;
	p0 =	seq.s32 s7, s2  }
0x1e: {  	s7 =	smul.u32 @!p0 $0xF7A, s2;
	p2 =	seq.s32 @!p0 s5, $0x0  }
0x1f: {  	s9 =	smul.u32 $0xF7A, s1;
	s8 =	simm.s32 @!p0 $0x1BF5;
	p2 =	por !p2, p0  }
0x20: {  	[sflag:s8] =	ssyncset.s32 @!p0 $0xFFFFF086;
	s6 =	sadd.s32 @!p0 s3, s7;
	s7 =	simm.s32 @!p0 $0x108  }
0x21: {  	s3 =	sadd.s32 s3, s9;
	s6 =	sadd.s32 @!p0 $0x88, s6;
	s7 =	simm.s32 @p2 $0x1082  }
0x22: {  	[simem:s7], [sflag:s8] =	dma.local @!p0 [hbm:s6], $0xF7A  }
0x23: {  	s9 =	sor.u32 $0xD0000000, s2;
	s6 =	simm.s32 $0x108;
	_ =	swait.ge @!p0 [sflag:s8], $0x0  }
0x24: {  	s3 =	sadd.s32 $0x88, s3;
	s6 =	simm.s32 @!p1 $0x1082;
	[sflag:s4] =	ssyncset.s32 $0xFFFFF086  }
0x25: {  	[simem:s6], [sflag:s4] =	dma.local [hbm:s3], $0xF7A  }
0x26: {  	[smem:$0x3F97] =	sst s1;
	(tag) =	ssettag s2;
	_ =	strace s9  }
0x27: {  	s1 =	sld [smem:$0x3FA7]  }
0x28: {  	s2 =	sld [smem:$0x3FA8]  }
0x29: {  	s4 =	sld [smem:$0x3FAA]  }
0x2a: {  	p0 =	seq.s32 s5, $0x0;
	s5 =	sld [smem:$0x3FAB]  }
0x2b: {  	s6 =	sld [smem:$0x3FAC]  }
0x2c: {  	s7 =	sld [smem:$0x3FAD]  }
0x2d: {  	s3 =	simm.s32 $0x108;
	s8 =	sld [smem:$0x3FAE]  }
0x2e: {  	s3 =	simm.s32 @!p0 $0x1082;
	s9 =	sld [smem:$0x3FAF]  }
0x2f: {  	lr =	sadd.s32 s0, s3;
	s0 =	sld [smem:$0x3FA6]  }
0x30: {  	s3 =	sld [smem:$0x3FA9]  }
0x31: {  	[smem:$0x3FB2] =	sst s10  }
0x32: {  	s10 =	sld [smem:$0x3FB0];
	_ =	sdelay $0x3  }
0x33: {  	p0 =	seq.s32 s10, $0x1;
	s10 =	sld [smem:$0x3FB2];
	_ =	sdelay $0x3  }
0x34: {  	[smem:$0x3FB2] =	sst s10  }
0x35: {  	s10 =	sld [smem:$0x3FB1];
	_ =	sdelay $0x3  }
0x36: {  	p1 =	seq.s32 s10, $0x1;
	s10 =	sld [smem:$0x3FB2];
	_ =	sdelay $0x3  }
0x37: {  	[smem:$0x3FB2] =	sst s10  }
0x38: {  	s10 =	sld [smem:$0x3FB3]  }
0x39: {  	_ = 	snop;
	(pc) =	sbr.ind lr, $3  }
0x3a: {  	_ = 	snop  }
0x3b: {  	_ = 	snop  }
0x3c: {  	p2 =	seq.s32 s10, $0x1;
	s10 =	sld [smem:$0x3FB2]  }
0x3d: {  	_ =	shalt  }
0x3e: {  	_ =	shalt  }
0x3f: {  	_ =	shalt  }
0x40: {  	_ =	shalt  }
0x41: {  	_ =	shalt  }
0x42: {  	_ =	shalt  }
0x43: {  	_ =	shalt  }
0x44: {  	_ =	shalt  }
0x45: {  	_ =	shalt  }
0x46: {  	_ =	shalt  }
0x47: {  	_ =	shalt  }
0x48: {  	_ =	shalt  }
0x49: {  	_ =	shalt  }
0x4a: {  	_ =	shalt  }
0x4b: {  	_ =	shalt  }
0x4c: {  	_ =	shalt  }
0x4d: {  	_ =	shalt  }
0x4e: {  	_ =	shalt  }
0x4f: {  	_ =	shalt  }
0x50: {  	_ =	shalt  }
0x51: {  	_ =	shalt  }
0x52: {  	_ =	shalt  }
0x53: {  	_ =	shalt  }
0x54: {  	_ =	shalt  }
0x55: {  	_ =	shalt  }
0x56: {  	_ =	shalt  }
0x57: {  	_ =	shalt  }
0x58: {  	_ =	shalt  }
0x59: {  	_ =	shalt  }
0x5a: {  	_ =	shalt  }
0x5b: {  	_ =	shalt  }
0x5c: {  	_ =	shalt  }
0x5d: {  	_ =	shalt  }
0x5e: {  	_ =	shalt  }
0x5f: {  	_ =	shalt  }
0x60: {  	_ =	shalt  }
0x61: {  	_ =	shalt  }
0x62: {  	_ =	shalt  }
0x63: {  	_ =	shalt  }
0x64: {  	_ =	shalt  }
0x65: {  	_ =	shalt  }
0x66: {  	_ =	shalt  }
0x67: {  	_ =	shalt  }
0x68: {  	_ =	shalt  }
0x69: {  	_ =	shalt  }
0x6a: {  	_ =	shalt  }
0x6b: {  	_ =	shalt  }
0x6c: {  	_ =	shalt  }
0x6d: {  	_ =	shalt  }
0x6e: {  	_ =	shalt  }
0x6f: {  	_ =	shalt  }
0x70: {  	_ =	shalt  }
0x71: {  	_ =	shalt  }
0x72: {  	_ =	shalt  }
0x73: {  	_ =	shalt  }
0x74: {  	_ =	shalt  }
0x75: {  	_ =	shalt  }
0x76: {  	_ =	shalt  }
0x77: {  	_ =	shalt  }
0x78: {  	_ =	shalt  }
0x79: {  	_ =	shalt  }
0x7a: {  	_ =	shalt  }
0x7b: {  	_ =	shalt  }
0x7c: {  	_ =	shalt  }
0x7d: {  	_ =	shalt  }
0x7e: {  	_ =	shalt  }
0x7f: {  	_ =	shalt  }
0x80: {  	_ =	shalt  }
0x81: {  	_ =	shalt  }
0x82: {  	_ =	shalt  }
0x83: {  	_ =	shalt  }
0x84: {  	_ =	shalt  }
0x85: {  	_ =	shalt  }
0x86: {  	_ =	shalt  }
0x87: {  	_ =	shalt  }
.Lfunc_end0:
.L_simem_size_0:
called_computation.1_lowered:
.L_overlay_start_0:
0x88: {  	s2 =	sld [smem:$0x3FD9]  }
0x89: {  	s3 =	sld [smem:$0x3FFE];
	_ =	sdelay $0x1  }
0x8a: {  	s1 =	srdreg.scid  }
0x8b: {  	s0 =	sand.u32 $0x1, s1  }
0x8c: {  	s17 =	sshll.u32 s0, $0xA;
	s2 =	sadd.s32 s3, s2  }
0x8d: {  	s2 =	sadd.s32 s2, s17  }
0x8e: {  	[smem:$0x3FBE] =	sst s2  }
0x8f: {  	_ = 	snop  }
0x90: {  	s2 =	sld [smem:$0x3FD0];
	(tm) =	ssettm $0x1  }
0x91: {  	s18 =	sld [smem:$0x3FFB];
	_ =	sdelay $0x3  }
0x92: {  	_ =	strace s18  }
0x93: {  	s3 =	sld [smem:$0x3FFC];
	_ =	sdelay $0x3  }
0x94: {  	_ =	strace s3  }
0x95: {  	s3 =	sld [smem:$0x3FFD];
	_ =	sdelay $0x3  }
0x96: {  	_ =	strace s3  }
0x97: {  	_ =	strace $0x8FFFFFFF  }
0x98: {  	s19 =	sld [smem:$0x3FDB];
	_ =	sdelay $0x1  }
0x99: {  	s4 =	simm.s32 $_scs_section_size  }
0x9a: {  	s5 =	simm.s32 $_size__tile_overlayer_lowered;
	s6 =	simm.s32 $_tile_overlayer_lowered  }
0x9b: {  	s22 =	simm.s32 $0x1BFF;
	s21 =	sshll.u32 s6, $0x1;
	s3 =	sadd.s32 s4, s19  }
0x9c: {  	s7 =	simm.s32 $0x0;
	s20 =	sshll.u32 s5, $0x1;
	s5 =	sadd.s32 s21, s3  }
0x9d: {  	[timem:s7], [sflag:s22] =	dma.local [hbm:s5], s20  }
0x9e: {  	_ =	swait.ge [sflag:s22], s20  }
0x9f: {  	s4 =	ssub.s32 $0x0, s20;
	[sflag:s22] =	ssyncset.done $0x0  }
0xa0: {  	[sflag:s22] =	ssyncadd.s32 s4;
	_ =	sdelay $0x1  }
0xa1: {  	s23 =	simm.s32 $0x1B8B  }
0xa2: {  	_ =	swait.ge [sflag:s23], $0x1  }
0xa3: {  	[sflag:s23] =	ssyncset.done $0x0  }
0xa4: {  	s25 =	simm.s32 $0x1B8E;
	s24 =	sld [smem:$0x3FFE];
	[sflag:s23] =	ssyncadd.s32 $0xFFFFFFFF  }
0xa5: {  	s26 =	simm.s32 $execute0_lowered;
	[smem:$0x3FD2] =	sst s25  }
0xa6: {  	s5 =	sshll.u32 s26, $0x1;
	_ =	strace $0x80000049;
	[dreg:$0x1] =	wrdreg $0xFFFFFFFF  }
0xa7: {  	s28 =	simm.s32 $_size_execute0_lowered;
	s3 =	sadd.s32 s3, s5;
	[dreg:$0x0] =	wrdreg $0x0  }
0xa8: {  	s5 =	sshll.u32 s28, $0x1;
	[dreg:$0x2] =	wrdreg s3  }
0xa9: {  	[dreg:$0x3] =	wrdreg s5  }
0xaa: {  	[dreg:$0x4] =	wrdreg $0xC0  }
0xab: {  	_ =	task [dreg:s7], $0x5FFFF  }
0xac: {  	[dreg:$0x1] =	wrdreg $0xFFFFFFFF  }
0xad: {  	[dreg:$0x0] =	wrdreg $0x60  }
0xae: {  	[dreg:$0x2] =	wrdreg s24  }
0xaf: {  	[dreg:$0x3] =	wrdreg s2  }
0xb0: {  	[dreg:$0x4] =	wrdreg $0x82000  }
0xb1: {  	[dreg:$0x5] =	wrdreg $0x9  }
0xb2: {  	_ =	task.clear_ibuf [dreg:s7], $0x6FFFF;
	_ =	strace $0x90000049  }
0xb3: {  	s29 =	simm.s32 $0x9;
	_ =	strace $0x8000004B  }
0xb4: {  	_ =	swait.ge [sflag:s29], $0x1  }
0xb5: {  	[sflag:s29] =	ssyncadd.s32 $0xFFFFFFFF  }
0xb6: {  	_ =	strace $0x9000004B  }
0xb7: {  	_ =	sfence  }
0xb8: {  	s30 =	sld [smem:$0x0];
	_ =	sdelay $0x2  }
0xb9: {  	s31 =	sshll.u32 s1, $0xD;
	s1 =	sshrl.u32 s1, $0x2  }
0xba: {  	s3 =	sand.u32 $0x4000, s31;
	s1 =	sadd.s32 s1, s30  }
0xbb: {  	s0 =	sor.u32 s3, s0;
	s1 =	sshll.u32 s1, $0x11  }
0xbc: {  	s0 =	sor.u32 s1, s0  }
0xbd: {  	s0 =	sadd.s32 $0x8F2B, s0  }
0xbe: {  	[sflag:s0] =	ssyncadd.remote.s32 $0x1  }
0xbf: {  	_ =	sfence.sel $0xFFFF  }
0xc0: {  	[dreg:$0x0] =	wrdreg $0xFFFFFFFF;
	(pc) =	sbr.abs _section_cstart, $3  }
0xc1: {  	[dreg:$0x1] =	wrdreg $0xFFFFFFFF  }
0xc2: {  	_ =	task.clear_ibuf [dreg:s7], $0x2FFFF;
	_ =	strace $0x9FFFFFFF  }
0xc3: {  	(tm) =	ssettm $0x7FFFFFFF  }
tec
execute0_lowered:
.L_overlay_start_1:
0x0: {  	(tag) =	ssettag $0x1  }
0x1: {  	s0 =	rddreg [dreg:$0x0]  }
0x2: {  	s2 =	rddreg [dreg:$0x1]  }
0x3: {  	s1 =	srdreg.scid;
	s9 =	stileid.u32  }
0x4: {  	s3 =	rddreg [dreg:$0x2];
	s5 =	smul.u32 $0x280, s9  }
0x5: {  	s4 =	simm.s32 $0x0;
	s28 =	simm.s32 $0x2;
	s7 =	smul.u32 $0x50000, s9  }
0x6: {  	s29 =	simm.s32 $0x4200;
	s30 =	simm.s32 $0x3;
	s12 =	smul.u32 $0x22, s9  }
0x7: {  	s31 =	simm.s32 $0x1;
	s1 =	sand.u32 $0x1, s1;
	s13 =	smul.u32 $0x7C, s9  }
0x8: {  	[smem:$0x7FF] =	sst s4;
	s8 =	sadd.s32 $0x2C000, s0;
	s6 =	smul.u32 $0x2800, s1  }
0x9: {  	_ =	strace $0x8000004A;
	[dreg:$0x4] =	wrdreg s8;
	s20 =	ssub.s32 $0x2, s1  }
0xa: {  	p0 =	seq.s32 s1, $0x0;
	s7 =	sshrl.u32 s7, $0x2;
	s21 =	sshrl.u32 s20, $0x1  }
0xb: {  	s1 =	sadd.s32 $0x7C0, s12;
	s14 =	sadd.s32 $0x7E2, s12;
	s6 =	sadd.s32 s5, s6  }
0xc: {  	s5 =	sadd.s32 $0x4000, s0;
	s7 =	sadd.s32 s7, s3;
	s1 =	smov.u32 @p0 s13  }
0xd: {  	s13 =	sadd.s32 $0x7C, s13;
	s6 =	sshll.u32 s6, $0x4;
	s8 =	sadd.s32 $0x4000, s7  }
0xe: {  	s9 =	sadd.s32 $0x8000, s7;
	s10 =	sadd.s32 $0xC000, s7;
	s11 =	sadd.s32 $0x10000, s7  }
0xf: {  	s22 =	sshll.u32 s1, $0x5;
	s14 =	smov.u32 @p0 s13;
	s13 =	simm.s32 $0x3E  }
0x10: {  	s16 =	sadd.s32 $0x3, s1;
	s1 =	simm.s32 $0x4;
	s0 =	sadd.s32 s6, s0  }
0x11: {  	s6 =	ssub.s32 s20, s21;
	s12 =	sadd.s32 s2, s22;
	s18 =	sadd.s32 $0xFFFFFFFF, s14  }
0x12: {  	s13 =	simm.s32 @!p0 $0x11;
	s23 =	sadd.s32 $0x20, s12;
	s24 =	sadd.s32 $0x2C800, s0  }
0x13: {  	s25 =	sadd.s32 $0x2D000, s0;
	s26 =	sadd.s32 $0x2D800, s0;
	[dreg:$0x5] =	wrdreg s23  }
0x14: {  	s19 =	sadd.s32 $0x2E000, s0;
	s20 =	sadd.s32 $0x2E800, s0;
	[dreg:$0x6] =	wrdreg s24  }
0x15: {  	s21 =	smax.u32 s6, $0x1;
	s0 =	simm.s32 $0x180;
	[dreg:$0x7] =	wrdreg s25  }
0x16: {  	s6 =	simm.s32 $0x0;
	[dreg:$0x8] =	wrdreg s26;
	s23 =	simm.s32 $0x200  }
0x17: {  	s24 =	simm.s32 $0x5;
	s25 =	simm.s32 $0x80;
	s26 =	simm.s32 $0x100  }
.LBB2_1:
0x18: {  	s14 =	rddreg [dreg:$0x4]  }
0x19: {  	[tilespmem:s23], [sflag:$0x5] =	stream.linear.gather [hbm4b:s14+s4], $0x4000, $0x38;
	[tilespmem:$0x1C200] =	vst v63  }
0x1a: {  	_ =	swait.ge [sflag:s24], $0x4000  }
0x1b: {  	[sflag:s24] =	ssyncset.done $0x0  }
0x1c: {  	[sflag:s24] =	ssyncadd.s32 $0xFFFFC000  }
0x1d: {  	[spmem:s7] =	stream.linear.scatter [tilespmem:s23], [sflag:$0x5], $0x4000, $0x38;
	[tilespmem:$0x1C200] =	vst v63  }
0x1e: {  	_ =	swait.ge [sflag:s24], $0x4000  }
0x1f: {  	[sflag:s24] =	ssyncset.done $0x0  }
0x20: {  	[sflag:s24] =	ssyncadd.s32 $0xFFFFC000  }
0x21: {  	[spmem:s8] =	stream.linear.scatter [tilespmem:s23], [sflag:$0x5], $0x4000, $0x38;
	[tilespmem:$0x1C200] =	vst v63  }
0x22: {  	_ =	swait.ge [sflag:s24], $0x4000  }
0x23: {  	[sflag:s24] =	ssyncset.done $0x0  }
0x24: {  	[sflag:s24] =	ssyncadd.s32 $0xFFFFC000  }
0x25: {  	[spmem:s9] =	stream.linear.scatter [tilespmem:s23], [sflag:$0x5], $0x4000, $0x38;
	[tilespmem:$0x1C200] =	vst v63  }
0x26: {  	_ =	swait.ge [sflag:s24], $0x4000  }
0x27: {  	[sflag:s24] =	ssyncset.done $0x0  }
0x28: {  	[sflag:s24] =	ssyncadd.s32 $0xFFFFC000  }
0x29: {  	[spmem:s10] =	stream.linear.scatter [tilespmem:s23], [sflag:$0x5], $0x4000, $0x38;
	[tilespmem:$0x1C200] =	vst v63  }
0x2a: {  	_ =	swait.ge [sflag:s24], $0x4000  }
0x2b: {  	[sflag:s24] =	ssyncset.done $0x0  }
0x2c: {  	[sflag:s24] =	ssyncadd.s32 $0xFFFFC000  }
0x2d: {  	[spmem:s11] =	stream.linear.scatter [tilespmem:s23], [sflag:$0x5], $0x4000, $0x38;
	[tilespmem:$0x1C200] =	vst v63  }
0x2e: {  	_ =	swait.ge [sflag:s24], $0x4000  }
0x2f: {  	[sflag:s24] =	ssyncset.done $0x0  }
0x30: {  	[sflag:s24] =	ssyncadd.s32 $0xFFFFC000  }
0x31: {  	[bflag:$0x0] =	sbarrier.arrive $0xFFFF  }
0x32: {  	[tilespmem:s4], [sflag:$0x5] =	stream.linear.gather [hbm4b:s12+s4], $0x100, $0x38;
	[tilespmem:$0x1C200] =	vst v63  }
0x33: {  	_ =	swait.ge [sflag:s24], $0x100  }
0x34: {  	[sflag:s24] =	ssyncset.done $0x0  }
0x35: {  	[sflag:s24] =	ssyncadd.s32 $0xFFFFFF00  }
0x36: {  	[tilespmem:s23], [sflag:$0x3] =	stream.indirect.gather [hbm4b:s5+s25], $0x80, s4, s25, $0xb8;
	[tilespmem:$0x1C200] =	vst v63  }
0x37: {  	s17 =	rddreg [dreg:$0x5]  }
0x38: {  	[tilespmem:s26], [sflag:$0x2] =	stream.linear.gather [hbm4b:s17+s4], $0x100, $0x38;
	[tilespmem:$0x1C200] =	vst v63  }
0x39: {  	_ =	swait.ge [sflag:s28], $0x100  }
0x3a: {  	[sflag:s28] =	ssyncset.done $0x0  }
0x3b: {  	[sflag:s28] =	ssyncadd.s32 $0xFFFFFF00  }
0x3c: {  	[tilespmem:s29], [sflag:$0x4] =	stream.indirect.gather [hbm4b:s5+s25], $0x80, s26, s25, $0xb8;
	[tilespmem:$0x1C200] =	vst v63  }
0x3d: {  	s15 =	sadd.s32 $0xFFFFFFFF, s16;
	_ =	swait.ge [sflag:s30], $0x4000  }
0x3e: {  	p0 =	slt.s32 s15, s18;
	s17 =	smov.u32 s18;
	[sflag:s30] =	ssyncset.done $0x0  }
0x3f: {  	s17 =	smov.u32 @p0 s15;
	[sflag:s30] =	ssyncadd.s32 $0xFFFFC000  }
0x40: {  	[spmem:s3] =	stream.indirect.scatter.add.f32 [tilespmem:s23], [sflag:$0x5], $0x80, s25, s25, $0xb8;
	[tilespmem:$0x1C200] =	vst v63  }
0x41: {  	s15 =	sshll.u32 s17, $0x5;
	_ =	swait.ge [sflag:s24], $0x4000  }
0x42: {  	s15 =	sand.u32 $0x1FFFFFE0, s15;
	[sflag:s24] =	ssyncset.done $0x0  }
0x43: {  	s15 =	sadd.s32 s2, s15;
	[sflag:s24] =	ssyncadd.s32 $0xFFFFC000  }
0x44: {  	[tilespmem:s4], [sflag:$0x1] =	stream.linear.gather [hbm4b:s15+s4], $0x100, $0x38;
	[tilespmem:$0x1C200] =	vst v63  }
0x45: {  	_ =	swait.ge [sflag:s31], $0x100  }
0x46: {  	[sflag:s31] =	ssyncset.done $0x0  }
0x47: {  	p0 =	slt.s32 s16, s18;
	s15 =	smov.u32 s18;
	[sflag:s31] =	ssyncadd.s32 $0xFFFFFF00  }
0x48: {  	[tilespmem:s23], [sflag:$0x3] =	stream.indirect.gather [hbm4b:s5+s25], $0x80, s4, s25, $0xb8;
	[tilespmem:$0x1C200] =	vst v63  }
0x49: {  	s15 =	smov.u32 @p0 s16;
	p0 =	sne.s32 s13, $0x1;
	_ =	swait.ge [sflag:s1], $0x4000  }
.Ltmp0:
0x4a: {  	[sflag:s1] =	ssyncset.done $0x0;
	(pc) =	sbr.rel @!p0 .LBB2_3-.Ltmp0, $4  }
0x4b: {  	[sflag:s1] =	ssyncadd.s32 $0xFFFFC000  }
0x4c: {  	[spmem:s3] =	stream.indirect.scatter.add.f32 [tilespmem:s29], [sflag:$0x5], $0x80, s0, s25, $0xb8;
	[tilespmem:$0x1C200] =	vst v63  }
0x4d: {  	s22 =	sshll.u32 s15, $0x5;
	s15 =	sadd.s32 $0xFFFFFFFF, s13;
	_ =	swait.ge [sflag:s24], $0x4000  }
0x4e: {  	s17 =	sand.u32 $0x1FFFFFE0, s22;
	s22 =	smov.u32 s16;
	[sflag:s24] =	ssyncset.done $0x0  }
.LBB2_2:
0x4f: {  	[sflag:s24] =	ssyncadd.s32 $0xFFFFC000;
	s17 =	sadd.s32 s2, s17;
	s22 =	sadd.s32 $0x2, s22  }
0x50: {  	[tilespmem:s26], [sflag:$0x2] =	stream.linear.gather [hbm4b:s17+s4], $0x100, $0x38;
	[tilespmem:$0x1C200] =	vst v63  }
0x51: {  	p0 =	sne.s32 s15, $0x1;
	s15 =	sadd.s32 $0xFFFFFFFF, s15;
	_ =	swait.ge [sflag:s28], $0x100  }
0x52: {  	[sflag:s28] =	ssyncset.done $0x0  }
0x53: {  	[sflag:s28] =	ssyncadd.s32 $0xFFFFFF00  }
0x54: {  	[tilespmem:s29], [sflag:$0x4] =	stream.indirect.gather [hbm4b:s5+s25], $0x80, s26, s25, $0xb8;
	[tilespmem:$0x1C200] =	vst v63  }
0x55: {  	s17 =	sadd.s32 $0xFFFFFFFF, s22;
	_ =	swait.ge [sflag:s30], $0x4000  }
0x56: {  	s14 =	smov.u32 s18;
	p1 =	slt.s32 s17, s18;
	[sflag:s30] =	ssyncset.done $0x0  }
0x57: {  	s14 =	smov.u32 @p1 s17;
	[sflag:s30] =	ssyncadd.s32 $0xFFFFC000  }
0x58: {  	[spmem:s3] =	stream.indirect.scatter.add.f32 [tilespmem:s23], [sflag:$0x5], $0x80, s25, s25, $0xb8;
	[tilespmem:$0x1C200] =	vst v63  }
0x59: {  	s14 =	sshll.u32 s14, $0x5;
	_ =	swait.ge [sflag:s24], $0x4000  }
0x5a: {  	s14 =	sand.u32 $0x1FFFFFE0, s14;
	[sflag:s24] =	ssyncset.done $0x0  }
0x5b: {  	s14 =	sadd.s32 s2, s14;
	[sflag:s24] =	ssyncadd.s32 $0xFFFFC000  }
0x5c: {  	[tilespmem:s4], [sflag:$0x1] =	stream.linear.gather [hbm4b:s14+s4], $0x100, $0x38;
	[tilespmem:$0x1C200] =	vst v63  }
0x5d: {  	_ =	swait.ge [sflag:s31], $0x100  }
0x5e: {  	[sflag:s31] =	ssyncset.done $0x0  }
0x5f: {  	[sflag:s31] =	ssyncadd.s32 $0xFFFFFF00  }
0x60: {  	[tilespmem:s23], [sflag:$0x3] =	stream.indirect.gather [hbm4b:s5+s25], $0x80, s4, s25, $0xb8;
	[tilespmem:$0x1C200] =	vst v63  }
0x61: {  	p1 =	slt.s32 s22, s18;
	_ =	swait.ge [sflag:s1], $0x4000  }
.Ltmp1:
0x62: {  	s14 =	smov.u32 s18;
	[sflag:s1] =	ssyncset.done $0x0;
	(pc) =	sbr.rel @p0 .LBB2_2-.Ltmp1, $4  }
0x63: {  	s14 =	smov.u32 @p1 s22;
	[sflag:s1] =	ssyncadd.s32 $0xFFFFC000  }
0x64: {  	[spmem:s3] =	stream.indirect.scatter.add.f32 [tilespmem:s29], [sflag:$0x5], $0x80, s0, s25, $0xb8;
	[tilespmem:$0x1C200] =	vst v63  }
0x65: {  	s14 =	sshll.u32 s14, $0x5;
	_ =	swait.ge [sflag:s24], $0x4000  }
0x66: {  	s17 =	sand.u32 $0x1FFFFFE0, s14;
	[sflag:s24] =	ssyncset.done $0x0  }
.LBB2_3:
0x67: {  	[sflag:s24] =	ssyncadd.s32 $0xFFFFC000;
	s14 =	sadd.s32 s2, s17  }
0x68: {  	[tilespmem:s26], [sflag:$0x2] =	stream.linear.gather [hbm4b:s14+s4], $0x100, $0x38;
	[tilespmem:$0x1C200] =	vst v63  }
0x69: {  	_ =	swait.ge [sflag:s28], $0x100  }
0x6a: {  	[sflag:s28] =	ssyncset.done $0x0  }
0x6b: {  	[sflag:s28] =	ssyncadd.s32 $0xFFFFFF00  }
0x6c: {  	_ =	swait.ge [sflag:s30], $0x4000  }
0x6d: {  	[sflag:s30] =	ssyncset.done $0x0  }
0x6e: {  	[sflag:s30] =	ssyncadd.s32 $0xFFFFC000  }
0x6f: {  	[bflag:$0x0] =	sbarrier.arrive $0xFFFF  }
0x70: {  	[tilespmem:s23], [sflag:$0x5] =	stream.linear.gather [spmem:s7], $0x4000, $0x38;
	[tilespmem:$0x1C200] =	vst v63  }
0x71: {  	_ =	swait.ge [sflag:s24], $0x4000  }
0x72: {  	[sflag:s24] =	ssyncset.done $0x0  }
0x73: {  	s15 =	rddreg [dreg:$0x6];
	[sflag:s24] =	ssyncadd.s32 $0xFFFFC000  }
0x74: {  	[hbm4b:s15+s4] =	stream.linear.scatter [tilespmem:s23], [sflag:$0x5], $0x4000, $0x38;
	[tilespmem:$0x1C200] =	vst v63  }
0x75: {  	_ =	swait.ge [sflag:s24], $0x4000  }
0x76: {  	[sflag:s24] =	ssyncset.done $0x0  }
0x77: {  	[sflag:s24] =	ssyncadd.s32 $0xFFFFC000  }
0x78: {  	[tilespmem:s23], [sflag:$0x5] =	stream.linear.gather [spmem:s8], $0x4000, $0x38;
	[tilespmem:$0x1C200] =	vst v63  }
0x79: {  	_ =	swait.ge [sflag:s24], $0x4000  }
0x7a: {  	[sflag:s24] =	ssyncset.done $0x0  }
0x7b: {  	s17 =	rddreg [dreg:$0x7];
	[sflag:s24] =	ssyncadd.s32 $0xFFFFC000  }
0x7c: {  	[hbm4b:s17+s4] =	stream.linear.scatter [tilespmem:s23], [sflag:$0x5], $0x4000, $0x38;
	[tilespmem:$0x1C200] =	vst v63  }
0x7d: {  	_ =	swait.ge [sflag:s24], $0x4000  }
0x7e: {  	[sflag:s24] =	ssyncset.done $0x0  }
0x7f: {  	[sflag:s24] =	ssyncadd.s32 $0xFFFFC000  }
0x80: {  	[tilespmem:s23], [sflag:$0x5] =	stream.linear.gather [spmem:s9], $0x4000, $0x38;
	[tilespmem:$0x1C200] =	vst v63  }
0x81: {  	_ =	swait.ge [sflag:s24], $0x4000  }
0x82: {  	[sflag:s24] =	ssyncset.done $0x0  }
0x83: {  	s22 =	rddreg [dreg:$0x8];
	[sflag:s24] =	ssyncadd.s32 $0xFFFFC000  }
0x84: {  	[hbm4b:s22+s4] =	stream.linear.scatter [tilespmem:s23], [sflag:$0x5], $0x4000, $0x38;
	[tilespmem:$0x1C200] =	vst v63  }
0x85: {  	_ =	swait.ge [sflag:s24], $0x4000  }
0x86: {  	[sflag:s24] =	ssyncset.done $0x0  }
0x87: {  	[sflag:s24] =	ssyncadd.s32 $0xFFFFC000  }
0x88: {  	[tilespmem:s23], [sflag:$0x5] =	stream.linear.gather [spmem:s10], $0x4000, $0x38;
	[tilespmem:$0x1C200] =	vst v63  }
0x89: {  	_ =	swait.ge [sflag:s24], $0x4000  }
0x8a: {  	[sflag:s24] =	ssyncset.done $0x0  }
0x8b: {  	[sflag:s24] =	ssyncadd.s32 $0xFFFFC000  }
0x8c: {  	[hbm4b:s19+s4] =	stream.linear.scatter [tilespmem:s23], [sflag:$0x5], $0x4000, $0x38;
	[tilespmem:$0x1C200] =	vst v63  }
0x8d: {  	_ =	swait.ge [sflag:s24], $0x4000  }
0x8e: {  	[sflag:s24] =	ssyncset.done $0x0  }
0x8f: {  	[sflag:s24] =	ssyncadd.s32 $0xFFFFC000  }
0x90: {  	[tilespmem:s23], [sflag:$0x5] =	stream.linear.gather [spmem:s11], $0x4000, $0x38;
	[tilespmem:$0x1C200] =	vst v63  }
0x91: {  	s6 =	sadd.s32 $0x1, s6;
	_ =	swait.ge [sflag:s24], $0x4000  }
0x92: {  	p0 =	sne.s32 s6, s21;
	[sflag:s24] =	ssyncset.done $0x0  }
.Ltmp2:
0x93: {  	[sflag:s24] =	ssyncadd.s32 $0xFFFFC000;
	(pc) =	sbr.rel @p0 .LBB2_1-.Ltmp2, $4  }
0x94: {  	[hbm4b:s20+s4] =	stream.linear.scatter [tilespmem:s23], [sflag:$0x5], $0x4000, $0x38;
	[tilespmem:$0x1C200] =	vst v63  }
0x95: {  	_ =	swait.ge [sflag:s24], $0x4000  }
0x96: {  	[sflag:s24] =	ssyncset.done $0x0  }
0x97: {  	[sflag:s24] =	ssyncadd.s32 $0xFFFFC000  }
0x98: {  	_ =	sfence.sel $0x180000  }
0x99: {  	[bflag:$0x0] =	sbarrier.arrive $0xFFFF  }
0x9a: {  	_ =	strace $0x9000004A  }
0x9b: {  	s0 =	stileid.u32;
	[bflag:$0x2] =	sbarrier.arrive $0xFFFF  }
0x9c: {  	p0 =	sne.s32 s0, $0x0;
	s0 =	rddreg [dreg:$0x3]  }
0x9d: {  	s0 =	sadd.s32 @!p0 $0x100000, s0  }
0x9e: {  	[sflag:s0] =	ssyncadd.tile.s32 @!p0 $0x1;
	_ =	shalt  }
.Lfunc_end2:
_tile_overlayer_lowered:
.L_overlay_start_2:
0x9f: {  	(tag) =	ssettag $0x2  }
0xa0: {  	s0 =	rddreg [dreg:$0x0];
	s2 =	stileid.u32  }
0xa1: {  	s1 =	rddreg [dreg:$0x1];
	p0 =	sne.s32 s2, $0x0  }
0xa2: {  	s3 =	rddreg [dreg:$0x2];
	[bflag:$0x3] =	sbarrier.arrive $0xFFFF;
	s2 =	simm.s32 @!p0 $0x1C05  }
0xa3: {  	[timem:s3], [sflag:s2] =	dma.local @!p0 [hbm:s0], s1  }
0xa4: {  	s0 =	simm.s32 @!p0 $0x5  }
0xa5: {  	_ =	swait.ge @!p0 [sflag:s0], s1  }
0xa6: {  	s1 =	ssub.s32 @!p0 $0x0, s1;
	[sflag:s0] =	ssyncset.done @!p0 $0x0  }
0xa7: {  	[sflag:s0] =	ssyncadd.s32 @!p0 s1  }
0xa8: {  	[bflag:$0x3] =	sbarrier.arrive $0xFFFF  }
0xa9: {  	_ =	shalt  }

// kernel: kernel.18.cloned.1.call-start
scs
__scs_entry_jumppad:
0x0: {  	(pc) =	sbr.rel $0x88, $3  }
0x1: {  	(tag) =	ssettag $0x0;
	lr =	simm.s32 $0x1  }
0x2: {  	[smem:$0x3F97] =	sst lr;
	_ =	strace $0xD0000000  }
0x3: {  	_ = 	snop  }
0x4: {  	_ = 	snop  }
0x5: {  	_ = 	snop  }
0x6: {  	_ = 	snop  }
0x7: {  	_ = 	snop  }
__scs_overlays_trampoline_lowered:
0x8: {  	[smem:$0x3FA6] =	sst s0  }
0x9: {  	[smem:$0x3FA7] =	sst s1  }
0xa: {  	[smem:$0x3FA8] =	sst s2  }
0xb: {  	[smem:$0x3FA9] =	sst s3  }
0xc: {  	[smem:$0x3FAA] =	sst s4  }
0xd: {  	[smem:$0x3FAB] =	sst s5  }
0xe: {  	[smem:$0x3FAC] =	sst s6  }
0xf: {  	[smem:$0x3FAD] =	sst s7  }
0x10: {  	[smem:$0x3FAE] =	sst s8  }
0x11: {  	[smem:$0x3FAF] =	sst s9;
	s0 =	simm.s32 @!p0 $0x0  }
0x12: {  	s1 =	sld [smem:$0x3F95];
	s0 =	simm.s32 @p0 $0x1  }
0x13: {  	[smem:$0x3FB0] =	sst s0;
	s0 =	simm.s32 @!p1 $0x0  }
0x14: {  	s2 =	sld [smem:$0x3F94];
	s0 =	simm.s32 @p1 $0x1  }
0x15: {  	[smem:$0x3FB1] =	sst s0;
	s0 =	simm.s32 @!p2 $0x0  }
0x16: {  	s3 =	sld [smem:$0x3FDB];
	s0 =	simm.s32 @p2 $0x1  }
0x17: {  	s4 =	simm.s32 $0x1BF5;
	[smem:$0x3FB3] =	sst s0  }
0x18: {  	s0 =	sld [smem:$0x3F96];
	_ =	swait.ge [sflag:s4], $0x0  }
0x19: {  	s7 =	sld [smem:$0x3F97]  }
0x1a: {  	s8 =	sadd.s32 $0xFFFFE003, lr  }
0x1b: {  	s9 =	sadd.s32 $0xFFFFFEF7, lr;
	s5 =	simm.s32 $0xFFFFFFFF;
	p2 =	slt.u32 s8, $0xFFFFF086  }
0x1c: {  	p1 =	slt.u32 s9, $0xF7A;
	s5 =	simm.s32 @!p2 $0x0  }
0x1d: {  	s5 =	simm.s32 @p1 $0x1;
	p0 =	seq.s32 s7, s2  }
0x1e: {  	s7 =	smul.u32 @!p0 $0xF7A, s2;
	p2 =	seq.s32 @!p0 s5, $0x0  }
0x1f: {  	s9 =	smul.u32 $0xF7A, s1;
	s8 =	simm.s32 @!p0 $0x1BF5;
	p2 =	por !p2, p0  }
0x20: {  	[sflag:s8] =	ssyncset.s32 @!p0 $0xFFFFF086;
	s6 =	sadd.s32 @!p0 s3, s7;
	s7 =	simm.s32 @!p0 $0x108  }
0x21: {  	s3 =	sadd.s32 s3, s9;
	s6 =	sadd.s32 @!p0 $0x88, s6;
	s7 =	simm.s32 @p2 $0x1082  }
0x22: {  	[simem:s7], [sflag:s8] =	dma.local @!p0 [hbm:s6], $0xF7A  }
0x23: {  	s9 =	sor.u32 $0xD0000000, s2;
	s6 =	simm.s32 $0x108;
	_ =	swait.ge @!p0 [sflag:s8], $0x0  }
0x24: {  	s3 =	sadd.s32 $0x88, s3;
	s6 =	simm.s32 @!p1 $0x1082;
	[sflag:s4] =	ssyncset.s32 $0xFFFFF086  }
0x25: {  	[simem:s6], [sflag:s4] =	dma.local [hbm:s3], $0xF7A  }
0x26: {  	[smem:$0x3F97] =	sst s1;
	(tag) =	ssettag s2;
	_ =	strace s9  }
0x27: {  	s1 =	sld [smem:$0x3FA7]  }
0x28: {  	s2 =	sld [smem:$0x3FA8]  }
0x29: {  	s4 =	sld [smem:$0x3FAA]  }
0x2a: {  	p0 =	seq.s32 s5, $0x0;
	s5 =	sld [smem:$0x3FAB]  }
0x2b: {  	s6 =	sld [smem:$0x3FAC]  }
0x2c: {  	s7 =	sld [smem:$0x3FAD]  }
0x2d: {  	s3 =	simm.s32 $0x108;
	s8 =	sld [smem:$0x3FAE]  }
0x2e: {  	s3 =	simm.s32 @!p0 $0x1082;
	s9 =	sld [smem:$0x3FAF]  }
0x2f: {  	lr =	sadd.s32 s0, s3;
	s0 =	sld [smem:$0x3FA6]  }
0x30: {  	s3 =	sld [smem:$0x3FA9]  }
0x31: {  	[smem:$0x3FB2] =	sst s10  }
0x32: {  	s10 =	sld [smem:$0x3FB0];
	_ =	sdelay $0x3  }
0x33: {  	p0 =	seq.s32 s10, $0x1;
	s10 =	sld [smem:$0x3FB2];
	_ =	sdelay $0x3  }
0x34: {  	[smem:$0x3FB2] =	sst s10  }
0x35: {  	s10 =	sld [smem:$0x3FB1];
	_ =	sdelay $0x3  }
0x36: {  	p1 =	seq.s32 s10, $0x1;
	s10 =	sld [smem:$0x3FB2];
	_ =	sdelay $0x3  }
0x37: {  	[smem:$0x3FB2] =	sst s10  }
0x38: {  	s10 =	sld [smem:$0x3FB3]  }
0x39: {  	_ = 	snop;
	(pc) =	sbr.ind lr, $3  }
0x3a: {  	_ = 	snop  }
0x3b: {  	_ = 	snop  }
0x3c: {  	p2 =	seq.s32 s10, $0x1;
	s10 =	sld [smem:$0x3FB2]  }
0x3d: {  	_ =	shalt  }
0x3e: {  	_ =	shalt  }
0x3f: {  	_ =	shalt  }
0x40: {  	_ =	shalt  }
0x41: {  	_ =	shalt  }
0x42: {  	_ =	shalt  }
0x43: {  	_ =	shalt  }
0x44: {  	_ =	shalt  }
0x45: {  	_ =	shalt  }
0x46: {  	_ =	shalt  }
0x47: {  	_ =	shalt  }
0x48: {  	_ =	shalt  }
0x49: {  	_ =	shalt  }
0x4a: {  	_ =	shalt  }
0x4b: {  	_ =	shalt  }
0x4c: {  	_ =	shalt  }
0x4d: {  	_ =	shalt  }
0x4e: {  	_ =	shalt  }
0x4f: {  	_ =	shalt  }
0x50: {  	_ =	shalt  }
0x51: {  	_ =	shalt  }
0x52: {  	_ =	shalt  }
0x53: {  	_ =	shalt  }
0x54: {  	_ =	shalt  }
0x55: {  	_ =	shalt  }
0x56: {  	_ =	shalt  }
0x57: {  	_ =	shalt  }
0x58: {  	_ =	shalt  }
0x59: {  	_ =	shalt  }
0x5a: {  	_ =	shalt  }
0x5b: {  	_ =	shalt  }
0x5c: {  	_ =	shalt  }
0x5d: {  	_ =	shalt  }
0x5e: {  	_ =	shalt  }
0x5f: {  	_ =	shalt  }
0x60: {  	_ =	shalt  }
0x61: {  	_ =	shalt  }
0x62: {  	_ =	shalt  }
0x63: {  	_ =	shalt  }
0x64: {  	_ =	shalt  }
0x65: {  	_ =	shalt  }
0x66: {  	_ =	shalt  }
0x67: {  	_ =	shalt  }
0x68: {  	_ =	shalt  }
0x69: {  	_ =	shalt  }
0x6a: {  	_ =	shalt  }
0x6b: {  	_ =	shalt  }
0x6c: {  	_ =	shalt  }
0x6d: {  	_ =	shalt  }
0x6e: {  	_ =	shalt  }
0x6f: {  	_ =	shalt  }
0x70: {  	_ =	shalt  }
0x71: {  	_ =	shalt  }
0x72: {  	_ =	shalt  }
0x73: {  	_ =	shalt  }
0x74: {  	_ =	shalt  }
0x75: {  	_ =	shalt  }
0x76: {  	_ =	shalt  }
0x77: {  	_ =	shalt  }
0x78: {  	_ =	shalt  }
0x79: {  	_ =	shalt  }
0x7a: {  	_ =	shalt  }
0x7b: {  	_ =	shalt  }
0x7c: {  	_ =	shalt  }
0x7d: {  	_ =	shalt  }
0x7e: {  	_ =	shalt  }
0x7f: {  	_ =	shalt  }
0x80: {  	_ =	shalt  }
0x81: {  	_ =	shalt  }
0x82: {  	_ =	shalt  }
0x83: {  	_ =	shalt  }
0x84: {  	_ =	shalt  }
0x85: {  	_ =	shalt  }
0x86: {  	_ =	shalt  }
0x87: {  	_ =	shalt  }
.Lfunc_end0:
.L_simem_size_0:
called_computation.2_lowered:
.L_overlay_start_0:
0x88: {  	s2 =	sld [smem:$0x3FD9]  }
0x89: {  	s3 =	sld [smem:$0x3FFE];
	_ =	sdelay $0x1  }
0x8a: {  	s1 =	srdreg.scid  }
0x8b: {  	s0 =	sand.u32 $0x1, s1  }
0x8c: {  	s17 =	sshll.u32 s0, $0xA;
	s2 =	sadd.s32 s3, s2  }
0x8d: {  	s2 =	sadd.s32 s2, s17  }
0x8e: {  	[smem:$0x3FBE] =	sst s2  }
0x8f: {  	_ = 	snop  }
0x90: {  	s2 =	sld [smem:$0x3FD0];
	(tm) =	ssettm $0x1  }
0x91: {  	s18 =	sld [smem:$0x3FFB];
	_ =	sdelay $0x3  }
0x92: {  	_ =	strace s18  }
0x93: {  	s3 =	sld [smem:$0x3FFC];
	_ =	sdelay $0x3  }
0x94: {  	_ =	strace s3  }
0x95: {  	s3 =	sld [smem:$0x3FFD];
	_ =	sdelay $0x3  }
0x96: {  	_ =	strace s3  }
0x97: {  	_ =	strace $0x8FFFFFFF  }
0x98: {  	s19 =	sld [smem:$0x3FDB];
	_ =	sdelay $0x1  }
0x99: {  	s4 =	simm.s32 $_scs_section_size  }
0x9a: {  	s5 =	simm.s32 $_size__tile_overlayer_lowered;
	s6 =	simm.s32 $_tile_overlayer_lowered  }
0x9b: {  	s22 =	simm.s32 $0x1BFF;
	s21 =	sshll.u32 s6, $0x1;
	s3 =	sadd.s32 s4, s19  }
0x9c: {  	s7 =	simm.s32 $0x0;
	s20 =	sshll.u32 s5, $0x1;
	s5 =	sadd.s32 s21, s3  }
0x9d: {  	[timem:s7], [sflag:s22] =	dma.local [hbm:s5], s20  }
0x9e: {  	_ =	swait.ge [sflag:s22], s20  }
0x9f: {  	s4 =	ssub.s32 $0x0, s20;
	[sflag:s22] =	ssyncset.done $0x0  }
0xa0: {  	[sflag:s22] =	ssyncadd.s32 s4;
	_ =	sdelay $0x1  }
0xa1: {  	s23 =	simm.s32 $0x1B8B  }
0xa2: {  	_ =	swait.ge [sflag:s23], $0x1  }
0xa3: {  	[sflag:s23] =	ssyncset.done $0x0  }
0xa4: {  	s25 =	simm.s32 $0x1B8E;
	s24 =	sld [smem:$0x3FFE];
	[sflag:s23] =	ssyncadd.s32 $0xFFFFFFFF  }
0xa5: {  	s26 =	simm.s32 $execute0_lowered;
	[smem:$0x3FD2] =	sst s25  }
0xa6: {  	s5 =	sshll.u32 s26, $0x1;
	_ =	strace $0x8000004C;
	[dreg:$0x1] =	wrdreg $0xFFFFFFFF  }
0xa7: {  	s28 =	simm.s32 $_size_execute0_lowered;
	s3 =	sadd.s32 s3, s5;
	[dreg:$0x0] =	wrdreg $0x0  }
0xa8: {  	s5 =	sshll.u32 s28, $0x1;
	[dreg:$0x2] =	wrdreg s3  }
0xa9: {  	[dreg:$0x3] =	wrdreg s5  }
0xaa: {  	[dreg:$0x4] =	wrdreg $0xC0  }
0xab: {  	_ =	task [dreg:s7], $0x5FFFF  }
0xac: {  	[dreg:$0x1] =	wrdreg $0xFFFFFFFF  }
0xad: {  	[dreg:$0x0] =	wrdreg $0x60  }
0xae: {  	[dreg:$0x2] =	wrdreg s24  }
0xaf: {  	[dreg:$0x3] =	wrdreg s2  }
0xb0: {  	[dreg:$0x4] =	wrdreg $0x82000  }
0xb1: {  	[dreg:$0x5] =	wrdreg $0x9  }
0xb2: {  	_ =	task.clear_ibuf [dreg:s7], $0x6FFFF;
	_ =	strace $0x9000004C  }
0xb3: {  	s29 =	simm.s32 $0x9;
	_ =	strace $0x8000004E  }
0xb4: {  	_ =	swait.ge [sflag:s29], $0x1  }
0xb5: {  	[sflag:s29] =	ssyncadd.s32 $0xFFFFFFFF  }
0xb6: {  	_ =	strace $0x9000004E  }
0xb7: {  	_ =	sfence  }
0xb8: {  	s30 =	sld [smem:$0x0];
	_ =	sdelay $0x2  }
0xb9: {  	s31 =	sshll.u32 s1, $0xD;
	s1 =	sshrl.u32 s1, $0x2  }
0xba: {  	s3 =	sand.u32 $0x4000, s31;
	s1 =	sadd.s32 s1, s30  }
0xbb: {  	s0 =	sor.u32 s3, s0;
	s1 =	sshll.u32 s1, $0x11  }
0xbc: {  	s0 =	sor.u32 s1, s0  }
0xbd: {  	s0 =	sadd.s32 $0x8F2B, s0  }
0xbe: {  	[sflag:s0] =	ssyncadd.remote.s32 $0x1  }
0xbf: {  	_ =	sfence.sel $0xFFFF  }
0xc0: {  	[dreg:$0x0] =	wrdreg $0xFFFFFFFF;
	(pc) =	sbr.abs _section_cstart, $3  }
0xc1: {  	[dreg:$0x1] =	wrdreg $0xFFFFFFFF  }
0xc2: {  	_ =	task.clear_ibuf [dreg:s7], $0x2FFFF;
	_ =	strace $0x9FFFFFFF  }
0xc3: {  	(tm) =	ssettm $0x7FFFFFFF  }
tec
execute0_lowered:
.L_overlay_start_1:
0x0: {  	(tag) =	ssettag $0x1  }
0x1: {  	s0 =	rddreg [dreg:$0x0]  }
0x2: {  	s2 =	rddreg [dreg:$0x1]  }
0x3: {  	s1 =	srdreg.scid;
	s9 =	stileid.u32  }
0x4: {  	s3 =	rddreg [dreg:$0x2];
	s5 =	smul.u32 $0x280, s9  }
0x5: {  	s4 =	simm.s32 $0x0;
	s28 =	simm.s32 $0x2;
	s7 =	smul.u32 $0x50000, s9  }
0x6: {  	s29 =	simm.s32 $0x4200;
	s30 =	simm.s32 $0x3;
	s12 =	smul.u32 $0x22, s9  }
0x7: {  	s31 =	simm.s32 $0x1;
	s1 =	sand.u32 $0x1, s1;
	s13 =	smul.u32 $0x7C, s9  }
0x8: {  	[smem:$0x7FF] =	sst s4;
	s8 =	sadd.s32 $0x2C000, s0;
	s6 =	smul.u32 $0x2800, s1  }
0x9: {  	_ =	strace $0x8000004D;
	[dreg:$0x4] =	wrdreg s8;
	s20 =	ssub.s32 $0x2, s1  }
0xa: {  	p0 =	seq.s32 s1, $0x0;
	s7 =	sshrl.u32 s7, $0x2;
	s21 =	sshrl.u32 s20, $0x1  }
0xb: {  	s1 =	sadd.s32 $0x7C0, s12;
	s14 =	sadd.s32 $0x7E2, s12;
	s6 =	sadd.s32 s5, s6  }
0xc: {  	s5 =	sadd.s32 $0x4000, s0;
	s7 =	sadd.s32 s7, s3;
	s1 =	smov.u32 @p0 s13  }
0xd: {  	s13 =	sadd.s32 $0x7C, s13;
	s6 =	sshll.u32 s6, $0x4;
	s8 =	sadd.s32 $0x4000, s7  }
0xe: {  	s9 =	sadd.s32 $0x8000, s7;
	s10 =	sadd.s32 $0xC000, s7;
	s11 =	sadd.s32 $0x10000, s7  }
0xf: {  	s22 =	sshll.u32 s1, $0x5;
	s14 =	smov.u32 @p0 s13;
	s13 =	simm.s32 $0x3E  }
0x10: {  	s16 =	sadd.s32 $0x3, s1;
	s1 =	simm.s32 $0x4;
	s0 =	sadd.s32 s6, s0  }
0x11: {  	s6 =	ssub.s32 s20, s21;
	s12 =	sadd.s32 s2, s22;
	s18 =	sadd.s32 $0xFFFFFFFF, s14  }
0x12: {  	s13 =	simm.s32 @!p0 $0x11;
	s23 =	sadd.s32 $0x20, s12;
	s24 =	sadd.s32 $0x2C800, s0  }
0x13: {  	s25 =	sadd.s32 $0x2D000, s0;
	s26 =	sadd.s32 $0x2D800, s0;
	[dreg:$0x5] =	wrdreg s23  }
0x14: {  	s19 =	sadd.s32 $0x2E000, s0;
	s20 =	sadd.s32 $0x2E800, s0;
	[dreg:$0x6] =	wrdreg s24  }
0x15: {  	s21 =	smax.u32 s6, $0x1;
	s0 =	simm.s32 $0x180;
	[dreg:$0x7] =	wrdreg s25  }
0x16: {  	s6 =	simm.s32 $0x0;
	[dreg:$0x8] =	wrdreg s26;
	s23 =	simm.s32 $0x200  }
0x17: {  	s24 =	simm.s32 $0x5;
	s25 =	simm.s32 $0x80;
	s26 =	simm.s32 $0x100  }
.LBB2_1:
0x18: {  	s14 =	rddreg [dreg:$0x4]  }
0x19: {  	[tilespmem:s23], [sflag:$0x5] =	stream.linear.gather [hbm4b:s14+s4], $0x4000, $0x38;
	[tilespmem:$0x1C200] =	vst v63  }
0x1a: {  	_ =	swait.ge [sflag:s24], $0x4000  }
0x1b: {  	[sflag:s24] =	ssyncset.done $0x0  }
0x1c: {  	[sflag:s24] =	ssyncadd.s32 $0xFFFFC000  }
0x1d: {  	[spmem:s7] =	stream.linear.scatter [tilespmem:s23], [sflag:$0x5], $0x4000, $0x38;
	[tilespmem:$0x1C200] =	vst v63  }
0x1e: {  	_ =	swait.ge [sflag:s24], $0x4000  }
0x1f: {  	[sflag:s24] =	ssyncset.done $0x0  }
0x20: {  	[sflag:s24] =	ssyncadd.s32 $0xFFFFC000  }
0x21: {  	[spmem:s8] =	stream.linear.scatter [tilespmem:s23], [sflag:$0x5], $0x4000, $0x38;
	[tilespmem:$0x1C200] =	vst v63  }
0x22: {  	_ =	swait.ge [sflag:s24], $0x4000  }
0x23: {  	[sflag:s24] =	ssyncset.done $0x0  }
0x24: {  	[sflag:s24] =	ssyncadd.s32 $0xFFFFC000  }
0x25: {  	[spmem:s9] =	stream.linear.scatter [tilespmem:s23], [sflag:$0x5], $0x4000, $0x38;
	[tilespmem:$0x1C200] =	vst v63  }
0x26: {  	_ =	swait.ge [sflag:s24], $0x4000  }
0x27: {  	[sflag:s24] =	ssyncset.done $0x0  }
0x28: {  	[sflag:s24] =	ssyncadd.s32 $0xFFFFC000  }
0x29: {  	[spmem:s10] =	stream.linear.scatter [tilespmem:s23], [sflag:$0x5], $0x4000, $0x38;
	[tilespmem:$0x1C200] =	vst v63  }
0x2a: {  	_ =	swait.ge [sflag:s24], $0x4000  }
0x2b: {  	[sflag:s24] =	ssyncset.done $0x0  }
0x2c: {  	[sflag:s24] =	ssyncadd.s32 $0xFFFFC000  }
0x2d: {  	[spmem:s11] =	stream.linear.scatter [tilespmem:s23], [sflag:$0x5], $0x4000, $0x38;
	[tilespmem:$0x1C200] =	vst v63  }
0x2e: {  	_ =	swait.ge [sflag:s24], $0x4000  }
0x2f: {  	[sflag:s24] =	ssyncset.done $0x0  }
0x30: {  	[sflag:s24] =	ssyncadd.s32 $0xFFFFC000  }
0x31: {  	[bflag:$0x0] =	sbarrier.arrive $0xFFFF  }
0x32: {  	[tilespmem:s4], [sflag:$0x5] =	stream.linear.gather [hbm4b:s12+s4], $0x100, $0x38;
	[tilespmem:$0x1C200] =	vst v63  }
0x33: {  	_ =	swait.ge [sflag:s24], $0x100  }
0x34: {  	[sflag:s24] =	ssyncset.done $0x0  }
0x35: {  	[sflag:s24] =	ssyncadd.s32 $0xFFFFFF00  }
0x36: {  	[tilespmem:s23], [sflag:$0x3] =	stream.indirect.gather [hbm4b:s5+s25], $0x80, s4, s25, $0xb8;
	[tilespmem:$0x1C200] =	vst v63  }
0x37: {  	s17 =	rddreg [dreg:$0x5]  }
0x38: {  	[tilespmem:s26], [sflag:$0x2] =	stream.linear.gather [hbm4b:s17+s4], $0x100, $0x38;
	[tilespmem:$0x1C200] =	vst v63  }
0x39: {  	_ =	swait.ge [sflag:s28], $0x100  }
0x3a: {  	[sflag:s28] =	ssyncset.done $0x0  }
0x3b: {  	[sflag:s28] =	ssyncadd.s32 $0xFFFFFF00  }
0x3c: {  	[tilespmem:s29], [sflag:$0x4] =	stream.indirect.gather [hbm4b:s5+s25], $0x80, s26, s25, $0xb8;
	[tilespmem:$0x1C200] =	vst v63  }
0x3d: {  	s15 =	sadd.s32 $0xFFFFFFFF, s16;
	_ =	swait.ge [sflag:s30], $0x4000  }
0x3e: {  	p0 =	slt.s32 s15, s18;
	s17 =	smov.u32 s18;
	[sflag:s30] =	ssyncset.done $0x0  }
0x3f: {  	s17 =	smov.u32 @p0 s15;
	[sflag:s30] =	ssyncadd.s32 $0xFFFFC000  }
0x40: {  	[spmem:s3] =	stream.indirect.scatter.add.f32 [tilespmem:s23], [sflag:$0x5], $0x80, s25, s25, $0xb8;
	[tilespmem:$0x1C200] =	vst v63  }
0x41: {  	s15 =	sshll.u32 s17, $0x5;
	_ =	swait.ge [sflag:s24], $0x4000  }
0x42: {  	s15 =	sand.u32 $0x1FFFFFE0, s15;
	[sflag:s24] =	ssyncset.done $0x0  }
0x43: {  	s15 =	sadd.s32 s2, s15;
	[sflag:s24] =	ssyncadd.s32 $0xFFFFC000  }
0x44: {  	[tilespmem:s4], [sflag:$0x1] =	stream.linear.gather [hbm4b:s15+s4], $0x100, $0x38;
	[tilespmem:$0x1C200] =	vst v63  }
0x45: {  	_ =	swait.ge [sflag:s31], $0x100  }
0x46: {  	[sflag:s31] =	ssyncset.done $0x0  }
0x47: {  	p0 =	slt.s32 s16, s18;
	s15 =	smov.u32 s18;
	[sflag:s31] =	ssyncadd.s32 $0xFFFFFF00  }
0x48: {  	[tilespmem:s23], [sflag:$0x3] =	stream.indirect.gather [hbm4b:s5+s25], $0x80, s4, s25, $0xb8;
	[tilespmem:$0x1C200] =	vst v63  }
0x49: {  	s15 =	smov.u32 @p0 s16;
	p0 =	sne.s32 s13, $0x1;
	_ =	swait.ge [sflag:s1], $0x4000  }
.Ltmp0:
0x4a: {  	[sflag:s1] =	ssyncset.done $0x0;
	(pc) =	sbr.rel @!p0 .LBB2_3-.Ltmp0, $4  }
0x4b: {  	[sflag:s1] =	ssyncadd.s32 $0xFFFFC000  }
0x4c: {  	[spmem:s3] =	stream.indirect.scatter.add.f32 [tilespmem:s29], [sflag:$0x5], $0x80, s0, s25, $0xb8;
	[tilespmem:$0x1C200] =	vst v63  }
0x4d: {  	s22 =	sshll.u32 s15, $0x5;
	s15 =	sadd.s32 $0xFFFFFFFF, s13;
	_ =	swait.ge [sflag:s24], $0x4000  }
0x4e: {  	s17 =	sand.u32 $0x1FFFFFE0, s22;
	s22 =	smov.u32 s16;
	[sflag:s24] =	ssyncset.done $0x0  }
.LBB2_2:
0x4f: {  	[sflag:s24] =	ssyncadd.s32 $0xFFFFC000;
	s17 =	sadd.s32 s2, s17;
	s22 =	sadd.s32 $0x2, s22  }
0x50: {  	[tilespmem:s26], [sflag:$0x2] =	stream.linear.gather [hbm4b:s17+s4], $0x100, $0x38;
	[tilespmem:$0x1C200] =	vst v63  }
0x51: {  	p0 =	sne.s32 s15, $0x1;
	s15 =	sadd.s32 $0xFFFFFFFF, s15;
	_ =	swait.ge [sflag:s28], $0x100  }
0x52: {  	[sflag:s28] =	ssyncset.done $0x0  }
0x53: {  	[sflag:s28] =	ssyncadd.s32 $0xFFFFFF00  }
0x54: {  	[tilespmem:s29], [sflag:$0x4] =	stream.indirect.gather [hbm4b:s5+s25], $0x80, s26, s25, $0xb8;
	[tilespmem:$0x1C200] =	vst v63  }
0x55: {  	s17 =	sadd.s32 $0xFFFFFFFF, s22;
	_ =	swait.ge [sflag:s30], $0x4000  }
0x56: {  	s14 =	smov.u32 s18;
	p1 =	slt.s32 s17, s18;
	[sflag:s30] =	ssyncset.done $0x0  }
0x57: {  	s14 =	smov.u32 @p1 s17;
	[sflag:s30] =	ssyncadd.s32 $0xFFFFC000  }
0x58: {  	[spmem:s3] =	stream.indirect.scatter.add.f32 [tilespmem:s23], [sflag:$0x5], $0x80, s25, s25, $0xb8;
	[tilespmem:$0x1C200] =	vst v63  }
0x59: {  	s14 =	sshll.u32 s14, $0x5;
	_ =	swait.ge [sflag:s24], $0x4000  }
0x5a: {  	s14 =	sand.u32 $0x1FFFFFE0, s14;
	[sflag:s24] =	ssyncset.done $0x0  }
0x5b: {  	s14 =	sadd.s32 s2, s14;
	[sflag:s24] =	ssyncadd.s32 $0xFFFFC000  }
0x5c: {  	[tilespmem:s4], [sflag:$0x1] =	stream.linear.gather [hbm4b:s14+s4], $0x100, $0x38;
	[tilespmem:$0x1C200] =	vst v63  }
0x5d: {  	_ =	swait.ge [sflag:s31], $0x100  }
0x5e: {  	[sflag:s31] =	ssyncset.done $0x0  }
0x5f: {  	[sflag:s31] =	ssyncadd.s32 $0xFFFFFF00  }
0x60: {  	[tilespmem:s23], [sflag:$0x3] =	stream.indirect.gather [hbm4b:s5+s25], $0x80, s4, s25, $0xb8;
	[tilespmem:$0x1C200] =	vst v63  }
0x61: {  	p1 =	slt.s32 s22, s18;
	_ =	swait.ge [sflag:s1], $0x4000  }
.Ltmp1:
0x62: {  	s14 =	smov.u32 s18;
	[sflag:s1] =	ssyncset.done $0x0;
	(pc) =	sbr.rel @p0 .LBB2_2-.Ltmp1, $4  }
0x63: {  	s14 =	smov.u32 @p1 s22;
	[sflag:s1] =	ssyncadd.s32 $0xFFFFC000  }
0x64: {  	[spmem:s3] =	stream.indirect.scatter.add.f32 [tilespmem:s29], [sflag:$0x5], $0x80, s0, s25, $0xb8;
	[tilespmem:$0x1C200] =	vst v63  }
0x65: {  	s14 =	sshll.u32 s14, $0x5;
	_ =	swait.ge [sflag:s24], $0x4000  }
0x66: {  	s17 =	sand.u32 $0x1FFFFFE0, s14;
	[sflag:s24] =	ssyncset.done $0x0  }
.LBB2_3:
0x67: {  	[sflag:s24] =	ssyncadd.s32 $0xFFFFC000;
	s14 =	sadd.s32 s2, s17  }
0x68: {  	[tilespmem:s26], [sflag:$0x2] =	stream.linear.gather [hbm4b:s14+s4], $0x100, $0x38;
	[tilespmem:$0x1C200] =	vst v63  }
0x69: {  	_ =	swait.ge [sflag:s28], $0x100  }
0x6a: {  	[sflag:s28] =	ssyncset.done $0x0  }
0x6b: {  	[sflag:s28] =	ssyncadd.s32 $0xFFFFFF00  }
0x6c: {  	_ =	swait.ge [sflag:s30], $0x4000  }
0x6d: {  	[sflag:s30] =	ssyncset.done $0x0  }
0x6e: {  	[sflag:s30] =	ssyncadd.s32 $0xFFFFC000  }
0x6f: {  	[bflag:$0x0] =	sbarrier.arrive $0xFFFF  }
0x70: {  	[tilespmem:s23], [sflag:$0x5] =	stream.linear.gather [spmem:s7], $0x4000, $0x38;
	[tilespmem:$0x1C200] =	vst v63  }
0x71: {  	_ =	swait.ge [sflag:s24], $0x4000  }
0x72: {  	[sflag:s24] =	ssyncset.done $0x0  }
0x73: {  	s15 =	rddreg [dreg:$0x6];
	[sflag:s24] =	ssyncadd.s32 $0xFFFFC000  }
0x74: {  	[hbm4b:s15+s4] =	stream.linear.scatter [tilespmem:s23], [sflag:$0x5], $0x4000, $0x38;
	[tilespmem:$0x1C200] =	vst v63  }
0x75: {  	_ =	swait.ge [sflag:s24], $0x4000  }
0x76: {  	[sflag:s24] =	ssyncset.done $0x0  }
0x77: {  	[sflag:s24] =	ssyncadd.s32 $0xFFFFC000  }
0x78: {  	[tilespmem:s23], [sflag:$0x5] =	stream.linear.gather [spmem:s8], $0x4000, $0x38;
	[tilespmem:$0x1C200] =	vst v63  }
0x79: {  	_ =	swait.ge [sflag:s24], $0x4000  }
0x7a: {  	[sflag:s24] =	ssyncset.done $0x0  }
0x7b: {  	s17 =	rddreg [dreg:$0x7];
	[sflag:s24] =	ssyncadd.s32 $0xFFFFC000  }
0x7c: {  	[hbm4b:s17+s4] =	stream.linear.scatter [tilespmem:s23], [sflag:$0x5], $0x4000, $0x38;
	[tilespmem:$0x1C200] =	vst v63  }
0x7d: {  	_ =	swait.ge [sflag:s24], $0x4000  }
0x7e: {  	[sflag:s24] =	ssyncset.done $0x0  }
0x7f: {  	[sflag:s24] =	ssyncadd.s32 $0xFFFFC000  }
0x80: {  	[tilespmem:s23], [sflag:$0x5] =	stream.linear.gather [spmem:s9], $0x4000, $0x38;
	[tilespmem:$0x1C200] =	vst v63  }
0x81: {  	_ =	swait.ge [sflag:s24], $0x4000  }
0x82: {  	[sflag:s24] =	ssyncset.done $0x0  }
0x83: {  	s22 =	rddreg [dreg:$0x8];
	[sflag:s24] =	ssyncadd.s32 $0xFFFFC000  }
0x84: {  	[hbm4b:s22+s4] =	stream.linear.scatter [tilespmem:s23], [sflag:$0x5], $0x4000, $0x38;
	[tilespmem:$0x1C200] =	vst v63  }
0x85: {  	_ =	swait.ge [sflag:s24], $0x4000  }
0x86: {  	[sflag:s24] =	ssyncset.done $0x0  }
0x87: {  	[sflag:s24] =	ssyncadd.s32 $0xFFFFC000  }
0x88: {  	[tilespmem:s23], [sflag:$0x5] =	stream.linear.gather [spmem:s10], $0x4000, $0x38;
	[tilespmem:$0x1C200] =	vst v63  }
0x89: {  	_ =	swait.ge [sflag:s24], $0x4000  }
0x8a: {  	[sflag:s24] =	ssyncset.done $0x0  }
0x8b: {  	[sflag:s24] =	ssyncadd.s32 $0xFFFFC000  }
0x8c: {  	[hbm4b:s19+s4] =	stream.linear.scatter [tilespmem:s23], [sflag:$0x5], $0x4000, $0x38;
	[tilespmem:$0x1C200] =	vst v63  }
0x8d: {  	_ =	swait.ge [sflag:s24], $0x4000  }
0x8e: {  	[sflag:s24] =	ssyncset.done $0x0  }
0x8f: {  	[sflag:s24] =	ssyncadd.s32 $0xFFFFC000  }
0x90: {  	[tilespmem:s23], [sflag:$0x5] =	stream.linear.gather [spmem:s11], $0x4000, $0x38;
	[tilespmem:$0x1C200] =	vst v63  }
0x91: {  	s6 =	sadd.s32 $0x1, s6;
	_ =	swait.ge [sflag:s24], $0x4000  }
0x92: {  	p0 =	sne.s32 s6, s21;
	[sflag:s24] =	ssyncset.done $0x0  }
.Ltmp2:
0x93: {  	[sflag:s24] =	ssyncadd.s32 $0xFFFFC000;
	(pc) =	sbr.rel @p0 .LBB2_1-.Ltmp2, $4  }
0x94: {  	[hbm4b:s20+s4] =	stream.linear.scatter [tilespmem:s23], [sflag:$0x5], $0x4000, $0x38;
	[tilespmem:$0x1C200] =	vst v63  }
0x95: {  	_ =	swait.ge [sflag:s24], $0x4000  }
0x96: {  	[sflag:s24] =	ssyncset.done $0x0  }
0x97: {  	[sflag:s24] =	ssyncadd.s32 $0xFFFFC000  }
0x98: {  	_ =	sfence.sel $0x180000  }
0x99: {  	[bflag:$0x0] =	sbarrier.arrive $0xFFFF  }
0x9a: {  	_ =	strace $0x9000004D  }
0x9b: {  	s0 =	stileid.u32;
	[bflag:$0x2] =	sbarrier.arrive $0xFFFF  }
0x9c: {  	p0 =	sne.s32 s0, $0x0;
	s0 =	rddreg [dreg:$0x3]  }
0x9d: {  	s0 =	sadd.s32 @!p0 $0x100000, s0  }
0x9e: {  	[sflag:s0] =	ssyncadd.tile.s32 @!p0 $0x1;
	_ =	shalt  }
.Lfunc_end2:
_tile_overlayer_lowered:
.L_overlay_start_2:
0x9f: {  	(tag) =	ssettag $0x2  }
0xa0: {  	s0 =	rddreg [dreg:$0x0];
	s2 =	stileid.u32  }
0xa1: {  	s1 =	rddreg [dreg:$0x1];
	p0 =	sne.s32 s2, $0x0  }
0xa2: {  	s3 =	rddreg [dreg:$0x2];
	[bflag:$0x3] =	sbarrier.arrive $0xFFFF;
	s2 =	simm.s32 @!p0 $0x1C05  }
0xa3: {  	[timem:s3], [sflag:s2] =	dma.local @!p0 [hbm:s0], s1  }
0xa4: {  	s0 =	simm.s32 @!p0 $0x5  }
0xa5: {  	_ =	swait.ge @!p0 [sflag:s0], s1  }
0xa6: {  	s1 =	ssub.s32 @!p0 $0x0, s1;
	[sflag:s0] =	ssyncset.done @!p0 $0x0  }
0xa7: {  	[sflag:s0] =	ssyncadd.s32 @!p0 s1  }
0xa8: {  	[bflag:$0x3] =	sbarrier.arrive $0xFFFF  }
0xa9: {  	_ =	shalt  }

// kernel: kernel.21.cloned.1.call-start
scs
__scs_entry_jumppad:
0x0: {  	(pc) =	sbr.rel $0x88, $3  }
0x1: {  	(tag) =	ssettag $0x0;
	lr =	simm.s32 $0x1  }
0x2: {  	[smem:$0x3F97] =	sst lr;
	_ =	strace $0xD0000000  }
0x3: {  	_ = 	snop  }
0x4: {  	_ = 	snop  }
0x5: {  	_ = 	snop  }
0x6: {  	_ = 	snop  }
0x7: {  	_ = 	snop  }
__scs_overlays_trampoline_lowered:
0x8: {  	[smem:$0x3FA6] =	sst s0  }
0x9: {  	[smem:$0x3FA7] =	sst s1  }
0xa: {  	[smem:$0x3FA8] =	sst s2  }
0xb: {  	[smem:$0x3FA9] =	sst s3  }
0xc: {  	[smem:$0x3FAA] =	sst s4  }
0xd: {  	[smem:$0x3FAB] =	sst s5  }
0xe: {  	[smem:$0x3FAC] =	sst s6  }
0xf: {  	[smem:$0x3FAD] =	sst s7  }
0x10: {  	[smem:$0x3FAE] =	sst s8  }
0x11: {  	[smem:$0x3FAF] =	sst s9;
	s0 =	simm.s32 @!p0 $0x0  }
0x12: {  	s1 =	sld [smem:$0x3F95];
	s0 =	simm.s32 @p0 $0x1  }
0x13: {  	[smem:$0x3FB0] =	sst s0;
	s0 =	simm.s32 @!p1 $0x0  }
0x14: {  	s2 =	sld [smem:$0x3F94];
	s0 =	simm.s32 @p1 $0x1  }
0x15: {  	[smem:$0x3FB1] =	sst s0;
	s0 =	simm.s32 @!p2 $0x0  }
0x16: {  	s3 =	sld [smem:$0x3FDB];
	s0 =	simm.s32 @p2 $0x1  }
0x17: {  	s4 =	simm.s32 $0x1BF5;
	[smem:$0x3FB3] =	sst s0  }
0x18: {  	s0 =	sld [smem:$0x3F96];
	_ =	swait.ge [sflag:s4], $0x0  }
0x19: {  	s7 =	sld [smem:$0x3F97]  }
0x1a: {  	s8 =	sadd.s32 $0xFFFFE003, lr  }
0x1b: {  	s9 =	sadd.s32 $0xFFFFFEF7, lr;
	s5 =	simm.s32 $0xFFFFFFFF;
	p2 =	slt.u32 s8, $0xFFFFF086  }
0x1c: {  	p1 =	slt.u32 s9, $0xF7A;
	s5 =	simm.s32 @!p2 $0x0  }
0x1d: {  	s5 =	simm.s32 @p1 $0x1;
	p0 =	seq.s32 s7, s2  }
0x1e: {  	s7 =	smul.u32 @!p0 $0xF7A, s2;
	p2 =	seq.s32 @!p0 s5, $0x0  }
0x1f: {  	s9 =	smul.u32 $0xF7A, s1;
	s8 =	simm.s32 @!p0 $0x1BF5;
	p2 =	por !p2, p0  }
0x20: {  	[sflag:s8] =	ssyncset.s32 @!p0 $0xFFFFF086;
	s6 =	sadd.s32 @!p0 s3, s7;
	s7 =	simm.s32 @!p0 $0x108  }
0x21: {  	s3 =	sadd.s32 s3, s9;
	s6 =	sadd.s32 @!p0 $0x88, s6;
	s7 =	simm.s32 @p2 $0x1082  }
0x22: {  	[simem:s7], [sflag:s8] =	dma.local @!p0 [hbm:s6], $0xF7A  }
0x23: {  	s9 =	sor.u32 $0xD0000000, s2;
	s6 =	simm.s32 $0x108;
	_ =	swait.ge @!p0 [sflag:s8], $0x0  }
0x24: {  	s3 =	sadd.s32 $0x88, s3;
	s6 =	simm.s32 @!p1 $0x1082;
	[sflag:s4] =	ssyncset.s32 $0xFFFFF086  }
0x25: {  	[simem:s6], [sflag:s4] =	dma.local [hbm:s3], $0xF7A  }
0x26: {  	[smem:$0x3F97] =	sst s1;
	(tag) =	ssettag s2;
	_ =	strace s9  }
0x27: {  	s1 =	sld [smem:$0x3FA7]  }
0x28: {  	s2 =	sld [smem:$0x3FA8]  }
0x29: {  	s4 =	sld [smem:$0x3FAA]  }
0x2a: {  	p0 =	seq.s32 s5, $0x0;
	s5 =	sld [smem:$0x3FAB]  }
0x2b: {  	s6 =	sld [smem:$0x3FAC]  }
0x2c: {  	s7 =	sld [smem:$0x3FAD]  }
0x2d: {  	s3 =	simm.s32 $0x108;
	s8 =	sld [smem:$0x3FAE]  }
0x2e: {  	s3 =	simm.s32 @!p0 $0x1082;
	s9 =	sld [smem:$0x3FAF]  }
0x2f: {  	lr =	sadd.s32 s0, s3;
	s0 =	sld [smem:$0x3FA6]  }
0x30: {  	s3 =	sld [smem:$0x3FA9]  }
0x31: {  	[smem:$0x3FB2] =	sst s10  }
0x32: {  	s10 =	sld [smem:$0x3FB0];
	_ =	sdelay $0x3  }
0x33: {  	p0 =	seq.s32 s10, $0x1;
	s10 =	sld [smem:$0x3FB2];
	_ =	sdelay $0x3  }
0x34: {  	[smem:$0x3FB2] =	sst s10  }
0x35: {  	s10 =	sld [smem:$0x3FB1];
	_ =	sdelay $0x3  }
0x36: {  	p1 =	seq.s32 s10, $0x1;
	s10 =	sld [smem:$0x3FB2];
	_ =	sdelay $0x3  }
0x37: {  	[smem:$0x3FB2] =	sst s10  }
0x38: {  	s10 =	sld [smem:$0x3FB3]  }
0x39: {  	_ = 	snop;
	(pc) =	sbr.ind lr, $3  }
0x3a: {  	_ = 	snop  }
0x3b: {  	_ = 	snop  }
0x3c: {  	p2 =	seq.s32 s10, $0x1;
	s10 =	sld [smem:$0x3FB2]  }
0x3d: {  	_ =	shalt  }
0x3e: {  	_ =	shalt  }
0x3f: {  	_ =	shalt  }
0x40: {  	_ =	shalt  }
0x41: {  	_ =	shalt  }
0x42: {  	_ =	shalt  }
0x43: {  	_ =	shalt  }
0x44: {  	_ =	shalt  }
0x45: {  	_ =	shalt  }
0x46: {  	_ =	shalt  }
0x47: {  	_ =	shalt  }
0x48: {  	_ =	shalt  }
0x49: {  	_ =	shalt  }
0x4a: {  	_ =	shalt  }
0x4b: {  	_ =	shalt  }
0x4c: {  	_ =	shalt  }
0x4d: {  	_ =	shalt  }
0x4e: {  	_ =	shalt  }
0x4f: {  	_ =	shalt  }
0x50: {  	_ =	shalt  }
0x51: {  	_ =	shalt  }
0x52: {  	_ =	shalt  }
0x53: {  	_ =	shalt  }
0x54: {  	_ =	shalt  }
0x55: {  	_ =	shalt  }
0x56: {  	_ =	shalt  }
0x57: {  	_ =	shalt  }
0x58: {  	_ =	shalt  }
0x59: {  	_ =	shalt  }
0x5a: {  	_ =	shalt  }
0x5b: {  	_ =	shalt  }
0x5c: {  	_ =	shalt  }
0x5d: {  	_ =	shalt  }
0x5e: {  	_ =	shalt  }
0x5f: {  	_ =	shalt  }
0x60: {  	_ =	shalt  }
0x61: {  	_ =	shalt  }
0x62: {  	_ =	shalt  }
0x63: {  	_ =	shalt  }
0x64: {  	_ =	shalt  }
0x65: {  	_ =	shalt  }
0x66: {  	_ =	shalt  }
0x67: {  	_ =	shalt  }
0x68: {  	_ =	shalt  }
0x69: {  	_ =	shalt  }
0x6a: {  	_ =	shalt  }
0x6b: {  	_ =	shalt  }
0x6c: {  	_ =	shalt  }
0x6d: {  	_ =	shalt  }
0x6e: {  	_ =	shalt  }
0x6f: {  	_ =	shalt  }
0x70: {  	_ =	shalt  }
0x71: {  	_ =	shalt  }
0x72: {  	_ =	shalt  }
0x73: {  	_ =	shalt  }
0x74: {  	_ =	shalt  }
0x75: {  	_ =	shalt  }
0x76: {  	_ =	shalt  }
0x77: {  	_ =	shalt  }
0x78: {  	_ =	shalt  }
0x79: {  	_ =	shalt  }
0x7a: {  	_ =	shalt  }
0x7b: {  	_ =	shalt  }
0x7c: {  	_ =	shalt  }
0x7d: {  	_ =	shalt  }
0x7e: {  	_ =	shalt  }
0x7f: {  	_ =	shalt  }
0x80: {  	_ =	shalt  }
0x81: {  	_ =	shalt  }
0x82: {  	_ =	shalt  }
0x83: {  	_ =	shalt  }
0x84: {  	_ =	shalt  }
0x85: {  	_ =	shalt  }
0x86: {  	_ =	shalt  }
0x87: {  	_ =	shalt  }
.Lfunc_end0:
.L_simem_size_0:
called_computation.3_lowered:
.L_overlay_start_0:
0x88: {  	s2 =	sld [smem:$0x3FD9]  }
0x89: {  	s3 =	sld [smem:$0x3FFE];
	_ =	sdelay $0x1  }
0x8a: {  	s1 =	srdreg.scid  }
0x8b: {  	s0 =	sand.u32 $0x1, s1  }
0x8c: {  	s17 =	sshll.u32 s0, $0xA;
	s2 =	sadd.s32 s3, s2  }
0x8d: {  	s2 =	sadd.s32 s2, s17  }
0x8e: {  	[smem:$0x3FBE] =	sst s2  }
0x8f: {  	_ = 	snop  }
0x90: {  	s2 =	sld [smem:$0x3FD0];
	(tm) =	ssettm $0x1  }
0x91: {  	s18 =	sld [smem:$0x3FFB];
	_ =	sdelay $0x3  }
0x92: {  	_ =	strace s18  }
0x93: {  	s3 =	sld [smem:$0x3FFC];
	_ =	sdelay $0x3  }
0x94: {  	_ =	strace s3  }
0x95: {  	s3 =	sld [smem:$0x3FFD];
	_ =	sdelay $0x3  }
0x96: {  	_ =	strace s3  }
0x97: {  	_ =	strace $0x8FFFFFFF  }
0x98: {  	s19 =	sld [smem:$0x3FDB];
	_ =	sdelay $0x1  }
0x99: {  	s4 =	simm.s32 $_scs_section_size  }
0x9a: {  	s5 =	simm.s32 $_size__tile_overlayer_lowered;
	s6 =	simm.s32 $_tile_overlayer_lowered  }
0x9b: {  	s22 =	simm.s32 $0x1BFF;
	s21 =	sshll.u32 s6, $0x1;
	s3 =	sadd.s32 s4, s19  }
0x9c: {  	s7 =	simm.s32 $0x0;
	s20 =	sshll.u32 s5, $0x1;
	s5 =	sadd.s32 s21, s3  }
0x9d: {  	[timem:s7], [sflag:s22] =	dma.local [hbm:s5], s20  }
0x9e: {  	_ =	swait.ge [sflag:s22], s20  }
0x9f: {  	s4 =	ssub.s32 $0x0, s20;
	[sflag:s22] =	ssyncset.done $0x0  }
0xa0: {  	[sflag:s22] =	ssyncadd.s32 s4;
	_ =	sdelay $0x1  }
0xa1: {  	s23 =	simm.s32 $0x1B8B  }
0xa2: {  	_ =	swait.ge [sflag:s23], $0x1  }
0xa3: {  	[sflag:s23] =	ssyncset.done $0x0  }
0xa4: {  	s25 =	simm.s32 $0x1B8E;
	s24 =	sld [smem:$0x3FFE];
	[sflag:s23] =	ssyncadd.s32 $0xFFFFFFFF  }
0xa5: {  	s26 =	simm.s32 $execute0_lowered;
	[smem:$0x3FD2] =	sst s25  }
0xa6: {  	s5 =	sshll.u32 s26, $0x1;
	_ =	strace $0x8000004F;
	[dreg:$0x1] =	wrdreg $0xFFFFFFFF  }
0xa7: {  	s28 =	simm.s32 $_size_execute0_lowered;
	s3 =	sadd.s32 s3, s5;
	[dreg:$0x0] =	wrdreg $0x0  }
0xa8: {  	s5 =	sshll.u32 s28, $0x1;
	[dreg:$0x2] =	wrdreg s3  }
0xa9: {  	[dreg:$0x3] =	wrdreg s5  }
0xaa: {  	[dreg:$0x4] =	wrdreg $0xC0  }
0xab: {  	_ =	task [dreg:s7], $0x5FFFF  }
0xac: {  	[dreg:$0x1] =	wrdreg $0xFFFFFFFF  }
0xad: {  	[dreg:$0x0] =	wrdreg $0x60  }
0xae: {  	[dreg:$0x2] =	wrdreg s24  }
0xaf: {  	[dreg:$0x3] =	wrdreg s2  }
0xb0: {  	[dreg:$0x4] =	wrdreg $0x82000  }
0xb1: {  	[dreg:$0x5] =	wrdreg $0x9  }
0xb2: {  	_ =	task.clear_ibuf [dreg:s7], $0x6FFFF;
	_ =	strace $0x9000004F  }
0xb3: {  	s29 =	simm.s32 $0x9;
	_ =	strace $0x80000051  }
0xb4: {  	_ =	swait.ge [sflag:s29], $0x1  }
0xb5: {  	[sflag:s29] =	ssyncadd.s32 $0xFFFFFFFF  }
0xb6: {  	_ =	strace $0x90000051  }
0xb7: {  	_ =	sfence  }
0xb8: {  	s30 =	sld [smem:$0x0];
	_ =	sdelay $0x2  }
0xb9: {  	s31 =	sshll.u32 s1, $0xD;
	s1 =	sshrl.u32 s1, $0x2  }
0xba: {  	s3 =	sand.u32 $0x4000, s31;
	s1 =	sadd.s32 s1, s30  }
0xbb: {  	s0 =	sor.u32 s3, s0;
	s1 =	sshll.u32 s1, $0x11  }
0xbc: {  	s0 =	sor.u32 s1, s0  }
0xbd: {  	s0 =	sadd.s32 $0x8F2B, s0  }
0xbe: {  	[sflag:s0] =	ssyncadd.remote.s32 $0x1  }
0xbf: {  	_ =	sfence.sel $0xFFFF  }
0xc0: {  	[dreg:$0x0] =	wrdreg $0xFFFFFFFF;
	(pc) =	sbr.abs _section_cstart, $3  }
0xc1: {  	[dreg:$0x1] =	wrdreg $0xFFFFFFFF  }
0xc2: {  	_ =	task.clear_ibuf [dreg:s7], $0x2FFFF;
	_ =	strace $0x9FFFFFFF  }
0xc3: {  	(tm) =	ssettm $0x7FFFFFFF  }
tec
execute0_lowered:
.L_overlay_start_1:
0x0: {  	(tag) =	ssettag $0x1  }
0x1: {  	s0 =	rddreg [dreg:$0x0]  }
0x2: {  	s2 =	rddreg [dreg:$0x1]  }
0x3: {  	s1 =	srdreg.scid;
	s9 =	stileid.u32  }
0x4: {  	s3 =	rddreg [dreg:$0x2];
	s5 =	smul.u32 $0x280, s9  }
0x5: {  	s4 =	simm.s32 $0x0;
	s28 =	simm.s32 $0x2;
	s7 =	smul.u32 $0x50000, s9  }
0x6: {  	s29 =	simm.s32 $0x4200;
	s30 =	simm.s32 $0x3;
	s12 =	smul.u32 $0x22, s9  }
0x7: {  	s31 =	simm.s32 $0x1;
	s1 =	sand.u32 $0x1, s1;
	s13 =	smul.u32 $0x7C, s9  }
0x8: {  	[smem:$0x7FF] =	sst s4;
	s8 =	sadd.s32 $0x2C000, s0;
	s6 =	smul.u32 $0x2800, s1  }
0x9: {  	_ =	strace $0x80000050;
	[dreg:$0x4] =	wrdreg s8;
	s20 =	ssub.s32 $0x2, s1  }
0xa: {  	p0 =	seq.s32 s1, $0x0;
	s7 =	sshrl.u32 s7, $0x2;
	s21 =	sshrl.u32 s20, $0x1  }
0xb: {  	s1 =	sadd.s32 $0x7C0, s12;
	s14 =	sadd.s32 $0x7E2, s12;
	s6 =	sadd.s32 s5, s6  }
0xc: {  	s5 =	sadd.s32 $0x4000, s0;
	s7 =	sadd.s32 s7, s3;
	s1 =	smov.u32 @p0 s13  }
0xd: {  	s13 =	sadd.s32 $0x7C, s13;
	s6 =	sshll.u32 s6, $0x4;
	s8 =	sadd.s32 $0x4000, s7  }
0xe: {  	s9 =	sadd.s32 $0x8000, s7;
	s10 =	sadd.s32 $0xC000, s7;
	s11 =	sadd.s32 $0x10000, s7  }
0xf: {  	s22 =	sshll.u32 s1, $0x5;
	s14 =	smov.u32 @p0 s13;
	s13 =	simm.s32 $0x3E  }
0x10: {  	s16 =	sadd.s32 $0x3, s1;
	s1 =	simm.s32 $0x4;
	s0 =	sadd.s32 s6, s0  }
0x11: {  	s6 =	ssub.s32 s20, s21;
	s12 =	sadd.s32 s2, s22;
	s18 =	sadd.s32 $0xFFFFFFFF, s14  }
0x12: {  	s13 =	simm.s32 @!p0 $0x11;
	s23 =	sadd.s32 $0x20, s12;
	s24 =	sadd.s32 $0x2C800, s0  }
0x13: {  	s25 =	sadd.s32 $0x2D000, s0;
	s26 =	sadd.s32 $0x2D800, s0;
	[dreg:$0x5] =	wrdreg s23  }
0x14: {  	s19 =	sadd.s32 $0x2E000, s0;
	s20 =	sadd.s32 $0x2E800, s0;
	[dreg:$0x6] =	wrdreg s24  }
0x15: {  	s21 =	smax.u32 s6, $0x1;
	s0 =	simm.s32 $0x180;
	[dreg:$0x7] =	wrdreg s25  }
0x16: {  	s6 =	simm.s32 $0x0;
	[dreg:$0x8] =	wrdreg s26;
	s23 =	simm.s32 $0x200  }
0x17: {  	s24 =	simm.s32 $0x5;
	s25 =	simm.s32 $0x80;
	s26 =	simm.s32 $0x100  }
.LBB2_1:
0x18: {  	s14 =	rddreg [dreg:$0x4]  }
0x19: {  	[tilespmem:s23], [sflag:$0x5] =	stream.linear.gather [hbm4b:s14+s4], $0x4000, $0x38;
	[tilespmem:$0x1C200] =	vst v63  }
0x1a: {  	_ =	swait.ge [sflag:s24], $0x4000  }
0x1b: {  	[sflag:s24] =	ssyncset.done $0x0  }
0x1c: {  	[sflag:s24] =	ssyncadd.s32 $0xFFFFC000  }
0x1d: {  	[spmem:s7] =	stream.linear.scatter [tilespmem:s23], [sflag:$0x5], $0x4000, $0x38;
	[tilespmem:$0x1C200] =	vst v63  }
0x1e: {  	_ =	swait.ge [sflag:s24], $0x4000  }
0x1f: {  	[sflag:s24] =	ssyncset.done $0x0  }
0x20: {  	[sflag:s24] =	ssyncadd.s32 $0xFFFFC000  }
0x21: {  	[spmem:s8] =	stream.linear.scatter [tilespmem:s23], [sflag:$0x5], $0x4000, $0x38;
	[tilespmem:$0x1C200] =	vst v63  }
0x22: {  	_ =	swait.ge [sflag:s24], $0x4000  }
0x23: {  	[sflag:s24] =	ssyncset.done $0x0  }
0x24: {  	[sflag:s24] =	ssyncadd.s32 $0xFFFFC000  }
0x25: {  	[spmem:s9] =	stream.linear.scatter [tilespmem:s23], [sflag:$0x5], $0x4000, $0x38;
	[tilespmem:$0x1C200] =	vst v63  }
0x26: {  	_ =	swait.ge [sflag:s24], $0x4000  }
0x27: {  	[sflag:s24] =	ssyncset.done $0x0  }
0x28: {  	[sflag:s24] =	ssyncadd.s32 $0xFFFFC000  }
0x29: {  	[spmem:s10] =	stream.linear.scatter [tilespmem:s23], [sflag:$0x5], $0x4000, $0x38;
	[tilespmem:$0x1C200] =	vst v63  }
0x2a: {  	_ =	swait.ge [sflag:s24], $0x4000  }
0x2b: {  	[sflag:s24] =	ssyncset.done $0x0  }
0x2c: {  	[sflag:s24] =	ssyncadd.s32 $0xFFFFC000  }
0x2d: {  	[spmem:s11] =	stream.linear.scatter [tilespmem:s23], [sflag:$0x5], $0x4000, $0x38;
	[tilespmem:$0x1C200] =	vst v63  }
0x2e: {  	_ =	swait.ge [sflag:s24], $0x4000  }
0x2f: {  	[sflag:s24] =	ssyncset.done $0x0  }
0x30: {  	[sflag:s24] =	ssyncadd.s32 $0xFFFFC000  }
0x31: {  	[bflag:$0x0] =	sbarrier.arrive $0xFFFF  }
0x32: {  	[tilespmem:s4], [sflag:$0x5] =	stream.linear.gather [hbm4b:s12+s4], $0x100, $0x38;
	[tilespmem:$0x1C200] =	vst v63  }
0x33: {  	_ =	swait.ge [sflag:s24], $0x100  }
0x34: {  	[sflag:s24] =	ssyncset.done $0x0  }
0x35: {  	[sflag:s24] =	ssyncadd.s32 $0xFFFFFF00  }
0x36: {  	[tilespmem:s23], [sflag:$0x3] =	stream.indirect.gather [hbm4b:s5+s25], $0x80, s4, s25, $0xb8;
	[tilespmem:$0x1C200] =	vst v63  }
0x37: {  	s17 =	rddreg [dreg:$0x5]  }
0x38: {  	[tilespmem:s26], [sflag:$0x2] =	stream.linear.gather [hbm4b:s17+s4], $0x100, $0x38;
	[tilespmem:$0x1C200] =	vst v63  }
0x39: {  	_ =	swait.ge [sflag:s28], $0x100  }
0x3a: {  	[sflag:s28] =	ssyncset.done $0x0  }
0x3b: {  	[sflag:s28] =	ssyncadd.s32 $0xFFFFFF00  }
0x3c: {  	[tilespmem:s29], [sflag:$0x4] =	stream.indirect.gather [hbm4b:s5+s25], $0x80, s26, s25, $0xb8;
	[tilespmem:$0x1C200] =	vst v63  }
0x3d: {  	s15 =	sadd.s32 $0xFFFFFFFF, s16;
	_ =	swait.ge [sflag:s30], $0x4000  }
0x3e: {  	p0 =	slt.s32 s15, s18;
	s17 =	smov.u32 s18;
	[sflag:s30] =	ssyncset.done $0x0  }
0x3f: {  	s17 =	smov.u32 @p0 s15;
	[sflag:s30] =	ssyncadd.s32 $0xFFFFC000  }
0x40: {  	[spmem:s3] =	stream.indirect.scatter.add.f32 [tilespmem:s23], [sflag:$0x5], $0x80, s25, s25, $0xb8;
	[tilespmem:$0x1C200] =	vst v63  }
0x41: {  	s15 =	sshll.u32 s17, $0x5;
	_ =	swait.ge [sflag:s24], $0x4000  }
0x42: {  	s15 =	sand.u32 $0x1FFFFFE0, s15;
	[sflag:s24] =	ssyncset.done $0x0  }
0x43: {  	s15 =	sadd.s32 s2, s15;
	[sflag:s24] =	ssyncadd.s32 $0xFFFFC000  }
0x44: {  	[tilespmem:s4], [sflag:$0x1] =	stream.linear.gather [hbm4b:s15+s4], $0x100, $0x38;
	[tilespmem:$0x1C200] =	vst v63  }
0x45: {  	_ =	swait.ge [sflag:s31], $0x100  }
0x46: {  	[sflag:s31] =	ssyncset.done $0x0  }
0x47: {  	p0 =	slt.s32 s16, s18;
	s15 =	smov.u32 s18;
	[sflag:s31] =	ssyncadd.s32 $0xFFFFFF00  }
0x48: {  	[tilespmem:s23], [sflag:$0x3] =	stream.indirect.gather [hbm4b:s5+s25], $0x80, s4, s25, $0xb8;
	[tilespmem:$0x1C200] =	vst v63  }
0x49: {  	s15 =	smov.u32 @p0 s16;
	p0 =	sne.s32 s13, $0x1;
	_ =	swait.ge [sflag:s1], $0x4000  }
.Ltmp0:
0x4a: {  	[sflag:s1] =	ssyncset.done $0x0;
	(pc) =	sbr.rel @!p0 .LBB2_3-.Ltmp0, $4  }
0x4b: {  	[sflag:s1] =	ssyncadd.s32 $0xFFFFC000  }
0x4c: {  	[spmem:s3] =	stream.indirect.scatter.add.f32 [tilespmem:s29], [sflag:$0x5], $0x80, s0, s25, $0xb8;
	[tilespmem:$0x1C200] =	vst v63  }
0x4d: {  	s22 =	sshll.u32 s15, $0x5;
	s15 =	sadd.s32 $0xFFFFFFFF, s13;
	_ =	swait.ge [sflag:s24], $0x4000  }
0x4e: {  	s17 =	sand.u32 $0x1FFFFFE0, s22;
	s22 =	smov.u32 s16;
	[sflag:s24] =	ssyncset.done $0x0  }
.LBB2_2:
0x4f: {  	[sflag:s24] =	ssyncadd.s32 $0xFFFFC000;
	s17 =	sadd.s32 s2, s17;
	s22 =	sadd.s32 $0x2, s22  }
0x50: {  	[tilespmem:s26], [sflag:$0x2] =	stream.linear.gather [hbm4b:s17+s4], $0x100, $0x38;
	[tilespmem:$0x1C200] =	vst v63  }
0x51: {  	p0 =	sne.s32 s15, $0x1;
	s15 =	sadd.s32 $0xFFFFFFFF, s15;
	_ =	swait.ge [sflag:s28], $0x100  }
0x52: {  	[sflag:s28] =	ssyncset.done $0x0  }
0x53: {  	[sflag:s28] =	ssyncadd.s32 $0xFFFFFF00  }
0x54: {  	[tilespmem:s29], [sflag:$0x4] =	stream.indirect.gather [hbm4b:s5+s25], $0x80, s26, s25, $0xb8;
	[tilespmem:$0x1C200] =	vst v63  }
0x55: {  	s17 =	sadd.s32 $0xFFFFFFFF, s22;
	_ =	swait.ge [sflag:s30], $0x4000  }
0x56: {  	s14 =	smov.u32 s18;
	p1 =	slt.s32 s17, s18;
	[sflag:s30] =	ssyncset.done $0x0  }
0x57: {  	s14 =	smov.u32 @p1 s17;
	[sflag:s30] =	ssyncadd.s32 $0xFFFFC000  }
0x58: {  	[spmem:s3] =	stream.indirect.scatter.add.f32 [tilespmem:s23], [sflag:$0x5], $0x80, s25, s25, $0xb8;
	[tilespmem:$0x1C200] =	vst v63  }
0x59: {  	s14 =	sshll.u32 s14, $0x5;
	_ =	swait.ge [sflag:s24], $0x4000  }
0x5a: {  	s14 =	sand.u32 $0x1FFFFFE0, s14;
	[sflag:s24] =	ssyncset.done $0x0  }
0x5b: {  	s14 =	sadd.s32 s2, s14;
	[sflag:s24] =	ssyncadd.s32 $0xFFFFC000  }
0x5c: {  	[tilespmem:s4], [sflag:$0x1] =	stream.linear.gather [hbm4b:s14+s4], $0x100, $0x38;
	[tilespmem:$0x1C200] =	vst v63  }
0x5d: {  	_ =	swait.ge [sflag:s31], $0x100  }
0x5e: {  	[sflag:s31] =	ssyncset.done $0x0  }
0x5f: {  	[sflag:s31] =	ssyncadd.s32 $0xFFFFFF00  }
0x60: {  	[tilespmem:s23], [sflag:$0x3] =	stream.indirect.gather [hbm4b:s5+s25], $0x80, s4, s25, $0xb8;
	[tilespmem:$0x1C200] =	vst v63  }
0x61: {  	p1 =	slt.s32 s22, s18;
	_ =	swait.ge [sflag:s1], $0x4000  }
.Ltmp1:
0x62: {  	s14 =	smov.u32 s18;
	[sflag:s1] =	ssyncset.done $0x0;
	(pc) =	sbr.rel @p0 .LBB2_2-.Ltmp1, $4  }
0x63: {  	s14 =	smov.u32 @p1 s22;
	[sflag:s1] =	ssyncadd.s32 $0xFFFFC000  }
0x64: {  	[spmem:s3] =	stream.indirect.scatter.add.f32 [tilespmem:s29], [sflag:$0x5], $0x80, s0, s25, $0xb8;
	[tilespmem:$0x1C200] =	vst v63  }
0x65: {  	s14 =	sshll.u32 s14, $0x5;
	_ =	swait.ge [sflag:s24], $0x4000  }
0x66: {  	s17 =	sand.u32 $0x1FFFFFE0, s14;
	[sflag:s24] =	ssyncset.done $0x0  }
.LBB2_3:
0x67: {  	[sflag:s24] =	ssyncadd.s32 $0xFFFFC000;
	s14 =	sadd.s32 s2, s17  }
0x68: {  	[tilespmem:s26], [sflag:$0x2] =	stream.linear.gather [hbm4b:s14+s4], $0x100, $0x38;
	[tilespmem:$0x1C200] =	vst v63  }
0x69: {  	_ =	swait.ge [sflag:s28], $0x100  }
0x6a: {  	[sflag:s28] =	ssyncset.done $0x0  }
0x6b: {  	[sflag:s28] =	ssyncadd.s32 $0xFFFFFF00  }
0x6c: {  	_ =	swait.ge [sflag:s30], $0x4000  }
0x6d: {  	[sflag:s30] =	ssyncset.done $0x0  }
0x6e: {  	[sflag:s30] =	ssyncadd.s32 $0xFFFFC000  }
0x6f: {  	[bflag:$0x0] =	sbarrier.arrive $0xFFFF  }
0x70: {  	[tilespmem:s23], [sflag:$0x5] =	stream.linear.gather [spmem:s7], $0x4000, $0x38;
	[tilespmem:$0x1C200] =	vst v63  }
0x71: {  	_ =	swait.ge [sflag:s24], $0x4000  }
0x72: {  	[sflag:s24] =	ssyncset.done $0x0  }
0x73: {  	s15 =	rddreg [dreg:$0x6];
	[sflag:s24] =	ssyncadd.s32 $0xFFFFC000  }
0x74: {  	[hbm4b:s15+s4] =	stream.linear.scatter [tilespmem:s23], [sflag:$0x5], $0x4000, $0x38;
	[tilespmem:$0x1C200] =	vst v63  }
0x75: {  	_ =	swait.ge [sflag:s24], $0x4000  }
0x76: {  	[sflag:s24] =	ssyncset.done $0x0  }
0x77: {  	[sflag:s24] =	ssyncadd.s32 $0xFFFFC000  }
0x78: {  	[tilespmem:s23], [sflag:$0x5] =	stream.linear.gather [spmem:s8], $0x4000, $0x38;
	[tilespmem:$0x1C200] =	vst v63  }
0x79: {  	_ =	swait.ge [sflag:s24], $0x4000  }
0x7a: {  	[sflag:s24] =	ssyncset.done $0x0  }
0x7b: {  	s17 =	rddreg [dreg:$0x7];
	[sflag:s24] =	ssyncadd.s32 $0xFFFFC000  }
0x7c: {  	[hbm4b:s17+s4] =	stream.linear.scatter [tilespmem:s23], [sflag:$0x5], $0x4000, $0x38;
	[tilespmem:$0x1C200] =	vst v63  }
0x7d: {  	_ =	swait.ge [sflag:s24], $0x4000  }
0x7e: {  	[sflag:s24] =	ssyncset.done $0x0  }
0x7f: {  	[sflag:s24] =	ssyncadd.s32 $0xFFFFC000  }
0x80: {  	[tilespmem:s23], [sflag:$0x5] =	stream.linear.gather [spmem:s9], $0x4000, $0x38;
	[tilespmem:$0x1C200] =	vst v63  }
0x81: {  	_ =	swait.ge [sflag:s24], $0x4000  }
0x82: {  	[sflag:s24] =	ssyncset.done $0x0  }
0x83: {  	s22 =	rddreg [dreg:$0x8];
	[sflag:s24] =	ssyncadd.s32 $0xFFFFC000  }
0x84: {  	[hbm4b:s22+s4] =	stream.linear.scatter [tilespmem:s23], [sflag:$0x5], $0x4000, $0x38;
	[tilespmem:$0x1C200] =	vst v63  }
0x85: {  	_ =	swait.ge [sflag:s24], $0x4000  }
0x86: {  	[sflag:s24] =	ssyncset.done $0x0  }
0x87: {  	[sflag:s24] =	ssyncadd.s32 $0xFFFFC000  }
0x88: {  	[tilespmem:s23], [sflag:$0x5] =	stream.linear.gather [spmem:s10], $0x4000, $0x38;
	[tilespmem:$0x1C200] =	vst v63  }
0x89: {  	_ =	swait.ge [sflag:s24], $0x4000  }
0x8a: {  	[sflag:s24] =	ssyncset.done $0x0  }
0x8b: {  	[sflag:s24] =	ssyncadd.s32 $0xFFFFC000  }
0x8c: {  	[hbm4b:s19+s4] =	stream.linear.scatter [tilespmem:s23], [sflag:$0x5], $0x4000, $0x38;
	[tilespmem:$0x1C200] =	vst v63  }
0x8d: {  	_ =	swait.ge [sflag:s24], $0x4000  }
0x8e: {  	[sflag:s24] =	ssyncset.done $0x0  }
0x8f: {  	[sflag:s24] =	ssyncadd.s32 $0xFFFFC000  }
0x90: {  	[tilespmem:s23], [sflag:$0x5] =	stream.linear.gather [spmem:s11], $0x4000, $0x38;
	[tilespmem:$0x1C200] =	vst v63  }
0x91: {  	s6 =	sadd.s32 $0x1, s6;
	_ =	swait.ge [sflag:s24], $0x4000  }
0x92: {  	p0 =	sne.s32 s6, s21;
	[sflag:s24] =	ssyncset.done $0x0  }
.Ltmp2:
0x93: {  	[sflag:s24] =	ssyncadd.s32 $0xFFFFC000;
	(pc) =	sbr.rel @p0 .LBB2_1-.Ltmp2, $4  }
0x94: {  	[hbm4b:s20+s4] =	stream.linear.scatter [tilespmem:s23], [sflag:$0x5], $0x4000, $0x38;
	[tilespmem:$0x1C200] =	vst v63  }
0x95: {  	_ =	swait.ge [sflag:s24], $0x4000  }
0x96: {  	[sflag:s24] =	ssyncset.done $0x0  }
0x97: {  	[sflag:s24] =	ssyncadd.s32 $0xFFFFC000  }
0x98: {  	_ =	sfence.sel $0x180000  }
0x99: {  	[bflag:$0x0] =	sbarrier.arrive $0xFFFF  }
0x9a: {  	_ =	strace $0x90000050  }
0x9b: {  	s0 =	stileid.u32;
	[bflag:$0x2] =	sbarrier.arrive $0xFFFF  }
0x9c: {  	p0 =	sne.s32 s0, $0x0;
	s0 =	rddreg [dreg:$0x3]  }
0x9d: {  	s0 =	sadd.s32 @!p0 $0x100000, s0  }
0x9e: {  	[sflag:s0] =	ssyncadd.tile.s32 @!p0 $0x1;
	_ =	shalt  }
.Lfunc_end2:
_tile_overlayer_lowered:
.L_overlay_start_2:
0x9f: {  	(tag) =	ssettag $0x2  }
0xa0: {  	s0 =	rddreg [dreg:$0x0];
	s2 =	stileid.u32  }
0xa1: {  	s1 =	rddreg [dreg:$0x1];
	p0 =	sne.s32 s2, $0x0  }
0xa2: {  	s3 =	rddreg [dreg:$0x2];
	[bflag:$0x3] =	sbarrier.arrive $0xFFFF;
	s2 =	simm.s32 @!p0 $0x1C05  }
0xa3: {  	[timem:s3], [sflag:s2] =	dma.local @!p0 [hbm:s0], s1  }
0xa4: {  	s0 =	simm.s32 @!p0 $0x5  }
0xa5: {  	_ =	swait.ge @!p0 [sflag:s0], s1  }
0xa6: {  	s1 =	ssub.s32 @!p0 $0x0, s1;
	[sflag:s0] =	ssyncset.done @!p0 $0x0  }
0xa7: {  	[sflag:s0] =	ssyncadd.s32 @!p0 s1  }
0xa8: {  	[bflag:$0x3] =	sbarrier.arrive $0xFFFF  }
0xa9: {  	_ =	shalt  }

// kernel: kernel.24.cloned.1.call-start
scs
__scs_entry_jumppad:
0x0: {  	(pc) =	sbr.rel $0x88, $3  }
0x1: {  	(tag) =	ssettag $0x0;
	lr =	simm.s32 $0x1  }
0x2: {  	[smem:$0x3F97] =	sst lr;
	_ =	strace $0xD0000000  }
0x3: {  	_ = 	snop  }
0x4: {  	_ = 	snop  }
0x5: {  	_ = 	snop  }
0x6: {  	_ = 	snop  }
0x7: {  	_ = 	snop  }
__scs_overlays_trampoline_lowered:
0x8: {  	[smem:$0x3FA6] =	sst s0  }
0x9: {  	[smem:$0x3FA7] =	sst s1  }
0xa: {  	[smem:$0x3FA8] =	sst s2  }
0xb: {  	[smem:$0x3FA9] =	sst s3  }
0xc: {  	[smem:$0x3FAA] =	sst s4  }
0xd: {  	[smem:$0x3FAB] =	sst s5  }
0xe: {  	[smem:$0x3FAC] =	sst s6  }
0xf: {  	[smem:$0x3FAD] =	sst s7  }
0x10: {  	[smem:$0x3FAE] =	sst s8  }
0x11: {  	[smem:$0x3FAF] =	sst s9;
	s0 =	simm.s32 @!p0 $0x0  }
0x12: {  	s1 =	sld [smem:$0x3F95];
	s0 =	simm.s32 @p0 $0x1  }
0x13: {  	[smem:$0x3FB0] =	sst s0;
	s0 =	simm.s32 @!p1 $0x0  }
0x14: {  	s2 =	sld [smem:$0x3F94];
	s0 =	simm.s32 @p1 $0x1  }
0x15: {  	[smem:$0x3FB1] =	sst s0;
	s0 =	simm.s32 @!p2 $0x0  }
0x16: {  	s3 =	sld [smem:$0x3FDB];
	s0 =	simm.s32 @p2 $0x1  }
0x17: {  	s4 =	simm.s32 $0x1BF5;
	[smem:$0x3FB3] =	sst s0  }
0x18: {  	s0 =	sld [smem:$0x3F96];
	_ =	swait.ge [sflag:s4], $0x0  }
0x19: {  	s7 =	sld [smem:$0x3F97]  }
0x1a: {  	s8 =	sadd.s32 $0xFFFFE003, lr  }
0x1b: {  	s9 =	sadd.s32 $0xFFFFFEF7, lr;
	s5 =	simm.s32 $0xFFFFFFFF;
	p2 =	slt.u32 s8, $0xFFFFF086  }
0x1c: {  	p1 =	slt.u32 s9, $0xF7A;
	s5 =	simm.s32 @!p2 $0x0  }
0x1d: {  	s5 =	simm.s32 @p1 $0x1;
	p0 =	seq.s32 s7, s2  }
0x1e: {  	s7 =	smul.u32 @!p0 $0xF7A, s2;
	p2 =	seq.s32 @!p0 s5, $0x0  }
0x1f: {  	s9 =	smul.u32 $0xF7A, s1;
	s8 =	simm.s32 @!p0 $0x1BF5;
	p2 =	por !p2, p0  }
0x20: {  	[sflag:s8] =	ssyncset.s32 @!p0 $0xFFFFF086;
	s6 =	sadd.s32 @!p0 s3, s7;
	s7 =	simm.s32 @!p0 $0x108  }
0x21: {  	s3 =	sadd.s32 s3, s9;
	s6 =	sadd.s32 @!p0 $0x88, s6;
	s7 =	simm.s32 @p2 $0x1082  }
0x22: {  	[simem:s7], [sflag:s8] =	dma.local @!p0 [hbm:s6], $0xF7A  }
0x23: {  	s9 =	sor.u32 $0xD0000000, s2;
	s6 =	simm.s32 $0x108;
	_ =	swait.ge @!p0 [sflag:s8], $0x0  }
0x24: {  	s3 =	sadd.s32 $0x88, s3;
	s6 =	simm.s32 @!p1 $0x1082;
	[sflag:s4] =	ssyncset.s32 $0xFFFFF086  }
0x25: {  	[simem:s6], [sflag:s4] =	dma.local [hbm:s3], $0xF7A  }
0x26: {  	[smem:$0x3F97] =	sst s1;
	(tag) =	ssettag s2;
	_ =	strace s9  }
0x27: {  	s1 =	sld [smem:$0x3FA7]  }
0x28: {  	s2 =	sld [smem:$0x3FA8]  }
0x29: {  	s4 =	sld [smem:$0x3FAA]  }
0x2a: {  	p0 =	seq.s32 s5, $0x0;
	s5 =	sld [smem:$0x3FAB]  }
0x2b: {  	s6 =	sld [smem:$0x3FAC]  }
0x2c: {  	s7 =	sld [smem:$0x3FAD]  }
0x2d: {  	s3 =	simm.s32 $0x108;
	s8 =	sld [smem:$0x3FAE]  }
0x2e: {  	s3 =	simm.s32 @!p0 $0x1082;
	s9 =	sld [smem:$0x3FAF]  }
0x2f: {  	lr =	sadd.s32 s0, s3;
	s0 =	sld [smem:$0x3FA6]  }
0x30: {  	s3 =	sld [smem:$0x3FA9]  }
0x31: {  	[smem:$0x3FB2] =	sst s10  }
0x32: {  	s10 =	sld [smem:$0x3FB0];
	_ =	sdelay $0x3  }
0x33: {  	p0 =	seq.s32 s10, $0x1;
	s10 =	sld [smem:$0x3FB2];
	_ =	sdelay $0x3  }
0x34: {  	[smem:$0x3FB2] =	sst s10  }
0x35: {  	s10 =	sld [smem:$0x3FB1];
	_ =	sdelay $0x3  }
0x36: {  	p1 =	seq.s32 s10, $0x1;
	s10 =	sld [smem:$0x3FB2];
	_ =	sdelay $0x3  }
0x37: {  	[smem:$0x3FB2] =	sst s10  }
0x38: {  	s10 =	sld [smem:$0x3FB3]  }
0x39: {  	_ = 	snop;
	(pc) =	sbr.ind lr, $3  }
0x3a: {  	_ = 	snop  }
0x3b: {  	_ = 	snop  }
0x3c: {  	p2 =	seq.s32 s10, $0x1;
	s10 =	sld [smem:$0x3FB2]  }
0x3d: {  	_ =	shalt  }
0x3e: {  	_ =	shalt  }
0x3f: {  	_ =	shalt  }
0x40: {  	_ =	shalt  }
0x41: {  	_ =	shalt  }
0x42: {  	_ =	shalt  }
0x43: {  	_ =	shalt  }
0x44: {  	_ =	shalt  }
0x45: {  	_ =	shalt  }
0x46: {  	_ =	shalt  }
0x47: {  	_ =	shalt  }
0x48: {  	_ =	shalt  }
0x49: {  	_ =	shalt  }
0x4a: {  	_ =	shalt  }
0x4b: {  	_ =	shalt  }
0x4c: {  	_ =	shalt  }
0x4d: {  	_ =	shalt  }
0x4e: {  	_ =	shalt  }
0x4f: {  	_ =	shalt  }
0x50: {  	_ =	shalt  }
0x51: {  	_ =	shalt  }
0x52: {  	_ =	shalt  }
0x53: {  	_ =	shalt  }
0x54: {  	_ =	shalt  }
0x55: {  	_ =	shalt  }
0x56: {  	_ =	shalt  }
0x57: {  	_ =	shalt  }
0x58: {  	_ =	shalt  }
0x59: {  	_ =	shalt  }
0x5a: {  	_ =	shalt  }
0x5b: {  	_ =	shalt  }
0x5c: {  	_ =	shalt  }
0x5d: {  	_ =	shalt  }
0x5e: {  	_ =	shalt  }
0x5f: {  	_ =	shalt  }
0x60: {  	_ =	shalt  }
0x61: {  	_ =	shalt  }
0x62: {  	_ =	shalt  }
0x63: {  	_ =	shalt  }
0x64: {  	_ =	shalt  }
0x65: {  	_ =	shalt  }
0x66: {  	_ =	shalt  }
0x67: {  	_ =	shalt  }
0x68: {  	_ =	shalt  }
0x69: {  	_ =	shalt  }
0x6a: {  	_ =	shalt  }
0x6b: {  	_ =	shalt  }
0x6c: {  	_ =	shalt  }
0x6d: {  	_ =	shalt  }
0x6e: {  	_ =	shalt  }
0x6f: {  	_ =	shalt  }
0x70: {  	_ =	shalt  }
0x71: {  	_ =	shalt  }
0x72: {  	_ =	shalt  }
0x73: {  	_ =	shalt  }
0x74: {  	_ =	shalt  }
0x75: {  	_ =	shalt  }
0x76: {  	_ =	shalt  }
0x77: {  	_ =	shalt  }
0x78: {  	_ =	shalt  }
0x79: {  	_ =	shalt  }
0x7a: {  	_ =	shalt  }
0x7b: {  	_ =	shalt  }
0x7c: {  	_ =	shalt  }
0x7d: {  	_ =	shalt  }
0x7e: {  	_ =	shalt  }
0x7f: {  	_ =	shalt  }
0x80: {  	_ =	shalt  }
0x81: {  	_ =	shalt  }
0x82: {  	_ =	shalt  }
0x83: {  	_ =	shalt  }
0x84: {  	_ =	shalt  }
0x85: {  	_ =	shalt  }
0x86: {  	_ =	shalt  }
0x87: {  	_ =	shalt  }
.Lfunc_end0:
.L_simem_size_0:
called_computation.4_lowered:
.L_overlay_start_0:
0x88: {  	s2 =	sld [smem:$0x3FD9]  }
0x89: {  	s3 =	sld [smem:$0x3FFE];
	_ =	sdelay $0x1  }
0x8a: {  	s1 =	srdreg.scid  }
0x8b: {  	s0 =	sand.u32 $0x1, s1  }
0x8c: {  	s17 =	sshll.u32 s0, $0xA;
	s2 =	sadd.s32 s3, s2  }
0x8d: {  	s2 =	sadd.s32 s2, s17  }
0x8e: {  	[smem:$0x3FBE] =	sst s2  }
0x8f: {  	_ = 	snop  }
0x90: {  	s2 =	sld [smem:$0x3FD0];
	(tm) =	ssettm $0x1  }
0x91: {  	s18 =	sld [smem:$0x3FFB];
	_ =	sdelay $0x3  }
0x92: {  	_ =	strace s18  }
0x93: {  	s3 =	sld [smem:$0x3FFC];
	_ =	sdelay $0x3  }
0x94: {  	_ =	strace s3  }
0x95: {  	s3 =	sld [smem:$0x3FFD];
	_ =	sdelay $0x3  }
0x96: {  	_ =	strace s3  }
0x97: {  	_ =	strace $0x8FFFFFFF  }
0x98: {  	s19 =	sld [smem:$0x3FDB];
	_ =	sdelay $0x1  }
0x99: {  	s4 =	simm.s32 $_scs_section_size  }
0x9a: {  	s5 =	simm.s32 $_size__tile_overlayer_lowered;
	s6 =	simm.s32 $_tile_overlayer_lowered  }
0x9b: {  	s22 =	simm.s32 $0x1BFF;
	s21 =	sshll.u32 s6, $0x1;
	s3 =	sadd.s32 s4, s19  }
0x9c: {  	s7 =	simm.s32 $0x0;
	s20 =	sshll.u32 s5, $0x1;
	s5 =	sadd.s32 s21, s3  }
0x9d: {  	[timem:s7], [sflag:s22] =	dma.local [hbm:s5], s20  }
0x9e: {  	_ =	swait.ge [sflag:s22], s20  }
0x9f: {  	s4 =	ssub.s32 $0x0, s20;
	[sflag:s22] =	ssyncset.done $0x0  }
0xa0: {  	[sflag:s22] =	ssyncadd.s32 s4;
	_ =	sdelay $0x1  }
0xa1: {  	s23 =	simm.s32 $0x1B8B  }
0xa2: {  	_ =	swait.ge [sflag:s23], $0x1  }
0xa3: {  	[sflag:s23] =	ssyncset.done $0x0  }
0xa4: {  	s25 =	simm.s32 $0x1B8E;
	s24 =	sld [smem:$0x3FFE];
	[sflag:s23] =	ssyncadd.s32 $0xFFFFFFFF  }
0xa5: {  	s26 =	simm.s32 $execute0_lowered;
	[smem:$0x3FD2] =	sst s25  }
0xa6: {  	s5 =	sshll.u32 s26, $0x1;
	_ =	strace $0x80000052;
	[dreg:$0x1] =	wrdreg $0xFFFFFFFF  }
0xa7: {  	s28 =	simm.s32 $_size_execute0_lowered;
	s3 =	sadd.s32 s3, s5;
	[dreg:$0x0] =	wrdreg $0x0  }
0xa8: {  	s5 =	sshll.u32 s28, $0x1;
	[dreg:$0x2] =	wrdreg s3  }
0xa9: {  	[dreg:$0x3] =	wrdreg s5  }
0xaa: {  	[dreg:$0x4] =	wrdreg $0xC0  }
0xab: {  	_ =	task [dreg:s7], $0x5FFFF  }
0xac: {  	[dreg:$0x1] =	wrdreg $0xFFFFFFFF  }
0xad: {  	[dreg:$0x0] =	wrdreg $0x60  }
0xae: {  	[dreg:$0x2] =	wrdreg s24  }
0xaf: {  	[dreg:$0x3] =	wrdreg s2  }
0xb0: {  	[dreg:$0x4] =	wrdreg $0x82000  }
0xb1: {  	[dreg:$0x5] =	wrdreg $0x9  }
0xb2: {  	_ =	task.clear_ibuf [dreg:s7], $0x6FFFF;
	_ =	strace $0x90000052  }
0xb3: {  	s29 =	simm.s32 $0x9;
	_ =	strace $0x80000054  }
0xb4: {  	_ =	swait.ge [sflag:s29], $0x1  }
0xb5: {  	[sflag:s29] =	ssyncadd.s32 $0xFFFFFFFF  }
0xb6: {  	_ =	strace $0x90000054  }
0xb7: {  	_ =	sfence  }
0xb8: {  	s30 =	sld [smem:$0x0];
	_ =	sdelay $0x2  }
0xb9: {  	s31 =	sshll.u32 s1, $0xD;
	s1 =	sshrl.u32 s1, $0x2  }
0xba: {  	s3 =	sand.u32 $0x4000, s31;
	s1 =	sadd.s32 s1, s30  }
0xbb: {  	s0 =	sor.u32 s3, s0;
	s1 =	sshll.u32 s1, $0x11  }
0xbc: {  	s0 =	sor.u32 s1, s0  }
0xbd: {  	s0 =	sadd.s32 $0x8F2B, s0  }
0xbe: {  	[sflag:s0] =	ssyncadd.remote.s32 $0x1  }
0xbf: {  	_ =	sfence.sel $0xFFFF  }
0xc0: {  	[dreg:$0x0] =	wrdreg $0xFFFFFFFF;
	(pc) =	sbr.abs _section_cstart, $3  }
0xc1: {  	[dreg:$0x1] =	wrdreg $0xFFFFFFFF  }
0xc2: {  	_ =	task.clear_ibuf [dreg:s7], $0x2FFFF;
	_ =	strace $0x9FFFFFFF  }
0xc3: {  	(tm) =	ssettm $0x7FFFFFFF  }
tec
execute0_lowered:
.L_overlay_start_1:
0x0: {  	(tag) =	ssettag $0x1  }
0x1: {  	s0 =	rddreg [dreg:$0x0]  }
0x2: {  	s2 =	rddreg [dreg:$0x1]  }
0x3: {  	s1 =	srdreg.scid;
	s9 =	stileid.u32  }
0x4: {  	s3 =	rddreg [dreg:$0x2];
	s5 =	smul.u32 $0x280, s9  }
0x5: {  	s4 =	simm.s32 $0x0;
	s28 =	simm.s32 $0x2;
	s7 =	smul.u32 $0x50000, s9  }
0x6: {  	s29 =	simm.s32 $0x4200;
	s30 =	simm.s32 $0x3;
	s12 =	smul.u32 $0x22, s9  }
0x7: {  	s31 =	simm.s32 $0x1;
	s1 =	sand.u32 $0x1, s1;
	s13 =	smul.u32 $0x7C, s9  }
0x8: {  	[smem:$0x7FF] =	sst s4;
	s8 =	sadd.s32 $0x2C000, s0;
	s6 =	smul.u32 $0x2800, s1  }
0x9: {  	_ =	strace $0x80000053;
	[dreg:$0x4] =	wrdreg s8;
	s20 =	ssub.s32 $0x2, s1  }
0xa: {  	p0 =	seq.s32 s1, $0x0;
	s7 =	sshrl.u32 s7, $0x2;
	s21 =	sshrl.u32 s20, $0x1  }
0xb: {  	s1 =	sadd.s32 $0x7C0, s12;
	s14 =	sadd.s32 $0x7E2, s12;
	s6 =	sadd.s32 s5, s6  }
0xc: {  	s5 =	sadd.s32 $0x4000, s0;
	s7 =	sadd.s32 s7, s3;
	s1 =	smov.u32 @p0 s13  }
0xd: {  	s13 =	sadd.s32 $0x7C, s13;
	s6 =	sshll.u32 s6, $0x4;
	s8 =	sadd.s32 $0x4000, s7  }
0xe: {  	s9 =	sadd.s32 $0x8000, s7;
	s10 =	sadd.s32 $0xC000, s7;
	s11 =	sadd.s32 $0x10000, s7  }
0xf: {  	s22 =	sshll.u32 s1, $0x5;
	s14 =	smov.u32 @p0 s13;
	s13 =	simm.s32 $0x3E  }
0x10: {  	s16 =	sadd.s32 $0x3, s1;
	s1 =	simm.s32 $0x4;
	s0 =	sadd.s32 s6, s0  }
0x11: {  	s6 =	ssub.s32 s20, s21;
	s12 =	sadd.s32 s2, s22;
	s18 =	sadd.s32 $0xFFFFFFFF, s14  }
0x12: {  	s13 =	simm.s32 @!p0 $0x11;
	s23 =	sadd.s32 $0x20, s12;
	s24 =	sadd.s32 $0x2C800, s0  }
0x13: {  	s25 =	sadd.s32 $0x2D000, s0;
	s26 =	sadd.s32 $0x2D800, s0;
	[dreg:$0x5] =	wrdreg s23  }
0x14: {  	s19 =	sadd.s32 $0x2E000, s0;
	s20 =	sadd.s32 $0x2E800, s0;
	[dreg:$0x6] =	wrdreg s24  }
0x15: {  	s21 =	smax.u32 s6, $0x1;
	s0 =	simm.s32 $0x180;
	[dreg:$0x7] =	wrdreg s25  }
0x16: {  	s6 =	simm.s32 $0x0;
	[dreg:$0x8] =	wrdreg s26;
	s23 =	simm.s32 $0x200  }
0x17: {  	s24 =	simm.s32 $0x5;
	s25 =	simm.s32 $0x80;
	s26 =	simm.s32 $0x100  }
.LBB2_1:
0x18: {  	s14 =	rddreg [dreg:$0x4]  }
0x19: {  	[tilespmem:s23], [sflag:$0x5] =	stream.linear.gather [hbm4b:s14+s4], $0x4000, $0x38;
	[tilespmem:$0x1C200] =	vst v63  }
0x1a: {  	_ =	swait.ge [sflag:s24], $0x4000  }
0x1b: {  	[sflag:s24] =	ssyncset.done $0x0  }
0x1c: {  	[sflag:s24] =	ssyncadd.s32 $0xFFFFC000  }
0x1d: {  	[spmem:s7] =	stream.linear.scatter [tilespmem:s23], [sflag:$0x5], $0x4000, $0x38;
	[tilespmem:$0x1C200] =	vst v63  }
0x1e: {  	_ =	swait.ge [sflag:s24], $0x4000  }
0x1f: {  	[sflag:s24] =	ssyncset.done $0x0  }
0x20: {  	[sflag:s24] =	ssyncadd.s32 $0xFFFFC000  }
0x21: {  	[spmem:s8] =	stream.linear.scatter [tilespmem:s23], [sflag:$0x5], $0x4000, $0x38;
	[tilespmem:$0x1C200] =	vst v63  }
0x22: {  	_ =	swait.ge [sflag:s24], $0x4000  }
0x23: {  	[sflag:s24] =	ssyncset.done $0x0  }
0x24: {  	[sflag:s24] =	ssyncadd.s32 $0xFFFFC000  }
0x25: {  	[spmem:s9] =	stream.linear.scatter [tilespmem:s23], [sflag:$0x5], $0x4000, $0x38;
	[tilespmem:$0x1C200] =	vst v63  }
0x26: {  	_ =	swait.ge [sflag:s24], $0x4000  }
0x27: {  	[sflag:s24] =	ssyncset.done $0x0  }
0x28: {  	[sflag:s24] =	ssyncadd.s32 $0xFFFFC000  }
0x29: {  	[spmem:s10] =	stream.linear.scatter [tilespmem:s23], [sflag:$0x5], $0x4000, $0x38;
	[tilespmem:$0x1C200] =	vst v63  }
0x2a: {  	_ =	swait.ge [sflag:s24], $0x4000  }
0x2b: {  	[sflag:s24] =	ssyncset.done $0x0  }
0x2c: {  	[sflag:s24] =	ssyncadd.s32 $0xFFFFC000  }
0x2d: {  	[spmem:s11] =	stream.linear.scatter [tilespmem:s23], [sflag:$0x5], $0x4000, $0x38;
	[tilespmem:$0x1C200] =	vst v63  }
0x2e: {  	_ =	swait.ge [sflag:s24], $0x4000  }
0x2f: {  	[sflag:s24] =	ssyncset.done $0x0  }
0x30: {  	[sflag:s24] =	ssyncadd.s32 $0xFFFFC000  }
0x31: {  	[bflag:$0x0] =	sbarrier.arrive $0xFFFF  }
0x32: {  	[tilespmem:s4], [sflag:$0x5] =	stream.linear.gather [hbm4b:s12+s4], $0x100, $0x38;
	[tilespmem:$0x1C200] =	vst v63  }
0x33: {  	_ =	swait.ge [sflag:s24], $0x100  }
0x34: {  	[sflag:s24] =	ssyncset.done $0x0  }
0x35: {  	[sflag:s24] =	ssyncadd.s32 $0xFFFFFF00  }
0x36: {  	[tilespmem:s23], [sflag:$0x3] =	stream.indirect.gather [hbm4b:s5+s25], $0x80, s4, s25, $0xb8;
	[tilespmem:$0x1C200] =	vst v63  }
0x37: {  	s17 =	rddreg [dreg:$0x5]  }
0x38: {  	[tilespmem:s26], [sflag:$0x2] =	stream.linear.gather [hbm4b:s17+s4], $0x100, $0x38;
	[tilespmem:$0x1C200] =	vst v63  }
0x39: {  	_ =	swait.ge [sflag:s28], $0x100  }
0x3a: {  	[sflag:s28] =	ssyncset.done $0x0  }
0x3b: {  	[sflag:s28] =	ssyncadd.s32 $0xFFFFFF00  }
0x3c: {  	[tilespmem:s29], [sflag:$0x4] =	stream.indirect.gather [hbm4b:s5+s25], $0x80, s26, s25, $0xb8;
	[tilespmem:$0x1C200] =	vst v63  }
0x3d: {  	s15 =	sadd.s32 $0xFFFFFFFF, s16;
	_ =	swait.ge [sflag:s30], $0x4000  }
0x3e: {  	p0 =	slt.s32 s15, s18;
	s17 =	smov.u32 s18;
	[sflag:s30] =	ssyncset.done $0x0  }
0x3f: {  	s17 =	smov.u32 @p0 s15;
	[sflag:s30] =	ssyncadd.s32 $0xFFFFC000  }
0x40: {  	[spmem:s3] =	stream.indirect.scatter.add.f32 [tilespmem:s23], [sflag:$0x5], $0x80, s25, s25, $0xb8;
	[tilespmem:$0x1C200] =	vst v63  }
0x41: {  	s15 =	sshll.u32 s17, $0x5;
	_ =	swait.ge [sflag:s24], $0x4000  }
0x42: {  	s15 =	sand.u32 $0x1FFFFFE0, s15;
	[sflag:s24] =	ssyncset.done $0x0  }
0x43: {  	s15 =	sadd.s32 s2, s15;
	[sflag:s24] =	ssyncadd.s32 $0xFFFFC000  }
0x44: {  	[tilespmem:s4], [sflag:$0x1] =	stream.linear.gather [hbm4b:s15+s4], $0x100, $0x38;
	[tilespmem:$0x1C200] =	vst v63  }
0x45: {  	_ =	swait.ge [sflag:s31], $0x100  }
0x46: {  	[sflag:s31] =	ssyncset.done $0x0  }
0x47: {  	p0 =	slt.s32 s16, s18;
	s15 =	smov.u32 s18;
	[sflag:s31] =	ssyncadd.s32 $0xFFFFFF00  }
0x48: {  	[tilespmem:s23], [sflag:$0x3] =	stream.indirect.gather [hbm4b:s5+s25], $0x80, s4, s25, $0xb8;
	[tilespmem:$0x1C200] =	vst v63  }
0x49: {  	s15 =	smov.u32 @p0 s16;
	p0 =	sne.s32 s13, $0x1;
	_ =	swait.ge [sflag:s1], $0x4000  }
.Ltmp0:
0x4a: {  	[sflag:s1] =	ssyncset.done $0x0;
	(pc) =	sbr.rel @!p0 .LBB2_3-.Ltmp0, $4  }
0x4b: {  	[sflag:s1] =	ssyncadd.s32 $0xFFFFC000  }
0x4c: {  	[spmem:s3] =	stream.indirect.scatter.add.f32 [tilespmem:s29], [sflag:$0x5], $0x80, s0, s25, $0xb8;
	[tilespmem:$0x1C200] =	vst v63  }
0x4d: {  	s22 =	sshll.u32 s15, $0x5;
	s15 =	sadd.s32 $0xFFFFFFFF, s13;
	_ =	swait.ge [sflag:s24], $0x4000  }
0x4e: {  	s17 =	sand.u32 $0x1FFFFFE0, s22;
	s22 =	smov.u32 s16;
	[sflag:s24] =	ssyncset.done $0x0  }
.LBB2_2:
0x4f: {  	[sflag:s24] =	ssyncadd.s32 $0xFFFFC000;
	s17 =	sadd.s32 s2, s17;
	s22 =	sadd.s32 $0x2, s22  }
0x50: {  	[tilespmem:s26], [sflag:$0x2] =	stream.linear.gather [hbm4b:s17+s4], $0x100, $0x38;
	[tilespmem:$0x1C200] =	vst v63  }
0x51: {  	p0 =	sne.s32 s15, $0x1;
	s15 =	sadd.s32 $0xFFFFFFFF, s15;
	_ =	swait.ge [sflag:s28], $0x100  }
0x52: {  	[sflag:s28] =	ssyncset.done $0x0  }
0x53: {  	[sflag:s28] =	ssyncadd.s32 $0xFFFFFF00  }
0x54: {  	[tilespmem:s29], [sflag:$0x4] =	stream.indirect.gather [hbm4b:s5+s25], $0x80, s26, s25, $0xb8;
	[tilespmem:$0x1C200] =	vst v63  }
0x55: {  	s17 =	sadd.s32 $0xFFFFFFFF, s22;
	_ =	swait.ge [sflag:s30], $0x4000  }
0x56: {  	s14 =	smov.u32 s18;
	p1 =	slt.s32 s17, s18;
	[sflag:s30] =	ssyncset.done $0x0  }
0x57: {  	s14 =	smov.u32 @p1 s17;
	[sflag:s30] =	ssyncadd.s32 $0xFFFFC000  }
0x58: {  	[spmem:s3] =	stream.indirect.scatter.add.f32 [tilespmem:s23], [sflag:$0x5], $0x80, s25, s25, $0xb8;
	[tilespmem:$0x1C200] =	vst v63  }
0x59: {  	s14 =	sshll.u32 s14, $0x5;
	_ =	swait.ge [sflag:s24], $0x4000  }
0x5a: {  	s14 =	sand.u32 $0x1FFFFFE0, s14;
	[sflag:s24] =	ssyncset.done $0x0  }
0x5b: {  	s14 =	sadd.s32 s2, s14;
	[sflag:s24] =	ssyncadd.s32 $0xFFFFC000  }
0x5c: {  	[tilespmem:s4], [sflag:$0x1] =	stream.linear.gather [hbm4b:s14+s4], $0x100, $0x38;
	[tilespmem:$0x1C200] =	vst v63  }
0x5d: {  	_ =	swait.ge [sflag:s31], $0x100  }
0x5e: {  	[sflag:s31] =	ssyncset.done $0x0  }
0x5f: {  	[sflag:s31] =	ssyncadd.s32 $0xFFFFFF00  }
0x60: {  	[tilespmem:s23], [sflag:$0x3] =	stream.indirect.gather [hbm4b:s5+s25], $0x80, s4, s25, $0xb8;
	[tilespmem:$0x1C200] =	vst v63  }
0x61: {  	p1 =	slt.s32 s22, s18;
	_ =	swait.ge [sflag:s1], $0x4000  }
.Ltmp1:
0x62: {  	s14 =	smov.u32 s18;
	[sflag:s1] =	ssyncset.done $0x0;
	(pc) =	sbr.rel @p0 .LBB2_2-.Ltmp1, $4  }
0x63: {  	s14 =	smov.u32 @p1 s22;
	[sflag:s1] =	ssyncadd.s32 $0xFFFFC000  }
0x64: {  	[spmem:s3] =	stream.indirect.scatter.add.f32 [tilespmem:s29], [sflag:$0x5], $0x80, s0, s25, $0xb8;
	[tilespmem:$0x1C200] =	vst v63  }
0x65: {  	s14 =	sshll.u32 s14, $0x5;
	_ =	swait.ge [sflag:s24], $0x4000  }
0x66: {  	s17 =	sand.u32 $0x1FFFFFE0, s14;
	[sflag:s24] =	ssyncset.done $0x0  }
.LBB2_3:
0x67: {  	[sflag:s24] =	ssyncadd.s32 $0xFFFFC000;
	s14 =	sadd.s32 s2, s17  }
0x68: {  	[tilespmem:s26], [sflag:$0x2] =	stream.linear.gather [hbm4b:s14+s4], $0x100, $0x38;
	[tilespmem:$0x1C200] =	vst v63  }
0x69: {  	_ =	swait.ge [sflag:s28], $0x100  }
0x6a: {  	[sflag:s28] =	ssyncset.done $0x0  }
0x6b: {  	[sflag:s28] =	ssyncadd.s32 $0xFFFFFF00  }
0x6c: {  	_ =	swait.ge [sflag:s30], $0x4000  }
0x6d: {  	[sflag:s30] =	ssyncset.done $0x0  }
0x6e: {  	[sflag:s30] =	ssyncadd.s32 $0xFFFFC000  }
0x6f: {  	[bflag:$0x0] =	sbarrier.arrive $0xFFFF  }
0x70: {  	[tilespmem:s23], [sflag:$0x5] =	stream.linear.gather [spmem:s7], $0x4000, $0x38;
	[tilespmem:$0x1C200] =	vst v63  }
0x71: {  	_ =	swait.ge [sflag:s24], $0x4000  }
0x72: {  	[sflag:s24] =	ssyncset.done $0x0  }
0x73: {  	s15 =	rddreg [dreg:$0x6];
	[sflag:s24] =	ssyncadd.s32 $0xFFFFC000  }
0x74: {  	[hbm4b:s15+s4] =	stream.linear.scatter [tilespmem:s23], [sflag:$0x5], $0x4000, $0x38;
	[tilespmem:$0x1C200] =	vst v63  }
0x75: {  	_ =	swait.ge [sflag:s24], $0x4000  }
0x76: {  	[sflag:s24] =	ssyncset.done $0x0  }
0x77: {  	[sflag:s24] =	ssyncadd.s32 $0xFFFFC000  }
0x78: {  	[tilespmem:s23], [sflag:$0x5] =	stream.linear.gather [spmem:s8], $0x4000, $0x38;
	[tilespmem:$0x1C200] =	vst v63  }
0x79: {  	_ =	swait.ge [sflag:s24], $0x4000  }
0x7a: {  	[sflag:s24] =	ssyncset.done $0x0  }
0x7b: {  	s17 =	rddreg [dreg:$0x7];
	[sflag:s24] =	ssyncadd.s32 $0xFFFFC000  }
0x7c: {  	[hbm4b:s17+s4] =	stream.linear.scatter [tilespmem:s23], [sflag:$0x5], $0x4000, $0x38;
	[tilespmem:$0x1C200] =	vst v63  }
0x7d: {  	_ =	swait.ge [sflag:s24], $0x4000  }
0x7e: {  	[sflag:s24] =	ssyncset.done $0x0  }
0x7f: {  	[sflag:s24] =	ssyncadd.s32 $0xFFFFC000  }
0x80: {  	[tilespmem:s23], [sflag:$0x5] =	stream.linear.gather [spmem:s9], $0x4000, $0x38;
	[tilespmem:$0x1C200] =	vst v63  }
0x81: {  	_ =	swait.ge [sflag:s24], $0x4000  }
0x82: {  	[sflag:s24] =	ssyncset.done $0x0  }
0x83: {  	s22 =	rddreg [dreg:$0x8];
	[sflag:s24] =	ssyncadd.s32 $0xFFFFC000  }
0x84: {  	[hbm4b:s22+s4] =	stream.linear.scatter [tilespmem:s23], [sflag:$0x5], $0x4000, $0x38;
	[tilespmem:$0x1C200] =	vst v63  }
0x85: {  	_ =	swait.ge [sflag:s24], $0x4000  }
0x86: {  	[sflag:s24] =	ssyncset.done $0x0  }
0x87: {  	[sflag:s24] =	ssyncadd.s32 $0xFFFFC000  }
0x88: {  	[tilespmem:s23], [sflag:$0x5] =	stream.linear.gather [spmem:s10], $0x4000, $0x38;
	[tilespmem:$0x1C200] =	vst v63  }
0x89: {  	_ =	swait.ge [sflag:s24], $0x4000  }
0x8a: {  	[sflag:s24] =	ssyncset.done $0x0  }
0x8b: {  	[sflag:s24] =	ssyncadd.s32 $0xFFFFC000  }
0x8c: {  	[hbm4b:s19+s4] =	stream.linear.scatter [tilespmem:s23], [sflag:$0x5], $0x4000, $0x38;
	[tilespmem:$0x1C200] =	vst v63  }
0x8d: {  	_ =	swait.ge [sflag:s24], $0x4000  }
0x8e: {  	[sflag:s24] =	ssyncset.done $0x0  }
0x8f: {  	[sflag:s24] =	ssyncadd.s32 $0xFFFFC000  }
0x90: {  	[tilespmem:s23], [sflag:$0x5] =	stream.linear.gather [spmem:s11], $0x4000, $0x38;
	[tilespmem:$0x1C200] =	vst v63  }
0x91: {  	s6 =	sadd.s32 $0x1, s6;
	_ =	swait.ge [sflag:s24], $0x4000  }
0x92: {  	p0 =	sne.s32 s6, s21;
	[sflag:s24] =	ssyncset.done $0x0  }
.Ltmp2:
0x93: {  	[sflag:s24] =	ssyncadd.s32 $0xFFFFC000;
	(pc) =	sbr.rel @p0 .LBB2_1-.Ltmp2, $4  }
0x94: {  	[hbm4b:s20+s4] =	stream.linear.scatter [tilespmem:s23], [sflag:$0x5], $0x4000, $0x38;
	[tilespmem:$0x1C200] =	vst v63  }
0x95: {  	_ =	swait.ge [sflag:s24], $0x4000  }
0x96: {  	[sflag:s24] =	ssyncset.done $0x0  }
0x97: {  	[sflag:s24] =	ssyncadd.s32 $0xFFFFC000  }
0x98: {  	_ =	sfence.sel $0x180000  }
0x99: {  	[bflag:$0x0] =	sbarrier.arrive $0xFFFF  }
0x9a: {  	_ =	strace $0x90000053  }
0x9b: {  	s0 =	stileid.u32;
	[bflag:$0x2] =	sbarrier.arrive $0xFFFF  }
0x9c: {  	p0 =	sne.s32 s0, $0x0;
	s0 =	rddreg [dreg:$0x3]  }
0x9d: {  	s0 =	sadd.s32 @!p0 $0x100000, s0  }
0x9e: {  	[sflag:s0] =	ssyncadd.tile.s32 @!p0 $0x1;
	_ =	shalt  }
.Lfunc_end2:
_tile_overlayer_lowered:
.L_overlay_start_2:
0x9f: {  	(tag) =	ssettag $0x2  }
0xa0: {  	s0 =	rddreg [dreg:$0x0];
	s2 =	stileid.u32  }
0xa1: {  	s1 =	rddreg [dreg:$0x1];
	p0 =	sne.s32 s2, $0x0  }
0xa2: {  	s3 =	rddreg [dreg:$0x2];
	[bflag:$0x3] =	sbarrier.arrive $0xFFFF;
	s2 =	simm.s32 @!p0 $0x1C05  }
0xa3: {  	[timem:s3], [sflag:s2] =	dma.local @!p0 [hbm:s0], s1  }
0xa4: {  	s0 =	simm.s32 @!p0 $0x5  }
0xa5: {  	_ =	swait.ge @!p0 [sflag:s0], s1  }
0xa6: {  	s1 =	ssub.s32 @!p0 $0x0, s1;
	[sflag:s0] =	ssyncset.done @!p0 $0x0  }
0xa7: {  	[sflag:s0] =	ssyncadd.s32 @!p0 s1  }
0xa8: {  	[bflag:$0x3] =	sbarrier.arrive $0xFFFF  }
0xa9: {  	_ =	shalt  }

</sc_bundles>
